<compile_context>
chip_gen: v7x
topology: tpu7x:2x2x1
jax: 0.10.2.dev20260603
libtpu: 0.0.44.dev20260713+nightly
codegen_flags: <defaults>
</compile_context>

<pallas_src>
import functools

import jax
import jax.numpy as jnp
from jax import lax
from jax.experimental import pallas as pl
from jax.experimental.pallas import tpu as pltpu
from jax.experimental.pallas import tpu_sc as plsc

B = 16384
D = 64
DP = 128
V = 1000000
K = 20
NC = 2
NS = 16
L = 16
NW = NC * NS
BPW = B // NW
BC = 16
BCK = BC * K
NCH = BPW // BC
NPAIR = NCH // 2

NBLK = V // DP
NB_MAIN = (NBLK // NW) & ~1
NPAIR_T = NB_MAIN // 2
NB_EXTRA = NBLK - NB_MAIN * NW
VTAIL = V - NBLK * DP


def _sc_transpose(tin_t, tout_t, tail_in, tail_out):
  mesh = plsc.VectorSubcoreMesh(core_axis_name="c", subcore_axis_name="s")
  f32 = jnp.float32
  i32 = jnp.int32

  @functools.partial(
      pl.kernel,
      out_type=(
          jax.ShapeDtypeStruct((V, DP), f32),
          jax.ShapeDtypeStruct((V, DP), f32),
      ),
      mesh=mesh,
      compiler_params=pltpu.CompilerParams(
          needs_layout_passes=False, use_tc_tiling_on_sc=True),
      scratch_types=[
          pltpu.VMEM((D, DP), f32),
          pltpu.VMEM((D, DP), f32),
          pltpu.VMEM((DP, DP), f32),
          pltpu.VMEM((DP, DP), f32),
          pltpu.VMEM((VTAIL, D), f32),
          pltpu.SemaphoreType.DMA,
          pltpu.SemaphoreType.DMA,
          pltpu.SemaphoreType.DMA,
          pltpu.SemaphoreType.DMA,
      ],
  )
  def tk(tinT, toutT, tl_in, tl_out, o_in, o_out,
         ibA, ibB, obA, obB, tbuf, semIA, semIB, semOA, semOB):
    wid = lax.axis_index("s") * NC + lax.axis_index("c")
    lane = lax.iota(i32, L)
    dlane = [lane + dc * L for dc in range(D // L)]

    def transpose(ib, ob):
      @plsc.parallel_loop(0, DP, unroll=4)
      def _(v):
        vs = jnp.broadcast_to(v, (L,)).astype(i32)
        for dc in range(D // L):
          vec = plsc.load_gather(ib, [dlane[dc], vs])
          plsc.store_scatter(ob, [vs, dlane[dc]], vec)

    def run_table(tT, O, tail):
      def fire_in(i, ib, sem):
        blk = i * NW + wid
        pltpu.async_copy(tT.at[:, pl.ds(blk * DP, DP)], ib, sem)

      def drain_in(ib, sem):
        pltpu.make_async_copy(tT.at[:, pl.ds(0, DP)], ib, sem).wait()

      def fire_out(i, ob, sem):
        blk = i * NW + wid
        pltpu.async_copy(ob, O.at[pl.ds(blk * DP, DP), :], sem)

      def drain_out(ob, sem):
        pltpu.make_async_copy(ob, O.at[pl.ds(0, DP), :], sem).wait()

      fire_in(0, ibA, semIA)

      def pbody(p, _):
        i0 = 2 * p
        fire_in(i0 + 1, ibB, semIB)
        drain_in(ibA, semIA)

        @pl.when(p > 0)
        def _():
          drain_out(obA, semOA)

        transpose(ibA, obA)
        fire_out(i0, obA, semOA)

        @pl.when(p < NPAIR_T - 1)
        def _():
          fire_in(i0 + 2, ibA, semIA)

        drain_in(ibB, semIB)

        @pl.when(p > 0)
        def _():
          drain_out(obB, semOB)

        transpose(ibB, obB)
        fire_out(i0 + 1, obB, semOB)
        return 0

      lax.fori_loop(0, NPAIR_T, pbody, 0)
      drain_out(obA, semOA)
      drain_out(obB, semOB)

      @pl.when(wid < NB_EXTRA)
      def _():
        blk = NB_MAIN * NW + wid
        pltpu.sync_copy(tT.at[:, pl.ds(blk * DP, DP)], ibA)
        transpose(ibA, obA)
        pltpu.sync_copy(obA, O.at[pl.ds(blk * DP, DP), :])

      @pl.when(wid == NB_EXTRA)
      def _():
        pltpu.sync_copy(tail, tbuf)

        @plsc.parallel_loop(0, VTAIL, unroll=4)
        def _(r):
          rs = jnp.broadcast_to(r, (L,)).astype(i32)
          for dc in range(D // L):
            vec = plsc.load_gather(tbuf, [rs, dlane[dc]])
            plsc.store_scatter(obB, [rs, dlane[dc]], vec)
        pltpu.sync_copy(obB.at[pl.ds(0, VTAIL), :],
                        O.at[pl.ds(NBLK * DP, VTAIL), :])

    run_table(tinT, o_in, tl_in)
    run_table(toutT, o_out, tl_out)

  return tk(tin_t, tout_t, tail_in, tail_out)


def _sc_scores(target_w, context_w, neg_w_flat, emb_input_p, emb_output_p):
  mesh = plsc.VectorSubcoreMesh(core_axis_name="c", subcore_axis_name="s")
  f32 = jnp.float32
  i32 = jnp.int32

  @functools.partial(
      pl.kernel,
      out_type=(
          jax.ShapeDtypeStruct((B,), f32),
          jax.ShapeDtypeStruct((B * K,), f32),
      ),
      mesh=mesh,
      compiler_params=pltpu.CompilerParams(
          needs_layout_passes=False, use_tc_tiling_on_sc=True),
      scratch_types=[
          pltpu.VMEM((BPW,), i32),
          pltpu.VMEM((BPW,), i32),
          pltpu.VMEM((BPW * K,), i32),
          pltpu.VMEM((2, BC, DP), f32),
          pltpu.VMEM((2, BC, DP), f32),
          pltpu.VMEM((2, BCK, DP), f32),
          pltpu.VMEM((BPW,), f32),
          pltpu.VMEM((BPW * K,), f32),
          pltpu.SemaphoreType.DMA,
          pltpu.SemaphoreType.DMA,
      ],
  )
  def sc_kernel(tgt_hbm, ctx_hbm, negi_hbm, tin_hbm, tout_hbm,
                pos_hbm, nego_hbm,
                tidx, cidx, nidx, trows, crows, nrows, posb, negb,
                semA, semB):
    wid = lax.axis_index("s") * NC + lax.axis_index("c")
    base = wid * BPW
    lane = lax.iota(i32, L)

    pltpu.sync_copy(tgt_hbm.at[pl.ds(base, BPW)], tidx)
    pltpu.sync_copy(ctx_hbm.at[pl.ds(base, BPW)], cidx)
    pltpu.sync_copy(negi_hbm.at[pl.ds(base * K, BPW * K)], nidx)

    def fire(c, slot, sem):
      pltpu.async_copy(tin_hbm.at[tidx.at[pl.ds(c * BC, BC)]],
                       trows.at[slot], sem)
      pltpu.async_copy(tout_hbm.at[cidx.at[pl.ds(c * BC, BC)]],
                       crows.at[slot], sem)
      for j in range(0, BCK, 64):
        pltpu.async_copy(
            tout_hbm.at[nidx.at[pl.ds(c * BCK + j, 64)]],
            nrows.at[slot].at[pl.ds(j, 64), :], sem)

    def drain(slot, sem):
      pltpu.make_async_copy(tin_hbm.at[tidx.at[pl.ds(0, BC)]],
                            trows.at[slot], sem).wait()
      pltpu.make_async_copy(tout_hbm.at[cidx.at[pl.ds(0, BC)]],
                            crows.at[slot], sem).wait()
      for j in range(0, BCK, 64):
        pltpu.make_async_copy(
            tout_hbm.at[nidx.at[pl.ds(j, 64)]],
            nrows.at[slot].at[pl.ds(j, 64), :], sem).wait()

    def compute(c, slot):
      tro, cro, nro = trows.at[slot], crows.at[slot], nrows.at[slot]
      rows = lane
      rowsK = lane * K
      zf = jnp.zeros((L,), f32)

      @plsc.parallel_loop(0, D, unroll=4, carry=(zf, *([zf] * K)))
      def out(dd, carry):
        accp = carry[0]
        accn = list(carry[1:])
        dvu = jnp.broadcast_to(dd, (L,)).astype(i32)
        t = plsc.load_gather(tro, [rows, dvu])
        cv = plsc.load_gather(cro, [rows, dvu])
        accp = accp + t * cv
        for k in range(K):
          accn[k] = accn[k] + t * plsc.load_gather(nro, [rowsK + k, dvu])
        return (accp, *accn)

      accp = out[0]
      accn = out[1:]
      posb[pl.ds(c * BC, L)] = accp
      for k in range(K):
        negb[pl.ds(c * BCK + k * BC, L)] = accn[k]

    fire(0, 0, semA)

    def pair(p, _):
      ca = 2 * p
      fire(ca + 1, 1, semB)
      drain(0, semA)
      compute(ca, 0)

      @pl.when(p < NPAIR - 1)
      def _():
        fire(ca + 2, 0, semA)

      drain(1, semB)
      compute(ca + 1, 1)
      return 0

    lax.fori_loop(0, NPAIR, pair, 0)
    pltpu.sync_copy(posb, pos_hbm.at[pl.ds(base, BPW)])
    pltpu.sync_copy(negb, nego_hbm.at[pl.ds(base * K, BPW * K)])

  return sc_kernel(target_w, context_w, neg_w_flat, emb_input_p, emb_output_p)


def _tc_loss(pos2, neg2):
  f32 = jnp.float32

  def tc_body(pos_ref, neg_ref, out_ref):
    p = pos_ref[...]
    n = neg_ref[...]

    def sp(x):
      return jnp.maximum(x, 0.0) + jnp.log1p(jnp.exp(-jnp.abs(x)))

    out_ref[0, 0] = (jnp.sum(sp(-p)) + jnp.sum(sp(n))) / B

  return pl.pallas_call(
      tc_body,
      out_shape=jax.ShapeDtypeStruct((1, 1), f32),
      out_specs=pl.BlockSpec(memory_space=pltpu.SMEM),
  )(pos2, neg2)


def kernel(target_w, context_w, neg_w, emb_input, emb_output):
  neg_w_flat = neg_w.astype(jnp.int32).reshape(B * K)
  tail_in = emb_input[NBLK * DP:, :]
  tail_out = emb_output[NBLK * DP:, :]
  emb_input_p, emb_output_p = _sc_transpose(
      emb_input.T, emb_output.T, tail_in, tail_out)
  pos, negs = _sc_scores(target_w.astype(jnp.int32),
                         context_w.astype(jnp.int32),
                         neg_w_flat, emb_input_p, emb_output_p)
  loss = _tc_loss(pos.reshape(B // 128, 128), negs.reshape(B * K // 128, 128))
  return loss[0, 0]

# --- scband reference (transcript-rebuilt; emitter-appended) ---
"""Pipeline reference for scband-sgnegative-sampling-72370198937696 (READ-ONLY COPY).

The authoritative reference and input builder live on the scoring server;
editing this copy changes nothing except your own understanding.
"""

import jax, jax.numpy as jnp
import numpy as np

SIZE_VOCAB = 1000000
DIM_EMBED = 64
BATCH = 16384
NUM_NEG = 20

def setup_inputs(seed: int = 0) -> dict:
    key = jax.random.key(seed)
    k1, k2, k3, k4, k5 = jax.random.split(key, 5)
    target_w = jax.random.randint(k1, (BATCH,), 0, SIZE_VOCAB, dtype=jnp.int64 if jax.config.jax_enable_x64 else jnp.int32)
    context_w = jax.random.randint(k2, (BATCH,), 0, SIZE_VOCAB, dtype=jnp.int64 if jax.config.jax_enable_x64 else jnp.int32)
    neg_w = jax.random.randint(k3, (BATCH, NUM_NEG), 0, SIZE_VOCAB, dtype=jnp.int64 if jax.config.jax_enable_x64 else jnp.int32)
    emb_input = jax.random.normal(k4, (SIZE_VOCAB, DIM_EMBED), dtype=jnp.float32)
    emb_output = jax.random.normal(k5, (SIZE_VOCAB, DIM_EMBED), dtype=jnp.float32)
    return {"target_w": target_w, "context_w": context_w, "neg_w": neg_w, "emb_input": emb_input, "emb_output": emb_output}

def reference(target_w, context_w, neg_w, emb_input, emb_output):
    # Skip-gram with negative sampling, faithful to the torch module
    vec_tgt = jnp.take(emb_input, target_w, axis=0)      # [B, D]
    vec_ctx = jnp.take(emb_output, context_w, axis=0)    # [B, D]
    vec_neg = jnp.take(emb_output, neg_w, axis=0)        # [B, K, D]
    positive_scores = jnp.sum(vec_tgt * vec_ctx, axis=1)  # [B]
    loss_pos = -jax.nn.log_sigmoid(positive_scores)       # [B]
    # bmm(vec_neg [B,K,D], vec_tgt.unsqueeze(2) [B,D,1]) -> [B,K]
    negative_scores = jnp.einsum('bkd,bd->bk', vec_neg, vec_tgt)
    loss_neg = -jnp.sum(jax.nn.log_sigmoid(-negative_scores), axis=1)  # [B]
    return jnp.mean(loss_pos + loss_neg)

if __name__ == "__main__":
    import jax
    _d = setup_inputs()
    print(jax.jit(kernel)(*tuple(_d.values())))

</pallas_src>

<mosaic_0001>
#map = affine_map<(d0, d1) -> (0, 0)>
module attributes {stable_mosaic.version = 14 : i64} {
  func.func @tk(%arg0: i32, %arg1: i32, %arg2: memref<64x1000000xf32, #tpu.memory_space<hbm>>, %arg3: memref<64x1000000xf32, #tpu.memory_space<hbm>>, %arg4: memref<64x64xf32, #tpu.memory_space<hbm>>, %arg5: memref<64x64xf32, #tpu.memory_space<hbm>>, %arg6: memref<1000000x128xf32, #tpu.memory_space<hbm>>, %arg7: memref<1000000x128xf32, #tpu.memory_space<hbm>>, %arg8: memref<64x128xf32, #tpu.memory_space<vmem>>, %arg9: memref<64x128xf32, #tpu.memory_space<vmem>>, %arg10: memref<128x128xf32, #tpu.memory_space<vmem>>, %arg11: memref<128x128xf32, #tpu.memory_space<vmem>>, %arg12: memref<64x64xf32, #tpu.memory_space<vmem>>, %arg13: memref<!tpu.dma_semaphore, #tpu.memory_space<semaphore_mem>>, %arg14: memref<!tpu.dma_semaphore, #tpu.memory_space<semaphore_mem>>, %arg15: memref<!tpu.dma_semaphore, #tpu.memory_space<semaphore_mem>>, %arg16: memref<!tpu.dma_semaphore, #tpu.memory_space<semaphore_mem>>) attributes {dimension_semantics = [#tpu.dimension_semantics<core_parallel>, #tpu.dimension_semantics<subcore_parallel>], iteration_bounds = array<i64: 2, 16>, scalar_prefetch = 0 : i64, scratch_operands = 9 : i64, tpu.core_type = #tpu.core_type<sc_vector_subcore>, window_params = [{transform_indices = #map}, {transform_indices = #map}, {transform_indices = #map}, {transform_indices = #map}, {transform_indices = #map}, {transform_indices = #map}]} {
    %mul3A = arith.constant 2 : i32
    %mul3A_0 = arith.muli %arg1, %mul3A : i32
    %add3A = arith.addi %mul3A_0, %arg0 : i32
    %iota3A = tpu.iota {dimensions = array<i32: 0>} : vector<16xi32>
    %add3A_1 = arith.constant 0 : i32
    %add3A_2 = vector.broadcast %add3A_1 : i32 to vector<16xi32>
    %add3A_3 = arith.addi %iota3A, %add3A_2 : vector<16xi32>
    %add3A_4 = arith.constant 16 : i32
    %add3A_5 = vector.broadcast %add3A_4 : i32 to vector<16xi32>
    %add3A_6 = arith.addi %iota3A, %add3A_5 : vector<16xi32>
    %add3A_7 = arith.constant 32 : i32
    %add3A_8 = vector.broadcast %add3A_7 : i32 to vector<16xi32>
    %add3A_9 = arith.addi %iota3A, %add3A_8 : vector<16xi32>
    %add3A_10 = arith.constant 48 : i32
    %add3A_11 = vector.broadcast %add3A_10 : i32 to vector<16xi32>
    %add3A_12 = arith.addi %iota3A, %add3A_11 : vector<16xi32>
    %add3A_13 = arith.constant 0 : i32
    %add3A_14 = arith.addi %add3A_13, %add3A : i32
    %mul3A_15 = arith.constant 128 : i32
    %mul3A_16 = arith.muli %add3A_14, %mul3A_15 : i32
    %dma_start3A = arith.constant 0 : i32
    %dma_start3A_17 = tpu.memref_slice %arg2[%dma_start3A, %mul3A_16] : memref<64x1000000xf32, #tpu.memory_space<hbm>> -> memref<64x128xf32, #tpu.memory_space<hbm>>
    %dma_start3A_18 = arith.constant 0 : i32
    %dma_start3A_19 = tpu.memref_slice %arg2[%dma_start3A_18, %mul3A_16] : memref<64x1000000xf32, #tpu.memory_space<hbm>> -> memref<64x128xf32, #tpu.memory_space<hbm>>
    tpu.enqueue_dma source(%dma_start3A_19 : memref<64x128xf32, #tpu.memory_space<hbm>>) target(%arg8 : memref<64x128xf32, #tpu.memory_space<vmem>>) target_semaphore(%arg13 : memref<!tpu.dma_semaphore, #tpu.memory_space<semaphore_mem>>)
    %scan3A = arith.constant 0 : i32
    %scan3A_20 = arith.constant 0 : i32
    %scan3A_21 = arith.constant 122 : i32
    %scan3A_22 = arith.addi %scan3A_20, %scan3A_21 : i32
    %scan3A_23 = arith.constant 1 : i32
    %scan3A_24 = scf.for %scan3A_80 = %scan3A_20 to %scan3A_22 step %scan3A_23 iter_args(%scan3A_81 = %scan3A) -> (i32)  : i32 {
      %mul3A_82 = arith.constant 2 : i32
      %mul3A_83 = arith.muli %mul3A_82, %scan3A_80 : i32
      %add3A_84 = arith.constant 1 : i32
      %add3A_85 = arith.addi %mul3A_83, %add3A_84 : i32
      %mul3A_86 = arith.constant 32 : i32
      %mul3A_87 = arith.muli %add3A_85, %mul3A_86 : i32
      %add3A_88 = arith.addi %mul3A_87, %add3A : i32
      %mul3A_89 = arith.constant 128 : i32
      %mul3A_90 = arith.muli %add3A_88, %mul3A_89 : i32
      %dma_start3A_91 = arith.constant 0 : i32
      %dma_start3A_92 = tpu.memref_slice %arg2[%dma_start3A_91, %mul3A_90] : memref<64x1000000xf32, #tpu.memory_space<hbm>> -> memref<64x128xf32, #tpu.memory_space<hbm>>
      %dma_start3A_93 = arith.constant 0 : i32
      %dma_start3A_94 = tpu.memref_slice %arg2[%dma_start3A_93, %mul3A_90] : memref<64x1000000xf32, #tpu.memory_space<hbm>> -> memref<64x128xf32, #tpu.memory_space<hbm>>
      tpu.enqueue_dma source(%dma_start3A_94 : memref<64x128xf32, #tpu.memory_space<hbm>>) target(%arg9 : memref<64x128xf32, #tpu.memory_space<vmem>>) target_semaphore(%arg14 : memref<!tpu.dma_semaphore, #tpu.memory_space<semaphore_mem>>)
      %dma_wait3A_95 = arith.constant 0 : i32
      %dma_wait3A_96 = arith.constant 0 : i32
      %dma_wait3A_97 = tpu.memref_slice %arg2[%dma_wait3A_95, %dma_wait3A_96] : memref<64x1000000xf32, #tpu.memory_space<hbm>> -> memref<64x128xf32, #tpu.memory_space<hbm>>
      %dma_wait3A_98 = arith.constant 0 : i32
      %dma_wait3A_99 = arith.constant 0 : i32
      %dma_wait3A_100 = tpu.memref_slice %arg2[%dma_wait3A_98, %dma_wait3A_99] : memref<64x1000000xf32, #tpu.memory_space<hbm>> -> memref<64x128xf32, #tpu.memory_space<hbm>>
      tpu.wait_dma2 semaphore(%arg13 : memref<!tpu.dma_semaphore, #tpu.memory_space<semaphore_mem>>) src(%dma_wait3A_100 : memref<64x128xf32, #tpu.memory_space<hbm>>) dst(%arg8 : memref<64x128xf32, #tpu.memory_space<vmem>>)
      %gt3A = arith.constant 0 : i32
      %gt3A_101 = arith.cmpi sgt, %scan3A_80, %gt3A : i32
      %convert_element_type3A_102 = arith.extui %gt3A_101 : i1 to i32
      %cond3A_103 = arith.constant 0 : i32
      %cond3A_104 = arith.cmpi ne, %convert_element_type3A_102, %cond3A_103 : i32
      scf.if %cond3A_104 {
        %dma_wait3A_147 = arith.constant 0 : i32
        %dma_wait3A_148 = arith.constant 0 : i32
        %dma_wait3A_149 = tpu.memref_slice %arg6[%dma_wait3A_147, %dma_wait3A_148] : memref<1000000x128xf32, #tpu.memory_space<hbm>> -> memref<128x128xf32, #tpu.memory_space<hbm>>
        %dma_wait3A_150 = arith.constant 0 : i32
        %dma_wait3A_151 = arith.constant 0 : i32
        %dma_wait3A_152 = tpu.memref_slice %arg6[%dma_wait3A_150, %dma_wait3A_151] : memref<1000000x128xf32, #tpu.memory_space<hbm>> -> memref<128x128xf32, #tpu.memory_space<hbm>>
        tpu.wait_dma2 semaphore(%arg15 : memref<!tpu.dma_semaphore, #tpu.memory_space<semaphore_mem>>) src(%arg10 : memref<128x128xf32, #tpu.memory_space<vmem>>) dst(%dma_wait3A_152 : memref<128x128xf32, #tpu.memory_space<hbm>>)
      } else {
      }
      %parallel_loop3A = arith.constant 0 : i32
      %parallel_loop3A_105 = arith.constant 128 : i32
      %parallel_loop3A_106 = arith.constant 1 : i32
      scf.for %parallel_loop3A_147 = %parallel_loop3A to %parallel_loop3A_105 step %parallel_loop3A_106  : i32 {
        %parallel_loop3A_148 = vector.broadcast %parallel_loop3A_147 : i32 to vector<16xi32>
        %parallel_loop3A_149 = tpu.vector_load_idx %arg8[%add3A_3, %parallel_loop3A_148] : memref<64x128xf32, #tpu.memory_space<vmem>>[vector<16xi32>, vector<16xi32>], vector<16xf32>,
        tpu.vector_store_idx %arg10[%parallel_loop3A_148, %add3A_3], %parallel_loop3A_149 : memref<128x128xf32, #tpu.memory_space<vmem>>[vector<16xi32>, vector<16xi32>], vector<16xf32>,
        %parallel_loop3A_150 = tpu.vector_load_idx %arg8[%add3A_6, %parallel_loop3A_148] : memref<64x128xf32, #tpu.memory_space<vmem>>[vector<16xi32>, vector<16xi32>], vector<16xf32>,
        tpu.vector_store_idx %arg10[%parallel_loop3A_148, %add3A_6], %parallel_loop3A_150 : memref<128x128xf32, #tpu.memory_space<vmem>>[vector<16xi32>, vector<16xi32>], vector<16xf32>,
        %parallel_loop3A_151 = tpu.vector_load_idx %arg8[%add3A_9, %parallel_loop3A_148] : memref<64x128xf32, #tpu.memory_space<vmem>>[vector<16xi32>, vector<16xi32>], vector<16xf32>,
        tpu.vector_store_idx %arg10[%parallel_loop3A_148, %add3A_9], %parallel_loop3A_151 : memref<128x128xf32, #tpu.memory_space<vmem>>[vector<16xi32>, vector<16xi32>], vector<16xf32>,
        %parallel_loop3A_152 = tpu.vector_load_idx %arg8[%add3A_12, %parallel_loop3A_148] : memref<64x128xf32, #tpu.memory_space<vmem>>[vector<16xi32>, vector<16xi32>], vector<16xf32>,
        tpu.vector_store_idx %arg10[%parallel_loop3A_148, %add3A_12], %parallel_loop3A_152 : memref<128x128xf32, #tpu.memory_space<vmem>>[vector<16xi32>, vector<16xi32>], vector<16xf32>,
      } {sc.loop_unroll_factor = 4 : i64, sc.parallel_access}
      %mul3A_107 = arith.constant 32 : i32
      %mul3A_108 = arith.muli %mul3A_83, %mul3A_107 : i32
      %add3A_109 = arith.addi %mul3A_108, %add3A : i32
      %mul3A_110 = arith.constant 128 : i32
      %mul3A_111 = arith.muli %add3A_109, %mul3A_110 : i32
      %dma_start3A_112 = arith.constant 0 : i32
      %dma_start3A_113 = tpu.memref_slice %arg6[%mul3A_111, %dma_start3A_112] : memref<1000000x128xf32, #tpu.memory_space<hbm>> -> memref<128x128xf32, #tpu.memory_space<hbm>>
      %dma_start3A_114 = arith.constant 0 : i32
      %dma_start3A_115 = tpu.memref_slice %arg6[%mul3A_111, %dma_start3A_114] : memref<1000000x128xf32, #tpu.memory_space<hbm>> -> memref<128x128xf32, #tpu.memory_space<hbm>>
      tpu.enqueue_dma source(%arg10 : memref<128x128xf32, #tpu.memory_space<vmem>>) target(%dma_start3A_115 : memref<128x128xf32, #tpu.memory_space<hbm>>) target_semaphore(%arg15 : memref<!tpu.dma_semaphore, #tpu.memory_space<semaphore_mem>>)
      %lt3A_116 = arith.constant 121 : i32
      %lt3A_117 = arith.cmpi slt, %scan3A_80, %lt3A_116 : i32
      %convert_element_type3A_118 = arith.extui %lt3A_117 : i1 to i32
      %cond3A_119 = arith.constant 0 : i32
      %cond3A_120 = arith.cmpi ne, %convert_element_type3A_118, %cond3A_119 : i32
      scf.if %cond3A_120 {
        %add3A_147 = arith.constant 2 : i32
        %add3A_148 = arith.addi %mul3A_83, %add3A_147 : i32
        %mul3A_149 = arith.constant 32 : i32
        %mul3A_150 = arith.muli %add3A_148, %mul3A_149 : i32
        %add3A_151 = arith.addi %mul3A_150, %add3A : i32
        %mul3A_152 = arith.constant 128 : i32
        %mul3A_153 = arith.muli %add3A_151, %mul3A_152 : i32
        %dma_start3A_154 = arith.constant 0 : i32
        %dma_start3A_155 = tpu.memref_slice %arg2[%dma_start3A_154, %mul3A_153] : memref<64x1000000xf32, #tpu.memory_space<hbm>> -> memref<64x128xf32, #tpu.memory_space<hbm>>
        %dma_start3A_156 = arith.constant 0 : i32
        %dma_start3A_157 = tpu.memref_slice %arg2[%dma_start3A_156, %mul3A_153] : memref<64x1000000xf32, #tpu.memory_space<hbm>> -> memref<64x128xf32, #tpu.memory_space<hbm>>
        tpu.enqueue_dma source(%dma_start3A_157 : memref<64x128xf32, #tpu.memory_space<hbm>>) target(%arg8 : memref<64x128xf32, #tpu.memory_space<vmem>>) target_semaphore(%arg13 : memref<!tpu.dma_semaphore, #tpu.memory_space<semaphore_mem>>)
      } else {
      }
      %dma_wait3A_121 = arith.constant 0 : i32
      %dma_wait3A_122 = arith.constant 0 : i32
      %dma_wait3A_123 = tpu.memref_slice %arg2[%dma_wait3A_121, %dma_wait3A_122] : memref<64x1000000xf32, #tpu.memory_space<hbm>> -> memref<64x128xf32, #tpu.memory_space<hbm>>
      %dma_wait3A_124 = arith.constant 0 : i32
      %dma_wait3A_125 = arith.constant 0 : i32
      %dma_wait3A_126 = tpu.memref_slice %arg2[%dma_wait3A_124, %dma_wait3A_125] : memref<64x1000000xf32, #tpu.memory_space<hbm>> -> memref<64x128xf32, #tpu.memory_space<hbm>>
      tpu.wait_dma2 semaphore(%arg14 : memref<!tpu.dma_semaphore, #tpu.memory_space<semaphore_mem>>) src(%dma_wait3A_126 : memref<64x128xf32, #tpu.memory_space<hbm>>) dst(%arg9 : memref<64x128xf32, #tpu.memory_space<vmem>>)
      %gt3A_127 = arith.constant 0 : i32
      %gt3A_128 = arith.cmpi sgt, %scan3A_80, %gt3A_127 : i32
      %convert_element_type3A_129 = arith.extui %gt3A_128 : i1 to i32
      %cond3A_130 = arith.constant 0 : i32
      %cond3A_131 = arith.cmpi ne, %convert_element_type3A_129, %cond3A_130 : i32
      scf.if %cond3A_131 {
        %dma_wait3A_147 = arith.constant 0 : i32
        %dma_wait3A_148 = arith.constant 0 : i32
        %dma_wait3A_149 = tpu.memref_slice %arg6[%dma_wait3A_147, %dma_wait3A_148] : memref<1000000x128xf32, #tpu.memory_space<hbm>> -> memref<128x128xf32, #tpu.memory_space<hbm>>
        %dma_wait3A_150 = arith.constant 0 : i32
        %dma_wait3A_151 = arith.constant 0 : i32
        %dma_wait3A_152 = tpu.memref_slice %arg6[%dma_wait3A_150, %dma_wait3A_151] : memref<1000000x128xf32, #tpu.memory_space<hbm>> -> memref<128x128xf32, #tpu.memory_space<hbm>>
        tpu.wait_dma2 semaphore(%arg16 : memref<!tpu.dma_semaphore, #tpu.memory_space<semaphore_mem>>) src(%arg11 : memref<128x128xf32, #tpu.memory_space<vmem>>) dst(%dma_wait3A_152 : memref<128x128xf32, #tpu.memory_space<hbm>>)
      } else {
      }
      %parallel_loop3A_132 = arith.constant 0 : i32
      %parallel_loop3A_133 = arith.constant 128 : i32
      %parallel_loop3A_134 = arith.constant 1 : i32
      scf.for %parallel_loop3A_147 = %parallel_loop3A_132 to %parallel_loop3A_133 step %parallel_loop3A_134  : i32 {
        %parallel_loop3A_148 = vector.broadcast %parallel_loop3A_147 : i32 to vector<16xi32>
        %parallel_loop3A_149 = tpu.vector_load_idx %arg9[%add3A_3, %parallel_loop3A_148] : memref<64x128xf32, #tpu.memory_space<vmem>>[vector<16xi32>, vector<16xi32>], vector<16xf32>,
        tpu.vector_store_idx %arg11[%parallel_loop3A_148, %add3A_3], %parallel_loop3A_149 : memref<128x128xf32, #tpu.memory_space<vmem>>[vector<16xi32>, vector<16xi32>], vector<16xf32>,
        %parallel_loop3A_150 = tpu.vector_load_idx %arg9[%add3A_6, %parallel_loop3A_148] : memref<64x128xf32, #tpu.memory_space<vmem>>[vector<16xi32>, vector<16xi32>], vector<16xf32>,
        tpu.vector_store_idx %arg11[%parallel_loop3A_148, %add3A_6], %parallel_loop3A_150 : memref<128x128xf32, #tpu.memory_space<vmem>>[vector<16xi32>, vector<16xi32>], vector<16xf32>,
        %parallel_loop3A_151 = tpu.vector_load_idx %arg9[%add3A_9, %parallel_loop3A_148] : memref<64x128xf32, #tpu.memory_space<vmem>>[vector<16xi32>, vector<16xi32>], vector<16xf32>,
        tpu.vector_store_idx %arg11[%parallel_loop3A_148, %add3A_9], %parallel_loop3A_151 : memref<128x128xf32, #tpu.memory_space<vmem>>[vector<16xi32>, vector<16xi32>], vector<16xf32>,
        %parallel_loop3A_152 = tpu.vector_load_idx %arg9[%add3A_12, %parallel_loop3A_148] : memref<64x128xf32, #tpu.memory_space<vmem>>[vector<16xi32>, vector<16xi32>], vector<16xf32>,
        tpu.vector_store_idx %arg11[%parallel_loop3A_148, %add3A_12], %parallel_loop3A_152 : memref<128x128xf32, #tpu.memory_space<vmem>>[vector<16xi32>, vector<16xi32>], vector<16xf32>,
      } {sc.loop_unroll_factor = 4 : i64, sc.parallel_access}
      %add3A_135 = arith.constant 1 : i32
      %add3A_136 = arith.addi %mul3A_83, %add3A_135 : i32
      %mul3A_137 = arith.constant 32 : i32
      %mul3A_138 = arith.muli %add3A_136, %mul3A_137 : i32
      %add3A_139 = arith.addi %mul3A_138, %add3A : i32
      %mul3A_140 = arith.constant 128 : i32
      %mul3A_141 = arith.muli %add3A_139, %mul3A_140 : i32
      %dma_start3A_142 = arith.constant 0 : i32
      %dma_start3A_143 = tpu.memref_slice %arg6[%mul3A_141, %dma_start3A_142] : memref<1000000x128xf32, #tpu.memory_space<hbm>> -> memref<128x128xf32, #tpu.memory_space<hbm>>
      %dma_start3A_144 = arith.constant 0 : i32
      %dma_start3A_145 = tpu.memref_slice %arg6[%mul3A_141, %dma_start3A_144] : memref<1000000x128xf32, #tpu.memory_space<hbm>> -> memref<128x128xf32, #tpu.memory_space<hbm>>
      tpu.enqueue_dma source(%arg11 : memref<128x128xf32, #tpu.memory_space<vmem>>) target(%dma_start3A_145 : memref<128x128xf32, #tpu.memory_space<hbm>>) target_semaphore(%arg16 : memref<!tpu.dma_semaphore, #tpu.memory_space<semaphore_mem>>)
      %scan3A_146 = arith.constant 0 : i32
      scf.yield %scan3A_146 : i32
    }
    %scan3A_25 = arith.constant 122 : i32
    %dma_wait3A = arith.constant 0 : i32
    %dma_wait3A_26 = arith.constant 0 : i32
    %dma_wait3A_27 = tpu.memref_slice %arg6[%dma_wait3A, %dma_wait3A_26] : memref<1000000x128xf32, #tpu.memory_space<hbm>> -> memref<128x128xf32, #tpu.memory_space<hbm>>
    %dma_wait3A_28 = arith.constant 0 : i32
    %dma_wait3A_29 = arith.constant 0 : i32
    %dma_wait3A_30 = tpu.memref_slice %arg6[%dma_wait3A_28, %dma_wait3A_29] : memref<1000000x128xf32, #tpu.memory_space<hbm>> -> memref<128x128xf32, #tpu.memory_space<hbm>>
    tpu.wait_dma2 semaphore(%arg15 : memref<!tpu.dma_semaphore, #tpu.memory_space<semaphore_mem>>) src(%arg10 : memref<128x128xf32, #tpu.memory_space<vmem>>) dst(%dma_wait3A_30 : memref<128x128xf32, #tpu.memory_space<hbm>>)
    %dma_wait3A_31 = arith.constant 0 : i32
    %dma_wait3A_32 = arith.constant 0 : i32
    %dma_wait3A_33 = tpu.memref_slice %arg6[%dma_wait3A_31, %dma_wait3A_32] : memref<1000000x128xf32, #tpu.memory_space<hbm>> -> memref<128x128xf32, #tpu.memory_space<hbm>>
    %dma_wait3A_34 = arith.constant 0 : i32
    %dma_wait3A_35 = arith.constant 0 : i32
    %dma_wait3A_36 = tpu.memref_slice %arg6[%dma_wait3A_34, %dma_wait3A_35] : memref<1000000x128xf32, #tpu.memory_space<hbm>> -> memref<128x128xf32, #tpu.memory_space<hbm>>
    tpu.wait_dma2 semaphore(%arg16 : memref<!tpu.dma_semaphore, #tpu.memory_space<semaphore_mem>>) src(%arg11 : memref<128x128xf32, #tpu.memory_space<vmem>>) dst(%dma_wait3A_36 : memref<128x128xf32, #tpu.memory_space<hbm>>)
    %lt3A = arith.constant 4 : i32
    %lt3A_37 = arith.cmpi slt, %add3A, %lt3A : i32
    %convert_element_type3A = arith.extui %lt3A_37 : i1 to i32
    %cond3A = arith.constant 0 : i32
    %cond3A_38 = arith.cmpi ne, %convert_element_type3A, %cond3A : i32
    scf.if %cond3A_38 {
      %add3A_80 = arith.constant 7808 : i32
      %add3A_81 = arith.addi %add3A_80, %add3A : i32
      %mul3A_82 = arith.constant 128 : i32
      %mul3A_83 = arith.muli %add3A_81, %mul3A_82 : i32
      "tpu.region"() ({
        %run_scoped3A = tpu.sem_alloc : memref<!tpu.dma_semaphore, #tpu.memory_space<semaphore_mem>>
        %dma_start3A_88 = arith.constant 0 : i32
        %dma_start3A_89 = tpu.memref_slice %arg2[%dma_start3A_88, %mul3A_83] : memref<64x1000000xf32, #tpu.memory_space<hbm>> -> memref<64x128xf32, #tpu.memory_space<hbm>>
        %dma_start3A_90 = arith.constant 0 : i32
        %dma_start3A_91 = tpu.memref_slice %arg2[%dma_start3A_90, %mul3A_83] : memref<64x1000000xf32, #tpu.memory_space<hbm>> -> memref<64x128xf32, #tpu.memory_space<hbm>>
        tpu.enqueue_dma source(%dma_start3A_91 : memref<64x128xf32, #tpu.memory_space<hbm>>) target(%arg8 : memref<64x128xf32, #tpu.memory_space<vmem>>) target_semaphore(%run_scoped3A : memref<!tpu.dma_semaphore, #tpu.memory_space<semaphore_mem>>)
        %dma_wait3A_92 = arith.constant 0 : i32
        %dma_wait3A_93 = tpu.memref_slice %arg2[%dma_wait3A_92, %mul3A_83] : memref<64x1000000xf32, #tpu.memory_space<hbm>> -> memref<64x128xf32, #tpu.memory_space<hbm>>
        %dma_wait3A_94 = arith.constant 0 : i32
        %dma_wait3A_95 = tpu.memref_slice %arg2[%dma_wait3A_94, %mul3A_83] : memref<64x1000000xf32, #tpu.memory_space<hbm>> -> memref<64x128xf32, #tpu.memory_space<hbm>>
        tpu.wait_dma2 semaphore(%run_scoped3A : memref<!tpu.dma_semaphore, #tpu.memory_space<semaphore_mem>>) src(%dma_wait3A_95 : memref<64x128xf32, #tpu.memory_space<hbm>>) dst(%arg8 : memref<64x128xf32, #tpu.memory_space<vmem>>)
        tpu.yield
      }) : () -> ()
      %parallel_loop3A = arith.constant 0 : i32
      %parallel_loop3A_84 = arith.constant 128 : i32
      %parallel_loop3A_85 = arith.constant 1 : i32
      scf.for %parallel_loop3A_88 = %parallel_loop3A to %parallel_loop3A_84 step %parallel_loop3A_85  : i32 {
        %parallel_loop3A_89 = vector.broadcast %parallel_loop3A_88 : i32 to vector<16xi32>
        %parallel_loop3A_90 = tpu.vector_load_idx %arg8[%add3A_3, %parallel_loop3A_89] : memref<64x128xf32, #tpu.memory_space<vmem>>[vector<16xi32>, vector<16xi32>], vector<16xf32>,
        tpu.vector_store_idx %arg10[%parallel_loop3A_89, %add3A_3], %parallel_loop3A_90 : memref<128x128xf32, #tpu.memory_space<vmem>>[vector<16xi32>, vector<16xi32>], vector<16xf32>,
        %parallel_loop3A_91 = tpu.vector_load_idx %arg8[%add3A_6, %parallel_loop3A_89] : memref<64x128xf32, #tpu.memory_space<vmem>>[vector<16xi32>, vector<16xi32>], vector<16xf32>,
        tpu.vector_store_idx %arg10[%parallel_loop3A_89, %add3A_6], %parallel_loop3A_91 : memref<128x128xf32, #tpu.memory_space<vmem>>[vector<16xi32>, vector<16xi32>], vector<16xf32>,
        %parallel_loop3A_92 = tpu.vector_load_idx %arg8[%add3A_9, %parallel_loop3A_89] : memref<64x128xf32, #tpu.memory_space<vmem>>[vector<16xi32>, vector<16xi32>], vector<16xf32>,
        tpu.vector_store_idx %arg10[%parallel_loop3A_89, %add3A_9], %parallel_loop3A_92 : memref<128x128xf32, #tpu.memory_space<vmem>>[vector<16xi32>, vector<16xi32>], vector<16xf32>,
        %parallel_loop3A_93 = tpu.vector_load_idx %arg8[%add3A_12, %parallel_loop3A_89] : memref<64x128xf32, #tpu.memory_space<vmem>>[vector<16xi32>, vector<16xi32>], vector<16xf32>,
        tpu.vector_store_idx %arg10[%parallel_loop3A_89, %add3A_12], %parallel_loop3A_93 : memref<128x128xf32, #tpu.memory_space<vmem>>[vector<16xi32>, vector<16xi32>], vector<16xf32>,
      } {sc.loop_unroll_factor = 4 : i64, sc.parallel_access}
      %mul3A_86 = arith.constant 128 : i32
      %mul3A_87 = arith.muli %add3A_81, %mul3A_86 : i32
      "tpu.region"() ({
        %run_scoped3A = tpu.sem_alloc : memref<!tpu.dma_semaphore, #tpu.memory_space<semaphore_mem>>
        %dma_start3A_88 = arith.constant 0 : i32
        %dma_start3A_89 = tpu.memref_slice %arg6[%mul3A_87, %dma_start3A_88] : memref<1000000x128xf32, #tpu.memory_space<hbm>> -> memref<128x128xf32, #tpu.memory_space<hbm>>
        %dma_start3A_90 = arith.constant 0 : i32
        %dma_start3A_91 = tpu.memref_slice %arg6[%mul3A_87, %dma_start3A_90] : memref<1000000x128xf32, #tpu.memory_space<hbm>> -> memref<128x128xf32, #tpu.memory_space<hbm>>
        tpu.enqueue_dma source(%arg10 : memref<128x128xf32, #tpu.memory_space<vmem>>) target(%dma_start3A_91 : memref<128x128xf32, #tpu.memory_space<hbm>>) target_semaphore(%run_scoped3A : memref<!tpu.dma_semaphore, #tpu.memory_space<semaphore_mem>>)
        %dma_wait3A_92 = arith.constant 0 : i32
        %dma_wait3A_93 = tpu.memref_slice %arg6[%mul3A_87, %dma_wait3A_92] : memref<1000000x128xf32, #tpu.memory_space<hbm>> -> memref<128x128xf32, #tpu.memory_space<hbm>>
        %dma_wait3A_94 = arith.constant 0 : i32
        %dma_wait3A_95 = tpu.memref_slice %arg6[%mul3A_87, %dma_wait3A_94] : memref<1000000x128xf32, #tpu.memory_space<hbm>> -> memref<128x128xf32, #tpu.memory_space<hbm>>
        tpu.wait_dma2 semaphore(%run_scoped3A : memref<!tpu.dma_semaphore, #tpu.memory_space<semaphore_mem>>) src(%arg10 : memref<128x128xf32, #tpu.memory_space<vmem>>) dst(%dma_wait3A_95 : memref<128x128xf32, #tpu.memory_space<hbm>>)
        tpu.yield
      }) : () -> ()
    } else {
    }
    %eq3A = arith.constant 4 : i32
    %eq3A_39 = arith.cmpi eq, %add3A, %eq3A : i32
    %convert_element_type3A_40 = arith.extui %eq3A_39 : i1 to i32
    %cond3A_41 = arith.constant 0 : i32
    %cond3A_42 = arith.cmpi ne, %convert_element_type3A_40, %cond3A_41 : i32
    scf.if %cond3A_42 {
      "tpu.region"() ({
        %run_scoped3A = tpu.sem_alloc : memref<!tpu.dma_semaphore, #tpu.memory_space<semaphore_mem>>
        tpu.enqueue_dma source(%arg4 : memref<64x64xf32, #tpu.memory_space<hbm>>) target(%arg12 : memref<64x64xf32, #tpu.memory_space<vmem>>) target_semaphore(%run_scoped3A : memref<!tpu.dma_semaphore, #tpu.memory_space<semaphore_mem>>)
        tpu.wait_dma2 semaphore(%run_scoped3A : memref<!tpu.dma_semaphore, #tpu.memory_space<semaphore_mem>>) src(%arg4 : memref<64x64xf32, #tpu.memory_space<hbm>>) dst(%arg12 : memref<64x64xf32, #tpu.memory_space<vmem>>)
        tpu.yield
      }) : () -> ()
      %parallel_loop3A = arith.constant 0 : i32
      %parallel_loop3A_80 = arith.constant 64 : i32
      %parallel_loop3A_81 = arith.constant 1 : i32
      scf.for %parallel_loop3A_82 = %parallel_loop3A to %parallel_loop3A_80 step %parallel_loop3A_81  : i32 {
        %parallel_loop3A_83 = vector.broadcast %parallel_loop3A_82 : i32 to vector<16xi32>
        %parallel_loop3A_84 = tpu.vector_load_idx %arg12[%parallel_loop3A_83, %add3A_3] : memref<64x64xf32, #tpu.memory_space<vmem>>[vector<16xi32>, vector<16xi32>], vector<16xf32>,
        tpu.vector_store_idx %arg11[%parallel_loop3A_83, %add3A_3], %parallel_loop3A_84 : memref<128x128xf32, #tpu.memory_space<vmem>>[vector<16xi32>, vector<16xi32>], vector<16xf32>,
        %parallel_loop3A_85 = tpu.vector_load_idx %arg12[%parallel_loop3A_83, %add3A_6] : memref<64x64xf32, #tpu.memory_space<vmem>>[vector<16xi32>, vector<16xi32>], vector<16xf32>,
        tpu.vector_store_idx %arg11[%parallel_loop3A_83, %add3A_6], %parallel_loop3A_85 : memref<128x128xf32, #tpu.memory_space<vmem>>[vector<16xi32>, vector<16xi32>], vector<16xf32>,
        %parallel_loop3A_86 = tpu.vector_load_idx %arg12[%parallel_loop3A_83, %add3A_9] : memref<64x64xf32, #tpu.memory_space<vmem>>[vector<16xi32>, vector<16xi32>], vector<16xf32>,
        tpu.vector_store_idx %arg11[%parallel_loop3A_83, %add3A_9], %parallel_loop3A_86 : memref<128x128xf32, #tpu.memory_space<vmem>>[vector<16xi32>, vector<16xi32>], vector<16xf32>,
        %parallel_loop3A_87 = tpu.vector_load_idx %arg12[%parallel_loop3A_83, %add3A_12] : memref<64x64xf32, #tpu.memory_space<vmem>>[vector<16xi32>, vector<16xi32>], vector<16xf32>,
        tpu.vector_store_idx %arg11[%parallel_loop3A_83, %add3A_12], %parallel_loop3A_87 : memref<128x128xf32, #tpu.memory_space<vmem>>[vector<16xi32>, vector<16xi32>], vector<16xf32>,
      } {sc.loop_unroll_factor = 4 : i64, sc.parallel_access}
      "tpu.region"() ({
        %run_scoped3A = tpu.sem_alloc : memref<!tpu.dma_semaphore, #tpu.memory_space<semaphore_mem>>
        %dma_start3A_82 = arith.constant 0 : i32
        %dma_start3A_83 = arith.constant 0 : i32
        %dma_start3A_84 = tpu.memref_slice %arg11[%dma_start3A_82, %dma_start3A_83] : memref<128x128xf32, #tpu.memory_space<vmem>> -> memref<64x128xf32, #tpu.memory_space<vmem>>
        %dma_start3A_85 = arith.constant 999936 : i32
        %dma_start3A_86 = arith.constant 0 : i32
        %dma_start3A_87 = tpu.memref_slice %arg6[%dma_start3A_85, %dma_start3A_86] : memref<1000000x128xf32, #tpu.memory_space<hbm>> -> memref<64x128xf32, #tpu.memory_space<hbm>>
        %dma_start3A_88 = arith.constant 999936 : i32
        %dma_start3A_89 = arith.constant 0 : i32
        %dma_start3A_90 = tpu.memref_slice %arg6[%dma_start3A_88, %dma_start3A_89] : memref<1000000x128xf32, #tpu.memory_space<hbm>> -> memref<64x128xf32, #tpu.memory_space<hbm>>
        %dma_start3A_91 = arith.constant 0 : i32
        %dma_start3A_92 = arith.constant 0 : i32
        %dma_start3A_93 = tpu.memref_slice %arg11[%dma_start3A_91, %dma_start3A_92] : memref<128x128xf32, #tpu.memory_space<vmem>> -> memref<64x128xf32, #tpu.memory_space<vmem>>
        tpu.enqueue_dma source(%dma_start3A_93 : memref<64x128xf32, #tpu.memory_space<vmem>>) target(%dma_start3A_90 : memref<64x128xf32, #tpu.memory_space<hbm>>) target_semaphore(%run_scoped3A : memref<!tpu.dma_semaphore, #tpu.memory_space<semaphore_mem>>)
        %dma_wait3A_94 = arith.constant 0 : i32
        %dma_wait3A_95 = arith.constant 0 : i32
        %dma_wait3A_96 = tpu.memref_slice %arg11[%dma_wait3A_94, %dma_wait3A_95] : memref<128x128xf32, #tpu.memory_space<vmem>> -> memref<64x128xf32, #tpu.memory_space<vmem>>
        %dma_wait3A_97 = arith.constant 999936 : i32
        %dma_wait3A_98 = arith.constant 0 : i32
        %dma_wait3A_99 = tpu.memref_slice %arg6[%dma_wait3A_97, %dma_wait3A_98] : memref<1000000x128xf32, #tpu.memory_space<hbm>> -> memref<64x128xf32, #tpu.memory_space<hbm>>
        %dma_wait3A_100 = arith.constant 999936 : i32
        %dma_wait3A_101 = arith.constant 0 : i32
        %dma_wait3A_102 = tpu.memref_slice %arg6[%dma_wait3A_100, %dma_wait3A_101] : memref<1000000x128xf32, #tpu.memory_space<hbm>> -> memref<64x128xf32, #tpu.memory_space<hbm>>
        %dma_wait3A_103 = arith.constant 0 : i32
        %dma_wait3A_104 = arith.constant 0 : i32
        %dma_wait3A_105 = tpu.memref_slice %arg11[%dma_wait3A_103, %dma_wait3A_104] : memref<128x128xf32, #tpu.memory_space<vmem>> -> memref<64x128xf32, #tpu.memory_space<vmem>>
        tpu.wait_dma2 semaphore(%run_scoped3A : memref<!tpu.dma_semaphore, #tpu.memory_space<semaphore_mem>>) src(%dma_wait3A_105 : memref<64x128xf32, #tpu.memory_space<vmem>>) dst(%dma_wait3A_102 : memref<64x128xf32, #tpu.memory_space<hbm>>)
        tpu.yield
      }) : () -> ()
    } else {
    }
    %add3A_43 = arith.constant 0 : i32
    %add3A_44 = arith.addi %add3A_43, %add3A : i32
    %mul3A_45 = arith.constant 128 : i32
    %mul3A_46 = arith.muli %add3A_44, %mul3A_45 : i32
    %dma_start3A_47 = arith.constant 0 : i32
    %dma_start3A_48 = tpu.memref_slice %arg3[%dma_start3A_47, %mul3A_46] : memref<64x1000000xf32, #tpu.memory_space<hbm>> -> memref<64x128xf32, #tpu.memory_space<hbm>>
    %dma_start3A_49 = arith.constant 0 : i32
    %dma_start3A_50 = tpu.memref_slice %arg3[%dma_start3A_49, %mul3A_46] : memref<64x1000000xf32, #tpu.memory_space<hbm>> -> memref<64x128xf32, #tpu.memory_space<hbm>>
    tpu.enqueue_dma source(%dma_start3A_50 : memref<64x128xf32, #tpu.memory_space<hbm>>) target(%arg8 : memref<64x128xf32, #tpu.memory_space<vmem>>) target_semaphore(%arg13 : memref<!tpu.dma_semaphore, #tpu.memory_space<semaphore_mem>>)
    %scan3A_51 = arith.constant 0 : i32
    %scan3A_52 = arith.constant 0 : i32
    %scan3A_53 = arith.constant 122 : i32
    %scan3A_54 = arith.addi %scan3A_52, %scan3A_53 : i32
    %scan3A_55 = arith.constant 1 : i32
    %scan3A_56 = scf.for %scan3A_80 = %scan3A_52 to %scan3A_54 step %scan3A_55 iter_args(%scan3A_81 = %scan3A_51) -> (i32)  : i32 {
      %mul3A_82 = arith.constant 2 : i32
      %mul3A_83 = arith.muli %mul3A_82, %scan3A_80 : i32
      %add3A_84 = arith.constant 1 : i32
      %add3A_85 = arith.addi %mul3A_83, %add3A_84 : i32
      %mul3A_86 = arith.constant 32 : i32
      %mul3A_87 = arith.muli %add3A_85, %mul3A_86 : i32
      %add3A_88 = arith.addi %mul3A_87, %add3A : i32
      %mul3A_89 = arith.constant 128 : i32
      %mul3A_90 = arith.muli %add3A_88, %mul3A_89 : i32
      %dma_start3A_91 = arith.constant 0 : i32
      %dma_start3A_92 = tpu.memref_slice %arg3[%dma_start3A_91, %mul3A_90] : memref<64x1000000xf32, #tpu.memory_space<hbm>> -> memref<64x128xf32, #tpu.memory_space<hbm>>
      %dma_start3A_93 = arith.constant 0 : i32
      %dma_start3A_94 = tpu.memref_slice %arg3[%dma_start3A_93, %mul3A_90] : memref<64x1000000xf32, #tpu.memory_space<hbm>> -> memref<64x128xf32, #tpu.memory_space<hbm>>
      tpu.enqueue_dma source(%dma_start3A_94 : memref<64x128xf32, #tpu.memory_space<hbm>>) target(%arg9 : memref<64x128xf32, #tpu.memory_space<vmem>>) target_semaphore(%arg14 : memref<!tpu.dma_semaphore, #tpu.memory_space<semaphore_mem>>)
      %dma_wait3A_95 = arith.constant 0 : i32
      %dma_wait3A_96 = arith.constant 0 : i32
      %dma_wait3A_97 = tpu.memref_slice %arg3[%dma_wait3A_95, %dma_wait3A_96] : memref<64x1000000xf32, #tpu.memory_space<hbm>> -> memref<64x128xf32, #tpu.memory_space<hbm>>
      %dma_wait3A_98 = arith.constant 0 : i32
      %dma_wait3A_99 = arith.constant 0 : i32
      %dma_wait3A_100 = tpu.memref_slice %arg3[%dma_wait3A_98, %dma_wait3A_99] : memref<64x1000000xf32, #tpu.memory_space<hbm>> -> memref<64x128xf32, #tpu.memory_space<hbm>>
      tpu.wait_dma2 semaphore(%arg13 : memref<!tpu.dma_semaphore, #tpu.memory_space<semaphore_mem>>) src(%dma_wait3A_100 : memref<64x128xf32, #tpu.memory_space<hbm>>) dst(%arg8 : memref<64x128xf32, #tpu.memory_space<vmem>>)
      %gt3A = arith.constant 0 : i32
      %gt3A_101 = arith.cmpi sgt, %scan3A_80, %gt3A : i32
      %convert_element_type3A_102 = arith.extui %gt3A_101 : i1 to i32
      %cond3A_103 = arith.constant 0 : i32
      %cond3A_104 = arith.cmpi ne, %convert_element_type3A_102, %cond3A_103 : i32
      scf.if %cond3A_104 {
        %dma_wait3A_147 = arith.constant 0 : i32
        %dma_wait3A_148 = arith.constant 0 : i32
        %dma_wait3A_149 = tpu.memref_slice %arg7[%dma_wait3A_147, %dma_wait3A_148] : memref<1000000x128xf32, #tpu.memory_space<hbm>> -> memref<128x128xf32, #tpu.memory_space<hbm>>
        %dma_wait3A_150 = arith.constant 0 : i32
        %dma_wait3A_151 = arith.constant 0 : i32
        %dma_wait3A_152 = tpu.memref_slice %arg7[%dma_wait3A_150, %dma_wait3A_151] : memref<1000000x128xf32, #tpu.memory_space<hbm>> -> memref<128x128xf32, #tpu.memory_space<hbm>>
        tpu.wait_dma2 semaphore(%arg15 : memref<!tpu.dma_semaphore, #tpu.memory_space<semaphore_mem>>) src(%arg10 : memref<128x128xf32, #tpu.memory_space<vmem>>) dst(%dma_wait3A_152 : memref<128x128xf32, #tpu.memory_space<hbm>>)
      } else {
      }
      %parallel_loop3A = arith.constant 0 : i32
      %parallel_loop3A_105 = arith.constant 128 : i32
      %parallel_loop3A_106 = arith.constant 1 : i32
      scf.for %parallel_loop3A_147 = %parallel_loop3A to %parallel_loop3A_105 step %parallel_loop3A_106  : i32 {
        %parallel_loop3A_148 = vector.broadcast %parallel_loop3A_147 : i32 to vector<16xi32>
        %parallel_loop3A_149 = tpu.vector_load_idx %arg8[%add3A_3, %parallel_loop3A_148] : memref<64x128xf32, #tpu.memory_space<vmem>>[vector<16xi32>, vector<16xi32>], vector<16xf32>,
        tpu.vector_store_idx %arg10[%parallel_loop3A_148, %add3A_3], %parallel_loop3A_149 : memref<128x128xf32, #tpu.memory_space<vmem>>[vector<16xi32>, vector<16xi32>], vector<16xf32>,
        %parallel_loop3A_150 = tpu.vector_load_idx %arg8[%add3A_6, %parallel_loop3A_148] : memref<64x128xf32, #tpu.memory_space<vmem>>[vector<16xi32>, vector<16xi32>], vector<16xf32>,
        tpu.vector_store_idx %arg10[%parallel_loop3A_148, %add3A_6], %parallel_loop3A_150 : memref<128x128xf32, #tpu.memory_space<vmem>>[vector<16xi32>, vector<16xi32>], vector<16xf32>,
        %parallel_loop3A_151 = tpu.vector_load_idx %arg8[%add3A_9, %parallel_loop3A_148] : memref<64x128xf32, #tpu.memory_space<vmem>>[vector<16xi32>, vector<16xi32>], vector<16xf32>,
        tpu.vector_store_idx %arg10[%parallel_loop3A_148, %add3A_9], %parallel_loop3A_151 : memref<128x128xf32, #tpu.memory_space<vmem>>[vector<16xi32>, vector<16xi32>], vector<16xf32>,
        %parallel_loop3A_152 = tpu.vector_load_idx %arg8[%add3A_12, %parallel_loop3A_148] : memref<64x128xf32, #tpu.memory_space<vmem>>[vector<16xi32>, vector<16xi32>], vector<16xf32>,
        tpu.vector_store_idx %arg10[%parallel_loop3A_148, %add3A_12], %parallel_loop3A_152 : memref<128x128xf32, #tpu.memory_space<vmem>>[vector<16xi32>, vector<16xi32>], vector<16xf32>,
      } {sc.loop_unroll_factor = 4 : i64, sc.parallel_access}
      %mul3A_107 = arith.constant 32 : i32
      %mul3A_108 = arith.muli %mul3A_83, %mul3A_107 : i32
      %add3A_109 = arith.addi %mul3A_108, %add3A : i32
      %mul3A_110 = arith.constant 128 : i32
      %mul3A_111 = arith.muli %add3A_109, %mul3A_110 : i32
      %dma_start3A_112 = arith.constant 0 : i32
      %dma_start3A_113 = tpu.memref_slice %arg7[%mul3A_111, %dma_start3A_112] : memref<1000000x128xf32, #tpu.memory_space<hbm>> -> memref<128x128xf32, #tpu.memory_space<hbm>>
      %dma_start3A_114 = arith.constant 0 : i32
      %dma_start3A_115 = tpu.memref_slice %arg7[%mul3A_111, %dma_start3A_114] : memref<1000000x128xf32, #tpu.memory_space<hbm>> -> memref<128x128xf32, #tpu.memory_space<hbm>>
      tpu.enqueue_dma source(%arg10 : memref<128x128xf32, #tpu.memory_space<vmem>>) target(%dma_start3A_115 : memref<128x128xf32, #tpu.memory_space<hbm>>) target_semaphore(%arg15 : memref<!tpu.dma_semaphore, #tpu.memory_space<semaphore_mem>>)
      %lt3A_116 = arith.constant 121 : i32
      %lt3A_117 = arith.cmpi slt, %scan3A_80, %lt3A_116 : i32
      %convert_element_type3A_118 = arith.extui %lt3A_117 : i1 to i32
      %cond3A_119 = arith.constant 0 : i32
      %cond3A_120 = arith.cmpi ne, %convert_element_type3A_118, %cond3A_119 : i32
      scf.if %cond3A_120 {
        %add3A_147 = arith.constant 2 : i32
        %add3A_148 = arith.addi %mul3A_83, %add3A_147 : i32
        %mul3A_149 = arith.constant 32 : i32
        %mul3A_150 = arith.muli %add3A_148, %mul3A_149 : i32
        %add3A_151 = arith.addi %mul3A_150, %add3A : i32
        %mul3A_152 = arith.constant 128 : i32
        %mul3A_153 = arith.muli %add3A_151, %mul3A_152 : i32
        %dma_start3A_154 = arith.constant 0 : i32
        %dma_start3A_155 = tpu.memref_slice %arg3[%dma_start3A_154, %mul3A_153] : memref<64x1000000xf32, #tpu.memory_space<hbm>> -> memref<64x128xf32, #tpu.memory_space<hbm>>
        %dma_start3A_156 = arith.constant 0 : i32
        %dma_start3A_157 = tpu.memref_slice %arg3[%dma_start3A_156, %mul3A_153] : memref<64x1000000xf32, #tpu.memory_space<hbm>> -> memref<64x128xf32, #tpu.memory_space<hbm>>
        tpu.enqueue_dma source(%dma_start3A_157 : memref<64x128xf32, #tpu.memory_space<hbm>>) target(%arg8 : memref<64x128xf32, #tpu.memory_space<vmem>>) target_semaphore(%arg13 : memref<!tpu.dma_semaphore, #tpu.memory_space<semaphore_mem>>)
      } else {
      }
      %dma_wait3A_121 = arith.constant 0 : i32
      %dma_wait3A_122 = arith.constant 0 : i32
      %dma_wait3A_123 = tpu.memref_slice %arg3[%dma_wait3A_121, %dma_wait3A_122] : memref<64x1000000xf32, #tpu.memory_space<hbm>> -> memref<64x128xf32, #tpu.memory_space<hbm>>
      %dma_wait3A_124 = arith.constant 0 : i32
      %dma_wait3A_125 = arith.constant 0 : i32
      %dma_wait3A_126 = tpu.memref_slice %arg3[%dma_wait3A_124, %dma_wait3A_125] : memref<64x1000000xf32, #tpu.memory_space<hbm>> -> memref<64x128xf32, #tpu.memory_space<hbm>>
      tpu.wait_dma2 semaphore(%arg14 : memref<!tpu.dma_semaphore, #tpu.memory_space<semaphore_mem>>) src(%dma_wait3A_126 : memref<64x128xf32, #tpu.memory_space<hbm>>) dst(%arg9 : memref<64x128xf32, #tpu.memory_space<vmem>>)
      %gt3A_127 = arith.constant 0 : i32
      %gt3A_128 = arith.cmpi sgt, %scan3A_80, %gt3A_127 : i32
      %convert_element_type3A_129 = arith.extui %gt3A_128 : i1 to i32
      %cond3A_130 = arith.constant 0 : i32
      %cond3A_131 = arith.cmpi ne, %convert_element_type3A_129, %cond3A_130 : i32
      scf.if %cond3A_131 {
        %dma_wait3A_147 = arith.constant 0 : i32
        %dma_wait3A_148 = arith.constant 0 : i32
        %dma_wait3A_149 = tpu.memref_slice %arg7[%dma_wait3A_147, %dma_wait3A_148] : memref<1000000x128xf32, #tpu.memory_space<hbm>> -> memref<128x128xf32, #tpu.memory_space<hbm>>
        %dma_wait3A_150 = arith.constant 0 : i32
        %dma_wait3A_151 = arith.constant 0 : i32
        %dma_wait3A_152 = tpu.memref_slice %arg7[%dma_wait3A_150, %dma_wait3A_151] : memref<1000000x128xf32, #tpu.memory_space<hbm>> -> memref<128x128xf32, #tpu.memory_space<hbm>>
        tpu.wait_dma2 semaphore(%arg16 : memref<!tpu.dma_semaphore, #tpu.memory_space<semaphore_mem>>) src(%arg11 : memref<128x128xf32, #tpu.memory_space<vmem>>) dst(%dma_wait3A_152 : memref<128x128xf32, #tpu.memory_space<hbm>>)
      } else {
      }
      %parallel_loop3A_132 = arith.constant 0 : i32
      %parallel_loop3A_133 = arith.constant 128 : i32
      %parallel_loop3A_134 = arith.constant 1 : i32
      scf.for %parallel_loop3A_147 = %parallel_loop3A_132 to %parallel_loop3A_133 step %parallel_loop3A_134  : i32 {
        %parallel_loop3A_148 = vector.broadcast %parallel_loop3A_147 : i32 to vector<16xi32>
        %parallel_loop3A_149 = tpu.vector_load_idx %arg9[%add3A_3, %parallel_loop3A_148] : memref<64x128xf32, #tpu.memory_space<vmem>>[vector<16xi32>, vector<16xi32>], vector<16xf32>,
        tpu.vector_store_idx %arg11[%parallel_loop3A_148, %add3A_3], %parallel_loop3A_149 : memref<128x128xf32, #tpu.memory_space<vmem>>[vector<16xi32>, vector<16xi32>], vector<16xf32>,
        %parallel_loop3A_150 = tpu.vector_load_idx %arg9[%add3A_6, %parallel_loop3A_148] : memref<64x128xf32, #tpu.memory_space<vmem>>[vector<16xi32>, vector<16xi32>], vector<16xf32>,
        tpu.vector_store_idx %arg11[%parallel_loop3A_148, %add3A_6], %parallel_loop3A_150 : memref<128x128xf32, #tpu.memory_space<vmem>>[vector<16xi32>, vector<16xi32>], vector<16xf32>,
        %parallel_loop3A_151 = tpu.vector_load_idx %arg9[%add3A_9, %parallel_loop3A_148] : memref<64x128xf32, #tpu.memory_space<vmem>>[vector<16xi32>, vector<16xi32>], vector<16xf32>,
        tpu.vector_store_idx %arg11[%parallel_loop3A_148, %add3A_9], %parallel_loop3A_151 : memref<128x128xf32, #tpu.memory_space<vmem>>[vector<16xi32>, vector<16xi32>], vector<16xf32>,
        %parallel_loop3A_152 = tpu.vector_load_idx %arg9[%add3A_12, %parallel_loop3A_148] : memref<64x128xf32, #tpu.memory_space<vmem>>[vector<16xi32>, vector<16xi32>], vector<16xf32>,
        tpu.vector_store_idx %arg11[%parallel_loop3A_148, %add3A_12], %parallel_loop3A_152 : memref<128x128xf32, #tpu.memory_space<vmem>>[vector<16xi32>, vector<16xi32>], vector<16xf32>,
      } {sc.loop_unroll_factor = 4 : i64, sc.parallel_access}
      %add3A_135 = arith.constant 1 : i32
      %add3A_136 = arith.addi %mul3A_83, %add3A_135 : i32
      %mul3A_137 = arith.constant 32 : i32
      %mul3A_138 = arith.muli %add3A_136, %mul3A_137 : i32
      %add3A_139 = arith.addi %mul3A_138, %add3A : i32
      %mul3A_140 = arith.constant 128 : i32
      %mul3A_141 = arith.muli %add3A_139, %mul3A_140 : i32
      %dma_start3A_142 = arith.constant 0 : i32
      %dma_start3A_143 = tpu.memref_slice %arg7[%mul3A_141, %dma_start3A_142] : memref<1000000x128xf32, #tpu.memory_space<hbm>> -> memref<128x128xf32, #tpu.memory_space<hbm>>
      %dma_start3A_144 = arith.constant 0 : i32
      %dma_start3A_145 = tpu.memref_slice %arg7[%mul3A_141, %dma_start3A_144] : memref<1000000x128xf32, #tpu.memory_space<hbm>> -> memref<128x128xf32, #tpu.memory_space<hbm>>
      tpu.enqueue_dma source(%arg11 : memref<128x128xf32, #tpu.memory_space<vmem>>) target(%dma_start3A_145 : memref<128x128xf32, #tpu.memory_space<hbm>>) target_semaphore(%arg16 : memref<!tpu.dma_semaphore, #tpu.memory_space<semaphore_mem>>)
      %scan3A_146 = arith.constant 0 : i32
      scf.yield %scan3A_146 : i32
    }
    %scan3A_57 = arith.constant 122 : i32
    %dma_wait3A_58 = arith.constant 0 : i32
    %dma_wait3A_59 = arith.constant 0 : i32
    %dma_wait3A_60 = tpu.memref_slice %arg7[%dma_wait3A_58, %dma_wait3A_59] : memref<1000000x128xf32, #tpu.memory_space<hbm>> -> memref<128x128xf32, #tpu.memory_space<hbm>>
    %dma_wait3A_61 = arith.constant 0 : i32
    %dma_wait3A_62 = arith.constant 0 : i32
    %dma_wait3A_63 = tpu.memref_slice %arg7[%dma_wait3A_61, %dma_wait3A_62] : memref<1000000x128xf32, #tpu.memory_space<hbm>> -> memref<128x128xf32, #tpu.memory_space<hbm>>
    tpu.wait_dma2 semaphore(%arg15 : memref<!tpu.dma_semaphore, #tpu.memory_space<semaphore_mem>>) src(%arg10 : memref<128x128xf32, #tpu.memory_space<vmem>>) dst(%dma_wait3A_63 : memref<128x128xf32, #tpu.memory_space<hbm>>)
    %dma_wait3A_64 = arith.constant 0 : i32
    %dma_wait3A_65 = arith.constant 0 : i32
    %dma_wait3A_66 = tpu.memref_slice %arg7[%dma_wait3A_64, %dma_wait3A_65] : memref<1000000x128xf32, #tpu.memory_space<hbm>> -> memref<128x128xf32, #tpu.memory_space<hbm>>
    %dma_wait3A_67 = arith.constant 0 : i32
    %dma_wait3A_68 = arith.constant 0 : i32
    %dma_wait3A_69 = tpu.memref_slice %arg7[%dma_wait3A_67, %dma_wait3A_68] : memref<1000000x128xf32, #tpu.memory_space<hbm>> -> memref<128x128xf32, #tpu.memory_space<hbm>>
    tpu.wait_dma2 semaphore(%arg16 : memref<!tpu.dma_semaphore, #tpu.memory_space<semaphore_mem>>) src(%arg11 : memref<128x128xf32, #tpu.memory_space<vmem>>) dst(%dma_wait3A_69 : memref<128x128xf32, #tpu.memory_space<hbm>>)
    %lt3A_70 = arith.constant 4 : i32
    %lt3A_71 = arith.cmpi slt, %add3A, %lt3A_70 : i32
    %convert_element_type3A_72 = arith.extui %lt3A_71 : i1 to i32
    %cond3A_73 = arith.constant 0 : i32
    %cond3A_74 = arith.cmpi ne, %convert_element_type3A_72, %cond3A_73 : i32
    scf.if %cond3A_74 {
      %add3A_80 = arith.constant 7808 : i32
      %add3A_81 = arith.addi %add3A_80, %add3A : i32
      %mul3A_82 = arith.constant 128 : i32
      %mul3A_83 = arith.muli %add3A_81, %mul3A_82 : i32
      "tpu.region"() ({
        %run_scoped3A = tpu.sem_alloc : memref<!tpu.dma_semaphore, #tpu.memory_space<semaphore_mem>>
        %dma_start3A_88 = arith.constant 0 : i32
        %dma_start3A_89 = tpu.memref_slice %arg3[%dma_start3A_88, %mul3A_83] : memref<64x1000000xf32, #tpu.memory_space<hbm>> -> memref<64x128xf32, #tpu.memory_space<hbm>>
        %dma_start3A_90 = arith.constant 0 : i32
        %dma_start3A_91 = tpu.memref_slice %arg3[%dma_start3A_90, %mul3A_83] : memref<64x1000000xf32, #tpu.memory_space<hbm>> -> memref<64x128xf32, #tpu.memory_space<hbm>>
        tpu.enqueue_dma source(%dma_start3A_91 : memref<64x128xf32, #tpu.memory_space<hbm>>) target(%arg8 : memref<64x128xf32, #tpu.memory_space<vmem>>) target_semaphore(%run_scoped3A : memref<!tpu.dma_semaphore, #tpu.memory_space<semaphore_mem>>)
        %dma_wait3A_92 = arith.constant 0 : i32
        %dma_wait3A_93 = tpu.memref_slice %arg3[%dma_wait3A_92, %mul3A_83] : memref<64x1000000xf32, #tpu.memory_space<hbm>> -> memref<64x128xf32, #tpu.memory_space<hbm>>
        %dma_wait3A_94 = arith.constant 0 : i32
        %dma_wait3A_95 = tpu.memref_slice %arg3[%dma_wait3A_94, %mul3A_83] : memref<64x1000000xf32, #tpu.memory_space<hbm>> -> memref<64x128xf32, #tpu.memory_space<hbm>>
        tpu.wait_dma2 semaphore(%run_scoped3A : memref<!tpu.dma_semaphore, #tpu.memory_space<semaphore_mem>>) src(%dma_wait3A_95 : memref<64x128xf32, #tpu.memory_space<hbm>>) dst(%arg8 : memref<64x128xf32, #tpu.memory_space<vmem>>)
        tpu.yield
      }) : () -> ()
      %parallel_loop3A = arith.constant 0 : i32
      %parallel_loop3A_84 = arith.constant 128 : i32
      %parallel_loop3A_85 = arith.constant 1 : i32
      scf.for %parallel_loop3A_88 = %parallel_loop3A to %parallel_loop3A_84 step %parallel_loop3A_85  : i32 {
        %parallel_loop3A_89 = vector.broadcast %parallel_loop3A_88 : i32 to vector<16xi32>
        %parallel_loop3A_90 = tpu.vector_load_idx %arg8[%add3A_3, %parallel_loop3A_89] : memref<64x128xf32, #tpu.memory_space<vmem>>[vector<16xi32>, vector<16xi32>], vector<16xf32>,
        tpu.vector_store_idx %arg10[%parallel_loop3A_89, %add3A_3], %parallel_loop3A_90 : memref<128x128xf32, #tpu.memory_space<vmem>>[vector<16xi32>, vector<16xi32>], vector<16xf32>,
        %parallel_loop3A_91 = tpu.vector_load_idx %arg8[%add3A_6, %parallel_loop3A_89] : memref<64x128xf32, #tpu.memory_space<vmem>>[vector<16xi32>, vector<16xi32>], vector<16xf32>,
        tpu.vector_store_idx %arg10[%parallel_loop3A_89, %add3A_6], %parallel_loop3A_91 : memref<128x128xf32, #tpu.memory_space<vmem>>[vector<16xi32>, vector<16xi32>], vector<16xf32>,
        %parallel_loop3A_92 = tpu.vector_load_idx %arg8[%add3A_9, %parallel_loop3A_89] : memref<64x128xf32, #tpu.memory_space<vmem>>[vector<16xi32>, vector<16xi32>], vector<16xf32>,
        tpu.vector_store_idx %arg10[%parallel_loop3A_89, %add3A_9], %parallel_loop3A_92 : memref<128x128xf32, #tpu.memory_space<vmem>>[vector<16xi32>, vector<16xi32>], vector<16xf32>,
        %parallel_loop3A_93 = tpu.vector_load_idx %arg8[%add3A_12, %parallel_loop3A_89] : memref<64x128xf32, #tpu.memory_space<vmem>>[vector<16xi32>, vector<16xi32>], vector<16xf32>,
        tpu.vector_store_idx %arg10[%parallel_loop3A_89, %add3A_12], %parallel_loop3A_93 : memref<128x128xf32, #tpu.memory_space<vmem>>[vector<16xi32>, vector<16xi32>], vector<16xf32>,
      } {sc.loop_unroll_factor = 4 : i64, sc.parallel_access}
      %mul3A_86 = arith.constant 128 : i32
      %mul3A_87 = arith.muli %add3A_81, %mul3A_86 : i32
      "tpu.region"() ({
        %run_scoped3A = tpu.sem_alloc : memref<!tpu.dma_semaphore, #tpu.memory_space<semaphore_mem>>
        %dma_start3A_88 = arith.constant 0 : i32
        %dma_start3A_89 = tpu.memref_slice %arg7[%mul3A_87, %dma_start3A_88] : memref<1000000x128xf32, #tpu.memory_space<hbm>> -> memref<128x128xf32, #tpu.memory_space<hbm>>
        %dma_start3A_90 = arith.constant 0 : i32
        %dma_start3A_91 = tpu.memref_slice %arg7[%mul3A_87, %dma_start3A_90] : memref<1000000x128xf32, #tpu.memory_space<hbm>> -> memref<128x128xf32, #tpu.memory_space<hbm>>
        tpu.enqueue_dma source(%arg10 : memref<128x128xf32, #tpu.memory_space<vmem>>) target(%dma_start3A_91 : memref<128x128xf32, #tpu.memory_space<hbm>>) target_semaphore(%run_scoped3A : memref<!tpu.dma_semaphore, #tpu.memory_space<semaphore_mem>>)
        %dma_wait3A_92 = arith.constant 0 : i32
        %dma_wait3A_93 = tpu.memref_slice %arg7[%mul3A_87, %dma_wait3A_92] : memref<1000000x128xf32, #tpu.memory_space<hbm>> -> memref<128x128xf32, #tpu.memory_space<hbm>>
        %dma_wait3A_94 = arith.constant 0 : i32
        %dma_wait3A_95 = tpu.memref_slice %arg7[%mul3A_87, %dma_wait3A_94] : memref<1000000x128xf32, #tpu.memory_space<hbm>> -> memref<128x128xf32, #tpu.memory_space<hbm>>
        tpu.wait_dma2 semaphore(%run_scoped3A : memref<!tpu.dma_semaphore, #tpu.memory_space<semaphore_mem>>) src(%arg10 : memref<128x128xf32, #tpu.memory_space<vmem>>) dst(%dma_wait3A_95 : memref<128x128xf32, #tpu.memory_space<hbm>>)
        tpu.yield
      }) : () -> ()
    } else {
    }
    %eq3A_75 = arith.constant 4 : i32
    %eq3A_76 = arith.cmpi eq, %add3A, %eq3A_75 : i32
    %convert_element_type3A_77 = arith.extui %eq3A_76 : i1 to i32
    %cond3A_78 = arith.constant 0 : i32
    %cond3A_79 = arith.cmpi ne, %convert_element_type3A_77, %cond3A_78 : i32
    scf.if %cond3A_79 {
      "tpu.region"() ({
        %run_scoped3A = tpu.sem_alloc : memref<!tpu.dma_semaphore, #tpu.memory_space<semaphore_mem>>
        tpu.enqueue_dma source(%arg5 : memref<64x64xf32, #tpu.memory_space<hbm>>) target(%arg12 : memref<64x64xf32, #tpu.memory_space<vmem>>) target_semaphore(%run_scoped3A : memref<!tpu.dma_semaphore, #tpu.memory_space<semaphore_mem>>)
        tpu.wait_dma2 semaphore(%run_scoped3A : memref<!tpu.dma_semaphore, #tpu.memory_space<semaphore_mem>>) src(%arg5 : memref<64x64xf32, #tpu.memory_space<hbm>>) dst(%arg12 : memref<64x64xf32, #tpu.memory_space<vmem>>)
        tpu.yield
      }) : () -> ()
      %parallel_loop3A = arith.constant 0 : i32
      %parallel_loop3A_80 = arith.constant 64 : i32
      %parallel_loop3A_81 = arith.constant 1 : i32
      scf.for %parallel_loop3A_82 = %parallel_loop3A to %parallel_loop3A_80 step %parallel_loop3A_81  : i32 {
        %parallel_loop3A_83 = vector.broadcast %parallel_loop3A_82 : i32 to vector<16xi32>
        %parallel_loop3A_84 = tpu.vector_load_idx %arg12[%parallel_loop3A_83, %add3A_3] : memref<64x64xf32, #tpu.memory_space<vmem>>[vector<16xi32>, vector<16xi32>], vector<16xf32>,
        tpu.vector_store_idx %arg11[%parallel_loop3A_83, %add3A_3], %parallel_loop3A_84 : memref<128x128xf32, #tpu.memory_space<vmem>>[vector<16xi32>, vector<16xi32>], vector<16xf32>,
        %parallel_loop3A_85 = tpu.vector_load_idx %arg12[%parallel_loop3A_83, %add3A_6] : memref<64x64xf32, #tpu.memory_space<vmem>>[vector<16xi32>, vector<16xi32>], vector<16xf32>,
        tpu.vector_store_idx %arg11[%parallel_loop3A_83, %add3A_6], %parallel_loop3A_85 : memref<128x128xf32, #tpu.memory_space<vmem>>[vector<16xi32>, vector<16xi32>], vector<16xf32>,
        %parallel_loop3A_86 = tpu.vector_load_idx %arg12[%parallel_loop3A_83, %add3A_9] : memref<64x64xf32, #tpu.memory_space<vmem>>[vector<16xi32>, vector<16xi32>], vector<16xf32>,
        tpu.vector_store_idx %arg11[%parallel_loop3A_83, %add3A_9], %parallel_loop3A_86 : memref<128x128xf32, #tpu.memory_space<vmem>>[vector<16xi32>, vector<16xi32>], vector<16xf32>,
        %parallel_loop3A_87 = tpu.vector_load_idx %arg12[%parallel_loop3A_83, %add3A_12] : memref<64x64xf32, #tpu.memory_space<vmem>>[vector<16xi32>, vector<16xi32>], vector<16xf32>,
        tpu.vector_store_idx %arg11[%parallel_loop3A_83, %add3A_12], %parallel_loop3A_87 : memref<128x128xf32, #tpu.memory_space<vmem>>[vector<16xi32>, vector<16xi32>], vector<16xf32>,
      } {sc.loop_unroll_factor = 4 : i64, sc.parallel_access}
      "tpu.region"() ({
        %run_scoped3A = tpu.sem_alloc : memref<!tpu.dma_semaphore, #tpu.memory_space<semaphore_mem>>
        %dma_start3A_82 = arith.constant 0 : i32
        %dma_start3A_83 = arith.constant 0 : i32
        %dma_start3A_84 = tpu.memref_slice %arg11[%dma_start3A_82, %dma_start3A_83] : memref<128x128xf32, #tpu.memory_space<vmem>> -> memref<64x128xf32, #tpu.memory_space<vmem>>
        %dma_start3A_85 = arith.constant 999936 : i32
        %dma_start3A_86 = arith.constant 0 : i32
        %dma_start3A_87 = tpu.memref_slice %arg7[%dma_start3A_85, %dma_start3A_86] : memref<1000000x128xf32, #tpu.memory_space<hbm>> -> memref<64x128xf32, #tpu.memory_space<hbm>>
        %dma_start3A_88 = arith.constant 999936 : i32
        %dma_start3A_89 = arith.constant 0 : i32
        %dma_start3A_90 = tpu.memref_slice %arg7[%dma_start3A_88, %dma_start3A_89] : memref<1000000x128xf32, #tpu.memory_space<hbm>> -> memref<64x128xf32, #tpu.memory_space<hbm>>
        %dma_start3A_91 = arith.constant 0 : i32
        %dma_start3A_92 = arith.constant 0 : i32
        %dma_start3A_93 = tpu.memref_slice %arg11[%dma_start3A_91, %dma_start3A_92] : memref<128x128xf32, #tpu.memory_space<vmem>> -> memref<64x128xf32, #tpu.memory_space<vmem>>
        tpu.enqueue_dma source(%dma_start3A_93 : memref<64x128xf32, #tpu.memory_space<vmem>>) target(%dma_start3A_90 : memref<64x128xf32, #tpu.memory_space<hbm>>) target_semaphore(%run_scoped3A : memref<!tpu.dma_semaphore, #tpu.memory_space<semaphore_mem>>)
        %dma_wait3A_94 = arith.constant 0 : i32
        %dma_wait3A_95 = arith.constant 0 : i32
        %dma_wait3A_96 = tpu.memref_slice %arg11[%dma_wait3A_94, %dma_wait3A_95] : memref<128x128xf32, #tpu.memory_space<vmem>> -> memref<64x128xf32, #tpu.memory_space<vmem>>
        %dma_wait3A_97 = arith.constant 999936 : i32
        %dma_wait3A_98 = arith.constant 0 : i32
        %dma_wait3A_99 = tpu.memref_slice %arg7[%dma_wait3A_97, %dma_wait3A_98] : memref<1000000x128xf32, #tpu.memory_space<hbm>> -> memref<64x128xf32, #tpu.memory_space<hbm>>
        %dma_wait3A_100 = arith.constant 999936 : i32
        %dma_wait3A_101 = arith.constant 0 : i32
        %dma_wait3A_102 = tpu.memref_slice %arg7[%dma_wait3A_100, %dma_wait3A_101] : memref<1000000x128xf32, #tpu.memory_space<hbm>> -> memref<64x128xf32, #tpu.memory_space<hbm>>
        %dma_wait3A_103 = arith.constant 0 : i32
        %dma_wait3A_104 = arith.constant 0 : i32
        %dma_wait3A_105 = tpu.memref_slice %arg11[%dma_wait3A_103, %dma_wait3A_104] : memref<128x128xf32, #tpu.memory_space<vmem>> -> memref<64x128xf32, #tpu.memory_space<vmem>>
        tpu.wait_dma2 semaphore(%run_scoped3A : memref<!tpu.dma_semaphore, #tpu.memory_space<semaphore_mem>>) src(%dma_wait3A_105 : memref<64x128xf32, #tpu.memory_space<vmem>>) dst(%dma_wait3A_102 : memref<64x128xf32, #tpu.memory_space<hbm>>)
        tpu.yield
      }) : () -> ()
    } else {
    }
    return
  }
}

#map = affine_map<(d0, d1) -> (0)>
#map1 = affine_map<(d0, d1) -> (0, 0)>
module attributes {stable_mosaic.version = 14 : i64} {
  func.func @sc_kernel(%arg0: i32, %arg1: i32, %arg2: memref<16384xi32, #tpu.memory_space<hbm>>, %arg3: memref<16384xi32, #tpu.memory_space<hbm>>, %arg4: memref<327680xi32, #tpu.memory_space<hbm>>, %arg5: memref<1000000x128xf32, #tpu.memory_space<hbm>>, %arg6: memref<1000000x128xf32, #tpu.memory_space<hbm>>, %arg7: memref<16384xf32, #tpu.memory_space<hbm>>, %arg8: memref<327680xf32, #tpu.memory_space<hbm>>, %arg9: memref<512xi32, #tpu.memory_space<vmem>>, %arg10: memref<512xi32, #tpu.memory_space<vmem>>, %arg11: memref<10240xi32, #tpu.memory_space<vmem>>, %arg12: memref<2x16x128xf32, #tpu.memory_space<vmem>>, %arg13: memref<2x16x128xf32, #tpu.memory_space<vmem>>, %arg14: memref<2x320x128xf32, #tpu.memory_space<vmem>>, %arg15: memref<512xf32, #tpu.memory_space<vmem>>, %arg16: memref<10240xf32, #tpu.memory_space<vmem>>, %arg17: memref<!tpu.dma_semaphore, #tpu.memory_space<semaphore_mem>>, %arg18: memref<!tpu.dma_semaphore, #tpu.memory_space<semaphore_mem>>) attributes {dimension_semantics = [#tpu.dimension_semantics<core_parallel>, #tpu.dimension_semantics<subcore_parallel>], iteration_bounds = array<i64: 2, 16>, scalar_prefetch = 0 : i64, scratch_operands = 10 : i64, tpu.core_type = #tpu.core_type<sc_vector_subcore>, window_params = [{transform_indices = #map}, {transform_indices = #map}, {transform_indices = #map}, {transform_indices = #map1}, {transform_indices = #map1}, {transform_indices = #map}, {transform_indices = #map}]} {
    %mul3A = arith.constant 2 : i32
    %mul3A_0 = arith.muli %arg1, %mul3A : i32
    %add3A = arith.addi %mul3A_0, %arg0 : i32
    %mul3A_1 = arith.constant 512 : i32
    %mul3A_2 = arith.muli %add3A, %mul3A_1 : i32
    %iota3A = tpu.iota {dimensions = array<i32: 0>} : vector<16xi32>
    "tpu.region"() ({
      %run_scoped3A = tpu.sem_alloc : memref<!tpu.dma_semaphore, #tpu.memory_space<semaphore_mem>>
      %dma_start3A_97 = tpu.memref_slice %arg2[%mul3A_2] : memref<16384xi32, #tpu.memory_space<hbm>> -> memref<512xi32, #tpu.memory_space<hbm>>
      %dma_start3A_98 = tpu.memref_slice %arg2[%mul3A_2] : memref<16384xi32, #tpu.memory_space<hbm>> -> memref<512xi32, #tpu.memory_space<hbm>>
      tpu.enqueue_dma source(%dma_start3A_98 : memref<512xi32, #tpu.memory_space<hbm>>) target(%arg9 : memref<512xi32, #tpu.memory_space<vmem>>) target_semaphore(%run_scoped3A : memref<!tpu.dma_semaphore, #tpu.memory_space<semaphore_mem>>)
      %dma_wait3A = tpu.memref_slice %arg2[%mul3A_2] : memref<16384xi32, #tpu.memory_space<hbm>> -> memref<512xi32, #tpu.memory_space<hbm>>
      %dma_wait3A_99 = tpu.memref_slice %arg2[%mul3A_2] : memref<16384xi32, #tpu.memory_space<hbm>> -> memref<512xi32, #tpu.memory_space<hbm>>
      tpu.wait_dma2 semaphore(%run_scoped3A : memref<!tpu.dma_semaphore, #tpu.memory_space<semaphore_mem>>) src(%dma_wait3A_99 : memref<512xi32, #tpu.memory_space<hbm>>) dst(%arg9 : memref<512xi32, #tpu.memory_space<vmem>>)
      tpu.yield
    }) : () -> ()
    "tpu.region"() ({
      %run_scoped3A = tpu.sem_alloc : memref<!tpu.dma_semaphore, #tpu.memory_space<semaphore_mem>>
      %dma_start3A_97 = tpu.memref_slice %arg3[%mul3A_2] : memref<16384xi32, #tpu.memory_space<hbm>> -> memref<512xi32, #tpu.memory_space<hbm>>
      %dma_start3A_98 = tpu.memref_slice %arg3[%mul3A_2] : memref<16384xi32, #tpu.memory_space<hbm>> -> memref<512xi32, #tpu.memory_space<hbm>>
      tpu.enqueue_dma source(%dma_start3A_98 : memref<512xi32, #tpu.memory_space<hbm>>) target(%arg10 : memref<512xi32, #tpu.memory_space<vmem>>) target_semaphore(%run_scoped3A : memref<!tpu.dma_semaphore, #tpu.memory_space<semaphore_mem>>)
      %dma_wait3A = tpu.memref_slice %arg3[%mul3A_2] : memref<16384xi32, #tpu.memory_space<hbm>> -> memref<512xi32, #tpu.memory_space<hbm>>
      %dma_wait3A_99 = tpu.memref_slice %arg3[%mul3A_2] : memref<16384xi32, #tpu.memory_space<hbm>> -> memref<512xi32, #tpu.memory_space<hbm>>
      tpu.wait_dma2 semaphore(%run_scoped3A : memref<!tpu.dma_semaphore, #tpu.memory_space<semaphore_mem>>) src(%dma_wait3A_99 : memref<512xi32, #tpu.memory_space<hbm>>) dst(%arg10 : memref<512xi32, #tpu.memory_space<vmem>>)
      tpu.yield
    }) : () -> ()
    %mul3A_3 = arith.constant 20 : i32
    %mul3A_4 = arith.muli %mul3A_2, %mul3A_3 : i32
    "tpu.region"() ({
      %run_scoped3A = tpu.sem_alloc : memref<!tpu.dma_semaphore, #tpu.memory_space<semaphore_mem>>
      %dma_start3A_97 = tpu.memref_slice %arg4[%mul3A_4] : memref<327680xi32, #tpu.memory_space<hbm>> -> memref<10240xi32, #tpu.memory_space<hbm>>
      %dma_start3A_98 = tpu.memref_slice %arg4[%mul3A_4] : memref<327680xi32, #tpu.memory_space<hbm>> -> memref<10240xi32, #tpu.memory_space<hbm>>
      tpu.enqueue_dma source(%dma_start3A_98 : memref<10240xi32, #tpu.memory_space<hbm>>) target(%arg11 : memref<10240xi32, #tpu.memory_space<vmem>>) target_semaphore(%run_scoped3A : memref<!tpu.dma_semaphore, #tpu.memory_space<semaphore_mem>>)
      %dma_wait3A = tpu.memref_slice %arg4[%mul3A_4] : memref<327680xi32, #tpu.memory_space<hbm>> -> memref<10240xi32, #tpu.memory_space<hbm>>
      %dma_wait3A_99 = tpu.memref_slice %arg4[%mul3A_4] : memref<327680xi32, #tpu.memory_space<hbm>> -> memref<10240xi32, #tpu.memory_space<hbm>>
      tpu.wait_dma2 semaphore(%run_scoped3A : memref<!tpu.dma_semaphore, #tpu.memory_space<semaphore_mem>>) src(%dma_wait3A_99 : memref<10240xi32, #tpu.memory_space<hbm>>) dst(%arg11 : memref<10240xi32, #tpu.memory_space<vmem>>)
      tpu.yield
    }) : () -> ()
    %dma_start3A = arith.constant 0 : i32
    %dma_start3A_5 = arith.constant 0 : i32
    %dma_start3A_6 = arith.constant 0 : i32
    %dma_start3A_7 = tpu.memref_slice %arg12[%dma_start3A, %dma_start3A_5, %dma_start3A_6] : memref<2x16x128xf32, #tpu.memory_space<vmem>> -> memref<1x16x128xf32, #tpu.memory_space<vmem>>
    %dma_start3A_8 = tpu.memref_squeeze %dma_start3A_7 : memref<1x16x128xf32, #tpu.memory_space<vmem>> -> memref<16x128xf32, #tpu.memory_space<vmem>>
    %dma_start3A_9 = arith.constant 0 : i32
    %dma_start3A_10 = tpu.memref_slice %arg9[%dma_start3A_9] : memref<512xi32, #tpu.memory_space<vmem>> -> memref<16xi32, #tpu.memory_space<vmem>>
    %dma_start3A_11 = arith.constant 0 : i32
    %dma_start3A_12 = arith.constant 0 : i32
    %dma_start3A_13 = tpu.memref_slice %arg5[%dma_start3A_11, %dma_start3A_12] : memref<1000000x128xf32, #tpu.memory_space<hbm>> -> memref<1000000x128xf32, #tpu.memory_space<hbm>>
    tpu.enqueue_indirect_dma source(%dma_start3A_13 : memref<1000000x128xf32, #tpu.memory_space<hbm>>) target(%dma_start3A_8 : memref<16x128xf32, #tpu.memory_space<vmem>>) offsets(%dma_start3A_10 : memref<16xi32, #tpu.memory_space<vmem>>) semaphore(%arg17 : memref<!tpu.dma_semaphore, #tpu.memory_space<semaphore_mem>>)
    %dma_start3A_14 = arith.constant 0 : i32
    %dma_start3A_15 = arith.constant 0 : i32
    %dma_start3A_16 = arith.constant 0 : i32
    %dma_start3A_17 = tpu.memref_slice %arg13[%dma_start3A_14, %dma_start3A_15, %dma_start3A_16] : memref<2x16x128xf32, #tpu.memory_space<vmem>> -> memref<1x16x128xf32, #tpu.memory_space<vmem>>
    %dma_start3A_18 = tpu.memref_squeeze %dma_start3A_17 : memref<1x16x128xf32, #tpu.memory_space<vmem>> -> memref<16x128xf32, #tpu.memory_space<vmem>>
    %dma_start3A_19 = arith.constant 0 : i32
    %dma_start3A_20 = tpu.memref_slice %arg10[%dma_start3A_19] : memref<512xi32, #tpu.memory_space<vmem>> -> memref<16xi32, #tpu.memory_space<vmem>>
    %dma_start3A_21 = arith.constant 0 : i32
    %dma_start3A_22 = arith.constant 0 : i32
    %dma_start3A_23 = tpu.memref_slice %arg6[%dma_start3A_21, %dma_start3A_22] : memref<1000000x128xf32, #tpu.memory_space<hbm>> -> memref<1000000x128xf32, #tpu.memory_space<hbm>>
    tpu.enqueue_indirect_dma source(%dma_start3A_23 : memref<1000000x128xf32, #tpu.memory_space<hbm>>) target(%dma_start3A_18 : memref<16x128xf32, #tpu.memory_space<vmem>>) offsets(%dma_start3A_20 : memref<16xi32, #tpu.memory_space<vmem>>) semaphore(%arg17 : memref<!tpu.dma_semaphore, #tpu.memory_space<semaphore_mem>>)
    %dma_start3A_24 = arith.constant 0 : i32
    %dma_start3A_25 = arith.constant 0 : i32
    %dma_start3A_26 = arith.constant 0 : i32
    %dma_start3A_27 = tpu.memref_slice %arg14[%dma_start3A_24, %dma_start3A_25, %dma_start3A_26] : memref<2x320x128xf32, #tpu.memory_space<vmem>> -> memref<1x320x128xf32, #tpu.memory_space<vmem>>
    %dma_start3A_28 = tpu.memref_squeeze %dma_start3A_27 : memref<1x320x128xf32, #tpu.memory_space<vmem>> -> memref<320x128xf32, #tpu.memory_space<vmem>>
    %dma_start3A_29 = arith.constant 0 : i32
    %dma_start3A_30 = arith.constant 0 : i32
    %dma_start3A_31 = tpu.memref_slice %dma_start3A_28[%dma_start3A_29, %dma_start3A_30] : memref<320x128xf32, #tpu.memory_space<vmem>> -> memref<64x128xf32, #tpu.memory_space<vmem>>
    %dma_start3A_32 = arith.constant 0 : i32
    %dma_start3A_33 = tpu.memref_slice %arg11[%dma_start3A_32] : memref<10240xi32, #tpu.memory_space<vmem>> -> memref<64xi32, #tpu.memory_space<vmem>>
    %dma_start3A_34 = arith.constant 0 : i32
    %dma_start3A_35 = arith.constant 0 : i32
    %dma_start3A_36 = tpu.memref_slice %arg6[%dma_start3A_34, %dma_start3A_35] : memref<1000000x128xf32, #tpu.memory_space<hbm>> -> memref<1000000x128xf32, #tpu.memory_space<hbm>>
    tpu.enqueue_indirect_dma source(%dma_start3A_36 : memref<1000000x128xf32, #tpu.memory_space<hbm>>) target(%dma_start3A_31 : memref<64x128xf32, #tpu.memory_space<vmem>>) offsets(%dma_start3A_33 : memref<64xi32, #tpu.memory_space<vmem>>) semaphore(%arg17 : memref<!tpu.dma_semaphore, #tpu.memory_space<semaphore_mem>>)
    %dma_start3A_37 = arith.constant 0 : i32
    %dma_start3A_38 = arith.constant 0 : i32
    %dma_start3A_39 = arith.constant 0 : i32
    %dma_start3A_40 = tpu.memref_slice %arg14[%dma_start3A_37, %dma_start3A_38, %dma_start3A_39] : memref<2x320x128xf32, #tpu.memory_space<vmem>> -> memref<1x320x128xf32, #tpu.memory_space<vmem>>
    %dma_start3A_41 = tpu.memref_squeeze %dma_start3A_40 : memref<1x320x128xf32, #tpu.memory_space<vmem>> -> memref<320x128xf32, #tpu.memory_space<vmem>>
    %dma_start3A_42 = arith.constant 64 : i32
    %dma_start3A_43 = arith.constant 0 : i32
    %dma_start3A_44 = tpu.memref_slice %dma_start3A_41[%dma_start3A_42, %dma_start3A_43] : memref<320x128xf32, #tpu.memory_space<vmem>> -> memref<64x128xf32, #tpu.memory_space<vmem>>
    %dma_start3A_45 = arith.constant 64 : i32
    %dma_start3A_46 = tpu.memref_slice %arg11[%dma_start3A_45] : memref<10240xi32, #tpu.memory_space<vmem>> -> memref<64xi32, #tpu.memory_space<vmem>>
    %dma_start3A_47 = arith.constant 0 : i32
    %dma_start3A_48 = arith.constant 0 : i32
    %dma_start3A_49 = tpu.memref_slice %arg6[%dma_start3A_47, %dma_start3A_48] : memref<1000000x128xf32, #tpu.memory_space<hbm>> -> memref<1000000x128xf32, #tpu.memory_space<hbm>>
    tpu.enqueue_indirect_dma source(%dma_start3A_49 : memref<1000000x128xf32, #tpu.memory_space<hbm>>) target(%dma_start3A_44 : memref<64x128xf32, #tpu.memory_space<vmem>>) offsets(%dma_start3A_46 : memref<64xi32, #tpu.memory_space<vmem>>) semaphore(%arg17 : memref<!tpu.dma_semaphore, #tpu.memory_space<semaphore_mem>>)
    %dma_start3A_50 = arith.constant 0 : i32
    %dma_start3A_51 = arith.constant 0 : i32
    %dma_start3A_52 = arith.constant 0 : i32
    %dma_start3A_53 = tpu.memref_slice %arg14[%dma_start3A_50, %dma_start3A_51, %dma_start3A_52] : memref<2x320x128xf32, #tpu.memory_space<vmem>> -> memref<1x320x128xf32, #tpu.memory_space<vmem>>
    %dma_start3A_54 = tpu.memref_squeeze %dma_start3A_53 : memref<1x320x128xf32, #tpu.memory_space<vmem>> -> memref<320x128xf32, #tpu.memory_space<vmem>>
    %dma_start3A_55 = arith.constant 128 : i32
    %dma_start3A_56 = arith.constant 0 : i32
    %dma_start3A_57 = tpu.memref_slice %dma_start3A_54[%dma_start3A_55, %dma_start3A_56] : memref<320x128xf32, #tpu.memory_space<vmem>> -> memref<64x128xf32, #tpu.memory_space<vmem>>
    %dma_start3A_58 = arith.constant 128 : i32
    %dma_start3A_59 = tpu.memref_slice %arg11[%dma_start3A_58] : memref<10240xi32, #tpu.memory_space<vmem>> -> memref<64xi32, #tpu.memory_space<vmem>>
    %dma_start3A_60 = arith.constant 0 : i32
    %dma_start3A_61 = arith.constant 0 : i32
    %dma_start3A_62 = tpu.memref_slice %arg6[%dma_start3A_60, %dma_start3A_61] : memref<1000000x128xf32, #tpu.memory_space<hbm>> -> memref<1000000x128xf32, #tpu.memory_space<hbm>>
    tpu.enqueue_indirect_dma source(%dma_start3A_62 : memref<1000000x128xf32, #tpu.memory_space<hbm>>) target(%dma_start3A_57 : memref<64x128xf32, #tpu.memory_space<vmem>>) offsets(%dma_start3A_59 : memref<64xi32, #tpu.memory_space<vmem>>) semaphore(%arg17 : memref<!tpu.dma_semaphore, #tpu.memory_space<semaphore_mem>>)
    %dma_start3A_63 = arith.constant 0 : i32
    %dma_start3A_64 = arith.constant 0 : i32
    %dma_start3A_65 = arith.constant 0 : i32
    %dma_start3A_66 = tpu.memref_slice %arg14[%dma_start3A_63, %dma_start3A_64, %dma_start3A_65] : memref<2x320x128xf32, #tpu.memory_space<vmem>> -> memref<1x320x128xf32, #tpu.memory_space<vmem>>
    %dma_start3A_67 = tpu.memref_squeeze %dma_start3A_66 : memref<1x320x128xf32, #tpu.memory_space<vmem>> -> memref<320x128xf32, #tpu.memory_space<vmem>>
    %dma_start3A_68 = arith.constant 192 : i32
    %dma_start3A_69 = arith.constant 0 : i32
    %dma_start3A_70 = tpu.memref_slice %dma_start3A_67[%dma_start3A_68, %dma_start3A_69] : memref<320x128xf32, #tpu.memory_space<vmem>> -> memref<64x128xf32, #tpu.memory_space<vmem>>
    %dma_start3A_71 = arith.constant 192 : i32
    %dma_start3A_72 = tpu.memref_slice %arg11[%dma_start3A_71] : memref<10240xi32, #tpu.memory_space<vmem>> -> memref<64xi32, #tpu.memory_space<vmem>>
    %dma_start3A_73 = arith.constant 0 : i32
    %dma_start3A_74 = arith.constant 0 : i32
    %dma_start3A_75 = tpu.memref_slice %arg6[%dma_start3A_73, %dma_start3A_74] : memref<1000000x128xf32, #tpu.memory_space<hbm>> -> memref<1000000x128xf32, #tpu.memory_space<hbm>>
    tpu.enqueue_indirect_dma source(%dma_start3A_75 : memref<1000000x128xf32, #tpu.memory_space<hbm>>) target(%dma_start3A_70 : memref<64x128xf32, #tpu.memory_space<vmem>>) offsets(%dma_start3A_72 : memref<64xi32, #tpu.memory_space<vmem>>) semaphore(%arg17 : memref<!tpu.dma_semaphore, #tpu.memory_space<semaphore_mem>>)
    %dma_start3A_76 = arith.constant 0 : i32
    %dma_start3A_77 = arith.constant 0 : i32
    %dma_start3A_78 = arith.constant 0 : i32
    %dma_start3A_79 = tpu.memref_slice %arg14[%dma_start3A_76, %dma_start3A_77, %dma_start3A_78] : memref<2x320x128xf32, #tpu.memory_space<vmem>> -> memref<1x320x128xf32, #tpu.memory_space<vmem>>
    %dma_start3A_80 = tpu.memref_squeeze %dma_start3A_79 : memref<1x320x128xf32, #tpu.memory_space<vmem>> -> memref<320x128xf32, #tpu.memory_space<vmem>>
    %dma_start3A_81 = arith.constant 256 : i32
    %dma_start3A_82 = arith.constant 0 : i32
    %dma_start3A_83 = tpu.memref_slice %dma_start3A_80[%dma_start3A_81, %dma_start3A_82] : memref<320x128xf32, #tpu.memory_space<vmem>> -> memref<64x128xf32, #tpu.memory_space<vmem>>
    %dma_start3A_84 = arith.constant 256 : i32
    %dma_start3A_85 = tpu.memref_slice %arg11[%dma_start3A_84] : memref<10240xi32, #tpu.memory_space<vmem>> -> memref<64xi32, #tpu.memory_space<vmem>>
    %dma_start3A_86 = arith.constant 0 : i32
    %dma_start3A_87 = arith.constant 0 : i32
    %dma_start3A_88 = tpu.memref_slice %arg6[%dma_start3A_86, %dma_start3A_87] : memref<1000000x128xf32, #tpu.memory_space<hbm>> -> memref<1000000x128xf32, #tpu.memory_space<hbm>>
    tpu.enqueue_indirect_dma source(%dma_start3A_88 : memref<1000000x128xf32, #tpu.memory_space<hbm>>) target(%dma_start3A_83 : memref<64x128xf32, #tpu.memory_space<vmem>>) offsets(%dma_start3A_85 : memref<64xi32, #tpu.memory_space<vmem>>) semaphore(%arg17 : memref<!tpu.dma_semaphore, #tpu.memory_space<semaphore_mem>>)
    %scan3A = arith.constant 0 : i32
    %scan3A_89 = arith.constant 0 : i32
    %scan3A_90 = arith.constant 16 : i32
    %scan3A_91 = arith.addi %scan3A_89, %scan3A_90 : i32
    %scan3A_92 = arith.constant 1 : i32
    %scan3A_93 = scf.for %scan3A_97 = %scan3A_89 to %scan3A_91 step %scan3A_92 iter_args(%scan3A_98 = %scan3A) -> (i32)  : i32 {
      %mul3A_99 = arith.constant 2 : i32
      %mul3A_100 = arith.muli %mul3A_99, %scan3A_97 : i32
      %add3A_101 = arith.constant 1 : i32
      %add3A_102 = arith.addi %mul3A_100, %add3A_101 : i32
      %mul3A_103 = arith.constant 16 : i32
      %mul3A_104 = arith.muli %add3A_102, %mul3A_103 : i32
      %dma_start3A_105 = arith.constant 1 : i32
      %dma_start3A_106 = arith.constant 0 : i32
      %dma_start3A_107 = arith.constant 0 : i32
      %dma_start3A_108 = tpu.memref_slice %arg12[%dma_start3A_105, %dma_start3A_106, %dma_start3A_107] : memref<2x16x128xf32, #tpu.memory_space<vmem>> -> memref<1x16x128xf32, #tpu.memory_space<vmem>>
      %dma_start3A_109 = tpu.memref_squeeze %dma_start3A_108 : memref<1x16x128xf32, #tpu.memory_space<vmem>> -> memref<16x128xf32, #tpu.memory_space<vmem>>
      %dma_start3A_110 = tpu.memref_slice %arg9[%mul3A_104] : memref<512xi32, #tpu.memory_space<vmem>> -> memref<16xi32, #tpu.memory_space<vmem>>
      %dma_start3A_111 = arith.constant 0 : i32
      %dma_start3A_112 = arith.constant 0 : i32
      %dma_start3A_113 = tpu.memref_slice %arg5[%dma_start3A_111, %dma_start3A_112] : memref<1000000x128xf32, #tpu.memory_space<hbm>> -> memref<1000000x128xf32, #tpu.memory_space<hbm>>
      tpu.enqueue_indirect_dma source(%dma_start3A_113 : memref<1000000x128xf32, #tpu.memory_space<hbm>>) target(%dma_start3A_109 : memref<16x128xf32, #tpu.memory_space<vmem>>) offsets(%dma_start3A_110 : memref<16xi32, #tpu.memory_space<vmem>>) semaphore(%arg18 : memref<!tpu.dma_semaphore, #tpu.memory_space<semaphore_mem>>)
      %mul3A_114 = arith.constant 16 : i32
      %mul3A_115 = arith.muli %add3A_102, %mul3A_114 : i32
      %dma_start3A_116 = arith.constant 1 : i32
      %dma_start3A_117 = arith.constant 0 : i32
      %dma_start3A_118 = arith.constant 0 : i32
      %dma_start3A_119 = tpu.memref_slice %arg13[%dma_start3A_116, %dma_start3A_117, %dma_start3A_118] : memref<2x16x128xf32, #tpu.memory_space<vmem>> -> memref<1x16x128xf32, #tpu.memory_space<vmem>>
      %dma_start3A_120 = tpu.memref_squeeze %dma_start3A_119 : memref<1x16x128xf32, #tpu.memory_space<vmem>> -> memref<16x128xf32, #tpu.memory_space<vmem>>
      %dma_start3A_121 = tpu.memref_slice %arg10[%mul3A_115] : memref<512xi32, #tpu.memory_space<vmem>> -> memref<16xi32, #tpu.memory_space<vmem>>
      %dma_start3A_122 = arith.constant 0 : i32
      %dma_start3A_123 = arith.constant 0 : i32
      %dma_start3A_124 = tpu.memref_slice %arg6[%dma_start3A_122, %dma_start3A_123] : memref<1000000x128xf32, #tpu.memory_space<hbm>> -> memref<1000000x128xf32, #tpu.memory_space<hbm>>
      tpu.enqueue_indirect_dma source(%dma_start3A_124 : memref<1000000x128xf32, #tpu.memory_space<hbm>>) target(%dma_start3A_120 : memref<16x128xf32, #tpu.memory_space<vmem>>) offsets(%dma_start3A_121 : memref<16xi32, #tpu.memory_space<vmem>>) semaphore(%arg18 : memref<!tpu.dma_semaphore, #tpu.memory_space<semaphore_mem>>)
      %mul3A_125 = arith.constant 320 : i32
      %mul3A_126 = arith.muli %add3A_102, %mul3A_125 : i32
      %add3A_127 = arith.constant 0 : i32
      %add3A_128 = arith.addi %mul3A_126, %add3A_127 : i32
      %dma_start3A_129 = arith.constant 1 : i32
      %dma_start3A_130 = arith.constant 0 : i32
      %dma_start3A_131 = arith.constant 0 : i32
      %dma_start3A_132 = tpu.memref_slice %arg14[%dma_start3A_129, %dma_start3A_130, %dma_start3A_131] : memref<2x320x128xf32, #tpu.memory_space<vmem>> -> memref<1x320x128xf32, #tpu.memory_space<vmem>>
      %dma_start3A_133 = tpu.memref_squeeze %dma_start3A_132 : memref<1x320x128xf32, #tpu.memory_space<vmem>> -> memref<320x128xf32, #tpu.memory_space<vmem>>
      %dma_start3A_134 = arith.constant 0 : i32
      %dma_start3A_135 = arith.constant 0 : i32
      %dma_start3A_136 = tpu.memref_slice %dma_start3A_133[%dma_start3A_134, %dma_start3A_135] : memref<320x128xf32, #tpu.memory_space<vmem>> -> memref<64x128xf32, #tpu.memory_space<vmem>>
      %dma_start3A_137 = tpu.memref_slice %arg11[%add3A_128] : memref<10240xi32, #tpu.memory_space<vmem>> -> memref<64xi32, #tpu.memory_space<vmem>>
      %dma_start3A_138 = arith.constant 0 : i32
      %dma_start3A_139 = arith.constant 0 : i32
      %dma_start3A_140 = tpu.memref_slice %arg6[%dma_start3A_138, %dma_start3A_139] : memref<1000000x128xf32, #tpu.memory_space<hbm>> -> memref<1000000x128xf32, #tpu.memory_space<hbm>>
      tpu.enqueue_indirect_dma source(%dma_start3A_140 : memref<1000000x128xf32, #tpu.memory_space<hbm>>) target(%dma_start3A_136 : memref<64x128xf32, #tpu.memory_space<vmem>>) offsets(%dma_start3A_137 : memref<64xi32, #tpu.memory_space<vmem>>) semaphore(%arg18 : memref<!tpu.dma_semaphore, #tpu.memory_space<semaphore_mem>>)
      %mul3A_141 = arith.constant 320 : i32
      %mul3A_142 = arith.muli %add3A_102, %mul3A_141 : i32
      %add3A_143 = arith.constant 64 : i32
      %add3A_144 = arith.addi %mul3A_142, %add3A_143 : i32
      %dma_start3A_145 = arith.constant 1 : i32
      %dma_start3A_146 = arith.constant 0 : i32
      %dma_start3A_147 = arith.constant 0 : i32
      %dma_start3A_148 = tpu.memref_slice %arg14[%dma_start3A_145, %dma_start3A_146, %dma_start3A_147] : memref<2x320x128xf32, #tpu.memory_space<vmem>> -> memref<1x320x128xf32, #tpu.memory_space<vmem>>
      %dma_start3A_149 = tpu.memref_squeeze %dma_start3A_148 : memref<1x320x128xf32, #tpu.memory_space<vmem>> -> memref<320x128xf32, #tpu.memory_space<vmem>>
      %dma_start3A_150 = arith.constant 64 : i32
      %dma_start3A_151 = arith.constant 0 : i32
      %dma_start3A_152 = tpu.memref_slice %dma_start3A_149[%dma_start3A_150, %dma_start3A_151] : memref<320x128xf32, #tpu.memory_space<vmem>> -> memref<64x128xf32, #tpu.memory_space<vmem>>
      %dma_start3A_153 = tpu.memref_slice %arg11[%add3A_144] : memref<10240xi32, #tpu.memory_space<vmem>> -> memref<64xi32, #tpu.memory_space<vmem>>
      %dma_start3A_154 = arith.constant 0 : i32
      %dma_start3A_155 = arith.constant 0 : i32
      %dma_start3A_156 = tpu.memref_slice %arg6[%dma_start3A_154, %dma_start3A_155] : memref<1000000x128xf32, #tpu.memory_space<hbm>> -> memref<1000000x128xf32, #tpu.memory_space<hbm>>
      tpu.enqueue_indirect_dma source(%dma_start3A_156 : memref<1000000x128xf32, #tpu.memory_space<hbm>>) target(%dma_start3A_152 : memref<64x128xf32, #tpu.memory_space<vmem>>) offsets(%dma_start3A_153 : memref<64xi32, #tpu.memory_space<vmem>>) semaphore(%arg18 : memref<!tpu.dma_semaphore, #tpu.memory_space<semaphore_mem>>)
      %mul3A_157 = arith.constant 320 : i32
      %mul3A_158 = arith.muli %add3A_102, %mul3A_157 : i32
      %add3A_159 = arith.constant 128 : i32
      %add3A_160 = arith.addi %mul3A_158, %add3A_159 : i32
      %dma_start3A_161 = arith.constant 1 : i32
      %dma_start3A_162 = arith.constant 0 : i32
      %dma_start3A_163 = arith.constant 0 : i32
      %dma_start3A_164 = tpu.memref_slice %arg14[%dma_start3A_161, %dma_start3A_162, %dma_start3A_163] : memref<2x320x128xf32, #tpu.memory_space<vmem>> -> memref<1x320x128xf32, #tpu.memory_space<vmem>>
      %dma_start3A_165 = tpu.memref_squeeze %dma_start3A_164 : memref<1x320x128xf32, #tpu.memory_space<vmem>> -> memref<320x128xf32, #tpu.memory_space<vmem>>
      %dma_start3A_166 = arith.constant 128 : i32
      %dma_start3A_167 = arith.constant 0 : i32
      %dma_start3A_168 = tpu.memref_slice %dma_start3A_165[%dma_start3A_166, %dma_start3A_167] : memref<320x128xf32, #tpu.memory_space<vmem>> -> memref<64x128xf32, #tpu.memory_space<vmem>>
      %dma_start3A_169 = tpu.memref_slice %arg11[%add3A_160] : memref<10240xi32, #tpu.memory_space<vmem>> -> memref<64xi32, #tpu.memory_space<vmem>>
      %dma_start3A_170 = arith.constant 0 : i32
      %dma_start3A_171 = arith.constant 0 : i32
      %dma_start3A_172 = tpu.memref_slice %arg6[%dma_start3A_170, %dma_start3A_171] : memref<1000000x128xf32, #tpu.memory_space<hbm>> -> memref<1000000x128xf32, #tpu.memory_space<hbm>>
      tpu.enqueue_indirect_dma source(%dma_start3A_172 : memref<1000000x128xf32, #tpu.memory_space<hbm>>) target(%dma_start3A_168 : memref<64x128xf32, #tpu.memory_space<vmem>>) offsets(%dma_start3A_169 : memref<64xi32, #tpu.memory_space<vmem>>) semaphore(%arg18 : memref<!tpu.dma_semaphore, #tpu.memory_space<semaphore_mem>>)
      %mul3A_173 = arith.constant 320 : i32
      %mul3A_174 = arith.muli %add3A_102, %mul3A_173 : i32
      %add3A_175 = arith.constant 192 : i32
      %add3A_176 = arith.addi %mul3A_174, %add3A_175 : i32
      %dma_start3A_177 = arith.constant 1 : i32
      %dma_start3A_178 = arith.constant 0 : i32
      %dma_start3A_179 = arith.constant 0 : i32
      %dma_start3A_180 = tpu.memref_slice %arg14[%dma_start3A_177, %dma_start3A_178, %dma_start3A_179] : memref<2x320x128xf32, #tpu.memory_space<vmem>> -> memref<1x320x128xf32, #tpu.memory_space<vmem>>
      %dma_start3A_181 = tpu.memref_squeeze %dma_start3A_180 : memref<1x320x128xf32, #tpu.memory_space<vmem>> -> memref<320x128xf32, #tpu.memory_space<vmem>>
      %dma_start3A_182 = arith.constant 192 : i32
      %dma_start3A_183 = arith.constant 0 : i32
      %dma_start3A_184 = tpu.memref_slice %dma_start3A_181[%dma_start3A_182, %dma_start3A_183] : memref<320x128xf32, #tpu.memory_space<vmem>> -> memref<64x128xf32, #tpu.memory_space<vmem>>
      %dma_start3A_185 = tpu.memref_slice %arg11[%add3A_176] : memref<10240xi32, #tpu.memory_space<vmem>> -> memref<64xi32, #tpu.memory_space<vmem>>
      %dma_start3A_186 = arith.constant 0 : i32
      %dma_start3A_187 = arith.constant 0 : i32
      %dma_start3A_188 = tpu.memref_slice %arg6[%dma_start3A_186, %dma_start3A_187] : memref<1000000x128xf32, #tpu.memory_space<hbm>> -> memref<1000000x128xf32, #tpu.memory_space<hbm>>
      tpu.enqueue_indirect_dma source(%dma_start3A_188 : memref<1000000x128xf32, #tpu.memory_space<hbm>>) target(%dma_start3A_184 : memref<64x128xf32, #tpu.memory_space<vmem>>) offsets(%dma_start3A_185 : memref<64xi32, #tpu.memory_space<vmem>>) semaphore(%arg18 : memref<!tpu.dma_semaphore, #tpu.memory_space<semaphore_mem>>)
      %mul3A_189 = arith.constant 320 : i32
      %mul3A_190 = arith.muli %add3A_102, %mul3A_189 : i32
      %add3A_191 = arith.constant 256 : i32
      %add3A_192 = arith.addi %mul3A_190, %add3A_191 : i32
      %dma_start3A_193 = arith.constant 1 : i32
      %dma_start3A_194 = arith.constant 0 : i32
      %dma_start3A_195 = arith.constant 0 : i32
      %dma_start3A_196 = tpu.memref_slice %arg14[%dma_start3A_193, %dma_start3A_194, %dma_start3A_195] : memref<2x320x128xf32, #tpu.memory_space<vmem>> -> memref<1x320x128xf32, #tpu.memory_space<vmem>>
      %dma_start3A_197 = tpu.memref_squeeze %dma_start3A_196 : memref<1x320x128xf32, #tpu.memory_space<vmem>> -> memref<320x128xf32, #tpu.memory_space<vmem>>
      %dma_start3A_198 = arith.constant 256 : i32
      %dma_start3A_199 = arith.constant 0 : i32
      %dma_start3A_200 = tpu.memref_slice %dma_start3A_197[%dma_start3A_198, %dma_start3A_199] : memref<320x128xf32, #tpu.memory_space<vmem>> -> memref<64x128xf32, #tpu.memory_space<vmem>>
      %dma_start3A_201 = tpu.memref_slice %arg11[%add3A_192] : memref<10240xi32, #tpu.memory_space<vmem>> -> memref<64xi32, #tpu.memory_space<vmem>>
      %dma_start3A_202 = arith.constant 0 : i32
      %dma_start3A_203 = arith.constant 0 : i32
      %dma_start3A_204 = tpu.memref_slice %arg6[%dma_start3A_202, %dma_start3A_203] : memref<1000000x128xf32, #tpu.memory_space<hbm>> -> memref<1000000x128xf32, #tpu.memory_space<hbm>>
      tpu.enqueue_indirect_dma source(%dma_start3A_204 : memref<1000000x128xf32, #tpu.memory_space<hbm>>) target(%dma_start3A_200 : memref<64x128xf32, #tpu.memory_space<vmem>>) offsets(%dma_start3A_201 : memref<64xi32, #tpu.memory_space<vmem>>) semaphore(%arg18 : memref<!tpu.dma_semaphore, #tpu.memory_space<semaphore_mem>>)
      %dma_wait3A = arith.constant 0 : i32
      %dma_wait3A_205 = arith.constant 0 : i32
      %dma_wait3A_206 = arith.constant 0 : i32
      %dma_wait3A_207 = tpu.memref_slice %arg12[%dma_wait3A, %dma_wait3A_205, %dma_wait3A_206] : memref<2x16x128xf32, #tpu.memory_space<vmem>> -> memref<1x16x128xf32, #tpu.memory_space<vmem>>
      %dma_wait3A_208 = tpu.memref_squeeze %dma_wait3A_207 : memref<1x16x128xf32, #tpu.memory_space<vmem>> -> memref<16x128xf32, #tpu.memory_space<vmem>>
      %dma_wait3A_209 = arith.constant 0 : i32
      %dma_wait3A_210 = tpu.memref_slice %arg9[%dma_wait3A_209] : memref<512xi32, #tpu.memory_space<vmem>> -> memref<16xi32, #tpu.memory_space<vmem>>
      %dma_wait3A_211 = arith.constant 0 : i32
      %dma_wait3A_212 = arith.constant 0 : i32
      %dma_wait3A_213 = tpu.memref_slice %arg5[%dma_wait3A_211, %dma_wait3A_212] : memref<1000000x128xf32, #tpu.memory_space<hbm>> -> memref<1000000x128xf32, #tpu.memory_space<hbm>>
      tpu.wait_indirect_dma semaphore(%arg17 : memref<!tpu.dma_semaphore, #tpu.memory_space<semaphore_mem>>) src(%dma_wait3A_213 : memref<1000000x128xf32, #tpu.memory_space<hbm>>) dst(%dma_wait3A_208 : memref<16x128xf32, #tpu.memory_space<vmem>>)
      %dma_wait3A_214 = arith.constant 0 : i32
      %dma_wait3A_215 = arith.constant 0 : i32
      %dma_wait3A_216 = arith.constant 0 : i32
      %dma_wait3A_217 = tpu.memref_slice %arg13[%dma_wait3A_214, %dma_wait3A_215, %dma_wait3A_216] : memref<2x16x128xf32, #tpu.memory_space<vmem>> -> memref<1x16x128xf32, #tpu.memory_space<vmem>>
      %dma_wait3A_218 = tpu.memref_squeeze %dma_wait3A_217 : memref<1x16x128xf32, #tpu.memory_space<vmem>> -> memref<16x128xf32, #tpu.memory_space<vmem>>
      %dma_wait3A_219 = arith.constant 0 : i32
      %dma_wait3A_220 = tpu.memref_slice %arg10[%dma_wait3A_219] : memref<512xi32, #tpu.memory_space<vmem>> -> memref<16xi32, #tpu.memory_space<vmem>>
      %dma_wait3A_221 = arith.constant 0 : i32
      %dma_wait3A_222 = arith.constant 0 : i32
      %dma_wait3A_223 = tpu.memref_slice %arg6[%dma_wait3A_221, %dma_wait3A_222] : memref<1000000x128xf32, #tpu.memory_space<hbm>> -> memref<1000000x128xf32, #tpu.memory_space<hbm>>
      tpu.wait_indirect_dma semaphore(%arg17 : memref<!tpu.dma_semaphore, #tpu.memory_space<semaphore_mem>>) src(%dma_wait3A_223 : memref<1000000x128xf32, #tpu.memory_space<hbm>>) dst(%dma_wait3A_218 : memref<16x128xf32, #tpu.memory_space<vmem>>)
      %dma_wait3A_224 = arith.constant 0 : i32
      %dma_wait3A_225 = arith.constant 0 : i32
      %dma_wait3A_226 = arith.constant 0 : i32
      %dma_wait3A_227 = tpu.memref_slice %arg14[%dma_wait3A_224, %dma_wait3A_225, %dma_wait3A_226] : memref<2x320x128xf32, #tpu.memory_space<vmem>> -> memref<1x320x128xf32, #tpu.memory_space<vmem>>
      %dma_wait3A_228 = tpu.memref_squeeze %dma_wait3A_227 : memref<1x320x128xf32, #tpu.memory_space<vmem>> -> memref<320x128xf32, #tpu.memory_space<vmem>>
      %dma_wait3A_229 = arith.constant 0 : i32
      %dma_wait3A_230 = arith.constant 0 : i32
      %dma_wait3A_231 = tpu.memref_slice %dma_wait3A_228[%dma_wait3A_229, %dma_wait3A_230] : memref<320x128xf32, #tpu.memory_space<vmem>> -> memref<64x128xf32, #tpu.memory_space<vmem>>
      %dma_wait3A_232 = arith.constant 0 : i32
      %dma_wait3A_233 = tpu.memref_slice %arg11[%dma_wait3A_232] : memref<10240xi32, #tpu.memory_space<vmem>> -> memref<64xi32, #tpu.memory_space<vmem>>
      %dma_wait3A_234 = arith.constant 0 : i32
      %dma_wait3A_235 = arith.constant 0 : i32
      %dma_wait3A_236 = tpu.memref_slice %arg6[%dma_wait3A_234, %dma_wait3A_235] : memref<1000000x128xf32, #tpu.memory_space<hbm>> -> memref<1000000x128xf32, #tpu.memory_space<hbm>>
      tpu.wait_indirect_dma semaphore(%arg17 : memref<!tpu.dma_semaphore, #tpu.memory_space<semaphore_mem>>) src(%dma_wait3A_236 : memref<1000000x128xf32, #tpu.memory_space<hbm>>) dst(%dma_wait3A_231 : memref<64x128xf32, #tpu.memory_space<vmem>>)
      %dma_wait3A_237 = arith.constant 0 : i32
      %dma_wait3A_238 = arith.constant 0 : i32
      %dma_wait3A_239 = arith.constant 0 : i32
      %dma_wait3A_240 = tpu.memref_slice %arg14[%dma_wait3A_237, %dma_wait3A_238, %dma_wait3A_239] : memref<2x320x128xf32, #tpu.memory_space<vmem>> -> memref<1x320x128xf32, #tpu.memory_space<vmem>>
      %dma_wait3A_241 = tpu.memref_squeeze %dma_wait3A_240 : memref<1x320x128xf32, #tpu.memory_space<vmem>> -> memref<320x128xf32, #tpu.memory_space<vmem>>
      %dma_wait3A_242 = arith.constant 64 : i32
      %dma_wait3A_243 = arith.constant 0 : i32
      %dma_wait3A_244 = tpu.memref_slice %dma_wait3A_241[%dma_wait3A_242, %dma_wait3A_243] : memref<320x128xf32, #tpu.memory_space<vmem>> -> memref<64x128xf32, #tpu.memory_space<vmem>>
      %dma_wait3A_245 = arith.constant 64 : i32
      %dma_wait3A_246 = tpu.memref_slice %arg11[%dma_wait3A_245] : memref<10240xi32, #tpu.memory_space<vmem>> -> memref<64xi32, #tpu.memory_space<vmem>>
      %dma_wait3A_247 = arith.constant 0 : i32
      %dma_wait3A_248 = arith.constant 0 : i32
      %dma_wait3A_249 = tpu.memref_slice %arg6[%dma_wait3A_247, %dma_wait3A_248] : memref<1000000x128xf32, #tpu.memory_space<hbm>> -> memref<1000000x128xf32, #tpu.memory_space<hbm>>
      tpu.wait_indirect_dma semaphore(%arg17 : memref<!tpu.dma_semaphore, #tpu.memory_space<semaphore_mem>>) src(%dma_wait3A_249 : memref<1000000x128xf32, #tpu.memory_space<hbm>>) dst(%dma_wait3A_244 : memref<64x128xf32, #tpu.memory_space<vmem>>)
      %dma_wait3A_250 = arith.constant 0 : i32
      %dma_wait3A_251 = arith.constant 0 : i32
      %dma_wait3A_252 = arith.constant 0 : i32
      %dma_wait3A_253 = tpu.memref_slice %arg14[%dma_wait3A_250, %dma_wait3A_251, %dma_wait3A_252] : memref<2x320x128xf32, #tpu.memory_space<vmem>> -> memref<1x320x128xf32, #tpu.memory_space<vmem>>
      %dma_wait3A_254 = tpu.memref_squeeze %dma_wait3A_253 : memref<1x320x128xf32, #tpu.memory_space<vmem>> -> memref<320x128xf32, #tpu.memory_space<vmem>>
      %dma_wait3A_255 = arith.constant 128 : i32
      %dma_wait3A_256 = arith.constant 0 : i32
      %dma_wait3A_257 = tpu.memref_slice %dma_wait3A_254[%dma_wait3A_255, %dma_wait3A_256] : memref<320x128xf32, #tpu.memory_space<vmem>> -> memref<64x128xf32, #tpu.memory_space<vmem>>
      %dma_wait3A_258 = arith.constant 128 : i32
      %dma_wait3A_259 = tpu.memref_slice %arg11[%dma_wait3A_258] : memref<10240xi32, #tpu.memory_space<vmem>> -> memref<64xi32, #tpu.memory_space<vmem>>
      %dma_wait3A_260 = arith.constant 0 : i32
      %dma_wait3A_261 = arith.constant 0 : i32
      %dma_wait3A_262 = tpu.memref_slice %arg6[%dma_wait3A_260, %dma_wait3A_261] : memref<1000000x128xf32, #tpu.memory_space<hbm>> -> memref<1000000x128xf32, #tpu.memory_space<hbm>>
      tpu.wait_indirect_dma semaphore(%arg17 : memref<!tpu.dma_semaphore, #tpu.memory_space<semaphore_mem>>) src(%dma_wait3A_262 : memref<1000000x128xf32, #tpu.memory_space<hbm>>) dst(%dma_wait3A_257 : memref<64x128xf32, #tpu.memory_space<vmem>>)
      %dma_wait3A_263 = arith.constant 0 : i32
      %dma_wait3A_264 = arith.constant 0 : i32
      %dma_wait3A_265 = arith.constant 0 : i32
      %dma_wait3A_266 = tpu.memref_slice %arg14[%dma_wait3A_263, %dma_wait3A_264, %dma_wait3A_265] : memref<2x320x128xf32, #tpu.memory_space<vmem>> -> memref<1x320x128xf32, #tpu.memory_space<vmem>>
      %dma_wait3A_267 = tpu.memref_squeeze %dma_wait3A_266 : memref<1x320x128xf32, #tpu.memory_space<vmem>> -> memref<320x128xf32, #tpu.memory_space<vmem>>
      %dma_wait3A_268 = arith.constant 192 : i32
      %dma_wait3A_269 = arith.constant 0 : i32
      %dma_wait3A_270 = tpu.memref_slice %dma_wait3A_267[%dma_wait3A_268, %dma_wait3A_269] : memref<320x128xf32, #tpu.memory_space<vmem>> -> memref<64x128xf32, #tpu.memory_space<vmem>>
      %dma_wait3A_271 = arith.constant 192 : i32
      %dma_wait3A_272 = tpu.memref_slice %arg11[%dma_wait3A_271] : memref<10240xi32, #tpu.memory_space<vmem>> -> memref<64xi32, #tpu.memory_space<vmem>>
      %dma_wait3A_273 = arith.constant 0 : i32
      %dma_wait3A_274 = arith.constant 0 : i32
      %dma_wait3A_275 = tpu.memref_slice %arg6[%dma_wait3A_273, %dma_wait3A_274] : memref<1000000x128xf32, #tpu.memory_space<hbm>> -> memref<1000000x128xf32, #tpu.memory_space<hbm>>
      tpu.wait_indirect_dma semaphore(%arg17 : memref<!tpu.dma_semaphore, #tpu.memory_space<semaphore_mem>>) src(%dma_wait3A_275 : memref<1000000x128xf32, #tpu.memory_space<hbm>>) dst(%dma_wait3A_270 : memref<64x128xf32, #tpu.memory_space<vmem>>)
      %dma_wait3A_276 = arith.constant 0 : i32
      %dma_wait3A_277 = arith.constant 0 : i32
      %dma_wait3A_278 = arith.constant 0 : i32
      %dma_wait3A_279 = tpu.memref_slice %arg14[%dma_wait3A_276, %dma_wait3A_277, %dma_wait3A_278] : memref<2x320x128xf32, #tpu.memory_space<vmem>> -> memref<1x320x128xf32, #tpu.memory_space<vmem>>
      %dma_wait3A_280 = tpu.memref_squeeze %dma_wait3A_279 : memref<1x320x128xf32, #tpu.memory_space<vmem>> -> memref<320x128xf32, #tpu.memory_space<vmem>>
      %dma_wait3A_281 = arith.constant 256 : i32
      %dma_wait3A_282 = arith.constant 0 : i32
      %dma_wait3A_283 = tpu.memref_slice %dma_wait3A_280[%dma_wait3A_281, %dma_wait3A_282] : memref<320x128xf32, #tpu.memory_space<vmem>> -> memref<64x128xf32, #tpu.memory_space<vmem>>
      %dma_wait3A_284 = arith.constant 256 : i32
      %dma_wait3A_285 = tpu.memref_slice %arg11[%dma_wait3A_284] : memref<10240xi32, #tpu.memory_space<vmem>> -> memref<64xi32, #tpu.memory_space<vmem>>
      %dma_wait3A_286 = arith.constant 0 : i32
      %dma_wait3A_287 = arith.constant 0 : i32
      %dma_wait3A_288 = tpu.memref_slice %arg6[%dma_wait3A_286, %dma_wait3A_287] : memref<1000000x128xf32, #tpu.memory_space<hbm>> -> memref<1000000x128xf32, #tpu.memory_space<hbm>>
      tpu.wait_indirect_dma semaphore(%arg17 : memref<!tpu.dma_semaphore, #tpu.memory_space<semaphore_mem>>) src(%dma_wait3A_288 : memref<1000000x128xf32, #tpu.memory_space<hbm>>) dst(%dma_wait3A_283 : memref<64x128xf32, #tpu.memory_space<vmem>>)
      %mul3A_289 = arith.constant 20 : i32
      %mul3A_290 = vector.broadcast %mul3A_289 : i32 to vector<16xi32>
      %mul3A_291 = arith.muli %iota3A, %mul3A_290 : vector<16xi32>
      %broadcast_in_dim3A = arith.constant 0.000000e+00 : f32
      %broadcast_in_dim3A_292 = vector.broadcast %broadcast_in_dim3A : f32 to vector<16xf32>
      %parallel_loop3A = arith.constant 0 : i32
      %parallel_loop3A_293 = arith.constant 64 : i32
      %parallel_loop3A_294 = arith.constant 1 : i32
      %parallel_loop3A_295 = arith.constant 0 : i32
      %parallel_loop3A_296 = arith.constant 0 : i32
      %parallel_loop3A_297 = arith.constant 0 : i32
      %parallel_loop3A_298:21 = scf.for %parallel_loop3A_648 = %parallel_loop3A to %parallel_loop3A_293 step %parallel_loop3A_294 iter_args(%parallel_loop3A_649 = %broadcast_in_dim3A_292, %parallel_loop3A_650 = %broadcast_in_dim3A_292, %parallel_loop3A_651 = %broadcast_in_dim3A_292, %parallel_loop3A_652 = %broadcast_in_dim3A_292, %parallel_loop3A_653 = %broadcast_in_dim3A_292, %parallel_loop3A_654 = %broadcast_in_dim3A_292, %parallel_loop3A_655 = %broadcast_in_dim3A_292, %parallel_loop3A_656 = %broadcast_in_dim3A_292, %parallel_loop3A_657 = %broadcast_in_dim3A_292, %parallel_loop3A_658 = %broadcast_in_dim3A_292, %parallel_loop3A_659 = %broadcast_in_dim3A_292, %parallel_loop3A_660 = %broadcast_in_dim3A_292, %parallel_loop3A_661 = %broadcast_in_dim3A_292, %parallel_loop3A_662 = %broadcast_in_dim3A_292, %parallel_loop3A_663 = %broadcast_in_dim3A_292, %parallel_loop3A_664 = %broadcast_in_dim3A_292, %parallel_loop3A_665 = %broadcast_in_dim3A_292, %parallel_loop3A_666 = %broadcast_in_dim3A_292, %parallel_loop3A_667 = %broadcast_in_dim3A_292, %parallel_loop3A_668 = %broadcast_in_dim3A_292, %parallel_loop3A_669 = %broadcast_in_dim3A_292) -> (vector<16xf32>, vector<16xf32>, vector<16xf32>, vector<16xf32>, vector<16xf32>, vector<16xf32>, vector<16xf32>, vector<16xf32>, vector<16xf32>, vector<16xf32>, vector<16xf32>, vector<16xf32>, vector<16xf32>, vector<16xf32>, vector<16xf32>, vector<16xf32>, vector<16xf32>, vector<16xf32>, vector<16xf32>, vector<16xf32>, vector<16xf32>)  : i32 {
        %parallel_loop3A_670 = vector.broadcast %parallel_loop3A_648 : i32 to vector<16xi32>
        %parallel_loop3A_671 = arith.constant 0 : i32
        %parallel_loop3A_672 = arith.constant 0 : i32
        %parallel_loop3A_673 = tpu.memref_slice %arg12[%parallel_loop3A_295, %parallel_loop3A_671, %parallel_loop3A_672] : memref<2x16x128xf32, #tpu.memory_space<vmem>> -> memref<1x16x128xf32, #tpu.memory_space<vmem>>
        %parallel_loop3A_674 = tpu.memref_squeeze %parallel_loop3A_673 : memref<1x16x128xf32, #tpu.memory_space<vmem>> -> memref<16x128xf32, #tpu.memory_space<vmem>>
        %parallel_loop3A_675 = tpu.vector_load_idx %parallel_loop3A_674[%iota3A, %parallel_loop3A_670] : memref<16x128xf32, #tpu.memory_space<vmem>>[vector<16xi32>, vector<16xi32>], vector<16xf32>,
        %parallel_loop3A_676 = arith.constant 0 : i32
        %parallel_loop3A_677 = arith.constant 0 : i32
        %parallel_loop3A_678 = tpu.memref_slice %arg13[%parallel_loop3A_296, %parallel_loop3A_676, %parallel_loop3A_677] : memref<2x16x128xf32, #tpu.memory_space<vmem>> -> memref<1x16x128xf32, #tpu.memory_space<vmem>>
        %parallel_loop3A_679 = tpu.memref_squeeze %parallel_loop3A_678 : memref<1x16x128xf32, #tpu.memory_space<vmem>> -> memref<16x128xf32, #tpu.memory_space<vmem>>
        %parallel_loop3A_680 = tpu.vector_load_idx %parallel_loop3A_679[%iota3A, %parallel_loop3A_670] : memref<16x128xf32, #tpu.memory_space<vmem>>[vector<16xi32>, vector<16xi32>], vector<16xf32>,
        %parallel_loop3A_681 = arith.mulf %parallel_loop3A_675, %parallel_loop3A_680 : vector<16xf32>
        %parallel_loop3A_682 = arith.addf %parallel_loop3A_649, %parallel_loop3A_681 : vector<16xf32>
        %parallel_loop3A_683 = arith.constant 0 : i32
        %parallel_loop3A_684 = vector.broadcast %parallel_loop3A_683 : i32 to vector<16xi32>
        %parallel_loop3A_685 = arith.addi %mul3A_291, %parallel_loop3A_684 : vector<16xi32>
        %parallel_loop3A_686 = arith.constant 0 : i32
        %parallel_loop3A_687 = arith.constant 0 : i32
        %parallel_loop3A_688 = tpu.memref_slice %arg14[%parallel_loop3A_297, %parallel_loop3A_686, %parallel_loop3A_687] : memref<2x320x128xf32, #tpu.memory_space<vmem>> -> memref<1x320x128xf32, #tpu.memory_space<vmem>>
        %parallel_loop3A_689 = tpu.memref_squeeze %parallel_loop3A_688 : memref<1x320x128xf32, #tpu.memory_space<vmem>> -> memref<320x128xf32, #tpu.memory_space<vmem>>
        %parallel_loop3A_690 = tpu.vector_load_idx %parallel_loop3A_689[%parallel_loop3A_685, %parallel_loop3A_670] : memref<320x128xf32, #tpu.memory_space<vmem>>[vector<16xi32>, vector<16xi32>], vector<16xf32>,
        %parallel_loop3A_691 = arith.mulf %parallel_loop3A_675, %parallel_loop3A_690 : vector<16xf32>
        %parallel_loop3A_692 = arith.addf %parallel_loop3A_650, %parallel_loop3A_691 : vector<16xf32>
        %parallel_loop3A_693 = arith.constant 1 : i32
        %parallel_loop3A_694 = vector.broadcast %parallel_loop3A_693 : i32 to vector<16xi32>
        %parallel_loop3A_695 = arith.addi %mul3A_291, %parallel_loop3A_694 : vector<16xi32>
        %parallel_loop3A_696 = arith.constant 0 : i32
        %parallel_loop3A_697 = arith.constant 0 : i32
        %parallel_loop3A_698 = tpu.memref_slice %arg14[%parallel_loop3A_297, %parallel_loop3A_696, %parallel_loop3A_697] : memref<2x320x128xf32, #tpu.memory_space<vmem>> -> memref<1x320x128xf32, #tpu.memory_space<vmem>>
        %parallel_loop3A_699 = tpu.memref_squeeze %parallel_loop3A_698 : memref<1x320x128xf32, #tpu.memory_space<vmem>> -> memref<320x128xf32, #tpu.memory_space<vmem>>
        %parallel_loop3A_700 = tpu.vector_load_idx %parallel_loop3A_699[%parallel_loop3A_695, %parallel_loop3A_670] : memref<320x128xf32, #tpu.memory_space<vmem>>[vector<16xi32>, vector<16xi32>], vector<16xf32>,
        %parallel_loop3A_701 = arith.mulf %parallel_loop3A_675, %parallel_loop3A_700 : vector<16xf32>
        %parallel_loop3A_702 = arith.addf %parallel_loop3A_651, %parallel_loop3A_701 : vector<16xf32>
        %parallel_loop3A_703 = arith.constant 2 : i32
        %parallel_loop3A_704 = vector.broadcast %parallel_loop3A_703 : i32 to vector<16xi32>
        %parallel_loop3A_705 = arith.addi %mul3A_291, %parallel_loop3A_704 : vector<16xi32>
        %parallel_loop3A_706 = arith.constant 0 : i32
        %parallel_loop3A_707 = arith.constant 0 : i32
        %parallel_loop3A_708 = tpu.memref_slice %arg14[%parallel_loop3A_297, %parallel_loop3A_706, %parallel_loop3A_707] : memref<2x320x128xf32, #tpu.memory_space<vmem>> -> memref<1x320x128xf32, #tpu.memory_space<vmem>>
        %parallel_loop3A_709 = tpu.memref_squeeze %parallel_loop3A_708 : memref<1x320x128xf32, #tpu.memory_space<vmem>> -> memref<320x128xf32, #tpu.memory_space<vmem>>
        %parallel_loop3A_710 = tpu.vector_load_idx %parallel_loop3A_709[%parallel_loop3A_705, %parallel_loop3A_670] : memref<320x128xf32, #tpu.memory_space<vmem>>[vector<16xi32>, vector<16xi32>], vector<16xf32>,
        %parallel_loop3A_711 = arith.mulf %parallel_loop3A_675, %parallel_loop3A_710 : vector<16xf32>
        %parallel_loop3A_712 = arith.addf %parallel_loop3A_652, %parallel_loop3A_711 : vector<16xf32>
        %parallel_loop3A_713 = arith.constant 3 : i32
        %parallel_loop3A_714 = vector.broadcast %parallel_loop3A_713 : i32 to vector<16xi32>
        %parallel_loop3A_715 = arith.addi %mul3A_291, %parallel_loop3A_714 : vector<16xi32>
        %parallel_loop3A_716 = arith.constant 0 : i32
        %parallel_loop3A_717 = arith.constant 0 : i32
        %parallel_loop3A_718 = tpu.memref_slice %arg14[%parallel_loop3A_297, %parallel_loop3A_716, %parallel_loop3A_717] : memref<2x320x128xf32, #tpu.memory_space<vmem>> -> memref<1x320x128xf32, #tpu.memory_space<vmem>>
        %parallel_loop3A_719 = tpu.memref_squeeze %parallel_loop3A_718 : memref<1x320x128xf32, #tpu.memory_space<vmem>> -> memref<320x128xf32, #tpu.memory_space<vmem>>
        %parallel_loop3A_720 = tpu.vector_load_idx %parallel_loop3A_719[%parallel_loop3A_715, %parallel_loop3A_670] : memref<320x128xf32, #tpu.memory_space<vmem>>[vector<16xi32>, vector<16xi32>], vector<16xf32>,
        %parallel_loop3A_721 = arith.mulf %parallel_loop3A_675, %parallel_loop3A_720 : vector<16xf32>
        %parallel_loop3A_722 = arith.addf %parallel_loop3A_653, %parallel_loop3A_721 : vector<16xf32>
        %parallel_loop3A_723 = arith.constant 4 : i32
        %parallel_loop3A_724 = vector.broadcast %parallel_loop3A_723 : i32 to vector<16xi32>
        %parallel_loop3A_725 = arith.addi %mul3A_291, %parallel_loop3A_724 : vector<16xi32>
        %parallel_loop3A_726 = arith.constant 0 : i32
        %parallel_loop3A_727 = arith.constant 0 : i32
        %parallel_loop3A_728 = tpu.memref_slice %arg14[%parallel_loop3A_297, %parallel_loop3A_726, %parallel_loop3A_727] : memref<2x320x128xf32, #tpu.memory_space<vmem>> -> memref<1x320x128xf32, #tpu.memory_space<vmem>>
        %parallel_loop3A_729 = tpu.memref_squeeze %parallel_loop3A_728 : memref<1x320x128xf32, #tpu.memory_space<vmem>> -> memref<320x128xf32, #tpu.memory_space<vmem>>
        %parallel_loop3A_730 = tpu.vector_load_idx %parallel_loop3A_729[%parallel_loop3A_725, %parallel_loop3A_670] : memref<320x128xf32, #tpu.memory_space<vmem>>[vector<16xi32>, vector<16xi32>], vector<16xf32>,
        %parallel_loop3A_731 = arith.mulf %parallel_loop3A_675, %parallel_loop3A_730 : vector<16xf32>
        %parallel_loop3A_732 = arith.addf %parallel_loop3A_654, %parallel_loop3A_731 : vector<16xf32>
        %parallel_loop3A_733 = arith.constant 5 : i32
        %parallel_loop3A_734 = vector.broadcast %parallel_loop3A_733 : i32 to vector<16xi32>
        %parallel_loop3A_735 = arith.addi %mul3A_291, %parallel_loop3A_734 : vector<16xi32>
        %parallel_loop3A_736 = arith.constant 0 : i32
        %parallel_loop3A_737 = arith.constant 0 : i32
        %parallel_loop3A_738 = tpu.memref_slice %arg14[%parallel_loop3A_297, %parallel_loop3A_736, %parallel_loop3A_737] : memref<2x320x128xf32, #tpu.memory_space<vmem>> -> memref<1x320x128xf32, #tpu.memory_space<vmem>>
        %parallel_loop3A_739 = tpu.memref_squeeze %parallel_loop3A_738 : memref<1x320x128xf32, #tpu.memory_space<vmem>> -> memref<320x128xf32, #tpu.memory_space<vmem>>
        %parallel_loop3A_740 = tpu.vector_load_idx %parallel_loop3A_739[%parallel_loop3A_735, %parallel_loop3A_670] : memref<320x128xf32, #tpu.memory_space<vmem>>[vector<16xi32>, vector<16xi32>], vector<16xf32>,
        %parallel_loop3A_741 = arith.mulf %parallel_loop3A_675, %parallel_loop3A_740 : vector<16xf32>
        %parallel_loop3A_742 = arith.addf %parallel_loop3A_655, %parallel_loop3A_741 : vector<16xf32>
        %parallel_loop3A_743 = arith.constant 6 : i32
        %parallel_loop3A_744 = vector.broadcast %parallel_loop3A_743 : i32 to vector<16xi32>
        %parallel_loop3A_745 = arith.addi %mul3A_291, %parallel_loop3A_744 : vector<16xi32>
        %parallel_loop3A_746 = arith.constant 0 : i32
        %parallel_loop3A_747 = arith.constant 0 : i32
        %parallel_loop3A_748 = tpu.memref_slice %arg14[%parallel_loop3A_297, %parallel_loop3A_746, %parallel_loop3A_747] : memref<2x320x128xf32, #tpu.memory_space<vmem>> -> memref<1x320x128xf32, #tpu.memory_space<vmem>>
        %parallel_loop3A_749 = tpu.memref_squeeze %parallel_loop3A_748 : memref<1x320x128xf32, #tpu.memory_space<vmem>> -> memref<320x128xf32, #tpu.memory_space<vmem>>
        %parallel_loop3A_750 = tpu.vector_load_idx %parallel_loop3A_749[%parallel_loop3A_745, %parallel_loop3A_670] : memref<320x128xf32, #tpu.memory_space<vmem>>[vector<16xi32>, vector<16xi32>], vector<16xf32>,
        %parallel_loop3A_751 = arith.mulf %parallel_loop3A_675, %parallel_loop3A_750 : vector<16xf32>
        %parallel_loop3A_752 = arith.addf %parallel_loop3A_656, %parallel_loop3A_751 : vector<16xf32>
        %parallel_loop3A_753 = arith.constant 7 : i32
        %parallel_loop3A_754 = vector.broadcast %parallel_loop3A_753 : i32 to vector<16xi32>
        %parallel_loop3A_755 = arith.addi %mul3A_291, %parallel_loop3A_754 : vector<16xi32>
        %parallel_loop3A_756 = arith.constant 0 : i32
        %parallel_loop3A_757 = arith.constant 0 : i32
        %parallel_loop3A_758 = tpu.memref_slice %arg14[%parallel_loop3A_297, %parallel_loop3A_756, %parallel_loop3A_757] : memref<2x320x128xf32, #tpu.memory_space<vmem>> -> memref<1x320x128xf32, #tpu.memory_space<vmem>>
        %parallel_loop3A_759 = tpu.memref_squeeze %parallel_loop3A_758 : memref<1x320x128xf32, #tpu.memory_space<vmem>> -> memref<320x128xf32, #tpu.memory_space<vmem>>
        %parallel_loop3A_760 = tpu.vector_load_idx %parallel_loop3A_759[%parallel_loop3A_755, %parallel_loop3A_670] : memref<320x128xf32, #tpu.memory_space<vmem>>[vector<16xi32>, vector<16xi32>], vector<16xf32>,
        %parallel_loop3A_761 = arith.mulf %parallel_loop3A_675, %parallel_loop3A_760 : vector<16xf32>
        %parallel_loop3A_762 = arith.addf %parallel_loop3A_657, %parallel_loop3A_761 : vector<16xf32>
        %parallel_loop3A_763 = arith.constant 8 : i32
        %parallel_loop3A_764 = vector.broadcast %parallel_loop3A_763 : i32 to vector<16xi32>
        %parallel_loop3A_765 = arith.addi %mul3A_291, %parallel_loop3A_764 : vector<16xi32>
        %parallel_loop3A_766 = arith.constant 0 : i32
        %parallel_loop3A_767 = arith.constant 0 : i32
        %parallel_loop3A_768 = tpu.memref_slice %arg14[%parallel_loop3A_297, %parallel_loop3A_766, %parallel_loop3A_767] : memref<2x320x128xf32, #tpu.memory_space<vmem>> -> memref<1x320x128xf32, #tpu.memory_space<vmem>>
        %parallel_loop3A_769 = tpu.memref_squeeze %parallel_loop3A_768 : memref<1x320x128xf32, #tpu.memory_space<vmem>> -> memref<320x128xf32, #tpu.memory_space<vmem>>
        %parallel_loop3A_770 = tpu.vector_load_idx %parallel_loop3A_769[%parallel_loop3A_765, %parallel_loop3A_670] : memref<320x128xf32, #tpu.memory_space<vmem>>[vector<16xi32>, vector<16xi32>], vector<16xf32>,
        %parallel_loop3A_771 = arith.mulf %parallel_loop3A_675, %parallel_loop3A_770 : vector<16xf32>
        %parallel_loop3A_772 = arith.addf %parallel_loop3A_658, %parallel_loop3A_771 : vector<16xf32>
        %parallel_loop3A_773 = arith.constant 9 : i32
        %parallel_loop3A_774 = vector.broadcast %parallel_loop3A_773 : i32 to vector<16xi32>
        %parallel_loop3A_775 = arith.addi %mul3A_291, %parallel_loop3A_774 : vector<16xi32>
        %parallel_loop3A_776 = arith.constant 0 : i32
        %parallel_loop3A_777 = arith.constant 0 : i32
        %parallel_loop3A_778 = tpu.memref_slice %arg14[%parallel_loop3A_297, %parallel_loop3A_776, %parallel_loop3A_777] : memref<2x320x128xf32, #tpu.memory_space<vmem>> -> memref<1x320x128xf32, #tpu.memory_space<vmem>>
        %parallel_loop3A_779 = tpu.memref_squeeze %parallel_loop3A_778 : memref<1x320x128xf32, #tpu.memory_space<vmem>> -> memref<320x128xf32, #tpu.memory_space<vmem>>
        %parallel_loop3A_780 = tpu.vector_load_idx %parallel_loop3A_779[%parallel_loop3A_775, %parallel_loop3A_670] : memref<320x128xf32, #tpu.memory_space<vmem>>[vector<16xi32>, vector<16xi32>], vector<16xf32>,
        %parallel_loop3A_781 = arith.mulf %parallel_loop3A_675, %parallel_loop3A_780 : vector<16xf32>
        %parallel_loop3A_782 = arith.addf %parallel_loop3A_659, %parallel_loop3A_781 : vector<16xf32>
        %parallel_loop3A_783 = arith.constant 10 : i32
        %parallel_loop3A_784 = vector.broadcast %parallel_loop3A_783 : i32 to vector<16xi32>
        %parallel_loop3A_785 = arith.addi %mul3A_291, %parallel_loop3A_784 : vector<16xi32>
        %parallel_loop3A_786 = arith.constant 0 : i32
        %parallel_loop3A_787 = arith.constant 0 : i32
        %parallel_loop3A_788 = tpu.memref_slice %arg14[%parallel_loop3A_297, %parallel_loop3A_786, %parallel_loop3A_787] : memref<2x320x128xf32, #tpu.memory_space<vmem>> -> memref<1x320x128xf32, #tpu.memory_space<vmem>>
        %parallel_loop3A_789 = tpu.memref_squeeze %parallel_loop3A_788 : memref<1x320x128xf32, #tpu.memory_space<vmem>> -> memref<320x128xf32, #tpu.memory_space<vmem>>
        %parallel_loop3A_790 = tpu.vector_load_idx %parallel_loop3A_789[%parallel_loop3A_785, %parallel_loop3A_670] : memref<320x128xf32, #tpu.memory_space<vmem>>[vector<16xi32>, vector<16xi32>], vector<16xf32>,
        %parallel_loop3A_791 = arith.mulf %parallel_loop3A_675, %parallel_loop3A_790 : vector<16xf32>
        %parallel_loop3A_792 = arith.addf %parallel_loop3A_660, %parallel_loop3A_791 : vector<16xf32>
        %parallel_loop3A_793 = arith.constant 11 : i32
        %parallel_loop3A_794 = vector.broadcast %parallel_loop3A_793 : i32 to vector<16xi32>
        %parallel_loop3A_795 = arith.addi %mul3A_291, %parallel_loop3A_794 : vector<16xi32>
        %parallel_loop3A_796 = arith.constant 0 : i32
        %parallel_loop3A_797 = arith.constant 0 : i32
        %parallel_loop3A_798 = tpu.memref_slice %arg14[%parallel_loop3A_297, %parallel_loop3A_796, %parallel_loop3A_797] : memref<2x320x128xf32, #tpu.memory_space<vmem>> -> memref<1x320x128xf32, #tpu.memory_space<vmem>>
        %parallel_loop3A_799 = tpu.memref_squeeze %parallel_loop3A_798 : memref<1x320x128xf32, #tpu.memory_space<vmem>> -> memref<320x128xf32, #tpu.memory_space<vmem>>
        %parallel_loop3A_800 = tpu.vector_load_idx %parallel_loop3A_799[%parallel_loop3A_795, %parallel_loop3A_670] : memref<320x128xf32, #tpu.memory_space<vmem>>[vector<16xi32>, vector<16xi32>], vector<16xf32>,
        %parallel_loop3A_801 = arith.mulf %parallel_loop3A_675, %parallel_loop3A_800 : vector<16xf32>
        %parallel_loop3A_802 = arith.addf %parallel_loop3A_661, %parallel_loop3A_801 : vector<16xf32>
        %parallel_loop3A_803 = arith.constant 12 : i32
        %parallel_loop3A_804 = vector.broadcast %parallel_loop3A_803 : i32 to vector<16xi32>
        %parallel_loop3A_805 = arith.addi %mul3A_291, %parallel_loop3A_804 : vector<16xi32>
        %parallel_loop3A_806 = arith.constant 0 : i32
        %parallel_loop3A_807 = arith.constant 0 : i32
        %parallel_loop3A_808 = tpu.memref_slice %arg14[%parallel_loop3A_297, %parallel_loop3A_806, %parallel_loop3A_807] : memref<2x320x128xf32, #tpu.memory_space<vmem>> -> memref<1x320x128xf32, #tpu.memory_space<vmem>>
        %parallel_loop3A_809 = tpu.memref_squeeze %parallel_loop3A_808 : memref<1x320x128xf32, #tpu.memory_space<vmem>> -> memref<320x128xf32, #tpu.memory_space<vmem>>
        %parallel_loop3A_810 = tpu.vector_load_idx %parallel_loop3A_809[%parallel_loop3A_805, %parallel_loop3A_670] : memref<320x128xf32, #tpu.memory_space<vmem>>[vector<16xi32>, vector<16xi32>], vector<16xf32>,
        %parallel_loop3A_811 = arith.mulf %parallel_loop3A_675, %parallel_loop3A_810 : vector<16xf32>
        %parallel_loop3A_812 = arith.addf %parallel_loop3A_662, %parallel_loop3A_811 : vector<16xf32>
        %parallel_loop3A_813 = arith.constant 13 : i32
        %parallel_loop3A_814 = vector.broadcast %parallel_loop3A_813 : i32 to vector<16xi32>
        %parallel_loop3A_815 = arith.addi %mul3A_291, %parallel_loop3A_814 : vector<16xi32>
        %parallel_loop3A_816 = arith.constant 0 : i32
        %parallel_loop3A_817 = arith.constant 0 : i32
        %parallel_loop3A_818 = tpu.memref_slice %arg14[%parallel_loop3A_297, %parallel_loop3A_816, %parallel_loop3A_817] : memref<2x320x128xf32, #tpu.memory_space<vmem>> -> memref<1x320x128xf32, #tpu.memory_space<vmem>>
        %parallel_loop3A_819 = tpu.memref_squeeze %parallel_loop3A_818 : memref<1x320x128xf32, #tpu.memory_space<vmem>> -> memref<320x128xf32, #tpu.memory_space<vmem>>
        %parallel_loop3A_820 = tpu.vector_load_idx %parallel_loop3A_819[%parallel_loop3A_815, %parallel_loop3A_670] : memref<320x128xf32, #tpu.memory_space<vmem>>[vector<16xi32>, vector<16xi32>], vector<16xf32>,
        %parallel_loop3A_821 = arith.mulf %parallel_loop3A_675, %parallel_loop3A_820 : vector<16xf32>
        %parallel_loop3A_822 = arith.addf %parallel_loop3A_663, %parallel_loop3A_821 : vector<16xf32>
        %parallel_loop3A_823 = arith.constant 14 : i32
        %parallel_loop3A_824 = vector.broadcast %parallel_loop3A_823 : i32 to vector<16xi32>
        %parallel_loop3A_825 = arith.addi %mul3A_291, %parallel_loop3A_824 : vector<16xi32>
        %parallel_loop3A_826 = arith.constant 0 : i32
        %parallel_loop3A_827 = arith.constant 0 : i32
        %parallel_loop3A_828 = tpu.memref_slice %arg14[%parallel_loop3A_297, %parallel_loop3A_826, %parallel_loop3A_827] : memref<2x320x128xf32, #tpu.memory_space<vmem>> -> memref<1x320x128xf32, #tpu.memory_space<vmem>>
        %parallel_loop3A_829 = tpu.memref_squeeze %parallel_loop3A_828 : memref<1x320x128xf32, #tpu.memory_space<vmem>> -> memref<320x128xf32, #tpu.memory_space<vmem>>
        %parallel_loop3A_830 = tpu.vector_load_idx %parallel_loop3A_829[%parallel_loop3A_825, %parallel_loop3A_670] : memref<320x128xf32, #tpu.memory_space<vmem>>[vector<16xi32>, vector<16xi32>], vector<16xf32>,
        %parallel_loop3A_831 = arith.mulf %parallel_loop3A_675, %parallel_loop3A_830 : vector<16xf32>
        %parallel_loop3A_832 = arith.addf %parallel_loop3A_664, %parallel_loop3A_831 : vector<16xf32>
        %parallel_loop3A_833 = arith.constant 15 : i32
        %parallel_loop3A_834 = vector.broadcast %parallel_loop3A_833 : i32 to vector<16xi32>
        %parallel_loop3A_835 = arith.addi %mul3A_291, %parallel_loop3A_834 : vector<16xi32>
        %parallel_loop3A_836 = arith.constant 0 : i32
        %parallel_loop3A_837 = arith.constant 0 : i32
        %parallel_loop3A_838 = tpu.memref_slice %arg14[%parallel_loop3A_297, %parallel_loop3A_836, %parallel_loop3A_837] : memref<2x320x128xf32, #tpu.memory_space<vmem>> -> memref<1x320x128xf32, #tpu.memory_space<vmem>>
        %parallel_loop3A_839 = tpu.memref_squeeze %parallel_loop3A_838 : memref<1x320x128xf32, #tpu.memory_space<vmem>> -> memref<320x128xf32, #tpu.memory_space<vmem>>
        %parallel_loop3A_840 = tpu.vector_load_idx %parallel_loop3A_839[%parallel_loop3A_835, %parallel_loop3A_670] : memref<320x128xf32, #tpu.memory_space<vmem>>[vector<16xi32>, vector<16xi32>], vector<16xf32>,
        %parallel_loop3A_841 = arith.mulf %parallel_loop3A_675, %parallel_loop3A_840 : vector<16xf32>
        %parallel_loop3A_842 = arith.addf %parallel_loop3A_665, %parallel_loop3A_841 : vector<16xf32>
        %parallel_loop3A_843 = arith.constant 16 : i32
        %parallel_loop3A_844 = vector.broadcast %parallel_loop3A_843 : i32 to vector<16xi32>
        %parallel_loop3A_845 = arith.addi %mul3A_291, %parallel_loop3A_844 : vector<16xi32>
        %parallel_loop3A_846 = arith.constant 0 : i32
        %parallel_loop3A_847 = arith.constant 0 : i32
        %parallel_loop3A_848 = tpu.memref_slice %arg14[%parallel_loop3A_297, %parallel_loop3A_846, %parallel_loop3A_847] : memref<2x320x128xf32, #tpu.memory_space<vmem>> -> memref<1x320x128xf32, #tpu.memory_space<vmem>>
        %parallel_loop3A_849 = tpu.memref_squeeze %parallel_loop3A_848 : memref<1x320x128xf32, #tpu.memory_space<vmem>> -> memref<320x128xf32, #tpu.memory_space<vmem>>
        %parallel_loop3A_850 = tpu.vector_load_idx %parallel_loop3A_849[%parallel_loop3A_845, %parallel_loop3A_670] : memref<320x128xf32, #tpu.memory_space<vmem>>[vector<16xi32>, vector<16xi32>], vector<16xf32>,
        %parallel_loop3A_851 = arith.mulf %parallel_loop3A_675, %parallel_loop3A_850 : vector<16xf32>
        %parallel_loop3A_852 = arith.addf %parallel_loop3A_666, %parallel_loop3A_851 : vector<16xf32>
        %parallel_loop3A_853 = arith.constant 17 : i32
        %parallel_loop3A_854 = vector.broadcast %parallel_loop3A_853 : i32 to vector<16xi32>
        %parallel_loop3A_855 = arith.addi %mul3A_291, %parallel_loop3A_854 : vector<16xi32>
        %parallel_loop3A_856 = arith.constant 0 : i32
        %parallel_loop3A_857 = arith.constant 0 : i32
        %parallel_loop3A_858 = tpu.memref_slice %arg14[%parallel_loop3A_297, %parallel_loop3A_856, %parallel_loop3A_857] : memref<2x320x128xf32, #tpu.memory_space<vmem>> -> memref<1x320x128xf32, #tpu.memory_space<vmem>>
        %parallel_loop3A_859 = tpu.memref_squeeze %parallel_loop3A_858 : memref<1x320x128xf32, #tpu.memory_space<vmem>> -> memref<320x128xf32, #tpu.memory_space<vmem>>
        %parallel_loop3A_860 = tpu.vector_load_idx %parallel_loop3A_859[%parallel_loop3A_855, %parallel_loop3A_670] : memref<320x128xf32, #tpu.memory_space<vmem>>[vector<16xi32>, vector<16xi32>], vector<16xf32>,
        %parallel_loop3A_861 = arith.mulf %parallel_loop3A_675, %parallel_loop3A_860 : vector<16xf32>
        %parallel_loop3A_862 = arith.addf %parallel_loop3A_667, %parallel_loop3A_861 : vector<16xf32>
        %parallel_loop3A_863 = arith.constant 18 : i32
        %parallel_loop3A_864 = vector.broadcast %parallel_loop3A_863 : i32 to vector<16xi32>
        %parallel_loop3A_865 = arith.addi %mul3A_291, %parallel_loop3A_864 : vector<16xi32>
        %parallel_loop3A_866 = arith.constant 0 : i32
        %parallel_loop3A_867 = arith.constant 0 : i32
        %parallel_loop3A_868 = tpu.memref_slice %arg14[%parallel_loop3A_297, %parallel_loop3A_866, %parallel_loop3A_867] : memref<2x320x128xf32, #tpu.memory_space<vmem>> -> memref<1x320x128xf32, #tpu.memory_space<vmem>>
        %parallel_loop3A_869 = tpu.memref_squeeze %parallel_loop3A_868 : memref<1x320x128xf32, #tpu.memory_space<vmem>> -> memref<320x128xf32, #tpu.memory_space<vmem>>
        %parallel_loop3A_870 = tpu.vector_load_idx %parallel_loop3A_869[%parallel_loop3A_865, %parallel_loop3A_670] : memref<320x128xf32, #tpu.memory_space<vmem>>[vector<16xi32>, vector<16xi32>], vector<16xf32>,
        %parallel_loop3A_871 = arith.mulf %parallel_loop3A_675, %parallel_loop3A_870 : vector<16xf32>
        %parallel_loop3A_872 = arith.addf %parallel_loop3A_668, %parallel_loop3A_871 : vector<16xf32>
        %parallel_loop3A_873 = arith.constant 19 : i32
        %parallel_loop3A_874 = vector.broadcast %parallel_loop3A_873 : i32 to vector<16xi32>
        %parallel_loop3A_875 = arith.addi %mul3A_291, %parallel_loop3A_874 : vector<16xi32>
        %parallel_loop3A_876 = arith.constant 0 : i32
        %parallel_loop3A_877 = arith.constant 0 : i32
        %parallel_loop3A_878 = tpu.memref_slice %arg14[%parallel_loop3A_297, %parallel_loop3A_876, %parallel_loop3A_877] : memref<2x320x128xf32, #tpu.memory_space<vmem>> -> memref<1x320x128xf32, #tpu.memory_space<vmem>>
        %parallel_loop3A_879 = tpu.memref_squeeze %parallel_loop3A_878 : memref<1x320x128xf32, #tpu.memory_space<vmem>> -> memref<320x128xf32, #tpu.memory_space<vmem>>
        %parallel_loop3A_880 = tpu.vector_load_idx %parallel_loop3A_879[%parallel_loop3A_875, %parallel_loop3A_670] : memref<320x128xf32, #tpu.memory_space<vmem>>[vector<16xi32>, vector<16xi32>], vector<16xf32>,
        %parallel_loop3A_881 = arith.mulf %parallel_loop3A_675, %parallel_loop3A_880 : vector<16xf32>
        %parallel_loop3A_882 = arith.addf %parallel_loop3A_669, %parallel_loop3A_881 : vector<16xf32>
        scf.yield %parallel_loop3A_682, %parallel_loop3A_692, %parallel_loop3A_702, %parallel_loop3A_712, %parallel_loop3A_722, %parallel_loop3A_732, %parallel_loop3A_742, %parallel_loop3A_752, %parallel_loop3A_762, %parallel_loop3A_772, %parallel_loop3A_782, %parallel_loop3A_792, %parallel_loop3A_802, %parallel_loop3A_812, %parallel_loop3A_822, %parallel_loop3A_832, %parallel_loop3A_842, %parallel_loop3A_852, %parallel_loop3A_862, %parallel_loop3A_872, %parallel_loop3A_882 : vector<16xf32>, vector<16xf32>, vector<16xf32>, vector<16xf32>, vector<16xf32>, vector<16xf32>, vector<16xf32>, vector<16xf32>, vector<16xf32>, vector<16xf32>, vector<16xf32>, vector<16xf32>, vector<16xf32>, vector<16xf32>, vector<16xf32>, vector<16xf32>, vector<16xf32>, vector<16xf32>, vector<16xf32>, vector<16xf32>, vector<16xf32>
      } {sc.loop_unroll_factor = 4 : i64, sc.parallel_access}
      %mul3A_299 = arith.constant 16 : i32
      %mul3A_300 = arith.muli %mul3A_100, %mul3A_299 : i32
      %swap3A = arith.index_cast %mul3A_300 : i32 to index
      %swap3A_301 = tpu.vector_load %arg15[%swap3A] {strides = array<i32>} : memref<512xf32, #tpu.memory_space<vmem>>, vector<16xf32>,
      tpu.vector_store %arg15[%swap3A], %parallel_loop3A_298#0 {strides = array<i32>} : memref<512xf32, #tpu.memory_space<vmem>>, vector<16xf32>,
      %mul3A_302 = arith.constant 320 : i32
      %mul3A_303 = arith.muli %mul3A_100, %mul3A_302 : i32
      %add3A_304 = arith.constant 0 : i32
      %add3A_305 = arith.addi %mul3A_303, %add3A_304 : i32
      %swap3A_306 = arith.index_cast %add3A_305 : i32 to index
      %swap3A_307 = tpu.vector_load %arg16[%swap3A_306] {strides = array<i32>} : memref<10240xf32, #tpu.memory_space<vmem>>, vector<16xf32>,
      tpu.vector_store %arg16[%swap3A_306], %parallel_loop3A_298#1 {strides = array<i32>} : memref<10240xf32, #tpu.memory_space<vmem>>, vector<16xf32>,
      %mul3A_308 = arith.constant 320 : i32
      %mul3A_309 = arith.muli %mul3A_100, %mul3A_308 : i32
      %add3A_310 = arith.constant 16 : i32
      %add3A_311 = arith.addi %mul3A_309, %add3A_310 : i32
      %swap3A_312 = arith.index_cast %add3A_311 : i32 to index
      %swap3A_313 = tpu.vector_load %arg16[%swap3A_312] {strides = array<i32>} : memref<10240xf32, #tpu.memory_space<vmem>>, vector<16xf32>,
      tpu.vector_store %arg16[%swap3A_312], %parallel_loop3A_298#2 {strides = array<i32>} : memref<10240xf32, #tpu.memory_space<vmem>>, vector<16xf32>,
      %mul3A_314 = arith.constant 320 : i32
      %mul3A_315 = arith.muli %mul3A_100, %mul3A_314 : i32
      %add3A_316 = arith.constant 32 : i32
      %add3A_317 = arith.addi %mul3A_315, %add3A_316 : i32
      %swap3A_318 = arith.index_cast %add3A_317 : i32 to index
      %swap3A_319 = tpu.vector_load %arg16[%swap3A_318] {strides = array<i32>} : memref<10240xf32, #tpu.memory_space<vmem>>, vector<16xf32>,
      tpu.vector_store %arg16[%swap3A_318], %parallel_loop3A_298#3 {strides = array<i32>} : memref<10240xf32, #tpu.memory_space<vmem>>, vector<16xf32>,
      %mul3A_320 = arith.constant 320 : i32
      %mul3A_321 = arith.muli %mul3A_100, %mul3A_320 : i32
      %add3A_322 = arith.constant 48 : i32
      %add3A_323 = arith.addi %mul3A_321, %add3A_322 : i32
      %swap3A_324 = arith.index_cast %add3A_323 : i32 to index
      %swap3A_325 = tpu.vector_load %arg16[%swap3A_324] {strides = array<i32>} : memref<10240xf32, #tpu.memory_space<vmem>>, vector<16xf32>,
      tpu.vector_store %arg16[%swap3A_324], %parallel_loop3A_298#4 {strides = array<i32>} : memref<10240xf32, #tpu.memory_space<vmem>>, vector<16xf32>,
      %mul3A_326 = arith.constant 320 : i32
      %mul3A_327 = arith.muli %mul3A_100, %mul3A_326 : i32
      %add3A_328 = arith.constant 64 : i32
      %add3A_329 = arith.addi %mul3A_327, %add3A_328 : i32
      %swap3A_330 = arith.index_cast %add3A_329 : i32 to index
      %swap3A_331 = tpu.vector_load %arg16[%swap3A_330] {strides = array<i32>} : memref<10240xf32, #tpu.memory_space<vmem>>, vector<16xf32>,
      tpu.vector_store %arg16[%swap3A_330], %parallel_loop3A_298#5 {strides = array<i32>} : memref<10240xf32, #tpu.memory_space<vmem>>, vector<16xf32>,
      %mul3A_332 = arith.constant 320 : i32
      %mul3A_333 = arith.muli %mul3A_100, %mul3A_332 : i32
      %add3A_334 = arith.constant 80 : i32
      %add3A_335 = arith.addi %mul3A_333, %add3A_334 : i32
      %swap3A_336 = arith.index_cast %add3A_335 : i32 to index
      %swap3A_337 = tpu.vector_load %arg16[%swap3A_336] {strides = array<i32>} : memref<10240xf32, #tpu.memory_space<vmem>>, vector<16xf32>,
      tpu.vector_store %arg16[%swap3A_336], %parallel_loop3A_298#6 {strides = array<i32>} : memref<10240xf32, #tpu.memory_space<vmem>>, vector<16xf32>,
      %mul3A_338 = arith.constant 320 : i32
      %mul3A_339 = arith.muli %mul3A_100, %mul3A_338 : i32
      %add3A_340 = arith.constant 96 : i32
      %add3A_341 = arith.addi %mul3A_339, %add3A_340 : i32
      %swap3A_342 = arith.index_cast %add3A_341 : i32 to index
      %swap3A_343 = tpu.vector_load %arg16[%swap3A_342] {strides = array<i32>} : memref<10240xf32, #tpu.memory_space<vmem>>, vector<16xf32>,
      tpu.vector_store %arg16[%swap3A_342], %parallel_loop3A_298#7 {strides = array<i32>} : memref<10240xf32, #tpu.memory_space<vmem>>, vector<16xf32>,
      %mul3A_344 = arith.constant 320 : i32
      %mul3A_345 = arith.muli %mul3A_100, %mul3A_344 : i32
      %add3A_346 = arith.constant 112 : i32
      %add3A_347 = arith.addi %mul3A_345, %add3A_346 : i32
      %swap3A_348 = arith.index_cast %add3A_347 : i32 to index
      %swap3A_349 = tpu.vector_load %arg16[%swap3A_348] {strides = array<i32>} : memref<10240xf32, #tpu.memory_space<vmem>>, vector<16xf32>,
      tpu.vector_store %arg16[%swap3A_348], %parallel_loop3A_298#8 {strides = array<i32>} : memref<10240xf32, #tpu.memory_space<vmem>>, vector<16xf32>,
      %mul3A_350 = arith.constant 320 : i32
      %mul3A_351 = arith.muli %mul3A_100, %mul3A_350 : i32
      %add3A_352 = arith.constant 128 : i32
      %add3A_353 = arith.addi %mul3A_351, %add3A_352 : i32
      %swap3A_354 = arith.index_cast %add3A_353 : i32 to index
      %swap3A_355 = tpu.vector_load %arg16[%swap3A_354] {strides = array<i32>} : memref<10240xf32, #tpu.memory_space<vmem>>, vector<16xf32>,
      tpu.vector_store %arg16[%swap3A_354], %parallel_loop3A_298#9 {strides = array<i32>} : memref<10240xf32, #tpu.memory_space<vmem>>, vector<16xf32>,
      %mul3A_356 = arith.constant 320 : i32
      %mul3A_357 = arith.muli %mul3A_100, %mul3A_356 : i32
      %add3A_358 = arith.constant 144 : i32
      %add3A_359 = arith.addi %mul3A_357, %add3A_358 : i32
      %swap3A_360 = arith.index_cast %add3A_359 : i32 to index
      %swap3A_361 = tpu.vector_load %arg16[%swap3A_360] {strides = array<i32>} : memref<10240xf32, #tpu.memory_space<vmem>>, vector<16xf32>,
      tpu.vector_store %arg16[%swap3A_360], %parallel_loop3A_298#10 {strides = array<i32>} : memref<10240xf32, #tpu.memory_space<vmem>>, vector<16xf32>,
      %mul3A_362 = arith.constant 320 : i32
      %mul3A_363 = arith.muli %mul3A_100, %mul3A_362 : i32
      %add3A_364 = arith.constant 160 : i32
      %add3A_365 = arith.addi %mul3A_363, %add3A_364 : i32
      %swap3A_366 = arith.index_cast %add3A_365 : i32 to index
      %swap3A_367 = tpu.vector_load %arg16[%swap3A_366] {strides = array<i32>} : memref<10240xf32, #tpu.memory_space<vmem>>, vector<16xf32>,
      tpu.vector_store %arg16[%swap3A_366], %parallel_loop3A_298#11 {strides = array<i32>} : memref<10240xf32, #tpu.memory_space<vmem>>, vector<16xf32>,
      %mul3A_368 = arith.constant 320 : i32
      %mul3A_369 = arith.muli %mul3A_100, %mul3A_368 : i32
      %add3A_370 = arith.constant 176 : i32
      %add3A_371 = arith.addi %mul3A_369, %add3A_370 : i32
      %swap3A_372 = arith.index_cast %add3A_371 : i32 to index
      %swap3A_373 = tpu.vector_load %arg16[%swap3A_372] {strides = array<i32>} : memref<10240xf32, #tpu.memory_space<vmem>>, vector<16xf32>,
      tpu.vector_store %arg16[%swap3A_372], %parallel_loop3A_298#12 {strides = array<i32>} : memref<10240xf32, #tpu.memory_space<vmem>>, vector<16xf32>,
      %mul3A_374 = arith.constant 320 : i32
      %mul3A_375 = arith.muli %mul3A_100, %mul3A_374 : i32
      %add3A_376 = arith.constant 192 : i32
      %add3A_377 = arith.addi %mul3A_375, %add3A_376 : i32
      %swap3A_378 = arith.index_cast %add3A_377 : i32 to index
      %swap3A_379 = tpu.vector_load %arg16[%swap3A_378] {strides = array<i32>} : memref<10240xf32, #tpu.memory_space<vmem>>, vector<16xf32>,
      tpu.vector_store %arg16[%swap3A_378], %parallel_loop3A_298#13 {strides = array<i32>} : memref<10240xf32, #tpu.memory_space<vmem>>, vector<16xf32>,
      %mul3A_380 = arith.constant 320 : i32
      %mul3A_381 = arith.muli %mul3A_100, %mul3A_380 : i32
      %add3A_382 = arith.constant 208 : i32
      %add3A_383 = arith.addi %mul3A_381, %add3A_382 : i32
      %swap3A_384 = arith.index_cast %add3A_383 : i32 to index
      %swap3A_385 = tpu.vector_load %arg16[%swap3A_384] {strides = array<i32>} : memref<10240xf32, #tpu.memory_space<vmem>>, vector<16xf32>,
      tpu.vector_store %arg16[%swap3A_384], %parallel_loop3A_298#14 {strides = array<i32>} : memref<10240xf32, #tpu.memory_space<vmem>>, vector<16xf32>,
      %mul3A_386 = arith.constant 320 : i32
      %mul3A_387 = arith.muli %mul3A_100, %mul3A_386 : i32
      %add3A_388 = arith.constant 224 : i32
      %add3A_389 = arith.addi %mul3A_387, %add3A_388 : i32
      %swap3A_390 = arith.index_cast %add3A_389 : i32 to index
      %swap3A_391 = tpu.vector_load %arg16[%swap3A_390] {strides = array<i32>} : memref<10240xf32, #tpu.memory_space<vmem>>, vector<16xf32>,
      tpu.vector_store %arg16[%swap3A_390], %parallel_loop3A_298#15 {strides = array<i32>} : memref<10240xf32, #tpu.memory_space<vmem>>, vector<16xf32>,
      %mul3A_392 = arith.constant 320 : i32
      %mul3A_393 = arith.muli %mul3A_100, %mul3A_392 : i32
      %add3A_394 = arith.constant 240 : i32
      %add3A_395 = arith.addi %mul3A_393, %add3A_394 : i32
      %swap3A_396 = arith.index_cast %add3A_395 : i32 to index
      %swap3A_397 = tpu.vector_load %arg16[%swap3A_396] {strides = array<i32>} : memref<10240xf32, #tpu.memory_space<vmem>>, vector<16xf32>,
      tpu.vector_store %arg16[%swap3A_396], %parallel_loop3A_298#16 {strides = array<i32>} : memref<10240xf32, #tpu.memory_space<vmem>>, vector<16xf32>,
      %mul3A_398 = arith.constant 320 : i32
      %mul3A_399 = arith.muli %mul3A_100, %mul3A_398 : i32
      %add3A_400 = arith.constant 256 : i32
      %add3A_401 = arith.addi %mul3A_399, %add3A_400 : i32
      %swap3A_402 = arith.index_cast %add3A_401 : i32 to index
      %swap3A_403 = tpu.vector_load %arg16[%swap3A_402] {strides = array<i32>} : memref<10240xf32, #tpu.memory_space<vmem>>, vector<16xf32>,
      tpu.vector_store %arg16[%swap3A_402], %parallel_loop3A_298#17 {strides = array<i32>} : memref<10240xf32, #tpu.memory_space<vmem>>, vector<16xf32>,
      %mul3A_404 = arith.constant 320 : i32
      %mul3A_405 = arith.muli %mul3A_100, %mul3A_404 : i32
      %add3A_406 = arith.constant 272 : i32
      %add3A_407 = arith.addi %mul3A_405, %add3A_406 : i32
      %swap3A_408 = arith.index_cast %add3A_407 : i32 to index
      %swap3A_409 = tpu.vector_load %arg16[%swap3A_408] {strides = array<i32>} : memref<10240xf32, #tpu.memory_space<vmem>>, vector<16xf32>,
      tpu.vector_store %arg16[%swap3A_408], %parallel_loop3A_298#18 {strides = array<i32>} : memref<10240xf32, #tpu.memory_space<vmem>>, vector<16xf32>,
      %mul3A_410 = arith.constant 320 : i32
      %mul3A_411 = arith.muli %mul3A_100, %mul3A_410 : i32
      %add3A_412 = arith.constant 288 : i32
      %add3A_413 = arith.addi %mul3A_411, %add3A_412 : i32
      %swap3A_414 = arith.index_cast %add3A_413 : i32 to index
      %swap3A_415 = tpu.vector_load %arg16[%swap3A_414] {strides = array<i32>} : memref<10240xf32, #tpu.memory_space<vmem>>, vector<16xf32>,
      tpu.vector_store %arg16[%swap3A_414], %parallel_loop3A_298#19 {strides = array<i32>} : memref<10240xf32, #tpu.memory_space<vmem>>, vector<16xf32>,
      %mul3A_416 = arith.constant 320 : i32
      %mul3A_417 = arith.muli %mul3A_100, %mul3A_416 : i32
      %add3A_418 = arith.constant 304 : i32
      %add3A_419 = arith.addi %mul3A_417, %add3A_418 : i32
      %swap3A_420 = arith.index_cast %add3A_419 : i32 to index
      %swap3A_421 = tpu.vector_load %arg16[%swap3A_420] {strides = array<i32>} : memref<10240xf32, #tpu.memory_space<vmem>>, vector<16xf32>,
      tpu.vector_store %arg16[%swap3A_420], %parallel_loop3A_298#20 {strides = array<i32>} : memref<10240xf32, #tpu.memory_space<vmem>>, vector<16xf32>,
      %lt3A = arith.constant 15 : i32
      %lt3A_422 = arith.cmpi slt, %scan3A_97, %lt3A : i32
      %convert_element_type3A = arith.extui %lt3A_422 : i1 to i32
      %cond3A = arith.constant 0 : i32
      %cond3A_423 = arith.cmpi ne, %convert_element_type3A, %cond3A : i32
      scf.if %cond3A_423 {
        %add3A_648 = arith.constant 2 : i32
        %add3A_649 = arith.addi %mul3A_100, %add3A_648 : i32
        %mul3A_650 = arith.constant 16 : i32
        %mul3A_651 = arith.muli %add3A_649, %mul3A_650 : i32
        %dma_start3A_652 = arith.constant 0 : i32
        %dma_start3A_653 = arith.constant 0 : i32
        %dma_start3A_654 = arith.constant 0 : i32
        %dma_start3A_655 = tpu.memref_slice %arg12[%dma_start3A_652, %dma_start3A_653, %dma_start3A_654] : memref<2x16x128xf32, #tpu.memory_space<vmem>> -> memref<1x16x128xf32, #tpu.memory_space<vmem>>
        %dma_start3A_656 = tpu.memref_squeeze %dma_start3A_655 : memref<1x16x128xf32, #tpu.memory_space<vmem>> -> memref<16x128xf32, #tpu.memory_space<vmem>>
        %dma_start3A_657 = tpu.memref_slice %arg9[%mul3A_651] : memref<512xi32, #tpu.memory_space<vmem>> -> memref<16xi32, #tpu.memory_space<vmem>>
        %dma_start3A_658 = arith.constant 0 : i32
        %dma_start3A_659 = arith.constant 0 : i32
        %dma_start3A_660 = tpu.memref_slice %arg5[%dma_start3A_658, %dma_start3A_659] : memref<1000000x128xf32, #tpu.memory_space<hbm>> -> memref<1000000x128xf32, #tpu.memory_space<hbm>>
        tpu.enqueue_indirect_dma source(%dma_start3A_660 : memref<1000000x128xf32, #tpu.memory_space<hbm>>) target(%dma_start3A_656 : memref<16x128xf32, #tpu.memory_space<vmem>>) offsets(%dma_start3A_657 : memref<16xi32, #tpu.memory_space<vmem>>) semaphore(%arg17 : memref<!tpu.dma_semaphore, #tpu.memory_space<semaphore_mem>>)
        %mul3A_661 = arith.constant 16 : i32
        %mul3A_662 = arith.muli %add3A_649, %mul3A_661 : i32
        %dma_start3A_663 = arith.constant 0 : i32
        %dma_start3A_664 = arith.constant 0 : i32
        %dma_start3A_665 = arith.constant 0 : i32
        %dma_start3A_666 = tpu.memref_slice %arg13[%dma_start3A_663, %dma_start3A_664, %dma_start3A_665] : memref<2x16x128xf32, #tpu.memory_space<vmem>> -> memref<1x16x128xf32, #tpu.memory_space<vmem>>
        %dma_start3A_667 = tpu.memref_squeeze %dma_start3A_666 : memref<1x16x128xf32, #tpu.memory_space<vmem>> -> memref<16x128xf32, #tpu.memory_space<vmem>>
        %dma_start3A_668 = tpu.memref_slice %arg10[%mul3A_662] : memref<512xi32, #tpu.memory_space<vmem>> -> memref<16xi32, #tpu.memory_space<vmem>>
        %dma_start3A_669 = arith.constant 0 : i32
        %dma_start3A_670 = arith.constant 0 : i32
        %dma_start3A_671 = tpu.memref_slice %arg6[%dma_start3A_669, %dma_start3A_670] : memref<1000000x128xf32, #tpu.memory_space<hbm>> -> memref<1000000x128xf32, #tpu.memory_space<hbm>>
        tpu.enqueue_indirect_dma source(%dma_start3A_671 : memref<1000000x128xf32, #tpu.memory_space<hbm>>) target(%dma_start3A_667 : memref<16x128xf32, #tpu.memory_space<vmem>>) offsets(%dma_start3A_668 : memref<16xi32, #tpu.memory_space<vmem>>) semaphore(%arg17 : memref<!tpu.dma_semaphore, #tpu.memory_space<semaphore_mem>>)
        %mul3A_672 = arith.constant 320 : i32
        %mul3A_673 = arith.muli %add3A_649, %mul3A_672 : i32
        %add3A_674 = arith.constant 0 : i32
        %add3A_675 = arith.addi %mul3A_673, %add3A_674 : i32
        %dma_start3A_676 = arith.constant 0 : i32
        %dma_start3A_677 = arith.constant 0 : i32
        %dma_start3A_678 = arith.constant 0 : i32
        %dma_start3A_679 = tpu.memref_slice %arg14[%dma_start3A_676, %dma_start3A_677, %dma_start3A_678] : memref<2x320x128xf32, #tpu.memory_space<vmem>> -> memref<1x320x128xf32, #tpu.memory_space<vmem>>
        %dma_start3A_680 = tpu.memref_squeeze %dma_start3A_679 : memref<1x320x128xf32, #tpu.memory_space<vmem>> -> memref<320x128xf32, #tpu.memory_space<vmem>>
        %dma_start3A_681 = arith.constant 0 : i32
        %dma_start3A_682 = arith.constant 0 : i32
        %dma_start3A_683 = tpu.memref_slice %dma_start3A_680[%dma_start3A_681, %dma_start3A_682] : memref<320x128xf32, #tpu.memory_space<vmem>> -> memref<64x128xf32, #tpu.memory_space<vmem>>
        %dma_start3A_684 = tpu.memref_slice %arg11[%add3A_675] : memref<10240xi32, #tpu.memory_space<vmem>> -> memref<64xi32, #tpu.memory_space<vmem>>
        %dma_start3A_685 = arith.constant 0 : i32
        %dma_start3A_686 = arith.constant 0 : i32
        %dma_start3A_687 = tpu.memref_slice %arg6[%dma_start3A_685, %dma_start3A_686] : memref<1000000x128xf32, #tpu.memory_space<hbm>> -> memref<1000000x128xf32, #tpu.memory_space<hbm>>
        tpu.enqueue_indirect_dma source(%dma_start3A_687 : memref<1000000x128xf32, #tpu.memory_space<hbm>>) target(%dma_start3A_683 : memref<64x128xf32, #tpu.memory_space<vmem>>) offsets(%dma_start3A_684 : memref<64xi32, #tpu.memory_space<vmem>>) semaphore(%arg17 : memref<!tpu.dma_semaphore, #tpu.memory_space<semaphore_mem>>)
        %mul3A_688 = arith.constant 320 : i32
        %mul3A_689 = arith.muli %add3A_649, %mul3A_688 : i32
        %add3A_690 = arith.constant 64 : i32
        %add3A_691 = arith.addi %mul3A_689, %add3A_690 : i32
        %dma_start3A_692 = arith.constant 0 : i32
        %dma_start3A_693 = arith.constant 0 : i32
        %dma_start3A_694 = arith.constant 0 : i32
        %dma_start3A_695 = tpu.memref_slice %arg14[%dma_start3A_692, %dma_start3A_693, %dma_start3A_694] : memref<2x320x128xf32, #tpu.memory_space<vmem>> -> memref<1x320x128xf32, #tpu.memory_space<vmem>>
        %dma_start3A_696 = tpu.memref_squeeze %dma_start3A_695 : memref<1x320x128xf32, #tpu.memory_space<vmem>> -> memref<320x128xf32, #tpu.memory_space<vmem>>
        %dma_start3A_697 = arith.constant 64 : i32
        %dma_start3A_698 = arith.constant 0 : i32
        %dma_start3A_699 = tpu.memref_slice %dma_start3A_696[%dma_start3A_697, %dma_start3A_698] : memref<320x128xf32, #tpu.memory_space<vmem>> -> memref<64x128xf32, #tpu.memory_space<vmem>>
        %dma_start3A_700 = tpu.memref_slice %arg11[%add3A_691] : memref<10240xi32, #tpu.memory_space<vmem>> -> memref<64xi32, #tpu.memory_space<vmem>>
        %dma_start3A_701 = arith.constant 0 : i32
        %dma_start3A_702 = arith.constant 0 : i32
        %dma_start3A_703 = tpu.memref_slice %arg6[%dma_start3A_701, %dma_start3A_702] : memref<1000000x128xf32, #tpu.memory_space<hbm>> -> memref<1000000x128xf32, #tpu.memory_space<hbm>>
        tpu.enqueue_indirect_dma source(%dma_start3A_703 : memref<1000000x128xf32, #tpu.memory_space<hbm>>) target(%dma_start3A_699 : memref<64x128xf32, #tpu.memory_space<vmem>>) offsets(%dma_start3A_700 : memref<64xi32, #tpu.memory_space<vmem>>) semaphore(%arg17 : memref<!tpu.dma_semaphore, #tpu.memory_space<semaphore_mem>>)
        %mul3A_704 = arith.constant 320 : i32
        %mul3A_705 = arith.muli %add3A_649, %mul3A_704 : i32
        %add3A_706 = arith.constant 128 : i32
        %add3A_707 = arith.addi %mul3A_705, %add3A_706 : i32
        %dma_start3A_708 = arith.constant 0 : i32
        %dma_start3A_709 = arith.constant 0 : i32
        %dma_start3A_710 = arith.constant 0 : i32
        %dma_start3A_711 = tpu.memref_slice %arg14[%dma_start3A_708, %dma_start3A_709, %dma_start3A_710] : memref<2x320x128xf32, #tpu.memory_space<vmem>> -> memref<1x320x128xf32, #tpu.memory_space<vmem>>
        %dma_start3A_712 = tpu.memref_squeeze %dma_start3A_711 : memref<1x320x128xf32, #tpu.memory_space<vmem>> -> memref<320x128xf32, #tpu.memory_space<vmem>>
        %dma_start3A_713 = arith.constant 128 : i32
        %dma_start3A_714 = arith.constant 0 : i32
        %dma_start3A_715 = tpu.memref_slice %dma_start3A_712[%dma_start3A_713, %dma_start3A_714] : memref<320x128xf32, #tpu.memory_space<vmem>> -> memref<64x128xf32, #tpu.memory_space<vmem>>
        %dma_start3A_716 = tpu.memref_slice %arg11[%add3A_707] : memref<10240xi32, #tpu.memory_space<vmem>> -> memref<64xi32, #tpu.memory_space<vmem>>
        %dma_start3A_717 = arith.constant 0 : i32
        %dma_start3A_718 = arith.constant 0 : i32
        %dma_start3A_719 = tpu.memref_slice %arg6[%dma_start3A_717, %dma_start3A_718] : memref<1000000x128xf32, #tpu.memory_space<hbm>> -> memref<1000000x128xf32, #tpu.memory_space<hbm>>
        tpu.enqueue_indirect_dma source(%dma_start3A_719 : memref<1000000x128xf32, #tpu.memory_space<hbm>>) target(%dma_start3A_715 : memref<64x128xf32, #tpu.memory_space<vmem>>) offsets(%dma_start3A_716 : memref<64xi32, #tpu.memory_space<vmem>>) semaphore(%arg17 : memref<!tpu.dma_semaphore, #tpu.memory_space<semaphore_mem>>)
        %mul3A_720 = arith.constant 320 : i32
        %mul3A_721 = arith.muli %add3A_649, %mul3A_720 : i32
        %add3A_722 = arith.constant 192 : i32
        %add3A_723 = arith.addi %mul3A_721, %add3A_722 : i32
        %dma_start3A_724 = arith.constant 0 : i32
        %dma_start3A_725 = arith.constant 0 : i32
        %dma_start3A_726 = arith.constant 0 : i32
        %dma_start3A_727 = tpu.memref_slice %arg14[%dma_start3A_724, %dma_start3A_725, %dma_start3A_726] : memref<2x320x128xf32, #tpu.memory_space<vmem>> -> memref<1x320x128xf32, #tpu.memory_space<vmem>>
        %dma_start3A_728 = tpu.memref_squeeze %dma_start3A_727 : memref<1x320x128xf32, #tpu.memory_space<vmem>> -> memref<320x128xf32, #tpu.memory_space<vmem>>
        %dma_start3A_729 = arith.constant 192 : i32
        %dma_start3A_730 = arith.constant 0 : i32
        %dma_start3A_731 = tpu.memref_slice %dma_start3A_728[%dma_start3A_729, %dma_start3A_730] : memref<320x128xf32, #tpu.memory_space<vmem>> -> memref<64x128xf32, #tpu.memory_space<vmem>>
        %dma_start3A_732 = tpu.memref_slice %arg11[%add3A_723] : memref<10240xi32, #tpu.memory_space<vmem>> -> memref<64xi32, #tpu.memory_space<vmem>>
        %dma_start3A_733 = arith.constant 0 : i32
        %dma_start3A_734 = arith.constant 0 : i32
        %dma_start3A_735 = tpu.memref_slice %arg6[%dma_start3A_733, %dma_start3A_734] : memref<1000000x128xf32, #tpu.memory_space<hbm>> -> memref<1000000x128xf32, #tpu.memory_space<hbm>>
        tpu.enqueue_indirect_dma source(%dma_start3A_735 : memref<1000000x128xf32, #tpu.memory_space<hbm>>) target(%dma_start3A_731 : memref<64x128xf32, #tpu.memory_space<vmem>>) offsets(%dma_start3A_732 : memref<64xi32, #tpu.memory_space<vmem>>) semaphore(%arg17 : memref<!tpu.dma_semaphore, #tpu.memory_space<semaphore_mem>>)
        %mul3A_736 = arith.constant 320 : i32
        %mul3A_737 = arith.muli %add3A_649, %mul3A_736 : i32
        %add3A_738 = arith.constant 256 : i32
        %add3A_739 = arith.addi %mul3A_737, %add3A_738 : i32
        %dma_start3A_740 = arith.constant 0 : i32
        %dma_start3A_741 = arith.constant 0 : i32
        %dma_start3A_742 = arith.constant 0 : i32
        %dma_start3A_743 = tpu.memref_slice %arg14[%dma_start3A_740, %dma_start3A_741, %dma_start3A_742] : memref<2x320x128xf32, #tpu.memory_space<vmem>> -> memref<1x320x128xf32, #tpu.memory_space<vmem>>
        %dma_start3A_744 = tpu.memref_squeeze %dma_start3A_743 : memref<1x320x128xf32, #tpu.memory_space<vmem>> -> memref<320x128xf32, #tpu.memory_space<vmem>>
        %dma_start3A_745 = arith.constant 256 : i32
        %dma_start3A_746 = arith.constant 0 : i32
        %dma_start3A_747 = tpu.memref_slice %dma_start3A_744[%dma_start3A_745, %dma_start3A_746] : memref<320x128xf32, #tpu.memory_space<vmem>> -> memref<64x128xf32, #tpu.memory_space<vmem>>
        %dma_start3A_748 = tpu.memref_slice %arg11[%add3A_739] : memref<10240xi32, #tpu.memory_space<vmem>> -> memref<64xi32, #tpu.memory_space<vmem>>
        %dma_start3A_749 = arith.constant 0 : i32
        %dma_start3A_750 = arith.constant 0 : i32
        %dma_start3A_751 = tpu.memref_slice %arg6[%dma_start3A_749, %dma_start3A_750] : memref<1000000x128xf32, #tpu.memory_space<hbm>> -> memref<1000000x128xf32, #tpu.memory_space<hbm>>
        tpu.enqueue_indirect_dma source(%dma_start3A_751 : memref<1000000x128xf32, #tpu.memory_space<hbm>>) target(%dma_start3A_747 : memref<64x128xf32, #tpu.memory_space<vmem>>) offsets(%dma_start3A_748 : memref<64xi32, #tpu.memory_space<vmem>>) semaphore(%arg17 : memref<!tpu.dma_semaphore, #tpu.memory_space<semaphore_mem>>)
      } else {
      }
      %dma_wait3A_424 = arith.constant 1 : i32
      %dma_wait3A_425 = arith.constant 0 : i32
      %dma_wait3A_426 = arith.constant 0 : i32
      %dma_wait3A_427 = tpu.memref_slice %arg12[%dma_wait3A_424, %dma_wait3A_425, %dma_wait3A_426] : memref<2x16x128xf32, #tpu.memory_space<vmem>> -> memref<1x16x128xf32, #tpu.memory_space<vmem>>
      %dma_wait3A_428 = tpu.memref_squeeze %dma_wait3A_427 : memref<1x16x128xf32, #tpu.memory_space<vmem>> -> memref<16x128xf32, #tpu.memory_space<vmem>>
      %dma_wait3A_429 = arith.constant 0 : i32
      %dma_wait3A_430 = tpu.memref_slice %arg9[%dma_wait3A_429] : memref<512xi32, #tpu.memory_space<vmem>> -> memref<16xi32, #tpu.memory_space<vmem>>
      %dma_wait3A_431 = arith.constant 0 : i32
      %dma_wait3A_432 = arith.constant 0 : i32
      %dma_wait3A_433 = tpu.memref_slice %arg5[%dma_wait3A_431, %dma_wait3A_432] : memref<1000000x128xf32, #tpu.memory_space<hbm>> -> memref<1000000x128xf32, #tpu.memory_space<hbm>>
      tpu.wait_indirect_dma semaphore(%arg18 : memref<!tpu.dma_semaphore, #tpu.memory_space<semaphore_mem>>) src(%dma_wait3A_433 : memref<1000000x128xf32, #tpu.memory_space<hbm>>) dst(%dma_wait3A_428 : memref<16x128xf32, #tpu.memory_space<vmem>>)
      %dma_wait3A_434 = arith.constant 1 : i32
      %dma_wait3A_435 = arith.constant 0 : i32
      %dma_wait3A_436 = arith.constant 0 : i32
      %dma_wait3A_437 = tpu.memref_slice %arg13[%dma_wait3A_434, %dma_wait3A_435, %dma_wait3A_436] : memref<2x16x128xf32, #tpu.memory_space<vmem>> -> memref<1x16x128xf32, #tpu.memory_space<vmem>>
      %dma_wait3A_438 = tpu.memref_squeeze %dma_wait3A_437 : memref<1x16x128xf32, #tpu.memory_space<vmem>> -> memref<16x128xf32, #tpu.memory_space<vmem>>
      %dma_wait3A_439 = arith.constant 0 : i32
      %dma_wait3A_440 = tpu.memref_slice %arg10[%dma_wait3A_439] : memref<512xi32, #tpu.memory_space<vmem>> -> memref<16xi32, #tpu.memory_space<vmem>>
      %dma_wait3A_441 = arith.constant 0 : i32
      %dma_wait3A_442 = arith.constant 0 : i32
      %dma_wait3A_443 = tpu.memref_slice %arg6[%dma_wait3A_441, %dma_wait3A_442] : memref<1000000x128xf32, #tpu.memory_space<hbm>> -> memref<1000000x128xf32, #tpu.memory_space<hbm>>
      tpu.wait_indirect_dma semaphore(%arg18 : memref<!tpu.dma_semaphore, #tpu.memory_space<semaphore_mem>>) src(%dma_wait3A_443 : memref<1000000x128xf32, #tpu.memory_space<hbm>>) dst(%dma_wait3A_438 : memref<16x128xf32, #tpu.memory_space<vmem>>)
      %dma_wait3A_444 = arith.constant 1 : i32
      %dma_wait3A_445 = arith.constant 0 : i32
      %dma_wait3A_446 = arith.constant 0 : i32
      %dma_wait3A_447 = tpu.memref_slice %arg14[%dma_wait3A_444, %dma_wait3A_445, %dma_wait3A_446] : memref<2x320x128xf32, #tpu.memory_space<vmem>> -> memref<1x320x128xf32, #tpu.memory_space<vmem>>
      %dma_wait3A_448 = tpu.memref_squeeze %dma_wait3A_447 : memref<1x320x128xf32, #tpu.memory_space<vmem>> -> memref<320x128xf32, #tpu.memory_space<vmem>>
      %dma_wait3A_449 = arith.constant 0 : i32
      %dma_wait3A_450 = arith.constant 0 : i32
      %dma_wait3A_451 = tpu.memref_slice %dma_wait3A_448[%dma_wait3A_449, %dma_wait3A_450] : memref<320x128xf32, #tpu.memory_space<vmem>> -> memref<64x128xf32, #tpu.memory_space<vmem>>
      %dma_wait3A_452 = arith.constant 0 : i32
      %dma_wait3A_453 = tpu.memref_slice %arg11[%dma_wait3A_452] : memref<10240xi32, #tpu.memory_space<vmem>> -> memref<64xi32, #tpu.memory_space<vmem>>
      %dma_wait3A_454 = arith.constant 0 : i32
      %dma_wait3A_455 = arith.constant 0 : i32
      %dma_wait3A_456 = tpu.memref_slice %arg6[%dma_wait3A_454, %dma_wait3A_455] : memref<1000000x128xf32, #tpu.memory_space<hbm>> -> memref<1000000x128xf32, #tpu.memory_space<hbm>>
      tpu.wait_indirect_dma semaphore(%arg18 : memref<!tpu.dma_semaphore, #tpu.memory_space<semaphore_mem>>) src(%dma_wait3A_456 : memref<1000000x128xf32, #tpu.memory_space<hbm>>) dst(%dma_wait3A_451 : memref<64x128xf32, #tpu.memory_space<vmem>>)
      %dma_wait3A_457 = arith.constant 1 : i32
      %dma_wait3A_458 = arith.constant 0 : i32
      %dma_wait3A_459 = arith.constant 0 : i32
      %dma_wait3A_460 = tpu.memref_slice %arg14[%dma_wait3A_457, %dma_wait3A_458, %dma_wait3A_459] : memref<2x320x128xf32, #tpu.memory_space<vmem>> -> memref<1x320x128xf32, #tpu.memory_space<vmem>>
      %dma_wait3A_461 = tpu.memref_squeeze %dma_wait3A_460 : memref<1x320x128xf32, #tpu.memory_space<vmem>> -> memref<320x128xf32, #tpu.memory_space<vmem>>
      %dma_wait3A_462 = arith.constant 64 : i32
      %dma_wait3A_463 = arith.constant 0 : i32
      %dma_wait3A_464 = tpu.memref_slice %dma_wait3A_461[%dma_wait3A_462, %dma_wait3A_463] : memref<320x128xf32, #tpu.memory_space<vmem>> -> memref<64x128xf32, #tpu.memory_space<vmem>>
      %dma_wait3A_465 = arith.constant 64 : i32
      %dma_wait3A_466 = tpu.memref_slice %arg11[%dma_wait3A_465] : memref<10240xi32, #tpu.memory_space<vmem>> -> memref<64xi32, #tpu.memory_space<vmem>>
      %dma_wait3A_467 = arith.constant 0 : i32
      %dma_wait3A_468 = arith.constant 0 : i32
      %dma_wait3A_469 = tpu.memref_slice %arg6[%dma_wait3A_467, %dma_wait3A_468] : memref<1000000x128xf32, #tpu.memory_space<hbm>> -> memref<1000000x128xf32, #tpu.memory_space<hbm>>
      tpu.wait_indirect_dma semaphore(%arg18 : memref<!tpu.dma_semaphore, #tpu.memory_space<semaphore_mem>>) src(%dma_wait3A_469 : memref<1000000x128xf32, #tpu.memory_space<hbm>>) dst(%dma_wait3A_464 : memref<64x128xf32, #tpu.memory_space<vmem>>)
      %dma_wait3A_470 = arith.constant 1 : i32
      %dma_wait3A_471 = arith.constant 0 : i32
      %dma_wait3A_472 = arith.constant 0 : i32
      %dma_wait3A_473 = tpu.memref_slice %arg14[%dma_wait3A_470, %dma_wait3A_471, %dma_wait3A_472] : memref<2x320x128xf32, #tpu.memory_space<vmem>> -> memref<1x320x128xf32, #tpu.memory_space<vmem>>
      %dma_wait3A_474 = tpu.memref_squeeze %dma_wait3A_473 : memref<1x320x128xf32, #tpu.memory_space<vmem>> -> memref<320x128xf32, #tpu.memory_space<vmem>>
      %dma_wait3A_475 = arith.constant 128 : i32
      %dma_wait3A_476 = arith.constant 0 : i32
      %dma_wait3A_477 = tpu.memref_slice %dma_wait3A_474[%dma_wait3A_475, %dma_wait3A_476] : memref<320x128xf32, #tpu.memory_space<vmem>> -> memref<64x128xf32, #tpu.memory_space<vmem>>
      %dma_wait3A_478 = arith.constant 128 : i32
      %dma_wait3A_479 = tpu.memref_slice %arg11[%dma_wait3A_478] : memref<10240xi32, #tpu.memory_space<vmem>> -> memref<64xi32, #tpu.memory_space<vmem>>
      %dma_wait3A_480 = arith.constant 0 : i32
      %dma_wait3A_481 = arith.constant 0 : i32
      %dma_wait3A_482 = tpu.memref_slice %arg6[%dma_wait3A_480, %dma_wait3A_481] : memref<1000000x128xf32, #tpu.memory_space<hbm>> -> memref<1000000x128xf32, #tpu.memory_space<hbm>>
      tpu.wait_indirect_dma semaphore(%arg18 : memref<!tpu.dma_semaphore, #tpu.memory_space<semaphore_mem>>) src(%dma_wait3A_482 : memref<1000000x128xf32, #tpu.memory_space<hbm>>) dst(%dma_wait3A_477 : memref<64x128xf32, #tpu.memory_space<vmem>>)
      %dma_wait3A_483 = arith.constant 1 : i32
      %dma_wait3A_484 = arith.constant 0 : i32
      %dma_wait3A_485 = arith.constant 0 : i32
      %dma_wait3A_486 = tpu.memref_slice %arg14[%dma_wait3A_483, %dma_wait3A_484, %dma_wait3A_485] : memref<2x320x128xf32, #tpu.memory_space<vmem>> -> memref<1x320x128xf32, #tpu.memory_space<vmem>>
      %dma_wait3A_487 = tpu.memref_squeeze %dma_wait3A_486 : memref<1x320x128xf32, #tpu.memory_space<vmem>> -> memref<320x128xf32, #tpu.memory_space<vmem>>
      %dma_wait3A_488 = arith.constant 192 : i32
      %dma_wait3A_489 = arith.constant 0 : i32
      %dma_wait3A_490 = tpu.memref_slice %dma_wait3A_487[%dma_wait3A_488, %dma_wait3A_489] : memref<320x128xf32, #tpu.memory_space<vmem>> -> memref<64x128xf32, #tpu.memory_space<vmem>>
      %dma_wait3A_491 = arith.constant 192 : i32
      %dma_wait3A_492 = tpu.memref_slice %arg11[%dma_wait3A_491] : memref<10240xi32, #tpu.memory_space<vmem>> -> memref<64xi32, #tpu.memory_space<vmem>>
      %dma_wait3A_493 = arith.constant 0 : i32
      %dma_wait3A_494 = arith.constant 0 : i32
      %dma_wait3A_495 = tpu.memref_slice %arg6[%dma_wait3A_493, %dma_wait3A_494] : memref<1000000x128xf32, #tpu.memory_space<hbm>> -> memref<1000000x128xf32, #tpu.memory_space<hbm>>
      tpu.wait_indirect_dma semaphore(%arg18 : memref<!tpu.dma_semaphore, #tpu.memory_space<semaphore_mem>>) src(%dma_wait3A_495 : memref<1000000x128xf32, #tpu.memory_space<hbm>>) dst(%dma_wait3A_490 : memref<64x128xf32, #tpu.memory_space<vmem>>)
      %dma_wait3A_496 = arith.constant 1 : i32
      %dma_wait3A_497 = arith.constant 0 : i32
      %dma_wait3A_498 = arith.constant 0 : i32
      %dma_wait3A_499 = tpu.memref_slice %arg14[%dma_wait3A_496, %dma_wait3A_497, %dma_wait3A_498] : memref<2x320x128xf32, #tpu.memory_space<vmem>> -> memref<1x320x128xf32, #tpu.memory_space<vmem>>
      %dma_wait3A_500 = tpu.memref_squeeze %dma_wait3A_499 : memref<1x320x128xf32, #tpu.memory_space<vmem>> -> memref<320x128xf32, #tpu.memory_space<vmem>>
      %dma_wait3A_501 = arith.constant 256 : i32
      %dma_wait3A_502 = arith.constant 0 : i32
      %dma_wait3A_503 = tpu.memref_slice %dma_wait3A_500[%dma_wait3A_501, %dma_wait3A_502] : memref<320x128xf32, #tpu.memory_space<vmem>> -> memref<64x128xf32, #tpu.memory_space<vmem>>
      %dma_wait3A_504 = arith.constant 256 : i32
      %dma_wait3A_505 = tpu.memref_slice %arg11[%dma_wait3A_504] : memref<10240xi32, #tpu.memory_space<vmem>> -> memref<64xi32, #tpu.memory_space<vmem>>
      %dma_wait3A_506 = arith.constant 0 : i32
      %dma_wait3A_507 = arith.constant 0 : i32
      %dma_wait3A_508 = tpu.memref_slice %arg6[%dma_wait3A_506, %dma_wait3A_507] : memref<1000000x128xf32, #tpu.memory_space<hbm>> -> memref<1000000x128xf32, #tpu.memory_space<hbm>>
      tpu.wait_indirect_dma semaphore(%arg18 : memref<!tpu.dma_semaphore, #tpu.memory_space<semaphore_mem>>) src(%dma_wait3A_508 : memref<1000000x128xf32, #tpu.memory_space<hbm>>) dst(%dma_wait3A_503 : memref<64x128xf32, #tpu.memory_space<vmem>>)
      %add3A_509 = arith.constant 1 : i32
      %add3A_510 = arith.addi %mul3A_100, %add3A_509 : i32
      %mul3A_511 = arith.constant 20 : i32
      %mul3A_512 = vector.broadcast %mul3A_511 : i32 to vector<16xi32>
      %mul3A_513 = arith.muli %iota3A, %mul3A_512 : vector<16xi32>
      %broadcast_in_dim3A_514 = arith.constant 0.000000e+00 : f32
      %broadcast_in_dim3A_515 = vector.broadcast %broadcast_in_dim3A_514 : f32 to vector<16xf32>
      %parallel_loop3A_516 = arith.constant 0 : i32
      %parallel_loop3A_517 = arith.constant 64 : i32
      %parallel_loop3A_518 = arith.constant 1 : i32
      %parallel_loop3A_519 = arith.constant 1 : i32
      %parallel_loop3A_520 = arith.constant 1 : i32
      %parallel_loop3A_521 = arith.constant 1 : i32
      %parallel_loop3A_522:21 = scf.for %parallel_loop3A_648 = %parallel_loop3A_516 to %parallel_loop3A_517 step %parallel_loop3A_518 iter_args(%parallel_loop3A_649 = %broadcast_in_dim3A_515, %parallel_loop3A_650 = %broadcast_in_dim3A_515, %parallel_loop3A_651 = %broadcast_in_dim3A_515, %parallel_loop3A_652 = %broadcast_in_dim3A_515, %parallel_loop3A_653 = %broadcast_in_dim3A_515, %parallel_loop3A_654 = %broadcast_in_dim3A_515, %parallel_loop3A_655 = %broadcast_in_dim3A_515, %parallel_loop3A_656 = %broadcast_in_dim3A_515, %parallel_loop3A_657 = %broadcast_in_dim3A_515, %parallel_loop3A_658 = %broadcast_in_dim3A_515, %parallel_loop3A_659 = %broadcast_in_dim3A_515, %parallel_loop3A_660 = %broadcast_in_dim3A_515, %parallel_loop3A_661 = %broadcast_in_dim3A_515, %parallel_loop3A_662 = %broadcast_in_dim3A_515, %parallel_loop3A_663 = %broadcast_in_dim3A_515, %parallel_loop3A_664 = %broadcast_in_dim3A_515, %parallel_loop3A_665 = %broadcast_in_dim3A_515, %parallel_loop3A_666 = %broadcast_in_dim3A_515, %parallel_loop3A_667 = %broadcast_in_dim3A_515, %parallel_loop3A_668 = %broadcast_in_dim3A_515, %parallel_loop3A_669 = %broadcast_in_dim3A_515) -> (vector<16xf32>, vector<16xf32>, vector<16xf32>, vector<16xf32>, vector<16xf32>, vector<16xf32>, vector<16xf32>, vector<16xf32>, vector<16xf32>, vector<16xf32>, vector<16xf32>, vector<16xf32>, vector<16xf32>, vector<16xf32>, vector<16xf32>, vector<16xf32>, vector<16xf32>, vector<16xf32>, vector<16xf32>, vector<16xf32>, vector<16xf32>)  : i32 {
        %parallel_loop3A_670 = vector.broadcast %parallel_loop3A_648 : i32 to vector<16xi32>
        %parallel_loop3A_671 = arith.constant 0 : i32
        %parallel_loop3A_672 = arith.constant 0 : i32
        %parallel_loop3A_673 = tpu.memref_slice %arg12[%parallel_loop3A_519, %parallel_loop3A_671, %parallel_loop3A_672] : memref<2x16x128xf32, #tpu.memory_space<vmem>> -> memref<1x16x128xf32, #tpu.memory_space<vmem>>
        %parallel_loop3A_674 = tpu.memref_squeeze %parallel_loop3A_673 : memref<1x16x128xf32, #tpu.memory_space<vmem>> -> memref<16x128xf32, #tpu.memory_space<vmem>>
        %parallel_loop3A_675 = tpu.vector_load_idx %parallel_loop3A_674[%iota3A, %parallel_loop3A_670] : memref<16x128xf32, #tpu.memory_space<vmem>>[vector<16xi32>, vector<16xi32>], vector<16xf32>,
        %parallel_loop3A_676 = arith.constant 0 : i32
        %parallel_loop3A_677 = arith.constant 0 : i32
        %parallel_loop3A_678 = tpu.memref_slice %arg13[%parallel_loop3A_520, %parallel_loop3A_676, %parallel_loop3A_677] : memref<2x16x128xf32, #tpu.memory_space<vmem>> -> memref<1x16x128xf32, #tpu.memory_space<vmem>>
        %parallel_loop3A_679 = tpu.memref_squeeze %parallel_loop3A_678 : memref<1x16x128xf32, #tpu.memory_space<vmem>> -> memref<16x128xf32, #tpu.memory_space<vmem>>
        %parallel_loop3A_680 = tpu.vector_load_idx %parallel_loop3A_679[%iota3A, %parallel_loop3A_670] : memref<16x128xf32, #tpu.memory_space<vmem>>[vector<16xi32>, vector<16xi32>], vector<16xf32>,
        %parallel_loop3A_681 = arith.mulf %parallel_loop3A_675, %parallel_loop3A_680 : vector<16xf32>
        %parallel_loop3A_682 = arith.addf %parallel_loop3A_649, %parallel_loop3A_681 : vector<16xf32>
        %parallel_loop3A_683 = arith.constant 0 : i32
        %parallel_loop3A_684 = vector.broadcast %parallel_loop3A_683 : i32 to vector<16xi32>
        %parallel_loop3A_685 = arith.addi %mul3A_513, %parallel_loop3A_684 : vector<16xi32>
        %parallel_loop3A_686 = arith.constant 0 : i32
        %parallel_loop3A_687 = arith.constant 0 : i32
        %parallel_loop3A_688 = tpu.memref_slice %arg14[%parallel_loop3A_521, %parallel_loop3A_686, %parallel_loop3A_687] : memref<2x320x128xf32, #tpu.memory_space<vmem>> -> memref<1x320x128xf32, #tpu.memory_space<vmem>>
        %parallel_loop3A_689 = tpu.memref_squeeze %parallel_loop3A_688 : memref<1x320x128xf32, #tpu.memory_space<vmem>> -> memref<320x128xf32, #tpu.memory_space<vmem>>
        %parallel_loop3A_690 = tpu.vector_load_idx %parallel_loop3A_689[%parallel_loop3A_685, %parallel_loop3A_670] : memref<320x128xf32, #tpu.memory_space<vmem>>[vector<16xi32>, vector<16xi32>], vector<16xf32>,
        %parallel_loop3A_691 = arith.mulf %parallel_loop3A_675, %parallel_loop3A_690 : vector<16xf32>
        %parallel_loop3A_692 = arith.addf %parallel_loop3A_650, %parallel_loop3A_691 : vector<16xf32>
        %parallel_loop3A_693 = arith.constant 1 : i32
        %parallel_loop3A_694 = vector.broadcast %parallel_loop3A_693 : i32 to vector<16xi32>
        %parallel_loop3A_695 = arith.addi %mul3A_513, %parallel_loop3A_694 : vector<16xi32>
        %parallel_loop3A_696 = arith.constant 0 : i32
        %parallel_loop3A_697 = arith.constant 0 : i32
        %parallel_loop3A_698 = tpu.memref_slice %arg14[%parallel_loop3A_521, %parallel_loop3A_696, %parallel_loop3A_697] : memref<2x320x128xf32, #tpu.memory_space<vmem>> -> memref<1x320x128xf32, #tpu.memory_space<vmem>>
        %parallel_loop3A_699 = tpu.memref_squeeze %parallel_loop3A_698 : memref<1x320x128xf32, #tpu.memory_space<vmem>> -> memref<320x128xf32, #tpu.memory_space<vmem>>
        %parallel_loop3A_700 = tpu.vector_load_idx %parallel_loop3A_699[%parallel_loop3A_695, %parallel_loop3A_670] : memref<320x128xf32, #tpu.memory_space<vmem>>[vector<16xi32>, vector<16xi32>], vector<16xf32>,
        %parallel_loop3A_701 = arith.mulf %parallel_loop3A_675, %parallel_loop3A_700 : vector<16xf32>
        %parallel_loop3A_702 = arith.addf %parallel_loop3A_651, %parallel_loop3A_701 : vector<16xf32>
        %parallel_loop3A_703 = arith.constant 2 : i32
        %parallel_loop3A_704 = vector.broadcast %parallel_loop3A_703 : i32 to vector<16xi32>
        %parallel_loop3A_705 = arith.addi %mul3A_513, %parallel_loop3A_704 : vector<16xi32>
        %parallel_loop3A_706 = arith.constant 0 : i32
        %parallel_loop3A_707 = arith.constant 0 : i32
        %parallel_loop3A_708 = tpu.memref_slice %arg14[%parallel_loop3A_521, %parallel_loop3A_706, %parallel_loop3A_707] : memref<2x320x128xf32, #tpu.memory_space<vmem>> -> memref<1x320x128xf32, #tpu.memory_space<vmem>>
        %parallel_loop3A_709 = tpu.memref_squeeze %parallel_loop3A_708 : memref<1x320x128xf32, #tpu.memory_space<vmem>> -> memref<320x128xf32, #tpu.memory_space<vmem>>
        %parallel_loop3A_710 = tpu.vector_load_idx %parallel_loop3A_709[%parallel_loop3A_705, %parallel_loop3A_670] : memref<320x128xf32, #tpu.memory_space<vmem>>[vector<16xi32>, vector<16xi32>], vector<16xf32>,
        %parallel_loop3A_711 = arith.mulf %parallel_loop3A_675, %parallel_loop3A_710 : vector<16xf32>
        %parallel_loop3A_712 = arith.addf %parallel_loop3A_652, %parallel_loop3A_711 : vector<16xf32>
        %parallel_loop3A_713 = arith.constant 3 : i32
        %parallel_loop3A_714 = vector.broadcast %parallel_loop3A_713 : i32 to vector<16xi32>
        %parallel_loop3A_715 = arith.addi %mul3A_513, %parallel_loop3A_714 : vector<16xi32>
        %parallel_loop3A_716 = arith.constant 0 : i32
        %parallel_loop3A_717 = arith.constant 0 : i32
        %parallel_loop3A_718 = tpu.memref_slice %arg14[%parallel_loop3A_521, %parallel_loop3A_716, %parallel_loop3A_717] : memref<2x320x128xf32, #tpu.memory_space<vmem>> -> memref<1x320x128xf32, #tpu.memory_space<vmem>>
        %parallel_loop3A_719 = tpu.memref_squeeze %parallel_loop3A_718 : memref<1x320x128xf32, #tpu.memory_space<vmem>> -> memref<320x128xf32, #tpu.memory_space<vmem>>
        %parallel_loop3A_720 = tpu.vector_load_idx %parallel_loop3A_719[%parallel_loop3A_715, %parallel_loop3A_670] : memref<320x128xf32, #tpu.memory_space<vmem>>[vector<16xi32>, vector<16xi32>], vector<16xf32>,
        %parallel_loop3A_721 = arith.mulf %parallel_loop3A_675, %parallel_loop3A_720 : vector<16xf32>
        %parallel_loop3A_722 = arith.addf %parallel_loop3A_653, %parallel_loop3A_721 : vector<16xf32>
        %parallel_loop3A_723 = arith.constant 4 : i32
        %parallel_loop3A_724 = vector.broadcast %parallel_loop3A_723 : i32 to vector<16xi32>
        %parallel_loop3A_725 = arith.addi %mul3A_513, %parallel_loop3A_724 : vector<16xi32>
        %parallel_loop3A_726 = arith.constant 0 : i32
        %parallel_loop3A_727 = arith.constant 0 : i32
        %parallel_loop3A_728 = tpu.memref_slice %arg14[%parallel_loop3A_521, %parallel_loop3A_726, %parallel_loop3A_727] : memref<2x320x128xf32, #tpu.memory_space<vmem>> -> memref<1x320x128xf32, #tpu.memory_space<vmem>>
        %parallel_loop3A_729 = tpu.memref_squeeze %parallel_loop3A_728 : memref<1x320x128xf32, #tpu.memory_space<vmem>> -> memref<320x128xf32, #tpu.memory_space<vmem>>
        %parallel_loop3A_730 = tpu.vector_load_idx %parallel_loop3A_729[%parallel_loop3A_725, %parallel_loop3A_670] : memref<320x128xf32, #tpu.memory_space<vmem>>[vector<16xi32>, vector<16xi32>], vector<16xf32>,
        %parallel_loop3A_731 = arith.mulf %parallel_loop3A_675, %parallel_loop3A_730 : vector<16xf32>
        %parallel_loop3A_732 = arith.addf %parallel_loop3A_654, %parallel_loop3A_731 : vector<16xf32>
        %parallel_loop3A_733 = arith.constant 5 : i32
        %parallel_loop3A_734 = vector.broadcast %parallel_loop3A_733 : i32 to vector<16xi32>
        %parallel_loop3A_735 = arith.addi %mul3A_513, %parallel_loop3A_734 : vector<16xi32>
        %parallel_loop3A_736 = arith.constant 0 : i32
        %parallel_loop3A_737 = arith.constant 0 : i32
        %parallel_loop3A_738 = tpu.memref_slice %arg14[%parallel_loop3A_521, %parallel_loop3A_736, %parallel_loop3A_737] : memref<2x320x128xf32, #tpu.memory_space<vmem>> -> memref<1x320x128xf32, #tpu.memory_space<vmem>>
        %parallel_loop3A_739 = tpu.memref_squeeze %parallel_loop3A_738 : memref<1x320x128xf32, #tpu.memory_space<vmem>> -> memref<320x128xf32, #tpu.memory_space<vmem>>
        %parallel_loop3A_740 = tpu.vector_load_idx %parallel_loop3A_739[%parallel_loop3A_735, %parallel_loop3A_670] : memref<320x128xf32, #tpu.memory_space<vmem>>[vector<16xi32>, vector<16xi32>], vector<16xf32>,
        %parallel_loop3A_741 = arith.mulf %parallel_loop3A_675, %parallel_loop3A_740 : vector<16xf32>
        %parallel_loop3A_742 = arith.addf %parallel_loop3A_655, %parallel_loop3A_741 : vector<16xf32>
        %parallel_loop3A_743 = arith.constant 6 : i32
        %parallel_loop3A_744 = vector.broadcast %parallel_loop3A_743 : i32 to vector<16xi32>
        %parallel_loop3A_745 = arith.addi %mul3A_513, %parallel_loop3A_744 : vector<16xi32>
        %parallel_loop3A_746 = arith.constant 0 : i32
        %parallel_loop3A_747 = arith.constant 0 : i32
        %parallel_loop3A_748 = tpu.memref_slice %arg14[%parallel_loop3A_521, %parallel_loop3A_746, %parallel_loop3A_747] : memref<2x320x128xf32, #tpu.memory_space<vmem>> -> memref<1x320x128xf32, #tpu.memory_space<vmem>>
        %parallel_loop3A_749 = tpu.memref_squeeze %parallel_loop3A_748 : memref<1x320x128xf32, #tpu.memory_space<vmem>> -> memref<320x128xf32, #tpu.memory_space<vmem>>
        %parallel_loop3A_750 = tpu.vector_load_idx %parallel_loop3A_749[%parallel_loop3A_745, %parallel_loop3A_670] : memref<320x128xf32, #tpu.memory_space<vmem>>[vector<16xi32>, vector<16xi32>], vector<16xf32>,
        %parallel_loop3A_751 = arith.mulf %parallel_loop3A_675, %parallel_loop3A_750 : vector<16xf32>
        %parallel_loop3A_752 = arith.addf %parallel_loop3A_656, %parallel_loop3A_751 : vector<16xf32>
        %parallel_loop3A_753 = arith.constant 7 : i32
        %parallel_loop3A_754 = vector.broadcast %parallel_loop3A_753 : i32 to vector<16xi32>
        %parallel_loop3A_755 = arith.addi %mul3A_513, %parallel_loop3A_754 : vector<16xi32>
        %parallel_loop3A_756 = arith.constant 0 : i32
        %parallel_loop3A_757 = arith.constant 0 : i32
        %parallel_loop3A_758 = tpu.memref_slice %arg14[%parallel_loop3A_521, %parallel_loop3A_756, %parallel_loop3A_757] : memref<2x320x128xf32, #tpu.memory_space<vmem>> -> memref<1x320x128xf32, #tpu.memory_space<vmem>>
        %parallel_loop3A_759 = tpu.memref_squeeze %parallel_loop3A_758 : memref<1x320x128xf32, #tpu.memory_space<vmem>> -> memref<320x128xf32, #tpu.memory_space<vmem>>
        %parallel_loop3A_760 = tpu.vector_load_idx %parallel_loop3A_759[%parallel_loop3A_755, %parallel_loop3A_670] : memref<320x128xf32, #tpu.memory_space<vmem>>[vector<16xi32>, vector<16xi32>], vector<16xf32>,
        %parallel_loop3A_761 = arith.mulf %parallel_loop3A_675, %parallel_loop3A_760 : vector<16xf32>
        %parallel_loop3A_762 = arith.addf %parallel_loop3A_657, %parallel_loop3A_761 : vector<16xf32>
        %parallel_loop3A_763 = arith.constant 8 : i32
        %parallel_loop3A_764 = vector.broadcast %parallel_loop3A_763 : i32 to vector<16xi32>
        %parallel_loop3A_765 = arith.addi %mul3A_513, %parallel_loop3A_764 : vector<16xi32>
        %parallel_loop3A_766 = arith.constant 0 : i32
        %parallel_loop3A_767 = arith.constant 0 : i32
        %parallel_loop3A_768 = tpu.memref_slice %arg14[%parallel_loop3A_521, %parallel_loop3A_766, %parallel_loop3A_767] : memref<2x320x128xf32, #tpu.memory_space<vmem>> -> memref<1x320x128xf32, #tpu.memory_space<vmem>>
        %parallel_loop3A_769 = tpu.memref_squeeze %parallel_loop3A_768 : memref<1x320x128xf32, #tpu.memory_space<vmem>> -> memref<320x128xf32, #tpu.memory_space<vmem>>
        %parallel_loop3A_770 = tpu.vector_load_idx %parallel_loop3A_769[%parallel_loop3A_765, %parallel_loop3A_670] : memref<320x128xf32, #tpu.memory_space<vmem>>[vector<16xi32>, vector<16xi32>], vector<16xf32>,
        %parallel_loop3A_771 = arith.mulf %parallel_loop3A_675, %parallel_loop3A_770 : vector<16xf32>
        %parallel_loop3A_772 = arith.addf %parallel_loop3A_658, %parallel_loop3A_771 : vector<16xf32>
        %parallel_loop3A_773 = arith.constant 9 : i32
        %parallel_loop3A_774 = vector.broadcast %parallel_loop3A_773 : i32 to vector<16xi32>
        %parallel_loop3A_775 = arith.addi %mul3A_513, %parallel_loop3A_774 : vector<16xi32>
        %parallel_loop3A_776 = arith.constant 0 : i32
        %parallel_loop3A_777 = arith.constant 0 : i32
        %parallel_loop3A_778 = tpu.memref_slice %arg14[%parallel_loop3A_521, %parallel_loop3A_776, %parallel_loop3A_777] : memref<2x320x128xf32, #tpu.memory_space<vmem>> -> memref<1x320x128xf32, #tpu.memory_space<vmem>>
        %parallel_loop3A_779 = tpu.memref_squeeze %parallel_loop3A_778 : memref<1x320x128xf32, #tpu.memory_space<vmem>> -> memref<320x128xf32, #tpu.memory_space<vmem>>
        %parallel_loop3A_780 = tpu.vector_load_idx %parallel_loop3A_779[%parallel_loop3A_775, %parallel_loop3A_670] : memref<320x128xf32, #tpu.memory_space<vmem>>[vector<16xi32>, vector<16xi32>], vector<16xf32>,
        %parallel_loop3A_781 = arith.mulf %parallel_loop3A_675, %parallel_loop3A_780 : vector<16xf32>
        %parallel_loop3A_782 = arith.addf %parallel_loop3A_659, %parallel_loop3A_781 : vector<16xf32>
        %parallel_loop3A_783 = arith.constant 10 : i32
        %parallel_loop3A_784 = vector.broadcast %parallel_loop3A_783 : i32 to vector<16xi32>
        %parallel_loop3A_785 = arith.addi %mul3A_513, %parallel_loop3A_784 : vector<16xi32>
        %parallel_loop3A_786 = arith.constant 0 : i32
        %parallel_loop3A_787 = arith.constant 0 : i32
        %parallel_loop3A_788 = tpu.memref_slice %arg14[%parallel_loop3A_521, %parallel_loop3A_786, %parallel_loop3A_787] : memref<2x320x128xf32, #tpu.memory_space<vmem>> -> memref<1x320x128xf32, #tpu.memory_space<vmem>>
        %parallel_loop3A_789 = tpu.memref_squeeze %parallel_loop3A_788 : memref<1x320x128xf32, #tpu.memory_space<vmem>> -> memref<320x128xf32, #tpu.memory_space<vmem>>
        %parallel_loop3A_790 = tpu.vector_load_idx %parallel_loop3A_789[%parallel_loop3A_785, %parallel_loop3A_670] : memref<320x128xf32, #tpu.memory_space<vmem>>[vector<16xi32>, vector<16xi32>], vector<16xf32>,
        %parallel_loop3A_791 = arith.mulf %parallel_loop3A_675, %parallel_loop3A_790 : vector<16xf32>
        %parallel_loop3A_792 = arith.addf %parallel_loop3A_660, %parallel_loop3A_791 : vector<16xf32>
        %parallel_loop3A_793 = arith.constant 11 : i32
        %parallel_loop3A_794 = vector.broadcast %parallel_loop3A_793 : i32 to vector<16xi32>
        %parallel_loop3A_795 = arith.addi %mul3A_513, %parallel_loop3A_794 : vector<16xi32>
        %parallel_loop3A_796 = arith.constant 0 : i32
        %parallel_loop3A_797 = arith.constant 0 : i32
        %parallel_loop3A_798 = tpu.memref_slice %arg14[%parallel_loop3A_521, %parallel_loop3A_796, %parallel_loop3A_797] : memref<2x320x128xf32, #tpu.memory_space<vmem>> -> memref<1x320x128xf32, #tpu.memory_space<vmem>>
        %parallel_loop3A_799 = tpu.memref_squeeze %parallel_loop3A_798 : memref<1x320x128xf32, #tpu.memory_space<vmem>> -> memref<320x128xf32, #tpu.memory_space<vmem>>
        %parallel_loop3A_800 = tpu.vector_load_idx %parallel_loop3A_799[%parallel_loop3A_795, %parallel_loop3A_670] : memref<320x128xf32, #tpu.memory_space<vmem>>[vector<16xi32>, vector<16xi32>], vector<16xf32>,
        %parallel_loop3A_801 = arith.mulf %parallel_loop3A_675, %parallel_loop3A_800 : vector<16xf32>
        %parallel_loop3A_802 = arith.addf %parallel_loop3A_661, %parallel_loop3A_801 : vector<16xf32>
        %parallel_loop3A_803 = arith.constant 12 : i32
        %parallel_loop3A_804 = vector.broadcast %parallel_loop3A_803 : i32 to vector<16xi32>
        %parallel_loop3A_805 = arith.addi %mul3A_513, %parallel_loop3A_804 : vector<16xi32>
        %parallel_loop3A_806 = arith.constant 0 : i32
        %parallel_loop3A_807 = arith.constant 0 : i32
        %parallel_loop3A_808 = tpu.memref_slice %arg14[%parallel_loop3A_521, %parallel_loop3A_806, %parallel_loop3A_807] : memref<2x320x128xf32, #tpu.memory_space<vmem>> -> memref<1x320x128xf32, #tpu.memory_space<vmem>>
        %parallel_loop3A_809 = tpu.memref_squeeze %parallel_loop3A_808 : memref<1x320x128xf32, #tpu.memory_space<vmem>> -> memref<320x128xf32, #tpu.memory_space<vmem>>
        %parallel_loop3A_810 = tpu.vector_load_idx %parallel_loop3A_809[%parallel_loop3A_805, %parallel_loop3A_670] : memref<320x128xf32, #tpu.memory_space<vmem>>[vector<16xi32>, vector<16xi32>], vector<16xf32>,
        %parallel_loop3A_811 = arith.mulf %parallel_loop3A_675, %parallel_loop3A_810 : vector<16xf32>
        %parallel_loop3A_812 = arith.addf %parallel_loop3A_662, %parallel_loop3A_811 : vector<16xf32>
        %parallel_loop3A_813 = arith.constant 13 : i32
        %parallel_loop3A_814 = vector.broadcast %parallel_loop3A_813 : i32 to vector<16xi32>
        %parallel_loop3A_815 = arith.addi %mul3A_513, %parallel_loop3A_814 : vector<16xi32>
        %parallel_loop3A_816 = arith.constant 0 : i32
        %parallel_loop3A_817 = arith.constant 0 : i32
        %parallel_loop3A_818 = tpu.memref_slice %arg14[%parallel_loop3A_521, %parallel_loop3A_816, %parallel_loop3A_817] : memref<2x320x128xf32, #tpu.memory_space<vmem>> -> memref<1x320x128xf32, #tpu.memory_space<vmem>>
        %parallel_loop3A_819 = tpu.memref_squeeze %parallel_loop3A_818 : memref<1x320x128xf32, #tpu.memory_space<vmem>> -> memref<320x128xf32, #tpu.memory_space<vmem>>
        %parallel_loop3A_820 = tpu.vector_load_idx %parallel_loop3A_819[%parallel_loop3A_815, %parallel_loop3A_670] : memref<320x128xf32, #tpu.memory_space<vmem>>[vector<16xi32>, vector<16xi32>], vector<16xf32>,
        %parallel_loop3A_821 = arith.mulf %parallel_loop3A_675, %parallel_loop3A_820 : vector<16xf32>
        %parallel_loop3A_822 = arith.addf %parallel_loop3A_663, %parallel_loop3A_821 : vector<16xf32>
        %parallel_loop3A_823 = arith.constant 14 : i32
        %parallel_loop3A_824 = vector.broadcast %parallel_loop3A_823 : i32 to vector<16xi32>
        %parallel_loop3A_825 = arith.addi %mul3A_513, %parallel_loop3A_824 : vector<16xi32>
        %parallel_loop3A_826 = arith.constant 0 : i32
        %parallel_loop3A_827 = arith.constant 0 : i32
        %parallel_loop3A_828 = tpu.memref_slice %arg14[%parallel_loop3A_521, %parallel_loop3A_826, %parallel_loop3A_827] : memref<2x320x128xf32, #tpu.memory_space<vmem>> -> memref<1x320x128xf32, #tpu.memory_space<vmem>>
        %parallel_loop3A_829 = tpu.memref_squeeze %parallel_loop3A_828 : memref<1x320x128xf32, #tpu.memory_space<vmem>> -> memref<320x128xf32, #tpu.memory_space<vmem>>
        %parallel_loop3A_830 = tpu.vector_load_idx %parallel_loop3A_829[%parallel_loop3A_825, %parallel_loop3A_670] : memref<320x128xf32, #tpu.memory_space<vmem>>[vector<16xi32>, vector<16xi32>], vector<16xf32>,
        %parallel_loop3A_831 = arith.mulf %parallel_loop3A_675, %parallel_loop3A_830 : vector<16xf32>
        %parallel_loop3A_832 = arith.addf %parallel_loop3A_664, %parallel_loop3A_831 : vector<16xf32>
        %parallel_loop3A_833 = arith.constant 15 : i32
        %parallel_loop3A_834 = vector.broadcast %parallel_loop3A_833 : i32 to vector<16xi32>
        %parallel_loop3A_835 = arith.addi %mul3A_513, %parallel_loop3A_834 : vector<16xi32>
        %parallel_loop3A_836 = arith.constant 0 : i32
        %parallel_loop3A_837 = arith.constant 0 : i32
        %parallel_loop3A_838 = tpu.memref_slice %arg14[%parallel_loop3A_521, %parallel_loop3A_836, %parallel_loop3A_837] : memref<2x320x128xf32, #tpu.memory_space<vmem>> -> memref<1x320x128xf32, #tpu.memory_space<vmem>>
        %parallel_loop3A_839 = tpu.memref_squeeze %parallel_loop3A_838 : memref<1x320x128xf32, #tpu.memory_space<vmem>> -> memref<320x128xf32, #tpu.memory_space<vmem>>
        %parallel_loop3A_840 = tpu.vector_load_idx %parallel_loop3A_839[%parallel_loop3A_835, %parallel_loop3A_670] : memref<320x128xf32, #tpu.memory_space<vmem>>[vector<16xi32>, vector<16xi32>], vector<16xf32>,
        %parallel_loop3A_841 = arith.mulf %parallel_loop3A_675, %parallel_loop3A_840 : vector<16xf32>
        %parallel_loop3A_842 = arith.addf %parallel_loop3A_665, %parallel_loop3A_841 : vector<16xf32>
        %parallel_loop3A_843 = arith.constant 16 : i32
        %parallel_loop3A_844 = vector.broadcast %parallel_loop3A_843 : i32 to vector<16xi32>
        %parallel_loop3A_845 = arith.addi %mul3A_513, %parallel_loop3A_844 : vector<16xi32>
        %parallel_loop3A_846 = arith.constant 0 : i32
        %parallel_loop3A_847 = arith.constant 0 : i32
        %parallel_loop3A_848 = tpu.memref_slice %arg14[%parallel_loop3A_521, %parallel_loop3A_846, %parallel_loop3A_847] : memref<2x320x128xf32, #tpu.memory_space<vmem>> -> memref<1x320x128xf32, #tpu.memory_space<vmem>>
        %parallel_loop3A_849 = tpu.memref_squeeze %parallel_loop3A_848 : memref<1x320x128xf32, #tpu.memory_space<vmem>> -> memref<320x128xf32, #tpu.memory_space<vmem>>
        %parallel_loop3A_850 = tpu.vector_load_idx %parallel_loop3A_849[%parallel_loop3A_845, %parallel_loop3A_670] : memref<320x128xf32, #tpu.memory_space<vmem>>[vector<16xi32>, vector<16xi32>], vector<16xf32>,
        %parallel_loop3A_851 = arith.mulf %parallel_loop3A_675, %parallel_loop3A_850 : vector<16xf32>
        %parallel_loop3A_852 = arith.addf %parallel_loop3A_666, %parallel_loop3A_851 : vector<16xf32>
        %parallel_loop3A_853 = arith.constant 17 : i32
        %parallel_loop3A_854 = vector.broadcast %parallel_loop3A_853 : i32 to vector<16xi32>
        %parallel_loop3A_855 = arith.addi %mul3A_513, %parallel_loop3A_854 : vector<16xi32>
        %parallel_loop3A_856 = arith.constant 0 : i32
        %parallel_loop3A_857 = arith.constant 0 : i32
        %parallel_loop3A_858 = tpu.memref_slice %arg14[%parallel_loop3A_521, %parallel_loop3A_856, %parallel_loop3A_857] : memref<2x320x128xf32, #tpu.memory_space<vmem>> -> memref<1x320x128xf32, #tpu.memory_space<vmem>>
        %parallel_loop3A_859 = tpu.memref_squeeze %parallel_loop3A_858 : memref<1x320x128xf32, #tpu.memory_space<vmem>> -> memref<320x128xf32, #tpu.memory_space<vmem>>
        %parallel_loop3A_860 = tpu.vector_load_idx %parallel_loop3A_859[%parallel_loop3A_855, %parallel_loop3A_670] : memref<320x128xf32, #tpu.memory_space<vmem>>[vector<16xi32>, vector<16xi32>], vector<16xf32>,
        %parallel_loop3A_861 = arith.mulf %parallel_loop3A_675, %parallel_loop3A_860 : vector<16xf32>
        %parallel_loop3A_862 = arith.addf %parallel_loop3A_667, %parallel_loop3A_861 : vector<16xf32>
        %parallel_loop3A_863 = arith.constant 18 : i32
        %parallel_loop3A_864 = vector.broadcast %parallel_loop3A_863 : i32 to vector<16xi32>
        %parallel_loop3A_865 = arith.addi %mul3A_513, %parallel_loop3A_864 : vector<16xi32>
        %parallel_loop3A_866 = arith.constant 0 : i32
        %parallel_loop3A_867 = arith.constant 0 : i32
        %parallel_loop3A_868 = tpu.memref_slice %arg14[%parallel_loop3A_521, %parallel_loop3A_866, %parallel_loop3A_867] : memref<2x320x128xf32, #tpu.memory_space<vmem>> -> memref<1x320x128xf32, #tpu.memory_space<vmem>>
        %parallel_loop3A_869 = tpu.memref_squeeze %parallel_loop3A_868 : memref<1x320x128xf32, #tpu.memory_space<vmem>> -> memref<320x128xf32, #tpu.memory_space<vmem>>
        %parallel_loop3A_870 = tpu.vector_load_idx %parallel_loop3A_869[%parallel_loop3A_865, %parallel_loop3A_670] : memref<320x128xf32, #tpu.memory_space<vmem>>[vector<16xi32>, vector<16xi32>], vector<16xf32>,
        %parallel_loop3A_871 = arith.mulf %parallel_loop3A_675, %parallel_loop3A_870 : vector<16xf32>
        %parallel_loop3A_872 = arith.addf %parallel_loop3A_668, %parallel_loop3A_871 : vector<16xf32>
        %parallel_loop3A_873 = arith.constant 19 : i32
        %parallel_loop3A_874 = vector.broadcast %parallel_loop3A_873 : i32 to vector<16xi32>
        %parallel_loop3A_875 = arith.addi %mul3A_513, %parallel_loop3A_874 : vector<16xi32>
        %parallel_loop3A_876 = arith.constant 0 : i32
        %parallel_loop3A_877 = arith.constant 0 : i32
        %parallel_loop3A_878 = tpu.memref_slice %arg14[%parallel_loop3A_521, %parallel_loop3A_876, %parallel_loop3A_877] : memref<2x320x128xf32, #tpu.memory_space<vmem>> -> memref<1x320x128xf32, #tpu.memory_space<vmem>>
        %parallel_loop3A_879 = tpu.memref_squeeze %parallel_loop3A_878 : memref<1x320x128xf32, #tpu.memory_space<vmem>> -> memref<320x128xf32, #tpu.memory_space<vmem>>
        %parallel_loop3A_880 = tpu.vector_load_idx %parallel_loop3A_879[%parallel_loop3A_875, %parallel_loop3A_670] : memref<320x128xf32, #tpu.memory_space<vmem>>[vector<16xi32>, vector<16xi32>], vector<16xf32>,
        %parallel_loop3A_881 = arith.mulf %parallel_loop3A_675, %parallel_loop3A_880 : vector<16xf32>
        %parallel_loop3A_882 = arith.addf %parallel_loop3A_669, %parallel_loop3A_881 : vector<16xf32>
        scf.yield %parallel_loop3A_682, %parallel_loop3A_692, %parallel_loop3A_702, %parallel_loop3A_712, %parallel_loop3A_722, %parallel_loop3A_732, %parallel_loop3A_742, %parallel_loop3A_752, %parallel_loop3A_762, %parallel_loop3A_772, %parallel_loop3A_782, %parallel_loop3A_792, %parallel_loop3A_802, %parallel_loop3A_812, %parallel_loop3A_822, %parallel_loop3A_832, %parallel_loop3A_842, %parallel_loop3A_852, %parallel_loop3A_862, %parallel_loop3A_872, %parallel_loop3A_882 : vector<16xf32>, vector<16xf32>, vector<16xf32>, vector<16xf32>, vector<16xf32>, vector<16xf32>, vector<16xf32>, vector<16xf32>, vector<16xf32>, vector<16xf32>, vector<16xf32>, vector<16xf32>, vector<16xf32>, vector<16xf32>, vector<16xf32>, vector<16xf32>, vector<16xf32>, vector<16xf32>, vector<16xf32>, vector<16xf32>, vector<16xf32>
      } {sc.loop_unroll_factor = 4 : i64, sc.parallel_access}
      %mul3A_523 = arith.constant 16 : i32
      %mul3A_524 = arith.muli %add3A_510, %mul3A_523 : i32
      %swap3A_525 = arith.index_cast %mul3A_524 : i32 to index
      %swap3A_526 = tpu.vector_load %arg15[%swap3A_525] {strides = array<i32>} : memref<512xf32, #tpu.memory_space<vmem>>, vector<16xf32>,
      tpu.vector_store %arg15[%swap3A_525], %parallel_loop3A_522#0 {strides = array<i32>} : memref<512xf32, #tpu.memory_space<vmem>>, vector<16xf32>,
      %mul3A_527 = arith.constant 320 : i32
      %mul3A_528 = arith.muli %add3A_510, %mul3A_527 : i32
      %add3A_529 = arith.constant 0 : i32
      %add3A_530 = arith.addi %mul3A_528, %add3A_529 : i32
      %swap3A_531 = arith.index_cast %add3A_530 : i32 to index
      %swap3A_532 = tpu.vector_load %arg16[%swap3A_531] {strides = array<i32>} : memref<10240xf32, #tpu.memory_space<vmem>>, vector<16xf32>,
      tpu.vector_store %arg16[%swap3A_531], %parallel_loop3A_522#1 {strides = array<i32>} : memref<10240xf32, #tpu.memory_space<vmem>>, vector<16xf32>,
      %mul3A_533 = arith.constant 320 : i32
      %mul3A_534 = arith.muli %add3A_510, %mul3A_533 : i32
      %add3A_535 = arith.constant 16 : i32
      %add3A_536 = arith.addi %mul3A_534, %add3A_535 : i32
      %swap3A_537 = arith.index_cast %add3A_536 : i32 to index
      %swap3A_538 = tpu.vector_load %arg16[%swap3A_537] {strides = array<i32>} : memref<10240xf32, #tpu.memory_space<vmem>>, vector<16xf32>,
      tpu.vector_store %arg16[%swap3A_537], %parallel_loop3A_522#2 {strides = array<i32>} : memref<10240xf32, #tpu.memory_space<vmem>>, vector<16xf32>,
      %mul3A_539 = arith.constant 320 : i32
      %mul3A_540 = arith.muli %add3A_510, %mul3A_539 : i32
      %add3A_541 = arith.constant 32 : i32
      %add3A_542 = arith.addi %mul3A_540, %add3A_541 : i32
      %swap3A_543 = arith.index_cast %add3A_542 : i32 to index
      %swap3A_544 = tpu.vector_load %arg16[%swap3A_543] {strides = array<i32>} : memref<10240xf32, #tpu.memory_space<vmem>>, vector<16xf32>,
      tpu.vector_store %arg16[%swap3A_543], %parallel_loop3A_522#3 {strides = array<i32>} : memref<10240xf32, #tpu.memory_space<vmem>>, vector<16xf32>,
      %mul3A_545 = arith.constant 320 : i32
      %mul3A_546 = arith.muli %add3A_510, %mul3A_545 : i32
      %add3A_547 = arith.constant 48 : i32
      %add3A_548 = arith.addi %mul3A_546, %add3A_547 : i32
      %swap3A_549 = arith.index_cast %add3A_548 : i32 to index
      %swap3A_550 = tpu.vector_load %arg16[%swap3A_549] {strides = array<i32>} : memref<10240xf32, #tpu.memory_space<vmem>>, vector<16xf32>,
      tpu.vector_store %arg16[%swap3A_549], %parallel_loop3A_522#4 {strides = array<i32>} : memref<10240xf32, #tpu.memory_space<vmem>>, vector<16xf32>,
      %mul3A_551 = arith.constant 320 : i32
      %mul3A_552 = arith.muli %add3A_510, %mul3A_551 : i32
      %add3A_553 = arith.constant 64 : i32
      %add3A_554 = arith.addi %mul3A_552, %add3A_553 : i32
      %swap3A_555 = arith.index_cast %add3A_554 : i32 to index
      %swap3A_556 = tpu.vector_load %arg16[%swap3A_555] {strides = array<i32>} : memref<10240xf32, #tpu.memory_space<vmem>>, vector<16xf32>,
      tpu.vector_store %arg16[%swap3A_555], %parallel_loop3A_522#5 {strides = array<i32>} : memref<10240xf32, #tpu.memory_space<vmem>>, vector<16xf32>,
      %mul3A_557 = arith.constant 320 : i32
      %mul3A_558 = arith.muli %add3A_510, %mul3A_557 : i32
      %add3A_559 = arith.constant 80 : i32
      %add3A_560 = arith.addi %mul3A_558, %add3A_559 : i32
      %swap3A_561 = arith.index_cast %add3A_560 : i32 to index
      %swap3A_562 = tpu.vector_load %arg16[%swap3A_561] {strides = array<i32>} : memref<10240xf32, #tpu.memory_space<vmem>>, vector<16xf32>,
      tpu.vector_store %arg16[%swap3A_561], %parallel_loop3A_522#6 {strides = array<i32>} : memref<10240xf32, #tpu.memory_space<vmem>>, vector<16xf32>,
      %mul3A_563 = arith.constant 320 : i32
      %mul3A_564 = arith.muli %add3A_510, %mul3A_563 : i32
      %add3A_565 = arith.constant 96 : i32
      %add3A_566 = arith.addi %mul3A_564, %add3A_565 : i32
      %swap3A_567 = arith.index_cast %add3A_566 : i32 to index
      %swap3A_568 = tpu.vector_load %arg16[%swap3A_567] {strides = array<i32>} : memref<10240xf32, #tpu.memory_space<vmem>>, vector<16xf32>,
      tpu.vector_store %arg16[%swap3A_567], %parallel_loop3A_522#7 {strides = array<i32>} : memref<10240xf32, #tpu.memory_space<vmem>>, vector<16xf32>,
      %mul3A_569 = arith.constant 320 : i32
      %mul3A_570 = arith.muli %add3A_510, %mul3A_569 : i32
      %add3A_571 = arith.constant 112 : i32
      %add3A_572 = arith.addi %mul3A_570, %add3A_571 : i32
      %swap3A_573 = arith.index_cast %add3A_572 : i32 to index
      %swap3A_574 = tpu.vector_load %arg16[%swap3A_573] {strides = array<i32>} : memref<10240xf32, #tpu.memory_space<vmem>>, vector<16xf32>,
      tpu.vector_store %arg16[%swap3A_573], %parallel_loop3A_522#8 {strides = array<i32>} : memref<10240xf32, #tpu.memory_space<vmem>>, vector<16xf32>,
      %mul3A_575 = arith.constant 320 : i32
      %mul3A_576 = arith.muli %add3A_510, %mul3A_575 : i32
      %add3A_577 = arith.constant 128 : i32
      %add3A_578 = arith.addi %mul3A_576, %add3A_577 : i32
      %swap3A_579 = arith.index_cast %add3A_578 : i32 to index
      %swap3A_580 = tpu.vector_load %arg16[%swap3A_579] {strides = array<i32>} : memref<10240xf32, #tpu.memory_space<vmem>>, vector<16xf32>,
      tpu.vector_store %arg16[%swap3A_579], %parallel_loop3A_522#9 {strides = array<i32>} : memref<10240xf32, #tpu.memory_space<vmem>>, vector<16xf32>,
      %mul3A_581 = arith.constant 320 : i32
      %mul3A_582 = arith.muli %add3A_510, %mul3A_581 : i32
      %add3A_583 = arith.constant 144 : i32
      %add3A_584 = arith.addi %mul3A_582, %add3A_583 : i32
      %swap3A_585 = arith.index_cast %add3A_584 : i32 to index
      %swap3A_586 = tpu.vector_load %arg16[%swap3A_585] {strides = array<i32>} : memref<10240xf32, #tpu.memory_space<vmem>>, vector<16xf32>,
      tpu.vector_store %arg16[%swap3A_585], %parallel_loop3A_522#10 {strides = array<i32>} : memref<10240xf32, #tpu.memory_space<vmem>>, vector<16xf32>,
      %mul3A_587 = arith.constant 320 : i32
      %mul3A_588 = arith.muli %add3A_510, %mul3A_587 : i32
      %add3A_589 = arith.constant 160 : i32
      %add3A_590 = arith.addi %mul3A_588, %add3A_589 : i32
      %swap3A_591 = arith.index_cast %add3A_590 : i32 to index
      %swap3A_592 = tpu.vector_load %arg16[%swap3A_591] {strides = array<i32>} : memref<10240xf32, #tpu.memory_space<vmem>>, vector<16xf32>,
      tpu.vector_store %arg16[%swap3A_591], %parallel_loop3A_522#11 {strides = array<i32>} : memref<10240xf32, #tpu.memory_space<vmem>>, vector<16xf32>,
      %mul3A_593 = arith.constant 320 : i32
      %mul3A_594 = arith.muli %add3A_510, %mul3A_593 : i32
      %add3A_595 = arith.constant 176 : i32
      %add3A_596 = arith.addi %mul3A_594, %add3A_595 : i32
      %swap3A_597 = arith.index_cast %add3A_596 : i32 to index
      %swap3A_598 = tpu.vector_load %arg16[%swap3A_597] {strides = array<i32>} : memref<10240xf32, #tpu.memory_space<vmem>>, vector<16xf32>,
      tpu.vector_store %arg16[%swap3A_597], %parallel_loop3A_522#12 {strides = array<i32>} : memref<10240xf32, #tpu.memory_space<vmem>>, vector<16xf32>,
      %mul3A_599 = arith.constant 320 : i32
      %mul3A_600 = arith.muli %add3A_510, %mul3A_599 : i32
      %add3A_601 = arith.constant 192 : i32
      %add3A_602 = arith.addi %mul3A_600, %add3A_601 : i32
      %swap3A_603 = arith.index_cast %add3A_602 : i32 to index
      %swap3A_604 = tpu.vector_load %arg16[%swap3A_603] {strides = array<i32>} : memref<10240xf32, #tpu.memory_space<vmem>>, vector<16xf32>,
      tpu.vector_store %arg16[%swap3A_603], %parallel_loop3A_522#13 {strides = array<i32>} : memref<10240xf32, #tpu.memory_space<vmem>>, vector<16xf32>,
      %mul3A_605 = arith.constant 320 : i32
      %mul3A_606 = arith.muli %add3A_510, %mul3A_605 : i32
      %add3A_607 = arith.constant 208 : i32
      %add3A_608 = arith.addi %mul3A_606, %add3A_607 : i32
      %swap3A_609 = arith.index_cast %add3A_608 : i32 to index
      %swap3A_610 = tpu.vector_load %arg16[%swap3A_609] {strides = array<i32>} : memref<10240xf32, #tpu.memory_space<vmem>>, vector<16xf32>,
      tpu.vector_store %arg16[%swap3A_609], %parallel_loop3A_522#14 {strides = array<i32>} : memref<10240xf32, #tpu.memory_space<vmem>>, vector<16xf32>,
      %mul3A_611 = arith.constant 320 : i32
      %mul3A_612 = arith.muli %add3A_510, %mul3A_611 : i32
      %add3A_613 = arith.constant 224 : i32
      %add3A_614 = arith.addi %mul3A_612, %add3A_613 : i32
      %swap3A_615 = arith.index_cast %add3A_614 : i32 to index
      %swap3A_616 = tpu.vector_load %arg16[%swap3A_615] {strides = array<i32>} : memref<10240xf32, #tpu.memory_space<vmem>>, vector<16xf32>,
      tpu.vector_store %arg16[%swap3A_615], %parallel_loop3A_522#15 {strides = array<i32>} : memref<10240xf32, #tpu.memory_space<vmem>>, vector<16xf32>,
      %mul3A_617 = arith.constant 320 : i32
      %mul3A_618 = arith.muli %add3A_510, %mul3A_617 : i32
      %add3A_619 = arith.constant 240 : i32
      %add3A_620 = arith.addi %mul3A_618, %add3A_619 : i32
      %swap3A_621 = arith.index_cast %add3A_620 : i32 to index
      %swap3A_622 = tpu.vector_load %arg16[%swap3A_621] {strides = array<i32>} : memref<10240xf32, #tpu.memory_space<vmem>>, vector<16xf32>,
      tpu.vector_store %arg16[%swap3A_621], %parallel_loop3A_522#16 {strides = array<i32>} : memref<10240xf32, #tpu.memory_space<vmem>>, vector<16xf32>,
      %mul3A_623 = arith.constant 320 : i32
      %mul3A_624 = arith.muli %add3A_510, %mul3A_623 : i32
      %add3A_625 = arith.constant 256 : i32
      %add3A_626 = arith.addi %mul3A_624, %add3A_625 : i32
      %swap3A_627 = arith.index_cast %add3A_626 : i32 to index
      %swap3A_628 = tpu.vector_load %arg16[%swap3A_627] {strides = array<i32>} : memref<10240xf32, #tpu.memory_space<vmem>>, vector<16xf32>,
      tpu.vector_store %arg16[%swap3A_627], %parallel_loop3A_522#17 {strides = array<i32>} : memref<10240xf32, #tpu.memory_space<vmem>>, vector<16xf32>,
      %mul3A_629 = arith.constant 320 : i32
      %mul3A_630 = arith.muli %add3A_510, %mul3A_629 : i32
      %add3A_631 = arith.constant 272 : i32
      %add3A_632 = arith.addi %mul3A_630, %add3A_631 : i32
      %swap3A_633 = arith.index_cast %add3A_632 : i32 to index
      %swap3A_634 = tpu.vector_load %arg16[%swap3A_633] {strides = array<i32>} : memref<10240xf32, #tpu.memory_space<vmem>>, vector<16xf32>,
      tpu.vector_store %arg16[%swap3A_633], %parallel_loop3A_522#18 {strides = array<i32>} : memref<10240xf32, #tpu.memory_space<vmem>>, vector<16xf32>,
      %mul3A_635 = arith.constant 320 : i32
      %mul3A_636 = arith.muli %add3A_510, %mul3A_635 : i32
      %add3A_637 = arith.constant 288 : i32
      %add3A_638 = arith.addi %mul3A_636, %add3A_637 : i32
      %swap3A_639 = arith.index_cast %add3A_638 : i32 to index
      %swap3A_640 = tpu.vector_load %arg16[%swap3A_639] {strides = array<i32>} : memref<10240xf32, #tpu.memory_space<vmem>>, vector<16xf32>,
      tpu.vector_store %arg16[%swap3A_639], %parallel_loop3A_522#19 {strides = array<i32>} : memref<10240xf32, #tpu.memory_space<vmem>>, vector<16xf32>,
      %mul3A_641 = arith.constant 320 : i32
      %mul3A_642 = arith.muli %add3A_510, %mul3A_641 : i32
      %add3A_643 = arith.constant 304 : i32
      %add3A_644 = arith.addi %mul3A_642, %add3A_643 : i32
      %swap3A_645 = arith.index_cast %add3A_644 : i32 to index
      %swap3A_646 = tpu.vector_load %arg16[%swap3A_645] {strides = array<i32>} : memref<10240xf32, #tpu.memory_space<vmem>>, vector<16xf32>,
      tpu.vector_store %arg16[%swap3A_645], %parallel_loop3A_522#20 {strides = array<i32>} : memref<10240xf32, #tpu.memory_space<vmem>>, vector<16xf32>,
      %scan3A_647 = arith.constant 0 : i32
      scf.yield %scan3A_647 : i32
    }
    %scan3A_94 = arith.constant 16 : i32
    "tpu.region"() ({
      %run_scoped3A = tpu.sem_alloc : memref<!tpu.dma_semaphore, #tpu.memory_space<semaphore_mem>>
      %dma_start3A_97 = tpu.memref_slice %arg7[%mul3A_2] : memref<16384xf32, #tpu.memory_space<hbm>> -> memref<512xf32, #tpu.memory_space<hbm>>
      %dma_start3A_98 = tpu.memref_slice %arg7[%mul3A_2] : memref<16384xf32, #tpu.memory_space<hbm>> -> memref<512xf32, #tpu.memory_space<hbm>>
      tpu.enqueue_dma source(%arg15 : memref<512xf32, #tpu.memory_space<vmem>>) target(%dma_start3A_98 : memref<512xf32, #tpu.memory_space<hbm>>) target_semaphore(%run_scoped3A : memref<!tpu.dma_semaphore, #tpu.memory_space<semaphore_mem>>)
      %dma_wait3A = tpu.memref_slice %arg7[%mul3A_2] : memref<16384xf32, #tpu.memory_space<hbm>> -> memref<512xf32, #tpu.memory_space<hbm>>
      %dma_wait3A_99 = tpu.memref_slice %arg7[%mul3A_2] : memref<16384xf32, #tpu.memory_space<hbm>> -> memref<512xf32, #tpu.memory_space<hbm>>
      tpu.wait_dma2 semaphore(%run_scoped3A : memref<!tpu.dma_semaphore, #tpu.memory_space<semaphore_mem>>) src(%arg15 : memref<512xf32, #tpu.memory_space<vmem>>) dst(%dma_wait3A_99 : memref<512xf32, #tpu.memory_space<hbm>>)
      tpu.yield
    }) : () -> ()
    %mul3A_95 = arith.constant 20 : i32
    %mul3A_96 = arith.muli %mul3A_2, %mul3A_95 : i32
    "tpu.region"() ({
      %run_scoped3A = tpu.sem_alloc : memref<!tpu.dma_semaphore, #tpu.memory_space<semaphore_mem>>
      %dma_start3A_97 = tpu.memref_slice %arg8[%mul3A_96] : memref<327680xf32, #tpu.memory_space<hbm>> -> memref<10240xf32, #tpu.memory_space<hbm>>
      %dma_start3A_98 = tpu.memref_slice %arg8[%mul3A_96] : memref<327680xf32, #tpu.memory_space<hbm>> -> memref<10240xf32, #tpu.memory_space<hbm>>
      tpu.enqueue_dma source(%arg16 : memref<10240xf32, #tpu.memory_space<vmem>>) target(%dma_start3A_98 : memref<10240xf32, #tpu.memory_space<hbm>>) target_semaphore(%run_scoped3A : memref<!tpu.dma_semaphore, #tpu.memory_space<semaphore_mem>>)
      %dma_wait3A = tpu.memref_slice %arg8[%mul3A_96] : memref<327680xf32, #tpu.memory_space<hbm>> -> memref<10240xf32, #tpu.memory_space<hbm>>
      %dma_wait3A_99 = tpu.memref_slice %arg8[%mul3A_96] : memref<327680xf32, #tpu.memory_space<hbm>> -> memref<10240xf32, #tpu.memory_space<hbm>>
      tpu.wait_dma2 semaphore(%run_scoped3A : memref<!tpu.dma_semaphore, #tpu.memory_space<semaphore_mem>>) src(%arg16 : memref<10240xf32, #tpu.memory_space<vmem>>) dst(%dma_wait3A_99 : memref<10240xf32, #tpu.memory_space<hbm>>)
      tpu.yield
    }) : () -> ()
    return
  }
}

module attributes {stable_mosaic.version = 14 : i64} {
  func.func @tc_body(%arg0: memref<128x128xf32, #tpu.memory_space<vmem>>, %arg1: memref<2560x128xf32, #tpu.memory_space<vmem>>, %arg2: memref<1x1xf32, #tpu.memory_space<smem>>) attributes {dimension_semantics = [], scalar_prefetch = 0 : i64, scratch_operands = 0 : i64, tpu.core_type = #tpu.core_type<tc>} {
    %get3A = arith.constant 0 : index
    %get3A_0 = arith.constant 0 : index
    %get3A_1 = vector.load %arg0[%get3A, %get3A_0] : memref<128x128xf32, #tpu.memory_space<vmem>>, vector<128x128xf32>
    %get3A_2 = arith.constant 0 : index
    %get3A_3 = arith.constant 0 : index
    %get3A_4 = vector.load %arg1[%get3A_2, %get3A_3] : memref<2560x128xf32, #tpu.memory_space<vmem>>, vector<2560x128xf32>
    %neg3A = arith.constant 0.000000e+00 : f32
    %neg3A_5 = vector.broadcast %neg3A : f32 to vector<128x128xf32>
    %neg3A_6 = arith.subf %neg3A_5, %get3A_1 : vector<128x128xf32>
    %max3A = arith.constant 0.000000e+00 : f32
    %max3A_7 = vector.broadcast %max3A : f32 to vector<128x128xf32>
    %max3A_8 = arith.maximumf %neg3A_6, %max3A_7 : vector<128x128xf32>
    %abs3A = math.absf %neg3A_6 : vector<128x128xf32>
    %neg3A_9 = arith.constant 0.000000e+00 : f32
    %neg3A_10 = vector.broadcast %neg3A_9 : f32 to vector<128x128xf32>
    %neg3A_11 = arith.subf %neg3A_10, %abs3A : vector<128x128xf32>
    %exp3A = math.exp %neg3A_11 : vector<128x128xf32>
    %log1p3A = math.log1p %exp3A : vector<128x128xf32>
    %add3A = arith.addf %max3A_8, %log1p3A : vector<128x128xf32>
    %reduce_sum3A = vector.shape_cast %add3A : vector<128x128xf32> to vector<1x128x128xf32>
    %reduce_sum3A_12 = arith.constant dense<0.000000e+00> : vector<1xf32>
    %reduce_sum3A_13 = vector.multi_reduction <add>, %reduce_sum3A, %reduce_sum3A_12 [1, 2] : vector<1x128x128xf32> to vector<1xf32>
    %reduce_sum3A_14 = vector.shape_cast %reduce_sum3A_13 : vector<1xf32> to vector<1x1x1xf32>
    %reduce_sum3A_15 = vector.extract %reduce_sum3A_14[0, 0, 0] : f32 from vector<1x1x1xf32>
    %max3A_16 = arith.constant 0.000000e+00 : f32
    %max3A_17 = vector.broadcast %max3A_16 : f32 to vector<2560x128xf32>
    %max3A_18 = arith.maximumf %get3A_4, %max3A_17 : vector<2560x128xf32>
    %abs3A_19 = math.absf %get3A_4 : vector<2560x128xf32>
    %neg3A_20 = arith.constant 0.000000e+00 : f32
    %neg3A_21 = vector.broadcast %neg3A_20 : f32 to vector<2560x128xf32>
    %neg3A_22 = arith.subf %neg3A_21, %abs3A_19 : vector<2560x128xf32>
    %exp3A_23 = math.exp %neg3A_22 : vector<2560x128xf32>
    %log1p3A_24 = math.log1p %exp3A_23 : vector<2560x128xf32>
    %add3A_25 = arith.addf %max3A_18, %log1p3A_24 : vector<2560x128xf32>
    %reduce_sum3A_26 = vector.shape_cast %add3A_25 : vector<2560x128xf32> to vector<1x2560x128xf32>
    %reduce_sum3A_27 = arith.constant dense<0.000000e+00> : vector<1xf32>
    %reduce_sum3A_28 = vector.multi_reduction <add>, %reduce_sum3A_26, %reduce_sum3A_27 [1, 2] : vector<1x2560x128xf32> to vector<1xf32>
    %reduce_sum3A_29 = vector.shape_cast %reduce_sum3A_28 : vector<1xf32> to vector<1x1x1xf32>
    %reduce_sum3A_30 = vector.extract %reduce_sum3A_29[0, 0, 0] : f32 from vector<1x1x1xf32>
    %add3A_31 = arith.addf %reduce_sum3A_15, %reduce_sum3A_30 : f32
    %div3A = arith.constant 1.638400e+04 : f32
    %div3A_32 = arith.divf %add3A_31, %div3A : f32
    %swap3A = arith.constant 0 : index
    %swap3A_33 = arith.constant 0 : index
    %swap3A_34 = memref.load %arg2[%swap3A, %swap3A_33] : memref<1x1xf32, #tpu.memory_space<smem>>
    memref.store %div3A_32, %arg2[%swap3A, %swap3A_33] : memref<1x1xf32, #tpu.memory_space<smem>>
    return
  }
}

</mosaic_0001>

<sc_bundles>
// kernel: kernel.5.cloned.1.call-start
scs
__scs_entry_jumppad:
0x0: {  	(pc) =	sbr.rel $0x88, $3  }
0x1: {  	(tag) =	ssettag $0x0;
	lr =	simm.s32 $0x1  }
0x2: {  	[smem:$0x3F9C] =	sst lr;
	_ =	strace $0xD0000000  }
0x3: {  	_ = 	snop  }
0x4: {  	_ = 	snop  }
0x5: {  	_ = 	snop  }
0x6: {  	_ = 	snop  }
0x7: {  	_ = 	snop  }
__scs_overlays_trampoline_lowered:
0x8: {  	[smem:$0x3FAB] =	sst s0  }
0x9: {  	[smem:$0x3FAC] =	sst s1  }
0xa: {  	[smem:$0x3FAD] =	sst s2  }
0xb: {  	[smem:$0x3FAE] =	sst s3  }
0xc: {  	[smem:$0x3FAF] =	sst s4  }
0xd: {  	[smem:$0x3FB0] =	sst s5  }
0xe: {  	[smem:$0x3FB1] =	sst s6  }
0xf: {  	[smem:$0x3FB2] =	sst s7  }
0x10: {  	[smem:$0x3FB3] =	sst s8  }
0x11: {  	[smem:$0x3FB4] =	sst s9;
	s0 =	simm.s32 @!p0 $0x0  }
0x12: {  	s1 =	sld [smem:$0x3F9A];
	s0 =	simm.s32 @p0 $0x1  }
0x13: {  	[smem:$0x3FB5] =	sst s0;
	s0 =	simm.s32 @!p1 $0x0  }
0x14: {  	s2 =	sld [smem:$0x3F99];
	s0 =	simm.s32 @p1 $0x1  }
0x15: {  	[smem:$0x3FB6] =	sst s0;
	s0 =	simm.s32 @!p2 $0x0  }
0x16: {  	s3 =	sld [smem:$0x3FDB];
	s0 =	simm.s32 @p2 $0x1  }
0x17: {  	s4 =	simm.s32 $0x1BF5;
	[smem:$0x3FB8] =	sst s0  }
0x18: {  	s0 =	sld [smem:$0x3F9B];
	_ =	swait.ge [sflag:s4], $0x0  }
0x19: {  	s7 =	sld [smem:$0x3F9C]  }
0x1a: {  	s8 =	sadd.s32 $0xFFFFE003, lr  }
0x1b: {  	s9 =	sadd.s32 $0xFFFFFEF7, lr;
	s5 =	simm.s32 $0xFFFFFFFF;
	p2 =	slt.u32 s8, $0xFFFFF086  }
0x1c: {  	p1 =	slt.u32 s9, $0xF7A;
	s5 =	simm.s32 @!p2 $0x0  }
0x1d: {  	s5 =	simm.s32 @p1 $0x1;
	p0 =	seq.s32 s7, s2  }
0x1e: {  	s7 =	smul.u32 @!p0 $0xF7A, s2;
	p2 =	seq.s32 @!p0 s5, $0x0  }
0x1f: {  	s9 =	smul.u32 $0xF7A, s1;
	s8 =	simm.s32 @!p0 $0x1BF5;
	p2 =	por !p2, p0  }
0x20: {  	[sflag:s8] =	ssyncset.s32 @!p0 $0xFFFFF086;
	s6 =	sadd.s32 @!p0 s3, s7;
	s7 =	simm.s32 @!p0 $0x108  }
0x21: {  	s3 =	sadd.s32 s3, s9;
	s6 =	sadd.s32 @!p0 $0x88, s6;
	s7 =	simm.s32 @p2 $0x1082  }
0x22: {  	[simem:s7], [sflag:s8] =	dma.local @!p0 [hbm:s6], $0xF7A  }
0x23: {  	s9 =	sor.u32 $0xD0000000, s2;
	s6 =	simm.s32 $0x108;
	_ =	swait.ge @!p0 [sflag:s8], $0x0  }
0x24: {  	s3 =	sadd.s32 $0x88, s3;
	s6 =	simm.s32 @!p1 $0x1082;
	[sflag:s4] =	ssyncset.s32 $0xFFFFF086  }
0x25: {  	[simem:s6], [sflag:s4] =	dma.local [hbm:s3], $0xF7A  }
0x26: {  	[smem:$0x3F9C] =	sst s1;
	(tag) =	ssettag s2;
	_ =	strace s9  }
0x27: {  	s1 =	sld [smem:$0x3FAC]  }
0x28: {  	s2 =	sld [smem:$0x3FAD]  }
0x29: {  	s4 =	sld [smem:$0x3FAF]  }
0x2a: {  	p0 =	seq.s32 s5, $0x0;
	s5 =	sld [smem:$0x3FB0]  }
0x2b: {  	s6 =	sld [smem:$0x3FB1]  }
0x2c: {  	s7 =	sld [smem:$0x3FB2]  }
0x2d: {  	s3 =	simm.s32 $0x108;
	s8 =	sld [smem:$0x3FB3]  }
0x2e: {  	s3 =	simm.s32 @!p0 $0x1082;
	s9 =	sld [smem:$0x3FB4]  }
0x2f: {  	lr =	sadd.s32 s0, s3;
	s0 =	sld [smem:$0x3FAB]  }
0x30: {  	s3 =	sld [smem:$0x3FAE]  }
0x31: {  	[smem:$0x3FB7] =	sst s10  }
0x32: {  	s10 =	sld [smem:$0x3FB5];
	_ =	sdelay $0x3  }
0x33: {  	p0 =	seq.s32 s10, $0x1;
	s10 =	sld [smem:$0x3FB7];
	_ =	sdelay $0x3  }
0x34: {  	[smem:$0x3FB7] =	sst s10  }
0x35: {  	s10 =	sld [smem:$0x3FB6];
	_ =	sdelay $0x3  }
0x36: {  	p1 =	seq.s32 s10, $0x1;
	s10 =	sld [smem:$0x3FB7];
	_ =	sdelay $0x3  }
0x37: {  	[smem:$0x3FB7] =	sst s10  }
0x38: {  	s10 =	sld [smem:$0x3FB8]  }
0x39: {  	_ = 	snop;
	(pc) =	sbr.ind lr, $3  }
0x3a: {  	_ = 	snop  }
0x3b: {  	_ = 	snop  }
0x3c: {  	p2 =	seq.s32 s10, $0x1;
	s10 =	sld [smem:$0x3FB7]  }
0x3d: {  	_ =	shalt  }
0x3e: {  	_ =	shalt  }
0x3f: {  	_ =	shalt  }
0x40: {  	_ =	shalt  }
0x41: {  	_ =	shalt  }
0x42: {  	_ =	shalt  }
0x43: {  	_ =	shalt  }
0x44: {  	_ =	shalt  }
0x45: {  	_ =	shalt  }
0x46: {  	_ =	shalt  }
0x47: {  	_ =	shalt  }
0x48: {  	_ =	shalt  }
0x49: {  	_ =	shalt  }
0x4a: {  	_ =	shalt  }
0x4b: {  	_ =	shalt  }
0x4c: {  	_ =	shalt  }
0x4d: {  	_ =	shalt  }
0x4e: {  	_ =	shalt  }
0x4f: {  	_ =	shalt  }
0x50: {  	_ =	shalt  }
0x51: {  	_ =	shalt  }
0x52: {  	_ =	shalt  }
0x53: {  	_ =	shalt  }
0x54: {  	_ =	shalt  }
0x55: {  	_ =	shalt  }
0x56: {  	_ =	shalt  }
0x57: {  	_ =	shalt  }
0x58: {  	_ =	shalt  }
0x59: {  	_ =	shalt  }
0x5a: {  	_ =	shalt  }
0x5b: {  	_ =	shalt  }
0x5c: {  	_ =	shalt  }
0x5d: {  	_ =	shalt  }
0x5e: {  	_ =	shalt  }
0x5f: {  	_ =	shalt  }
0x60: {  	_ =	shalt  }
0x61: {  	_ =	shalt  }
0x62: {  	_ =	shalt  }
0x63: {  	_ =	shalt  }
0x64: {  	_ =	shalt  }
0x65: {  	_ =	shalt  }
0x66: {  	_ =	shalt  }
0x67: {  	_ =	shalt  }
0x68: {  	_ =	shalt  }
0x69: {  	_ =	shalt  }
0x6a: {  	_ =	shalt  }
0x6b: {  	_ =	shalt  }
0x6c: {  	_ =	shalt  }
0x6d: {  	_ =	shalt  }
0x6e: {  	_ =	shalt  }
0x6f: {  	_ =	shalt  }
0x70: {  	_ =	shalt  }
0x71: {  	_ =	shalt  }
0x72: {  	_ =	shalt  }
0x73: {  	_ =	shalt  }
0x74: {  	_ =	shalt  }
0x75: {  	_ =	shalt  }
0x76: {  	_ =	shalt  }
0x77: {  	_ =	shalt  }
0x78: {  	_ =	shalt  }
0x79: {  	_ =	shalt  }
0x7a: {  	_ =	shalt  }
0x7b: {  	_ =	shalt  }
0x7c: {  	_ =	shalt  }
0x7d: {  	_ =	shalt  }
0x7e: {  	_ =	shalt  }
0x7f: {  	_ =	shalt  }
0x80: {  	_ =	shalt  }
0x81: {  	_ =	shalt  }
0x82: {  	_ =	shalt  }
0x83: {  	_ =	shalt  }
0x84: {  	_ =	shalt  }
0x85: {  	_ =	shalt  }
0x86: {  	_ =	shalt  }
0x87: {  	_ =	shalt  }
.Lfunc_end0:
.L_simem_size_0:
called_computation_lowered:
.L_overlay_start_0:
0x88: {  	s2 =	sld [smem:$0x3FD9]  }
0x89: {  	s3 =	sld [smem:$0x3FFE];
	_ =	sdelay $0x1  }
0x8a: {  	s1 =	srdreg.scid  }
0x8b: {  	s0 =	sand.u32 $0x1, s1  }
0x8c: {  	s17 =	sshll.u32 s0, $0xA;
	s2 =	sadd.s32 s3, s2  }
0x8d: {  	s2 =	sadd.s32 s2, s17  }
0x8e: {  	[smem:$0x3FC3] =	sst s2  }
0x8f: {  	_ = 	snop  }
0x90: {  	s2 =	sld [smem:$0x3FC6]  }
0x91: {  	s18 =	sld [smem:$0x3FC5];
	(tm) =	ssettm $0x1  }
0x92: {  	s4 =	sld [smem:$0x3FFB];
	_ =	sdelay $0x3  }
0x93: {  	_ =	strace s4  }
0x94: {  	s4 =	sld [smem:$0x3FFC];
	_ =	sdelay $0x3  }
0x95: {  	_ =	strace s4  }
0x96: {  	s4 =	sld [smem:$0x3FFD];
	_ =	sdelay $0x3  }
0x97: {  	_ =	strace s4  }
0x98: {  	_ =	strace $0x8FFFFFFF  }
0x99: {  	s19 =	sld [smem:$0x3FDB];
	_ =	sdelay $0x1  }
0x9a: {  	s5 =	simm.s32 $_scs_section_size  }
0x9b: {  	s6 =	simm.s32 $_size__tile_overlayer_lowered;
	s7 =	simm.s32 $_tile_overlayer_lowered  }
0x9c: {  	s22 =	simm.s32 $0x1BFF;
	s21 =	sshll.u32 s7, $0x1;
	s4 =	sadd.s32 s5, s19  }
0x9d: {  	s8 =	simm.s32 $0x0;
	s20 =	sshll.u32 s6, $0x1;
	s6 =	sadd.s32 s21, s4  }
0x9e: {  	[timem:s8], [sflag:s22] =	dma.local [hbm:s6], s20  }
0x9f: {  	_ =	swait.ge [sflag:s22], s20  }
0xa0: {  	s5 =	ssub.s32 $0x0, s20;
	[sflag:s22] =	ssyncset.done $0x0  }
0xa1: {  	[sflag:s22] =	ssyncadd.s32 s5;
	_ =	sdelay $0x1  }
0xa2: {  	s23 =	simm.s32 $0x1B8B  }
0xa3: {  	_ =	swait.ge [sflag:s23], $0x1  }
0xa4: {  	[sflag:s23] =	ssyncset.done $0x0  }
0xa5: {  	s25 =	simm.s32 $0x1B8E;
	s24 =	sld [smem:$0x3FFE];
	[sflag:s23] =	ssyncadd.s32 $0xFFFFFFFF  }
0xa6: {  	s26 =	simm.s32 $execute0_lowered;
	[smem:$0x3FD2] =	sst s25  }
0xa7: {  	s6 =	sshll.u32 s26, $0x1;
	_ =	strace $0x80000046;
	[dreg:$0x1] =	wrdreg $0xFFFFFFFF  }
0xa8: {  	s28 =	simm.s32 $_size_execute0_lowered;
	s4 =	sadd.s32 s4, s6;
	[dreg:$0x0] =	wrdreg $0x0  }
0xa9: {  	s6 =	sshll.u32 s28, $0x1;
	[dreg:$0x2] =	wrdreg s4  }
0xaa: {  	[dreg:$0x3] =	wrdreg s6  }
0xab: {  	[dreg:$0x4] =	wrdreg $0xC0  }
0xac: {  	_ =	task [dreg:s8], $0x5FFFF  }
0xad: {  	[dreg:$0x1] =	wrdreg $0xFFFFFFFF  }
0xae: {  	[dreg:$0x0] =	wrdreg $0x60  }
0xaf: {  	[dreg:$0x2] =	wrdreg s2  }
0xb0: {  	[dreg:$0x3] =	wrdreg s18  }
0xb1: {  	[dreg:$0x4] =	wrdreg s24  }
0xb2: {  	[dreg:$0x5] =	wrdreg $0x9  }
0xb3: {  	_ =	task.clear_ibuf [dreg:s8], $0x6FFFF;
	_ =	strace $0x90000046  }
0xb4: {  	s29 =	simm.s32 $0x9;
	_ =	strace $0x80000048  }
0xb5: {  	_ =	swait.ge [sflag:s29], $0x1  }
0xb6: {  	[sflag:s29] =	ssyncadd.s32 $0xFFFFFFFF  }
0xb7: {  	_ =	strace $0x90000048  }
0xb8: {  	_ =	sfence  }
0xb9: {  	s30 =	sld [smem:$0x0];
	_ =	sdelay $0x2  }
0xba: {  	s31 =	sshll.u32 s1, $0xD;
	s1 =	sshrl.u32 s1, $0x2  }
0xbb: {  	s3 =	sand.u32 $0x4000, s31;
	s1 =	sadd.s32 s1, s30  }
0xbc: {  	s0 =	sor.u32 s3, s0;
	s1 =	sshll.u32 s1, $0x11  }
0xbd: {  	s0 =	sor.u32 s1, s0  }
0xbe: {  	s0 =	sadd.s32 $0x8F2B, s0  }
0xbf: {  	[sflag:s0] =	ssyncadd.remote.s32 $0x1  }
0xc0: {  	_ =	sfence.sel $0xFFFF  }
0xc1: {  	[dreg:$0x0] =	wrdreg $0xFFFFFFFF;
	(pc) =	sbr.abs _section_cstart, $3  }
0xc2: {  	[dreg:$0x1] =	wrdreg $0xFFFFFFFF  }
0xc3: {  	_ =	task.clear_ibuf [dreg:s8], $0x2FFFF;
	_ =	strace $0x9FFFFFFF  }
0xc4: {  	(tm) =	ssettm $0x7FFFFFFF  }
0xc5: {  	_ =	shalt  }
tec
execute0_lowered:
.L_overlay_start_1:
0x0: {  	(tag) =	ssettag $0x1  }
0x1: {  	s2 =	rddreg [dreg:$0x0]  }
0x2: {  	s13 =	rddreg [dreg:$0x1]  }
0x3: {  	s0 =	rddreg [dreg:$0x2];
	s3 =	simm.s32 $0x0;
	s1 =	srdreg.scid  }
0x4: {  	s14 =	stileid.u32;
	s28 =	simm.s32 $0x2;
	s29 =	simm.s32 $0x4  }
0x5: {  	s30 =	simm.s32 $0x8000;
	[smem:$0x7FF] =	sst s3;
	s4 =	sadd.s32 $0x1600, s0  }
0x6: {  	s1 =	sand.u32 $0x1, s1;
	s19 =	sadd.s32 $0x1A00, s0;
	s5 =	sshll.u32 s14, $0x1  }
0x7: {  	s7 =	sadd.s32 $0x1E00, s0;
	_ =	strace $0x80000047;
	[dreg:$0x4] =	wrdreg s4  }
0x8: {  	s8 =	sadd.s32 $0xF44200, s0;
	s24 =	sadd.s32 $0xF43E00, s0;
	[dreg:$0x5] =	wrdreg s19  }
0x9: {  	s0 =	sadd.s32 $0x1E86200, s0;
	p1 =	sgt.u32 s14, $0x1;
	[dreg:$0x9] =	wrdreg s24  }
0xa: {  	s20 =	ssub.s32 $0x2, s1;
	s1 =	sor.u32 s1, s5;
	[dreg:$0xd] =	wrdreg s0  }
0xb: {  	s24 =	simm.s32 $0x2000;
	s6 =	sshrl.u32 s20, $0x1;
	s5 =	sshll.u32 s1, $0x7  }
0xc: {  	s22 =	sshll.u32 s1, $0xB;
	s10 =	sor.u32 $0x40, s1;
	p0 =	sne.s32 s1, $0x4  }
0xd: {  	s4 =	ssub.s32 s20, s6;
	s21 =	sadd.s32 s2, s5;
	s9 =	sor.u32 $0xF4000, s5  }
0xe: {  	s11 =	sadd.s32 s7, s22;
	s5 =	sadd.s32 s13, s5;
	s16 =	sadd.s32 s8, s22  }
0xf: {  	s22 =	simm.s32 $0x400;
	[dreg:$0x6] =	wrdreg s21;
	s12 =	sshll.u32 s9, $0x4  }
0x10: {  	s15 =	sadd.s32 s2, s9;
	[dreg:$0xa] =	wrdreg s5;
	s25 =	sadd.s32 s13, s9  }
.Ltmp0:
0x11: {  	s31 =	smax.u32 s4, $0x1;
	[dreg:$0x7] =	wrdreg s15;
	(pc) =	sbr.rel .LBB2_1-.Ltmp0, $4  }
0x12: {  	v0 =	vlaneseq.u32;
	s21 =	sor.u32 $0x20, s1;
	s4 =	simm.s32 $0xC000;
	[dreg:$0xb] =	wrdreg s25  }
0x13: {  	v1 =	vmul.u32 $0x80, v0;
	s1 =	simm.s32 $0x0;
	s23 =	sadd.s32 s7, s12;
	[dreg:$0xe] =	wrdreg s31  }
0x14: {  	v3 =	vor.u32 $0x10, v0;
	v5 =	vor.u32 $0x20, v0;
	v7 =	vor.u32 $0x30, v0;
	s26 =	sadd.s32 s8, s12;
	s25 =	simm.s32 $0x1;
	[dreg:$0x8] =	wrdreg s23  }
0x15: {  	v2 =	vor.u32 $0x800, v1;
	v4 =	vor.u32 $0x1000, v1;
	v6 =	vor.u32 $0x1800, v1;
	[dreg:$0xc] =	wrdreg s26;
	s23 =	simm.s32 $0x7A1400;
	s26 =	simm.s32 $0x4000  }
.LBB2_37:
0x16: {  	s1 =	sadd.s32 $0x1, s1;
	s0 =	rddreg [dreg:$0xe]  }
0x17: {  	p2 =	sne.s32 s1, s0  }
.Ltmp1:
0x18: {  	_ = 	snop;
	(pc) =	sbr.rel @!p2 .LBB2_38-.Ltmp1, $2  }
0x19: {  	_ =	sdelay $0x2  }
0x1a: {  	s2 =	rddreg [dreg:$0x0]  }
.LBB2_1:
0x1b: {  	[dreg:$0xf] =	wrdreg s1  }
0x1c: {  	s0 =	rddreg [dreg:$0x6];
	s6 =	simm.s32 $0x0  }
0x1d: {  	[tilespmem:s3], [sflag:$0x1] =	stream.strided.gather [hbm4b:s0+s22], $0x2000, s23, s22, $0x38;
	[tilespmem:$0xE000] =	vst v63  }
.LBB2_2:
0x1e: {  	s13 =	sshll.u32 s6, $0x6  }
0x1f: {  	s12 =	sor.u32 s21, s13  }
0x20: {  	s0 =	sshll.u32 s12, $0x7  }
0x21: {  	s0 =	sand.u32 $0x1FFFFF80, s0  }
0x22: {  	s0 =	sadd.s32 s2, s0  }
0x23: {  	[tilespmem:s24], [sflag:$0x2] =	stream.strided.gather [hbm4b:s0+s22], $0x2000, s23, s22, $0x38;
	[tilespmem:$0xE000] =	vst v63  }
0x24: {  	s17 =	simm.s32 $0x1;
	_ =	swait.ge [sflag:s25], $0x2000  }
0x25: {  	p2 =	seq.s32 s6, $0x0;
	v8 =	vor.u32 s17, v1;
	[sflag:s25] =	ssyncset.done $0x0  }
0x26: {  	s0 =	simm.s32 @!p2 $0x3;
	[sflag:s25] =	ssyncadd.s32 $0xFFFFE000  }
0x27: {  	_ =	swait.ge @!p2 [sflag:s0], $0x4000  }
0x28: {  	s5 =	simm.s32 $0x2;
	v9 =	vmov s17;
	[sflag:s0] =	ssyncset.done @!p2 $0x0  }
0x29: {  	v11 =	vshll.u32 v9, $0x7;
	v9 =	vor.u32 s5, v1;
	[sflag:s0] =	ssyncadd.s32 @!p2 $0xFFFFC000  }
0x2a: {  	v10 =	vor.u32 v0, v11;
	v8 =	vld.idx.msk [tilespmem:v8+s3+$0x0], $0xffff  }
0x2b: {  	v12 =	vor.u32 s17, v2  }
0x2c: {  	s19 =	simm.s32 $0x0;
	v13 =	vmov s5  }
0x2d: {  	s9 =	simm.s32 $0x3;
	v14 =	vor.u32 s19, v1;
	v13 =	vshll.u32 v13, $0x7  }
0x2e: {  	v15 =	vor.u32 s9, v1;
	v16 =	vor.u32 v0, v13;
	v9 =	vld.idx.msk [tilespmem:v9+s3+$0x0], $0xffff  }
0x2f: {  	s20 =	simm.s32 $0x5;
	[tilespmem:v10+s26+$0x0] =	vst.idx.msk $0xffff, v8;
	v10 =	vor.u32 s5, v2  }
0x30: {  	v18 =	vor.u32 s20, v1;
	v17 =	vor.u32 v3, v11;
	v8 =	vmov s19;
	v12 =	vld.idx.msk [tilespmem:v12+s3+$0x0], $0xffff  }
0x31: {  	v19 =	vmov s9;
	v21 =	vshll.u32 v8, $0x7  }
0x32: {  	v20 =	vor.u32 s17, v4;
	v19 =	vshll.u32 v19, $0x7;
	v14 =	vld.idx.msk [tilespmem:v14+s3+$0x0], $0xffff;
	v22 =	vor.u32 v0, v21  }
0x33: {  	v25 =	vor.u32 s19, v2;
	v24 =	vor.u32 v0, v19;
	v15 =	vld.idx.msk [tilespmem:v15+s3+$0x0], $0xffff;
	[tilespmem:v16+s26+$0x0] =	vst.idx.msk $0xffff, v9;
	v8 =	vmov s20  }
0x34: {  	v16 =	vor.u32 v3, v13;
	v8 =	vshll.u32 v8, $0x7;
	v9 =	vld.idx.msk [tilespmem:v10+s3+$0x0], $0xffff;
	v10 =	vor.u32 s9, v2  }
0x35: {  	[tilespmem:v17+s26+$0x0] =	vst.idx.msk $0xffff, v12;
	v12 =	vld.idx.msk [tilespmem:v18+s3+$0x0], $0xffff;
	v17 =	vor.u32 v0, v8;
	v18 =	vor.u32 s5, v4  }
0x36: {  	s15 =	simm.s32 $0x7;
	v26 =	vor.u32 s20, v2  }
0x37: {  	s31 =	simm.s32 $0x6;
	v23 =	vor.u32 s15, v1;
	v20 =	vld.idx.msk [tilespmem:v20+s3+$0x0], $0xffff;
	[tilespmem:v22+s26+$0x0] =	vst.idx.msk $0xffff, v14  }
0x38: {  	s14 =	simm.s32 $0x4;
	[tilespmem:v24+s26+$0x0] =	vst.idx.msk $0xffff, v15;
	v15 =	vor.u32 v5, v11;
	v22 =	vor.u32 s31, v1;
	v24 =	vld.idx.msk [tilespmem:v25+s3+$0x0], $0xffff  }
0x39: {  	v27 =	vor.u32 v3, v21;
	v25 =	vor.u32 s14, v1;
	v28 =	vld.idx.msk [tilespmem:v10+s3+$0x0], $0xffff;
	[tilespmem:v16+s26+$0x0] =	vst.idx.msk $0xffff, v9  }
0x3a: {  	v29 =	vor.u32 s17, v6;
	v30 =	vor.u32 s9, v4;
	v16 =	vor.u32 v3, v19;
	[tilespmem:v17+s26+$0x0] =	vst.idx.msk $0xffff, v12;
	v17 =	vld.idx.msk [tilespmem:v18+s3+$0x0], $0xffff  }
0x3b: {  	v10 =	vmov s31;
	v12 =	vor.u32 s19, v4;
	v18 =	vld.idx.msk [tilespmem:v26+s3+$0x0], $0xffff;
	v26 =	vor.u32 v5, v13  }
0x3c: {  	v23 =	vld.idx.msk [tilespmem:v23+s3+$0x0], $0xffff;
	v31 =	vor.u32 v3, v8;
	v9 =	vmov s15;
	v14 =	vshll.u32 v10, $0x7  }
0x3d: {  	v32 =	vor.u32 s5, v6;
	v10 =	vshll.u32 v9, $0x7;
	v22 =	vld.idx.msk [tilespmem:v22+s3+$0x0], $0xffff;
	v34 =	vor.u32 v0, v14;
	[tilespmem:v15+s26+$0x0] =	vst.idx.msk $0xffff, v20  }
0x3e: {  	v33 =	vor.u32 s20, v4;
	v15 =	vor.u32 v0, v10;
	v20 =	vld.idx.msk [tilespmem:v25+s3+$0x0], $0xffff;
	[tilespmem:v27+s26+$0x0] =	vst.idx.msk $0xffff, v24  }
0x3f: {  	s18 =	simm.s32 $0x9;
	v9 =	vmov s14;
	v24 =	vor.u32 s31, v2;
	v25 =	vld.idx.msk [tilespmem:v29+s3+$0x0], $0xffff;
	[tilespmem:v16+s26+$0x0] =	vst.idx.msk $0xffff, v28  }
0x40: {  	s17 =	simm.s32 $0xB;
	v9 =	vshll.u32 v9, $0x7;
	v27 =	vor.u32 v7, v11;
	v29 =	vor.u32 s18, v1;
	v16 =	vld.idx.msk [tilespmem:v12+s3+$0x0], $0xffff;
	[tilespmem:v26+s26+$0x0] =	vst.idx.msk $0xffff, v17  }
0x41: {  	v28 =	vor.u32 s17, v1;
	v12 =	vor.u32 v0, v9;
	v17 =	vld.idx.msk [tilespmem:v30+s3+$0x0], $0xffff;
	[tilespmem:v31+s26+$0x0] =	vst.idx.msk $0xffff, v18  }
0x42: {  	v36 =	vor.u32 s19, v6;
	v63 =	vor.u32 v5, v21;
	v26 =	vor.u32 s14, v2;
	[tilespmem:v34+s26+$0x0] =	vst.idx.msk $0xffff, v22;
	v18 =	vld.idx.msk [tilespmem:v32+s3+$0x0], $0xffff  }
0x43: {  	v11 =	vmov s18;
	v30 =	vor.u32 v5, v19;
	[tilespmem:v15+s26+$0x0] =	vst.idx.msk $0xffff, v23;
	v23 =	vor.u32 s15, v2;
	v62 =	vld.idx.msk [tilespmem:v33+s3+$0x0], $0xffff  }
0x44: {  	v40 =	vor.u32 v5, v8;
	v11 =	vshll.u32 v11, $0x7;
	v22 =	vor.u32 v7, v13;
	v34 =	vld.idx.msk [tilespmem:v24+s3+$0x0], $0xffff  }
0x45: {  	v39 =	vor.u32 s18, v2;
	v38 =	vor.u32 v0, v11;
	v31 =	vor.u32 s9, v6;
	v29 =	vld.idx.msk [tilespmem:v29+s3+$0x0], $0xffff;
	[tilespmem:v27+s26+$0x0] =	vst.idx.msk $0xffff, v25  }
0x46: {  	s19 =	simm.s32 $0xA;
	v37 =	vor.u32 v3, v14;
	v42 =	vor.u32 v3, v9;
	v13 =	vmov s17;
	v15 =	vld.idx.msk [tilespmem:v28+s3+$0x0], $0xffff;
	[tilespmem:v12+s26+$0x0] =	vst.idx.msk $0xffff, v20  }
0x47: {  	v19 =	vor.u32 v7, v19;
	v24 =	vmov s19;
	v28 =	vor.u32 s31, v4;
	[tilespmem:v63+s26+$0x0] =	vst.idx.msk $0xffff, v16;
	v41 =	vld.idx.msk [tilespmem:v26+s3+$0x0], $0xffff  }
0x48: {  	s9 =	simm.s32 $0x8;
	v13 =	vshll.u32 v13, $0x7;
	v12 =	vshll.u32 v24, $0x7;
	[tilespmem:v30+s26+$0x0] =	vst.idx.msk $0xffff, v17;
	v30 =	vor.u32 s19, v1;
	v24 =	vld.idx.msk [tilespmem:v23+s3+$0x0], $0xffff  }
0x49: {  	v35 =	vor.u32 s9, v1;
	v27 =	vor.u32 s20, v6;
	v32 =	vor.u32 v5, v14;
	v26 =	vld.idx.msk [tilespmem:v36+s3+$0x0], $0xffff;
	[tilespmem:v22+s26+$0x0] =	vst.idx.msk $0xffff, v18  }
0x4a: {  	v33 =	vor.u32 s15, v4;
	v20 =	vor.u32 s18, v4;
	v17 =	vor.u32 v0, v13;
	v25 =	vld.idx.msk [tilespmem:v31+s3+$0x0], $0xffff;
	[tilespmem:v38+s26+$0x0] =	vst.idx.msk $0xffff, v29  }
0x4b: {  	v18 =	vor.u32 v0, v12;
	[tilespmem:v37+s26+$0x0] =	vst.idx.msk $0xffff, v34;
	v31 =	vor.u32 v3, v10;
	v23 =	vld.idx.msk [tilespmem:v39+s3+$0x0], $0xffff  }
0x4c: {  	v16 =	vor.u32 s15, v6;
	v22 =	vor.u32 v7, v21;
	v21 =	vor.u32 s14, v4;
	[tilespmem:v40+s26+$0x0] =	vst.idx.msk $0xffff, v62;
	v28 =	vld.idx.msk [tilespmem:v28+s3+$0x0], $0xffff  }
0x4d: {  	s5 =	simm.s32 $0xC;
	v36 =	vmov s9;
	v29 =	vor.u32 v3, v11;
	v34 =	vld.idx.msk [tilespmem:v30+s3+$0x0], $0xffff;
	[tilespmem:v42+s26+$0x0] =	vst.idx.msk $0xffff, v41;
	v30 =	vor.u32 s31, v6  }
.LBB2_3:
0x4e: {  	s31 =	sadd.s32 $0x1, s5;
	v35 =	vld.idx.msk [tilespmem:v35+s3+$0x0], $0xffff  }
0x4f: {  	s15 =	sadd.s32 $0x3, s5;
	v36 =	vshll.u32 v36, $0x7;
	v37 =	vor.u32 s19, v2;
	v38 =	vor.u32 v7, v8;
	[tilespmem:v19+s26+$0x0] =	vst.idx.msk $0xffff, v25;
	v8 =	vmovc v11;
	s1 =	smov.u32 s5;
	s0 =	sadd.s32 $0x4, s5  }
0x50: {  	p3 =	slt.u32 s5, $0x7C;
	v11 =	vmov s31;
	v25 =	vor.u32 s31, v1;
	s20 =	sadd.s32 $0x2, s1;
	v19 =	vmov s15;
	v27 =	vld.idx.msk [tilespmem:v27+s3+$0x0], $0xffff;
	[tilespmem:v31+s26+$0x0] =	vst.idx.msk $0xffff, v24  }
0x51: {  	v31 =	vor.u32 v0, v36;
	v24 =	vmov s20;
	v39 =	vshll.u32 v19, $0x7;
	v21 =	vld.idx.msk [tilespmem:v21+s3+$0x0], $0xffff;
	[tilespmem:v22+s26+$0x0] =	vst.idx.msk $0xffff, v26  }
0x52: {  	v11 =	vshll.u32 v11, $0x7;
	v22 =	vor.u32 s15, v1;
	v40 =	vshll.u32 v24, $0x7;
	[tilespmem:v32+s26+$0x0] =	vst.idx.msk $0xffff, v28;
	v24 =	vld.idx.msk [tilespmem:v33+s3+$0x0], $0xffff  }
0x53: {  	v26 =	vor.u32 s9, v2;
	v32 =	vor.u32 s31, v4;
	v28 =	vor.u32 v5, v10;
	[tilespmem:v29+s26+$0x0] =	vst.idx.msk $0xffff, v23;
	v23 =	vld.idx.msk [tilespmem:v30+s3+$0x0], $0xffff  }
0x54: {  	v14 =	vor.u32 v7, v14;
	v29 =	vld.idx.msk [tilespmem:v20+s3+$0x0], $0xffff;
	[tilespmem:v18+s26+$0x0] =	vst.idx.msk $0xffff, v34;
	v20 =	vor.u32 v5, v9  }
0x55: {  	v19 =	vor.u32 v7, v10;
	v33 =	vor.u32 s17, v2;
	v34 =	vor.u32 s14, v6;
	s14 =	smov.u32 s9;
	s9 =	smov.u32 s1;
	v30 =	vld.idx.msk [tilespmem:v37+s3+$0x0], $0xffff;
	[tilespmem:v17+s26+$0x0] =	vst.idx.msk $0xffff, v15  }
0x56: {  	v42 =	vor.u32 v3, v12;
	v41 =	vor.u32 v0, v11;
	v37 =	vld.idx.msk [tilespmem:v25+s3+$0x0], $0xffff;
	[tilespmem:v38+s26+$0x0] =	vst.idx.msk $0xffff, v27  }
0x57: {  	v44 =	vor.u32 s19, v4;
	v43 =	vor.u32 v5, v8;
	v38 =	vor.u32 s31, v2;
	v15 =	vld.idx.msk [tilespmem:v22+s3+$0x0], $0xffff;
	[tilespmem:v31+s26+$0x0] =	vst.idx.msk $0xffff, v35  }
0x58: {  	v18 =	vor.u32 v0, v40;
	v17 =	vor.u32 v0, v39;
	v45 =	vld.idx.msk [tilespmem:v26+s3+$0x0], $0xffff;
	[tilespmem:v28+s26+$0x0] =	vst.idx.msk $0xffff, v24  }
0x59: {  	v47 =	vor.u32 v3, v36;
	v46 =	vor.u32 s20, v1;
	v10 =	vmov v13;
	[tilespmem:v14+s26+$0x0] =	vst.idx.msk $0xffff, v23;
	v25 =	vld.idx.msk [tilespmem:v16+s3+$0x0], $0xffff  }
.Ltmp2:
0x5a: {  	v35 =	vor.u32 s9, v1;
	v22 =	vor.u32 v7, v9;
	v9 =	vmov v36;
	v24 =	vld.idx.msk [tilespmem:v33+s3+$0x0], $0xffff;
	[tilespmem:v20+s26+$0x0] =	vst.idx.msk $0xffff, v21;
	(pc) =	sbr.rel @p3 .LBB2_3-.Ltmp2, $4  }
0x5b: {  	v13 =	vmov v39;
	v27 =	vor.u32 s18, v6;
	s18 =	smov.u32 s31;
	v31 =	vor.u32 v3, v10;
	[tilespmem:v42+s26+$0x0] =	vst.idx.msk $0xffff, v30;
	v26 =	vld.idx.msk [tilespmem:v34+s3+$0x0], $0xffff  }
0x5c: {  	v14 =	vmovc v12;
	v12 =	vmov v40;
	v21 =	vor.u32 s14, v4;
	v20 =	vmov v32;
	[tilespmem:v41+s26+$0x0] =	vst.idx.msk $0xffff, v37;
	v28 =	vld.idx.msk [tilespmem:v44+s3+$0x0], $0xffff  }
0x5d: {  	v16 =	vor.u32 s17, v6;
	v32 =	vor.u32 v5, v14;
	v33 =	vor.u32 s17, v4;
	s17 =	smov.u32 s15;
	v23 =	vld.idx.msk [tilespmem:v38+s3+$0x0], $0xffff;
	[tilespmem:v43+s26+$0x0] =	vst.idx.msk $0xffff, v29  }
0x5e: {  	s5 =	smov.u32 s0;
	v36 =	vmov s9;
	v30 =	vor.u32 s19, v6;
	s19 =	smov.u32 s20;
	v29 =	vor.u32 v3, v11;
	v34 =	vld.idx.msk [tilespmem:v46+s3+$0x0], $0xffff;
	[tilespmem:v47+s26+$0x0] =	vst.idx.msk $0xffff, v45  }
0x5f: {  	_ =	sdelay $0x3  }
0x60: {  	v36 =	vshll.u32 v36, $0x7;
	v37 =	vor.u32 s19, v2;
	[tilespmem:v19+s26+$0x0] =	vst.idx.msk $0xffff, v25  }
0x61: {  	v59 =	vld.idx.msk [tilespmem:v35+s3+$0x0], $0xffff;
	[tilespmem:v31+s26+$0x0] =	vst.idx.msk $0xffff, v24;
	v61 =	vor.u32 s17, v2;
	v60 =	vor.u32 v0, v36  }
0x62: {  	v62 =	vor.u32 s9, v2;
	[tilespmem:v17+s26+$0x0] =	vst.idx.msk $0xffff, v15  }
0x63: {  	v8 =	vor.u32 v7, v8;
	v63 =	vld.idx.msk [tilespmem:v27+s3+$0x0], $0xffff;
	[tilespmem:v22+s26+$0x0] =	vst.idx.msk $0xffff, v26  }
0x64: {  	v21 =	vld.idx.msk [tilespmem:v21+s3+$0x0], $0xffff;
	v46 =	vor.u32 v5, v9;
	[tilespmem:v18+s26+$0x0] =	vst.idx.msk $0xffff, v34  }
0x65: {  	v39 =	vor.u32 v3, v12;
	[tilespmem:v32+s26+$0x0] =	vst.idx.msk $0xffff, v28;
	v18 =	vld.idx.msk [tilespmem:v37+s3+$0x0], $0xffff  }
0x66: {  	v40 =	vor.u32 s19, v4;
	v42 =	vor.u32 v3, v13;
	v41 =	vld.idx.msk [tilespmem:v61+s3+$0x0], $0xffff;
	[tilespmem:v60+s26+$0x0] =	vst.idx.msk $0xffff, v59  }
0x67: {  	v44 =	vor.u32 s17, v4;
	v43 =	vor.u32 v3, v36;
	[tilespmem:v29+s26+$0x0] =	vst.idx.msk $0xffff, v23;
	v22 =	vld.idx.msk [tilespmem:v62+s3+$0x0], $0xffff  }
0x68: {  	v38 =	vor.u32 v5, v10;
	v35 =	vld.idx.msk [tilespmem:v33+s3+$0x0], $0xffff;
	[tilespmem:v8+s26+$0x0] =	vst.idx.msk $0xffff, v63;
	v8 =	vor.u32 s9, v4  }
0x69: {  	v14 =	vor.u32 v7, v14;
	v47 =	vor.u32 s14, v6;
	v45 =	vld.idx.msk [tilespmem:v30+s3+$0x0], $0xffff;
	[tilespmem:v46+s26+$0x0] =	vst.idx.msk $0xffff, v21  }
0x6a: {  	v48 =	vor.u32 v5, v11;
	v20 =	vld.idx.msk [tilespmem:v20+s3+$0x0], $0xffff;
	[tilespmem:v39+s26+$0x0] =	vst.idx.msk $0xffff, v18  }
0x6b: {  	v49 =	vor.u32 s18, v6;
	v50 =	vor.u32 v5, v12;
	[tilespmem:v42+s26+$0x0] =	vst.idx.msk $0xffff, v41;
	v17 =	vld.idx.msk [tilespmem:v40+s3+$0x0], $0xffff  }
0x6c: {  	v51 =	vor.u32 s19, v6;
	v53 =	vor.u32 v5, v13;
	v52 =	vld.idx.msk [tilespmem:v44+s3+$0x0], $0xffff;
	[tilespmem:v43+s26+$0x0] =	vst.idx.msk $0xffff, v22  }
0x6d: {  	v54 =	vor.u32 s17, v6;
	v55 =	vor.u32 v5, v36;
	[tilespmem:v38+s26+$0x0] =	vst.idx.msk $0xffff, v35;
	v8 =	vld.idx.msk [tilespmem:v8+s3+$0x0], $0xffff  }
0x6e: {  	v57 =	vor.u32 s9, v6;
	v58 =	vor.u32 v7, v9;
	v59 =	vld.idx.msk [tilespmem:v47+s3+$0x0], $0xffff;
	[tilespmem:v14+s26+$0x0] =	vst.idx.msk $0xffff, v45  }
0x6f: {  	v56 =	vor.u32 v7, v10;
	v16 =	vld.idx.msk [tilespmem:v16+s3+$0x0], $0xffff;
	[tilespmem:v48+s26+$0x0] =	vst.idx.msk $0xffff, v20  }
0x70: {  	v60 =	vor.u32 v7, v11;
	v15 =	vld.idx.msk [tilespmem:v49+s3+$0x0], $0xffff;
	[tilespmem:v50+s26+$0x0] =	vst.idx.msk $0xffff, v17  }
0x71: {  	v61 =	vor.u32 v7, v12;
	[tilespmem:v53+s26+$0x0] =	vst.idx.msk $0xffff, v52;
	v17 =	vld.idx.msk [tilespmem:v51+s3+$0x0], $0xffff  }
0x72: {  	v62 =	vor.u32 v7, v13;
	v14 =	vld.idx.msk [tilespmem:v54+s3+$0x0], $0xffff;
	[tilespmem:v55+s26+$0x0] =	vst.idx.msk $0xffff, v8  }
0x73: {  	[tilespmem:v58+s26+$0x0] =	vst.idx.msk $0xffff, v59;
	v8 =	vor.u32 v7, v36;
	v63 =	vld.idx.msk [tilespmem:v57+s3+$0x0], $0xffff  }
0x74: {  	p3 =	sne.s32 s6, $0x79;
	[tilespmem:v56+s26+$0x0] =	vst.idx.msk $0xffff, v16  }
.Ltmp3:
0x75: {  	[tilespmem:v60+s26+$0x0] =	vst.idx.msk $0xffff, v15;
	(pc) =	sbr.rel @p3 .LBB2_6-.Ltmp3, $4  }
0x76: {  	[tilespmem:v61+s26+$0x0] =	vst.idx.msk $0xffff, v17  }
0x77: {  	s0 =	sshll.u32 s6, $0x11;
	[tilespmem:v62+s26+$0x0] =	vst.idx.msk $0xffff, v14  }
0x78: {  	s0 =	sadd.s32 s0, s11;
	[tilespmem:v8+s26+$0x0] =	vst.idx.msk $0xffff, v63  }
0x79: {  	[hbm4b:s0+s3] =	stream.linear.scatter [tilespmem:s26], [sflag:$0x3], $0x4000, $0x38;
	[tilespmem:$0xE000] =	vst v63  }
.Ltmp4:
0x7a: {  	(pc) =	sbr.rel .LBB2_7-.Ltmp4, $4  }
0x7b: {  	_ = 	snop  }
0x7c: {  	_ =	swait.ge [sflag:s28], $0x2000  }
0x7d: {  	[sflag:s28] =	ssyncset.done $0x0  }
0x7e: {  	[sflag:s28] =	ssyncadd.s32 $0xFFFFE000  }
.LBB2_6:
0x7f: {  	s0 =	sadd.s32 s10, s13  }
0x80: {  	s0 =	sshll.u32 s0, $0x7  }
.Ltmp5:
0x81: {  	s0 =	sadd.s32 s2, s0;
	(pc) =	sbr.rel @p2 .LBB2_8-.Ltmp5, $4  }
0x82: {  	[tilespmem:s3], [sflag:$0x1] =	stream.strided.gather [hbm4b:s0+s22], $0x2000, s23, s22, $0x38;
	[tilespmem:$0xE000] =	vst v63  }
0x83: {  	_ =	swait.ge [sflag:s28], $0x2000  }
0x84: {  	[sflag:s28] =	ssyncset.done $0x0  }
0x85: {  	[sflag:s28] =	ssyncadd.s32 $0xFFFFE000  }
.LBB2_7:
0x86: {  	_ =	swait.ge [sflag:s29], $0x4000  }
0x87: {  	[sflag:s29] =	ssyncset.done $0x0  }
0x88: {  	[sflag:s29] =	ssyncadd.s32 $0xFFFFC000  }
.LBB2_8:
0x89: {  	s1 =	simm.s32 $0x1  }
0x8a: {  	v8 =	vor.u32 s1, v1;
	_ =	sdelay $0x2  }
0x8b: {  	s5 =	simm.s32 $0x2;
	v9 =	vmov s1  }
0x8c: {  	v11 =	vshll.u32 v9, $0x7;
	v9 =	vor.u32 s5, v1  }
0x8d: {  	v10 =	vor.u32 v0, v11;
	v8 =	vld.idx.msk [tilespmem:v8+s24+$0x0], $0xffff  }
0x8e: {  	v12 =	vor.u32 s1, v2  }
0x8f: {  	s0 =	simm.s32 $0x0;
	v13 =	vmov s5  }
0x90: {  	s9 =	simm.s32 $0x3;
	v14 =	vor.u32 s0, v1;
	v13 =	vshll.u32 v13, $0x7  }
0x91: {  	v15 =	vor.u32 s9, v1;
	v16 =	vor.u32 v0, v13;
	v9 =	vld.idx.msk [tilespmem:v9+s24+$0x0], $0xffff  }
0x92: {  	s19 =	simm.s32 $0x5;
	[tilespmem:v10+s30+$0x0] =	vst.idx.msk $0xffff, v8;
	v10 =	vor.u32 s5, v2  }
0x93: {  	v18 =	vor.u32 s19, v1;
	v17 =	vor.u32 v3, v11;
	v8 =	vmov s0;
	v12 =	vld.idx.msk [tilespmem:v12+s24+$0x0], $0xffff  }
0x94: {  	v19 =	vmov s9;
	v21 =	vshll.u32 v8, $0x7  }
0x95: {  	v20 =	vor.u32 s1, v4;
	v19 =	vshll.u32 v19, $0x7;
	v14 =	vld.idx.msk [tilespmem:v14+s24+$0x0], $0xffff;
	v22 =	vor.u32 v0, v21  }
0x96: {  	v25 =	vor.u32 s0, v2;
	v24 =	vor.u32 v0, v19;
	v15 =	vld.idx.msk [tilespmem:v15+s24+$0x0], $0xffff;
	v8 =	vmov s19;
	[tilespmem:v16+s30+$0x0] =	vst.idx.msk $0xffff, v9  }
0x97: {  	v16 =	vor.u32 v3, v13;
	v8 =	vshll.u32 v8, $0x7;
	v9 =	vld.idx.msk [tilespmem:v10+s24+$0x0], $0xffff;
	v10 =	vor.u32 s9, v2  }
0x98: {  	[tilespmem:v17+s30+$0x0] =	vst.idx.msk $0xffff, v12;
	v12 =	vld.idx.msk [tilespmem:v18+s24+$0x0], $0xffff;
	v17 =	vor.u32 v0, v8;
	v18 =	vor.u32 s5, v4  }
0x99: {  	s15 =	simm.s32 $0x7;
	v26 =	vor.u32 s19, v2  }
0x9a: {  	s20 =	simm.s32 $0x6;
	v23 =	vor.u32 s15, v1;
	v20 =	vld.idx.msk [tilespmem:v20+s24+$0x0], $0xffff;
	[tilespmem:v22+s30+$0x0] =	vst.idx.msk $0xffff, v14  }
0x9b: {  	s13 =	simm.s32 $0x4;
	[tilespmem:v24+s30+$0x0] =	vst.idx.msk $0xffff, v15;
	v15 =	vor.u32 v5, v11;
	v22 =	vor.u32 s20, v1;
	v24 =	vld.idx.msk [tilespmem:v25+s24+$0x0], $0xffff  }
0x9c: {  	v27 =	vor.u32 v3, v21;
	v25 =	vor.u32 s13, v1;
	v28 =	vld.idx.msk [tilespmem:v10+s24+$0x0], $0xffff;
	[tilespmem:v16+s30+$0x0] =	vst.idx.msk $0xffff, v9  }
0x9d: {  	v29 =	vor.u32 s1, v6;
	v30 =	vor.u32 s9, v4;
	v16 =	vor.u32 v3, v19;
	[tilespmem:v17+s30+$0x0] =	vst.idx.msk $0xffff, v12;
	v17 =	vld.idx.msk [tilespmem:v18+s24+$0x0], $0xffff  }
0x9e: {  	v10 =	vmov s20;
	v12 =	vor.u32 s0, v4;
	v18 =	vld.idx.msk [tilespmem:v26+s24+$0x0], $0xffff;
	v26 =	vor.u32 v5, v13  }
0x9f: {  	v23 =	vld.idx.msk [tilespmem:v23+s24+$0x0], $0xffff;
	v31 =	vor.u32 v3, v8;
	v9 =	vmov s15;
	v14 =	vshll.u32 v10, $0x7  }
0xa0: {  	v32 =	vor.u32 s5, v6;
	v10 =	vshll.u32 v9, $0x7;
	v22 =	vld.idx.msk [tilespmem:v22+s24+$0x0], $0xffff;
	v34 =	vor.u32 v0, v14;
	[tilespmem:v15+s30+$0x0] =	vst.idx.msk $0xffff, v20  }
0xa1: {  	v33 =	vor.u32 s19, v4;
	v15 =	vor.u32 v0, v10;
	v20 =	vld.idx.msk [tilespmem:v25+s24+$0x0], $0xffff;
	[tilespmem:v27+s30+$0x0] =	vst.idx.msk $0xffff, v24  }
0xa2: {  	s17 =	simm.s32 $0x9;
	v9 =	vmov s13;
	v24 =	vor.u32 s20, v2;
	v25 =	vld.idx.msk [tilespmem:v29+s24+$0x0], $0xffff;
	[tilespmem:v16+s30+$0x0] =	vst.idx.msk $0xffff, v28  }
0xa3: {  	s14 =	simm.s32 $0xB;
	v9 =	vshll.u32 v9, $0x7;
	v27 =	vor.u32 v7, v11;
	v29 =	vor.u32 s17, v1;
	v16 =	vld.idx.msk [tilespmem:v12+s24+$0x0], $0xffff;
	[tilespmem:v26+s30+$0x0] =	vst.idx.msk $0xffff, v17  }
0xa4: {  	v28 =	vor.u32 s14, v1;
	v12 =	vor.u32 v0, v9;
	v17 =	vld.idx.msk [tilespmem:v30+s24+$0x0], $0xffff;
	[tilespmem:v31+s30+$0x0] =	vst.idx.msk $0xffff, v18  }
0xa5: {  	v36 =	vor.u32 s0, v6;
	v63 =	vor.u32 v5, v21;
	v26 =	vor.u32 s13, v2;
	[tilespmem:v34+s30+$0x0] =	vst.idx.msk $0xffff, v22;
	v18 =	vld.idx.msk [tilespmem:v32+s24+$0x0], $0xffff  }
0xa6: {  	v11 =	vmov s17;
	v30 =	vor.u32 v5, v19;
	[tilespmem:v15+s30+$0x0] =	vst.idx.msk $0xffff, v23;
	v23 =	vor.u32 s15, v2;
	v62 =	vld.idx.msk [tilespmem:v33+s24+$0x0], $0xffff  }
0xa7: {  	v40 =	vor.u32 v5, v8;
	v11 =	vshll.u32 v11, $0x7;
	v22 =	vor.u32 v7, v13;
	v34 =	vld.idx.msk [tilespmem:v24+s24+$0x0], $0xffff  }
0xa8: {  	v39 =	vor.u32 s17, v2;
	v38 =	vor.u32 v0, v11;
	v31 =	vor.u32 s9, v6;
	v29 =	vld.idx.msk [tilespmem:v29+s24+$0x0], $0xffff;
	[tilespmem:v27+s30+$0x0] =	vst.idx.msk $0xffff, v25  }
0xa9: {  	s18 =	simm.s32 $0xA;
	v37 =	vor.u32 v3, v14;
	v42 =	vor.u32 v3, v9;
	v13 =	vmov s14;
	v15 =	vld.idx.msk [tilespmem:v28+s24+$0x0], $0xffff;
	[tilespmem:v12+s30+$0x0] =	vst.idx.msk $0xffff, v20  }
0xaa: {  	v19 =	vor.u32 v7, v19;
	v24 =	vmov s18;
	v28 =	vor.u32 s20, v4;
	[tilespmem:v63+s30+$0x0] =	vst.idx.msk $0xffff, v16;
	v41 =	vld.idx.msk [tilespmem:v26+s24+$0x0], $0xffff  }
0xab: {  	s9 =	simm.s32 $0x8;
	v13 =	vshll.u32 v13, $0x7;
	v12 =	vshll.u32 v24, $0x7;
	[tilespmem:v30+s30+$0x0] =	vst.idx.msk $0xffff, v17;
	v30 =	vor.u32 s18, v1;
	v24 =	vld.idx.msk [tilespmem:v23+s24+$0x0], $0xffff  }
0xac: {  	v35 =	vor.u32 s9, v1;
	v27 =	vor.u32 s19, v6;
	v32 =	vor.u32 v5, v14;
	v26 =	vld.idx.msk [tilespmem:v36+s24+$0x0], $0xffff;
	[tilespmem:v22+s30+$0x0] =	vst.idx.msk $0xffff, v18  }
0xad: {  	v33 =	vor.u32 s15, v4;
	v20 =	vor.u32 s17, v4;
	v17 =	vor.u32 v0, v13;
	v25 =	vld.idx.msk [tilespmem:v31+s24+$0x0], $0xffff;
	[tilespmem:v38+s30+$0x0] =	vst.idx.msk $0xffff, v29  }
0xae: {  	v18 =	vor.u32 v0, v12;
	[tilespmem:v37+s30+$0x0] =	vst.idx.msk $0xffff, v34;
	v31 =	vor.u32 v3, v10;
	v23 =	vld.idx.msk [tilespmem:v39+s24+$0x0], $0xffff  }
0xaf: {  	v16 =	vor.u32 s15, v6;
	v22 =	vor.u32 v7, v21;
	v21 =	vor.u32 s13, v4;
	[tilespmem:v40+s30+$0x0] =	vst.idx.msk $0xffff, v62;
	v28 =	vld.idx.msk [tilespmem:v28+s24+$0x0], $0xffff  }
0xb0: {  	s5 =	simm.s32 $0xC;
	v36 =	vmov s9;
	v29 =	vor.u32 v3, v11;
	v34 =	vld.idx.msk [tilespmem:v30+s24+$0x0], $0xffff;
	[tilespmem:v42+s30+$0x0] =	vst.idx.msk $0xffff, v41;
	v30 =	vor.u32 s20, v6  }
.LBB2_9:
0xb1: {  	s20 =	sadd.s32 $0x1, s5;
	v35 =	vld.idx.msk [tilespmem:v35+s24+$0x0], $0xffff  }
0xb2: {  	s15 =	sadd.s32 $0x3, s5;
	v36 =	vshll.u32 v36, $0x7;
	v37 =	vor.u32 s18, v2;
	v38 =	vor.u32 v7, v8;
	[tilespmem:v19+s30+$0x0] =	vst.idx.msk $0xffff, v25;
	v8 =	vmovc v11;
	s1 =	smov.u32 s5;
	s0 =	sadd.s32 $0x4, s5  }
0xb3: {  	p2 =	slt.u32 s5, $0x7C;
	v11 =	vmov s20;
	v25 =	vor.u32 s20, v1;
	s19 =	sadd.s32 $0x2, s1;
	v19 =	vmov s15;
	v27 =	vld.idx.msk [tilespmem:v27+s24+$0x0], $0xffff;
	[tilespmem:v31+s30+$0x0] =	vst.idx.msk $0xffff, v24  }
0xb4: {  	v31 =	vor.u32 v0, v36;
	v24 =	vmov s19;
	v39 =	vshll.u32 v19, $0x7;
	v21 =	vld.idx.msk [tilespmem:v21+s24+$0x0], $0xffff;
	[tilespmem:v22+s30+$0x0] =	vst.idx.msk $0xffff, v26  }
0xb5: {  	v11 =	vshll.u32 v11, $0x7;
	v22 =	vor.u32 s15, v1;
	v40 =	vshll.u32 v24, $0x7;
	[tilespmem:v32+s30+$0x0] =	vst.idx.msk $0xffff, v28;
	v24 =	vld.idx.msk [tilespmem:v33+s24+$0x0], $0xffff  }
0xb6: {  	v26 =	vor.u32 s9, v2;
	v32 =	vor.u32 s20, v4;
	v28 =	vor.u32 v5, v10;
	[tilespmem:v29+s30+$0x0] =	vst.idx.msk $0xffff, v23;
	v23 =	vld.idx.msk [tilespmem:v30+s24+$0x0], $0xffff  }
0xb7: {  	v14 =	vor.u32 v7, v14;
	v29 =	vld.idx.msk [tilespmem:v20+s24+$0x0], $0xffff;
	[tilespmem:v18+s30+$0x0] =	vst.idx.msk $0xffff, v34;
	v20 =	vor.u32 v5, v9  }
0xb8: {  	v19 =	vor.u32 v7, v10;
	v33 =	vor.u32 s14, v2;
	v34 =	vor.u32 s13, v6;
	s13 =	smov.u32 s9;
	s9 =	smov.u32 s1;
	v30 =	vld.idx.msk [tilespmem:v37+s24+$0x0], $0xffff;
	[tilespmem:v17+s30+$0x0] =	vst.idx.msk $0xffff, v15  }
0xb9: {  	v42 =	vor.u32 v3, v12;
	v41 =	vor.u32 v0, v11;
	v37 =	vld.idx.msk [tilespmem:v25+s24+$0x0], $0xffff;
	[tilespmem:v38+s30+$0x0] =	vst.idx.msk $0xffff, v27  }
0xba: {  	v44 =	vor.u32 s18, v4;
	v43 =	vor.u32 v5, v8;
	v38 =	vor.u32 s20, v2;
	v15 =	vld.idx.msk [tilespmem:v22+s24+$0x0], $0xffff;
	[tilespmem:v31+s30+$0x0] =	vst.idx.msk $0xffff, v35  }
0xbb: {  	v18 =	vor.u32 v0, v40;
	v17 =	vor.u32 v0, v39;
	v45 =	vld.idx.msk [tilespmem:v26+s24+$0x0], $0xffff;
	[tilespmem:v28+s30+$0x0] =	vst.idx.msk $0xffff, v24  }
0xbc: {  	v47 =	vor.u32 v3, v36;
	v46 =	vor.u32 s19, v1;
	v10 =	vmov v13;
	[tilespmem:v14+s30+$0x0] =	vst.idx.msk $0xffff, v23;
	v25 =	vld.idx.msk [tilespmem:v16+s24+$0x0], $0xffff  }
.Ltmp6:
0xbd: {  	v35 =	vor.u32 s9, v1;
	v22 =	vor.u32 v7, v9;
	v9 =	vmov v36;
	v24 =	vld.idx.msk [tilespmem:v33+s24+$0x0], $0xffff;
	[tilespmem:v20+s30+$0x0] =	vst.idx.msk $0xffff, v21;
	(pc) =	sbr.rel @p2 .LBB2_9-.Ltmp6, $4  }
0xbe: {  	v13 =	vmov v39;
	v27 =	vor.u32 s17, v6;
	s17 =	smov.u32 s20;
	v31 =	vor.u32 v3, v10;
	[tilespmem:v42+s30+$0x0] =	vst.idx.msk $0xffff, v30;
	v26 =	vld.idx.msk [tilespmem:v34+s24+$0x0], $0xffff  }
0xbf: {  	v14 =	vmovc v12;
	v12 =	vmov v40;
	v21 =	vor.u32 s13, v4;
	v20 =	vmov v32;
	[tilespmem:v41+s30+$0x0] =	vst.idx.msk $0xffff, v37;
	v28 =	vld.idx.msk [tilespmem:v44+s24+$0x0], $0xffff  }
0xc0: {  	v16 =	vor.u32 s14, v6;
	v32 =	vor.u32 v5, v14;
	v33 =	vor.u32 s14, v4;
	s14 =	smov.u32 s15;
	v23 =	vld.idx.msk [tilespmem:v38+s24+$0x0], $0xffff;
	[tilespmem:v43+s30+$0x0] =	vst.idx.msk $0xffff, v29  }
0xc1: {  	s5 =	smov.u32 s0;
	v36 =	vmov s9;
	v30 =	vor.u32 s18, v6;
	s18 =	smov.u32 s19;
	v29 =	vor.u32 v3, v11;
	v34 =	vld.idx.msk [tilespmem:v46+s24+$0x0], $0xffff;
	[tilespmem:v47+s30+$0x0] =	vst.idx.msk $0xffff, v45  }
0xc2: {  	_ =	sdelay $0x3  }
0xc3: {  	v36 =	vshll.u32 v36, $0x7;
	v37 =	vor.u32 s18, v2;
	[tilespmem:v19+s30+$0x0] =	vst.idx.msk $0xffff, v25  }
0xc4: {  	v59 =	vld.idx.msk [tilespmem:v35+s24+$0x0], $0xffff;
	[tilespmem:v31+s30+$0x0] =	vst.idx.msk $0xffff, v24;
	v61 =	vor.u32 s14, v2;
	v60 =	vor.u32 v0, v36  }
0xc5: {  	v62 =	vor.u32 s9, v2;
	[tilespmem:v17+s30+$0x0] =	vst.idx.msk $0xffff, v15  }
0xc6: {  	v8 =	vor.u32 v7, v8;
	v63 =	vld.idx.msk [tilespmem:v27+s24+$0x0], $0xffff;
	[tilespmem:v22+s30+$0x0] =	vst.idx.msk $0xffff, v26  }
0xc7: {  	v21 =	vld.idx.msk [tilespmem:v21+s24+$0x0], $0xffff;
	v46 =	vor.u32 v5, v9;
	[tilespmem:v18+s30+$0x0] =	vst.idx.msk $0xffff, v34  }
0xc8: {  	v39 =	vor.u32 v3, v12;
	[tilespmem:v32+s30+$0x0] =	vst.idx.msk $0xffff, v28;
	v18 =	vld.idx.msk [tilespmem:v37+s24+$0x0], $0xffff  }
0xc9: {  	v40 =	vor.u32 s18, v4;
	v42 =	vor.u32 v3, v13;
	v41 =	vld.idx.msk [tilespmem:v61+s24+$0x0], $0xffff;
	[tilespmem:v60+s30+$0x0] =	vst.idx.msk $0xffff, v59  }
0xca: {  	v44 =	vor.u32 s14, v4;
	v43 =	vor.u32 v3, v36;
	[tilespmem:v29+s30+$0x0] =	vst.idx.msk $0xffff, v23;
	v22 =	vld.idx.msk [tilespmem:v62+s24+$0x0], $0xffff  }
0xcb: {  	v38 =	vor.u32 v5, v10;
	v35 =	vld.idx.msk [tilespmem:v33+s24+$0x0], $0xffff;
	[tilespmem:v8+s30+$0x0] =	vst.idx.msk $0xffff, v63;
	v8 =	vor.u32 s9, v4  }
0xcc: {  	v14 =	vor.u32 v7, v14;
	v47 =	vor.u32 s13, v6;
	v45 =	vld.idx.msk [tilespmem:v30+s24+$0x0], $0xffff;
	[tilespmem:v46+s30+$0x0] =	vst.idx.msk $0xffff, v21  }
0xcd: {  	v48 =	vor.u32 v5, v11;
	v20 =	vld.idx.msk [tilespmem:v20+s24+$0x0], $0xffff;
	[tilespmem:v39+s30+$0x0] =	vst.idx.msk $0xffff, v18  }
0xce: {  	v49 =	vor.u32 s17, v6;
	v50 =	vor.u32 v5, v12;
	[tilespmem:v42+s30+$0x0] =	vst.idx.msk $0xffff, v41;
	v17 =	vld.idx.msk [tilespmem:v40+s24+$0x0], $0xffff  }
0xcf: {  	v51 =	vor.u32 s18, v6;
	v53 =	vor.u32 v5, v13;
	v52 =	vld.idx.msk [tilespmem:v44+s24+$0x0], $0xffff;
	[tilespmem:v43+s30+$0x0] =	vst.idx.msk $0xffff, v22  }
0xd0: {  	v54 =	vor.u32 s14, v6;
	v55 =	vor.u32 v5, v36;
	[tilespmem:v38+s30+$0x0] =	vst.idx.msk $0xffff, v35;
	v8 =	vld.idx.msk [tilespmem:v8+s24+$0x0], $0xffff  }
0xd1: {  	v57 =	vor.u32 s9, v6;
	v58 =	vor.u32 v7, v9;
	v59 =	vld.idx.msk [tilespmem:v47+s24+$0x0], $0xffff;
	[tilespmem:v14+s30+$0x0] =	vst.idx.msk $0xffff, v45  }
0xd2: {  	v56 =	vor.u32 v7, v10;
	v16 =	vld.idx.msk [tilespmem:v16+s24+$0x0], $0xffff;
	[tilespmem:v48+s30+$0x0] =	vst.idx.msk $0xffff, v20  }
0xd3: {  	v60 =	vor.u32 v7, v11;
	v15 =	vld.idx.msk [tilespmem:v49+s24+$0x0], $0xffff;
	[tilespmem:v50+s30+$0x0] =	vst.idx.msk $0xffff, v17  }
0xd4: {  	v61 =	vor.u32 v7, v12;
	[tilespmem:v53+s30+$0x0] =	vst.idx.msk $0xffff, v52;
	v17 =	vld.idx.msk [tilespmem:v51+s24+$0x0], $0xffff  }
0xd5: {  	v62 =	vor.u32 v7, v13;
	v14 =	vld.idx.msk [tilespmem:v54+s24+$0x0], $0xffff;
	[tilespmem:v55+s30+$0x0] =	vst.idx.msk $0xffff, v8  }
0xd6: {  	s6 =	sadd.s32 $0x1, s6;
	[tilespmem:v58+s30+$0x0] =	vst.idx.msk $0xffff, v59;
	v8 =	vor.u32 v7, v36;
	v63 =	vld.idx.msk [tilespmem:v57+s24+$0x0], $0xffff  }
0xd7: {  	p2 =	sne.s32 s6, $0x7A;
	[tilespmem:v56+s30+$0x0] =	vst.idx.msk $0xffff, v16  }
.Ltmp7:
0xd8: {  	[tilespmem:v60+s30+$0x0] =	vst.idx.msk $0xffff, v15;
	(pc) =	sbr.rel @p2 .LBB2_2-.Ltmp7, $4  }
0xd9: {  	s0 =	sshll.u32 s12, $0xB;
	[tilespmem:v61+s30+$0x0] =	vst.idx.msk $0xffff, v17  }
0xda: {  	s0 =	sand.u32 $0x1FFFF800, s0;
	[tilespmem:v62+s30+$0x0] =	vst.idx.msk $0xffff, v14  }
0xdb: {  	s0 =	sadd.s32 s7, s0;
	[tilespmem:v8+s30+$0x0] =	vst.idx.msk $0xffff, v63  }
0xdc: {  	[hbm4b:s0+s3] =	stream.linear.scatter [tilespmem:s30], [sflag:$0x4], $0x4000, $0x38;
	[tilespmem:$0xE000] =	vst v63  }
0xdd: {  	s0 =	simm.s32 $0x3  }
0xde: {  	_ =	swait.ge [sflag:s0], $0x4000  }
.Ltmp8:
0xdf: {  	[sflag:s0] =	ssyncset.done $0x0;
	(pc) =	sbr.rel @p1 .LBB2_15-.Ltmp8, $4  }
0xe0: {  	[sflag:s0] =	ssyncadd.s32 $0xFFFFC000  }
0xe1: {  	_ =	swait.ge [sflag:s29], $0x4000  }
0xe2: {  	[sflag:s29] =	ssyncset.done $0x0  }
0xe3: {  	s19 =	simm.s32 $0x5;
	[sflag:s29] =	ssyncadd.s32 $0xFFFFC000  }
0xe4: {  	s1 =	simm.s32 $0x1  }
0xe5: {  	s9 =	simm.s32 $0x0;
	s0 =	rddreg [dreg:$0x7];
	v8 =	vor.u32 s1, v1  }
0xe6: {  	[tilespmem:s9], [sflag:$0x5] =	stream.strided.gather [hbm4b:s0+s22], $0x2000, s23, s22, $0x38;
	[tilespmem:$0xE000] =	vst v63  }
0xe7: {  	_ =	swait.ge [sflag:s19], $0x2000  }
0xe8: {  	s5 =	simm.s32 $0x2;
	v9 =	vmov s1;
	[sflag:s19] =	ssyncset.done $0x0  }
0xe9: {  	v11 =	vshll.u32 v9, $0x7;
	v9 =	vor.u32 s5, v1;
	[sflag:s19] =	ssyncadd.s32 $0xFFFFE000  }
0xea: {  	v10 =	vor.u32 v0, v11;
	v8 =	vld.idx.msk [tilespmem:v8+s3+$0x0], $0xffff  }
0xeb: {  	v12 =	vor.u32 s1, v2  }
0xec: {  	v13 =	vmov s5  }
0xed: {  	s31 =	simm.s32 $0x3;
	v14 =	vor.u32 s9, v1;
	v13 =	vshll.u32 v13, $0x7  }
0xee: {  	v15 =	vor.u32 s31, v1;
	v16 =	vor.u32 v0, v13;
	v9 =	vld.idx.msk [tilespmem:v9+s3+$0x0], $0xffff  }
0xef: {  	s17 =	simm.s32 $0x5;
	[tilespmem:v10+s26+$0x0] =	vst.idx.msk $0xffff, v8;
	v10 =	vor.u32 s5, v2  }
0xf0: {  	v18 =	vor.u32 s17, v1;
	v17 =	vor.u32 v3, v11;
	v8 =	vmov s9;
	v12 =	vld.idx.msk [tilespmem:v12+s3+$0x0], $0xffff  }
0xf1: {  	v19 =	vmov s31;
	v21 =	vshll.u32 v8, $0x7  }
0xf2: {  	v20 =	vor.u32 s1, v4;
	v19 =	vshll.u32 v19, $0x7;
	v14 =	vld.idx.msk [tilespmem:v14+s3+$0x0], $0xffff;
	v22 =	vor.u32 v0, v21  }
0xf3: {  	v25 =	vor.u32 s9, v2;
	v24 =	vor.u32 v0, v19;
	v15 =	vld.idx.msk [tilespmem:v15+s3+$0x0], $0xffff;
	v8 =	vmov s17;
	[tilespmem:v16+s26+$0x0] =	vst.idx.msk $0xffff, v9  }
0xf4: {  	v16 =	vor.u32 v3, v13;
	v8 =	vshll.u32 v8, $0x7;
	v9 =	vld.idx.msk [tilespmem:v10+s3+$0x0], $0xffff;
	v10 =	vor.u32 s31, v2  }
0xf5: {  	[tilespmem:v17+s26+$0x0] =	vst.idx.msk $0xffff, v12;
	v12 =	vld.idx.msk [tilespmem:v18+s3+$0x0], $0xffff;
	v17 =	vor.u32 v0, v8;
	v18 =	vor.u32 s5, v4  }
0xf6: {  	s15 =	simm.s32 $0x7;
	v26 =	vor.u32 s17, v2  }
0xf7: {  	s18 =	simm.s32 $0x6;
	v23 =	vor.u32 s15, v1;
	v20 =	vld.idx.msk [tilespmem:v20+s3+$0x0], $0xffff;
	[tilespmem:v22+s26+$0x0] =	vst.idx.msk $0xffff, v14  }
0xf8: {  	s6 =	simm.s32 $0x4;
	[tilespmem:v24+s26+$0x0] =	vst.idx.msk $0xffff, v15;
	v15 =	vor.u32 v5, v11;
	v22 =	vor.u32 s18, v1;
	v24 =	vld.idx.msk [tilespmem:v25+s3+$0x0], $0xffff  }
0xf9: {  	v27 =	vor.u32 v3, v21;
	v25 =	vor.u32 s6, v1;
	v28 =	vld.idx.msk [tilespmem:v10+s3+$0x0], $0xffff;
	[tilespmem:v16+s26+$0x0] =	vst.idx.msk $0xffff, v9  }
0xfa: {  	v29 =	vor.u32 s1, v6;
	v30 =	vor.u32 s31, v4;
	v16 =	vor.u32 v3, v19;
	[tilespmem:v17+s26+$0x0] =	vst.idx.msk $0xffff, v12;
	v17 =	vld.idx.msk [tilespmem:v18+s3+$0x0], $0xffff  }
0xfb: {  	v10 =	vmov s18;
	v12 =	vor.u32 s9, v4;
	v18 =	vld.idx.msk [tilespmem:v26+s3+$0x0], $0xffff;
	v26 =	vor.u32 v5, v13  }
0xfc: {  	v23 =	vld.idx.msk [tilespmem:v23+s3+$0x0], $0xffff;
	v31 =	vor.u32 v3, v8;
	v9 =	vmov s15;
	v14 =	vshll.u32 v10, $0x7  }
0xfd: {  	v32 =	vor.u32 s5, v6;
	v10 =	vshll.u32 v9, $0x7;
	v22 =	vld.idx.msk [tilespmem:v22+s3+$0x0], $0xffff;
	v34 =	vor.u32 v0, v14;
	[tilespmem:v15+s26+$0x0] =	vst.idx.msk $0xffff, v20  }
0xfe: {  	v33 =	vor.u32 s17, v4;
	v15 =	vor.u32 v0, v10;
	v20 =	vld.idx.msk [tilespmem:v25+s3+$0x0], $0xffff;
	[tilespmem:v27+s26+$0x0] =	vst.idx.msk $0xffff, v24  }
0xff: {  	s13 =	simm.s32 $0x9;
	v9 =	vmov s6;
	v24 =	vor.u32 s18, v2;
	v25 =	vld.idx.msk [tilespmem:v29+s3+$0x0], $0xffff;
	[tilespmem:v16+s26+$0x0] =	vst.idx.msk $0xffff, v28  }
0x100: {  	s12 =	simm.s32 $0xB;
	v9 =	vshll.u32 v9, $0x7;
	v27 =	vor.u32 v7, v11;
	v29 =	vor.u32 s13, v1;
	v16 =	vld.idx.msk [tilespmem:v12+s3+$0x0], $0xffff;
	[tilespmem:v26+s26+$0x0] =	vst.idx.msk $0xffff, v17  }
0x101: {  	v28 =	vor.u32 s12, v1;
	v12 =	vor.u32 v0, v9;
	v17 =	vld.idx.msk [tilespmem:v30+s3+$0x0], $0xffff;
	[tilespmem:v31+s26+$0x0] =	vst.idx.msk $0xffff, v18  }
0x102: {  	v36 =	vor.u32 s9, v6;
	v63 =	vor.u32 v5, v21;
	v26 =	vor.u32 s6, v2;
	[tilespmem:v34+s26+$0x0] =	vst.idx.msk $0xffff, v22;
	v18 =	vld.idx.msk [tilespmem:v32+s3+$0x0], $0xffff  }
0x103: {  	v11 =	vmov s13;
	v30 =	vor.u32 v5, v19;
	[tilespmem:v15+s26+$0x0] =	vst.idx.msk $0xffff, v23;
	v23 =	vor.u32 s15, v2;
	v62 =	vld.idx.msk [tilespmem:v33+s3+$0x0], $0xffff  }
0x104: {  	v40 =	vor.u32 v5, v8;
	v11 =	vshll.u32 v11, $0x7;
	v22 =	vor.u32 v7, v13;
	v34 =	vld.idx.msk [tilespmem:v24+s3+$0x0], $0xffff  }
0x105: {  	v39 =	vor.u32 s13, v2;
	s9 =	simm.s32 $0x8;
	v38 =	vor.u32 v0, v11;
	v31 =	vor.u32 s31, v6;
	v29 =	vld.idx.msk [tilespmem:v29+s3+$0x0], $0xffff;
	[tilespmem:v27+s26+$0x0] =	vst.idx.msk $0xffff, v25  }
0x106: {  	s14 =	simm.s32 $0xA;
	v37 =	vor.u32 v3, v14;
	v35 =	vor.u32 s9, v1;
	v13 =	vmov s12;
	v15 =	vld.idx.msk [tilespmem:v28+s3+$0x0], $0xffff;
	[tilespmem:v12+s26+$0x0] =	vst.idx.msk $0xffff, v20  }
0x107: {  	v42 =	vor.u32 v3, v9;
	v24 =	vmov s14;
	v28 =	vor.u32 s18, v4;
	[tilespmem:v63+s26+$0x0] =	vst.idx.msk $0xffff, v16;
	v41 =	vld.idx.msk [tilespmem:v26+s3+$0x0], $0xffff  }
0x108: {  	v19 =	vor.u32 v7, v19;
	v12 =	vshll.u32 v24, $0x7;
	[tilespmem:v30+s26+$0x0] =	vst.idx.msk $0xffff, v17;
	v30 =	vor.u32 s14, v1;
	v24 =	vld.idx.msk [tilespmem:v23+s3+$0x0], $0xffff  }
0x109: {  	v13 =	vshll.u32 v13, $0x7;
	v27 =	vor.u32 s17, v6;
	v32 =	vor.u32 v5, v14;
	v26 =	vld.idx.msk [tilespmem:v36+s3+$0x0], $0xffff;
	[tilespmem:v22+s26+$0x0] =	vst.idx.msk $0xffff, v18  }
0x10a: {  	v33 =	vor.u32 s15, v4;
	v20 =	vor.u32 s13, v4;
	v17 =	vor.u32 v0, v13;
	v25 =	vld.idx.msk [tilespmem:v31+s3+$0x0], $0xffff;
	[tilespmem:v38+s26+$0x0] =	vst.idx.msk $0xffff, v29  }
0x10b: {  	v18 =	vor.u32 v0, v12;
	[tilespmem:v37+s26+$0x0] =	vst.idx.msk $0xffff, v34;
	v31 =	vor.u32 v3, v10;
	v23 =	vld.idx.msk [tilespmem:v39+s3+$0x0], $0xffff  }
0x10c: {  	v16 =	vor.u32 s15, v6;
	v22 =	vor.u32 v7, v21;
	v21 =	vor.u32 s6, v4;
	[tilespmem:v40+s26+$0x0] =	vst.idx.msk $0xffff, v62;
	v28 =	vld.idx.msk [tilespmem:v28+s3+$0x0], $0xffff  }
0x10d: {  	s5 =	simm.s32 $0xC;
	v36 =	vmov s9;
	v29 =	vor.u32 v3, v11;
	v34 =	vld.idx.msk [tilespmem:v30+s3+$0x0], $0xffff;
	[tilespmem:v42+s26+$0x0] =	vst.idx.msk $0xffff, v41;
	v30 =	vor.u32 s18, v6  }
.LBB2_13:
0x10e: {  	s18 =	sadd.s32 $0x1, s5;
	v35 =	vld.idx.msk [tilespmem:v35+s3+$0x0], $0xffff  }
0x10f: {  	s15 =	sadd.s32 $0x3, s5;
	v36 =	vshll.u32 v36, $0x7;
	v37 =	vor.u32 s14, v2;
	v38 =	vor.u32 v7, v8;
	[tilespmem:v19+s26+$0x0] =	vst.idx.msk $0xffff, v25;
	v8 =	vmovc v11;
	s1 =	smov.u32 s5;
	s0 =	sadd.s32 $0x4, s5  }
0x110: {  	p2 =	slt.u32 s5, $0x7C;
	v11 =	vmov s18;
	v25 =	vor.u32 s18, v1;
	s17 =	sadd.s32 $0x2, s1;
	v19 =	vmov s15;
	v27 =	vld.idx.msk [tilespmem:v27+s3+$0x0], $0xffff;
	[tilespmem:v31+s26+$0x0] =	vst.idx.msk $0xffff, v24  }
0x111: {  	v31 =	vor.u32 v0, v36;
	v24 =	vmov s17;
	v39 =	vshll.u32 v19, $0x7;
	v21 =	vld.idx.msk [tilespmem:v21+s3+$0x0], $0xffff;
	[tilespmem:v22+s26+$0x0] =	vst.idx.msk $0xffff, v26  }
0x112: {  	v11 =	vshll.u32 v11, $0x7;
	v22 =	vor.u32 s15, v1;
	v40 =	vshll.u32 v24, $0x7;
	[tilespmem:v32+s26+$0x0] =	vst.idx.msk $0xffff, v28;
	v24 =	vld.idx.msk [tilespmem:v33+s3+$0x0], $0xffff  }
0x113: {  	v26 =	vor.u32 s9, v2;
	v32 =	vor.u32 s18, v4;
	v28 =	vor.u32 v5, v10;
	[tilespmem:v29+s26+$0x0] =	vst.idx.msk $0xffff, v23;
	v23 =	vld.idx.msk [tilespmem:v30+s3+$0x0], $0xffff  }
0x114: {  	v14 =	vor.u32 v7, v14;
	v29 =	vld.idx.msk [tilespmem:v20+s3+$0x0], $0xffff;
	[tilespmem:v18+s26+$0x0] =	vst.idx.msk $0xffff, v34;
	v20 =	vor.u32 v5, v9  }
0x115: {  	v19 =	vor.u32 v7, v10;
	v33 =	vor.u32 s12, v2;
	v34 =	vor.u32 s6, v6;
	s6 =	smov.u32 s9;
	s9 =	smov.u32 s1;
	v30 =	vld.idx.msk [tilespmem:v37+s3+$0x0], $0xffff;
	[tilespmem:v17+s26+$0x0] =	vst.idx.msk $0xffff, v15  }
0x116: {  	v42 =	vor.u32 v3, v12;
	v41 =	vor.u32 v0, v11;
	v37 =	vld.idx.msk [tilespmem:v25+s3+$0x0], $0xffff;
	[tilespmem:v38+s26+$0x0] =	vst.idx.msk $0xffff, v27  }
0x117: {  	v44 =	vor.u32 s14, v4;
	v43 =	vor.u32 v5, v8;
	v38 =	vor.u32 s18, v2;
	v15 =	vld.idx.msk [tilespmem:v22+s3+$0x0], $0xffff;
	[tilespmem:v31+s26+$0x0] =	vst.idx.msk $0xffff, v35  }
0x118: {  	v18 =	vor.u32 v0, v40;
	v17 =	vor.u32 v0, v39;
	v45 =	vld.idx.msk [tilespmem:v26+s3+$0x0], $0xffff;
	[tilespmem:v28+s26+$0x0] =	vst.idx.msk $0xffff, v24  }
0x119: {  	v47 =	vor.u32 v3, v36;
	v46 =	vor.u32 s17, v1;
	v10 =	vmov v13;
	[tilespmem:v14+s26+$0x0] =	vst.idx.msk $0xffff, v23;
	v25 =	vld.idx.msk [tilespmem:v16+s3+$0x0], $0xffff  }
.Ltmp9:
0x11a: {  	v35 =	vor.u32 s9, v1;
	v22 =	vor.u32 v7, v9;
	v9 =	vmov v36;
	v24 =	vld.idx.msk [tilespmem:v33+s3+$0x0], $0xffff;
	[tilespmem:v20+s26+$0x0] =	vst.idx.msk $0xffff, v21;
	(pc) =	sbr.rel @p2 .LBB2_13-.Ltmp9, $4  }
0x11b: {  	v13 =	vmov v39;
	v27 =	vor.u32 s13, v6;
	s13 =	smov.u32 s18;
	v31 =	vor.u32 v3, v10;
	[tilespmem:v42+s26+$0x0] =	vst.idx.msk $0xffff, v30;
	v26 =	vld.idx.msk [tilespmem:v34+s3+$0x0], $0xffff  }
0x11c: {  	v14 =	vmovc v12;
	v12 =	vmov v40;
	v21 =	vor.u32 s6, v4;
	v20 =	vmov v32;
	[tilespmem:v41+s26+$0x0] =	vst.idx.msk $0xffff, v37;
	v28 =	vld.idx.msk [tilespmem:v44+s3+$0x0], $0xffff  }
0x11d: {  	v16 =	vor.u32 s12, v6;
	v32 =	vor.u32 v5, v14;
	v33 =	vor.u32 s12, v4;
	s12 =	smov.u32 s15;
	v23 =	vld.idx.msk [tilespmem:v38+s3+$0x0], $0xffff;
	[tilespmem:v43+s26+$0x0] =	vst.idx.msk $0xffff, v29  }
0x11e: {  	s5 =	smov.u32 s0;
	v36 =	vmov s9;
	v30 =	vor.u32 s14, v6;
	s14 =	smov.u32 s17;
	v29 =	vor.u32 v3, v11;
	v34 =	vld.idx.msk [tilespmem:v46+s3+$0x0], $0xffff;
	[tilespmem:v47+s26+$0x0] =	vst.idx.msk $0xffff, v45  }
0x11f: {  	_ =	sdelay $0x3  }
0x120: {  	v36 =	vshll.u32 v36, $0x7;
	v37 =	vor.u32 s14, v2;
	[tilespmem:v19+s26+$0x0] =	vst.idx.msk $0xffff, v25  }
0x121: {  	v59 =	vld.idx.msk [tilespmem:v35+s3+$0x0], $0xffff;
	[tilespmem:v31+s26+$0x0] =	vst.idx.msk $0xffff, v24;
	v61 =	vor.u32 s12, v2;
	v60 =	vor.u32 v0, v36  }
0x122: {  	v62 =	vor.u32 s9, v2;
	[tilespmem:v17+s26+$0x0] =	vst.idx.msk $0xffff, v15  }
0x123: {  	v8 =	vor.u32 v7, v8;
	v63 =	vld.idx.msk [tilespmem:v27+s3+$0x0], $0xffff;
	[tilespmem:v22+s26+$0x0] =	vst.idx.msk $0xffff, v26  }
0x124: {  	v21 =	vld.idx.msk [tilespmem:v21+s3+$0x0], $0xffff;
	v46 =	vor.u32 v5, v9;
	[tilespmem:v18+s26+$0x0] =	vst.idx.msk $0xffff, v34  }
0x125: {  	v39 =	vor.u32 v3, v12;
	[tilespmem:v32+s26+$0x0] =	vst.idx.msk $0xffff, v28;
	v18 =	vld.idx.msk [tilespmem:v37+s3+$0x0], $0xffff  }
0x126: {  	v40 =	vor.u32 s14, v4;
	v42 =	vor.u32 v3, v13;
	v41 =	vld.idx.msk [tilespmem:v61+s3+$0x0], $0xffff;
	[tilespmem:v60+s26+$0x0] =	vst.idx.msk $0xffff, v59  }
0x127: {  	v44 =	vor.u32 s12, v4;
	v43 =	vor.u32 v3, v36;
	[tilespmem:v29+s26+$0x0] =	vst.idx.msk $0xffff, v23;
	v22 =	vld.idx.msk [tilespmem:v62+s3+$0x0], $0xffff  }
0x128: {  	v38 =	vor.u32 v5, v10;
	v35 =	vld.idx.msk [tilespmem:v33+s3+$0x0], $0xffff;
	[tilespmem:v8+s26+$0x0] =	vst.idx.msk $0xffff, v63;
	v8 =	vor.u32 s9, v4  }
0x129: {  	v14 =	vor.u32 v7, v14;
	v47 =	vor.u32 s6, v6;
	v45 =	vld.idx.msk [tilespmem:v30+s3+$0x0], $0xffff;
	[tilespmem:v46+s26+$0x0] =	vst.idx.msk $0xffff, v21  }
0x12a: {  	v48 =	vor.u32 v5, v11;
	v20 =	vld.idx.msk [tilespmem:v20+s3+$0x0], $0xffff;
	[tilespmem:v39+s26+$0x0] =	vst.idx.msk $0xffff, v18  }
0x12b: {  	v49 =	vor.u32 s13, v6;
	v50 =	vor.u32 v5, v12;
	[tilespmem:v42+s26+$0x0] =	vst.idx.msk $0xffff, v41;
	v17 =	vld.idx.msk [tilespmem:v40+s3+$0x0], $0xffff  }
0x12c: {  	v51 =	vor.u32 s14, v6;
	v53 =	vor.u32 v5, v13;
	v52 =	vld.idx.msk [tilespmem:v44+s3+$0x0], $0xffff;
	[tilespmem:v43+s26+$0x0] =	vst.idx.msk $0xffff, v22  }
0x12d: {  	v54 =	vor.u32 s12, v6;
	v55 =	vor.u32 v5, v36;
	[tilespmem:v38+s26+$0x0] =	vst.idx.msk $0xffff, v35;
	v8 =	vld.idx.msk [tilespmem:v8+s3+$0x0], $0xffff  }
0x12e: {  	v57 =	vor.u32 s9, v6;
	v58 =	vor.u32 v7, v9;
	v59 =	vld.idx.msk [tilespmem:v47+s3+$0x0], $0xffff;
	[tilespmem:v14+s26+$0x0] =	vst.idx.msk $0xffff, v45  }
0x12f: {  	v56 =	vor.u32 v7, v10;
	v16 =	vld.idx.msk [tilespmem:v16+s3+$0x0], $0xffff;
	[tilespmem:v48+s26+$0x0] =	vst.idx.msk $0xffff, v20  }
0x130: {  	v60 =	vor.u32 v7, v11;
	v15 =	vld.idx.msk [tilespmem:v49+s3+$0x0], $0xffff;
	[tilespmem:v50+s26+$0x0] =	vst.idx.msk $0xffff, v17  }
0x131: {  	v61 =	vor.u32 v7, v12;
	[tilespmem:v53+s26+$0x0] =	vst.idx.msk $0xffff, v52;
	v17 =	vld.idx.msk [tilespmem:v51+s3+$0x0], $0xffff  }
0x132: {  	v62 =	vor.u32 v7, v13;
	v14 =	vld.idx.msk [tilespmem:v54+s3+$0x0], $0xffff;
	[tilespmem:v55+s26+$0x0] =	vst.idx.msk $0xffff, v8  }
0x133: {  	[tilespmem:v58+s26+$0x0] =	vst.idx.msk $0xffff, v59;
	v8 =	vor.u32 v7, v36;
	v63 =	vld.idx.msk [tilespmem:v57+s3+$0x0], $0xffff  }
0x134: {  	[tilespmem:v56+s26+$0x0] =	vst.idx.msk $0xffff, v16  }
0x135: {  	[tilespmem:v60+s26+$0x0] =	vst.idx.msk $0xffff, v15  }
0x136: {  	[tilespmem:v61+s26+$0x0] =	vst.idx.msk $0xffff, v17  }
0x137: {  	[tilespmem:v62+s26+$0x0] =	vst.idx.msk $0xffff, v14  }
0x138: {  	[tilespmem:v8+s26+$0x0] =	vst.idx.msk $0xffff, v63  }
0x139: {  	s0 =	rddreg [dreg:$0x8]  }
0x13a: {  	[hbm4b:s0+s3] =	stream.linear.scatter [tilespmem:s26], [sflag:$0x5], $0x4000, $0x38;
	[tilespmem:$0xE000] =	vst v63  }
0x13b: {  	_ =	swait.ge [sflag:s19], $0x4000  }
0x13c: {  	[sflag:s19] =	ssyncset.done $0x0  }
0x13d: {  	[sflag:s19] =	ssyncadd.s32 $0xFFFFC000  }
.LBB2_15:
.Ltmp10:
0x13e: {  	(pc) =	sbr.rel @p0 .LBB2_19-.Ltmp10, $1  }
0x13f: {  	_ =	sdelay $0x3  }
0x140: {  	s0 =	simm.s32 $0x0;
	s1 =	simm.s32 $0x0  }
0x141: {  	s5 =	simm.s32 $0x180;
	s2 =	rddreg [dreg:$0x4];
	s31 =	simm.s32 $0x80;
	v8 =	vor.u32 s0, v0  }
0x142: {  	[tilespmem:s4], [sflag:$0x5] =	stream.linear.gather [hbm4b:s2+s1], $0x2000, $0x38;
	v9 =	vor.u32 s5, v0;
	[tilespmem:$0xE000] =	vst v63  }
0x143: {  	v10 =	vor.u32 s31, v0;
	_ =	swait.ge [sflag:s19], $0x2000  }
0x144: {  	s9 =	simm.s32 $0x100;
	[sflag:s19] =	ssyncset.done $0x0  }
0x145: {  	v11 =	vor.u32 s9, v0;
	[sflag:s19] =	ssyncadd.s32 $0xFFFFE000  }
0x146: {  	s13 =	simm.s32 $0x280;
	v12 =	vld.idx.msk [tilespmem:v8+s4+$0x0], $0xffff  }
0x147: {  	v23 =	vor.u32 s13, v0;
	v14 =	vld.idx.msk [tilespmem:v9+s4+$0x0], $0xffff  }
0x148: {  	v15 =	vor.u32 s5, v3;
	v16 =	vld.idx.msk [tilespmem:v10+s4+$0x0], $0xffff  }
0x149: {  	s14 =	simm.s32 $0x300;
	v13 =	vor.u32 s0, v3  }
0x14a: {  	v27 =	vor.u32 s14, v0;
	v18 =	vld.idx.msk [tilespmem:v11+s4+$0x0], $0xffff  }
0x14b: {  	v17 =	vor.u32 s31, v3;
	[tilespmem:v8+s30+$0x0] =	vst.idx.msk $0xffff, v12  }
0x14c: {  	s12 =	simm.s32 $0x200;
	v32 =	vld.idx.msk [tilespmem:v23+s4+$0x0], $0xffff;
	v8 =	vor.u32 s9, v3;
	[tilespmem:v9+s30+$0x0] =	vst.idx.msk $0xffff, v14  }
0x14d: {  	[tilespmem:v10+s30+$0x0] =	vst.idx.msk $0xffff, v16;
	v10 =	vor.u32 s12, v0;
	v14 =	vld.idx.msk [tilespmem:v15+s4+$0x0], $0xffff  }
0x14e: {  	s6 =	simm.s32 $0x380;
	v20 =	vor.u32 s5, v5;
	v12 =	vld.idx.msk [tilespmem:v13+s4+$0x0], $0xffff  }
0x14f: {  	v33 =	vld.idx.msk [tilespmem:v27+s4+$0x0], $0xffff;
	[tilespmem:v11+s30+$0x0] =	vst.idx.msk $0xffff, v18;
	v11 =	vor.u32 s6, v0  }
0x150: {  	v9 =	vor.u32 s0, v5;
	v16 =	vld.idx.msk [tilespmem:v17+s4+$0x0], $0xffff  }
0x151: {  	v30 =	vor.u32 s31, v5;
	v18 =	vld.idx.msk [tilespmem:v8+s4+$0x0], $0xffff  }
0x152: {  	v19 =	vor.u32 s9, v5;
	v25 =	vld.idx.msk [tilespmem:v10+s4+$0x0], $0xffff;
	[tilespmem:v15+s30+$0x0] =	vst.idx.msk $0xffff, v14  }
0x153: {  	[tilespmem:v13+s30+$0x0] =	vst.idx.msk $0xffff, v12;
	v13 =	vor.u32 s12, v3;
	v24 =	vld.idx.msk [tilespmem:v20+s4+$0x0], $0xffff  }
0x154: {  	v22 =	vor.u32 s5, v7;
	[tilespmem:v23+s30+$0x0] =	vst.idx.msk $0xffff, v32;
	v31 =	vld.idx.msk [tilespmem:v11+s4+$0x0], $0xffff  }
0x155: {  	[tilespmem:v17+s30+$0x0] =	vst.idx.msk $0xffff, v16;
	v14 =	vor.u32 s13, v3;
	v12 =	vld.idx.msk [tilespmem:v9+s4+$0x0], $0xffff  }
0x156: {  	v21 =	vor.u32 s6, v3;
	v34 =	vld.idx.msk [tilespmem:v30+s4+$0x0], $0xffff;
	[tilespmem:v8+s30+$0x0] =	vst.idx.msk $0xffff, v18  }
0x157: {  	v15 =	vor.u32 s14, v3;
	[tilespmem:v10+s30+$0x0] =	vst.idx.msk $0xffff, v25;
	v29 =	vld.idx.msk [tilespmem:v19+s4+$0x0], $0xffff  }
0x158: {  	v18 =	vor.u32 s31, v7;
	v26 =	vld.idx.msk [tilespmem:v13+s4+$0x0], $0xffff;
	[tilespmem:v20+s30+$0x0] =	vst.idx.msk $0xffff, v24  }
0x159: {  	[tilespmem:v27+s30+$0x0] =	vst.idx.msk $0xffff, v33;
	v17 =	vor.u32 s9, v7;
	v28 =	vld.idx.msk [tilespmem:v22+s4+$0x0], $0xffff  }
0x15a: {  	v23 =	vor.u32 s6, v5;
	v16 =	vor.u32 s0, v7;
	[tilespmem:v11+s30+$0x0] =	vst.idx.msk $0xffff, v31;
	v25 =	vld.idx.msk [tilespmem:v14+s4+$0x0], $0xffff  }
0x15b: {  	v11 =	vor.u32 s13, v5;
	v10 =	vor.u32 s13, v7;
	[tilespmem:v9+s30+$0x0] =	vst.idx.msk $0xffff, v12;
	v24 =	vld.idx.msk [tilespmem:v21+s4+$0x0], $0xffff;
	v20 =	vor.u32 s12, v5  }
0x15c: {  	s0 =	simm.s32 $0x400;
	s9 =	simm.s32 $0xC;
	v8 =	vor.u32 s14, v7;
	v27 =	vld.idx.msk [tilespmem:v15+s4+$0x0], $0xffff;
	v12 =	vor.u32 s14, v5;
	v9 =	vor.u32 s12, v7;
	[tilespmem:v30+s30+$0x0] =	vst.idx.msk $0xffff, v34  }
.LBB2_17:
0x15d: {  	p2 =	slt.u32 s9, $0x3C;
	v30 =	vor.u32 s0, v0;
	v31 =	vor.u32 s0, v3;
	v32 =	vor.u32 s0, v5;
	s1 =	sadd.s32 $0x80, s0;
	s5 =	sadd.s32 $0x180, s0;
	v33 =	vld.idx.msk [tilespmem:v18+s4+$0x0], $0xffff;
	[tilespmem:v19+s30+$0x0] =	vst.idx.msk $0xffff, v29;
	v19 =	vmovc v12  }
0x15e: {  	s12 =	sadd.s32 $0x100, s0;
	v34 =	vor.u32 s1, v0;
	v29 =	vor.u32 s1, v3;
	v35 =	vor.u32 s5, v0;
	v36 =	vld.idx.msk [tilespmem:v17+s4+$0x0], $0xffff;
	[tilespmem:v22+s30+$0x0] =	vst.idx.msk $0xffff, v28  }
0x15f: {  	v37 =	vor.u32 s1, v5;
	v38 =	vor.u32 s12, v0;
	v22 =	vor.u32 s12, v3;
	[tilespmem:v13+s30+$0x0] =	vst.idx.msk $0xffff, v26;
	v26 =	vld.idx.msk [tilespmem:v16+s4+$0x0], $0xffff;
	v13 =	vmovc v31  }
0x160: {  	v28 =	vor.u32 s1, v7;
	v12 =	vor.u32 s12, v5;
	v31 =	vor.u32 s12, v7;
	v39 =	vld.idx.msk [tilespmem:v20+s4+$0x0], $0xffff;
	[tilespmem:v21+s30+$0x0] =	vst.idx.msk $0xffff, v24  }
0x161: {  	v24 =	vor.u32 s0, v7;
	[tilespmem:v14+s30+$0x0] =	vst.idx.msk $0xffff, v25;
	v25 =	vld.idx.msk [tilespmem:v23+s4+$0x0], $0xffff;
	v14 =	vmov v29  }
0x162: {  	v40 =	vld.idx.msk [tilespmem:v30+s4+$0x0], $0xffff;
	[tilespmem:v15+s30+$0x0] =	vst.idx.msk $0xffff, v27;
	v15 =	vmov v22  }
0x163: {  	v22 =	vor.u32 s6, v7;
	s6 =	smov.u32 s5;
	v27 =	vld.idx.msk [tilespmem:v35+s4+$0x0], $0xffff;
	[tilespmem:v18+s30+$0x0] =	vst.idx.msk $0xffff, v33;
	v18 =	vmov v10;
	v10 =	vmov v28  }
0x164: {  	v33 =	vld.idx.msk [tilespmem:v34+s4+$0x0], $0xffff;
	[tilespmem:v17+s30+$0x0] =	vst.idx.msk $0xffff, v36;
	v17 =	vmov v8;
	v8 =	vmov v31  }
0x165: {  	v21 =	vor.u32 s6, v3;
	v31 =	vld.idx.msk [tilespmem:v38+s4+$0x0], $0xffff;
	[tilespmem:v16+s30+$0x0] =	vst.idx.msk $0xffff, v26;
	v16 =	vmov v9;
	v9 =	vmov v24  }
0x166: {  	[tilespmem:v20+s30+$0x0] =	vst.idx.msk $0xffff, v39;
	v36 =	vld.idx.msk [tilespmem:v11+s4+$0x0], $0xffff;
	v20 =	vmov v32  }
0x167: {  	v29 =	vld.idx.msk [tilespmem:v19+s4+$0x0], $0xffff;
	[tilespmem:v23+s30+$0x0] =	vst.idx.msk $0xffff, v25  }
.Ltmp11:
0x168: {  	[tilespmem:v30+s30+$0x0] =	vst.idx.msk $0xffff, v40;
	v28 =	vld.idx.msk [tilespmem:v22+s4+$0x0], $0xffff;
	(pc) =	sbr.rel @p2 .LBB2_17-.Ltmp11, $4  }
0x169: {  	v26 =	vld.idx.msk [tilespmem:v13+s4+$0x0], $0xffff;
	[tilespmem:v35+s30+$0x0] =	vst.idx.msk $0xffff, v27  }
0x16a: {  	[tilespmem:v34+s30+$0x0] =	vst.idx.msk $0xffff, v33;
	v24 =	vld.idx.msk [tilespmem:v21+s4+$0x0], $0xffff  }
0x16b: {  	v25 =	vld.idx.msk [tilespmem:v14+s4+$0x0], $0xffff;
	[tilespmem:v38+s30+$0x0] =	vst.idx.msk $0xffff, v31  }
0x16c: {  	s0 =	sshll.u32 s9, $0x7;
	s9 =	sadd.s32 $0x4, s9;
	v23 =	vor.u32 s6, v5;
	v27 =	vld.idx.msk [tilespmem:v15+s4+$0x0], $0xffff;
	[tilespmem:v11+s30+$0x0] =	vst.idx.msk $0xffff, v36;
	v11 =	vmov v37  }
0x16d: {  	_ =	sdelay $0x3  }
0x16e: {  	[tilespmem:v19+s30+$0x0] =	vst.idx.msk $0xffff, v29  }
0x16f: {  	s1 =	sadd.s32 $0x180, s0;
	v60 =	vld.idx.msk [tilespmem:v18+s4+$0x0], $0xffff;
	[tilespmem:v22+s30+$0x0] =	vst.idx.msk $0xffff, v28;
	v32 =	vor.u32 s0, v0  }
0x170: {  	s5 =	sadd.s32 $0x80, s0;
	v31 =	vld.idx.msk [tilespmem:v16+s4+$0x0], $0xffff;
	v61 =	vor.u32 s1, v0;
	[tilespmem:v13+s30+$0x0] =	vst.idx.msk $0xffff, v26  }
0x171: {  	s9 =	sadd.s32 $0x100, s0;
	v62 =	vor.u32 s5, v0;
	v63 =	vld.idx.msk [tilespmem:v17+s4+$0x0], $0xffff;
	[tilespmem:v21+s30+$0x0] =	vst.idx.msk $0xffff, v24  }
0x172: {  	v30 =	vor.u32 s9, v0;
	v33 =	vld.idx.msk [tilespmem:v20+s4+$0x0], $0xffff;
	[tilespmem:v14+s30+$0x0] =	vst.idx.msk $0xffff, v25  }
0x173: {  	v34 =	vld.idx.msk [tilespmem:v23+s4+$0x0], $0xffff;
	[tilespmem:v15+s30+$0x0] =	vst.idx.msk $0xffff, v27  }
0x174: {  	[tilespmem:v18+s30+$0x0] =	vst.idx.msk $0xffff, v60;
	v41 =	vld.idx.msk [tilespmem:v32+s4+$0x0], $0xffff  }
0x175: {  	v42 =	vor.u32 s0, v3;
	[tilespmem:v16+s30+$0x0] =	vst.idx.msk $0xffff, v31;
	v35 =	vld.idx.msk [tilespmem:v61+s4+$0x0], $0xffff  }
0x176: {  	v37 =	vor.u32 s1, v3;
	v36 =	vld.idx.msk [tilespmem:v62+s4+$0x0], $0xffff;
	[tilespmem:v17+s30+$0x0] =	vst.idx.msk $0xffff, v63  }
0x177: {  	v38 =	vor.u32 s5, v3;
	v39 =	vld.idx.msk [tilespmem:v30+s4+$0x0], $0xffff;
	[tilespmem:v20+s30+$0x0] =	vst.idx.msk $0xffff, v33  }
0x178: {  	v40 =	vor.u32 s9, v3;
	v43 =	vld.idx.msk [tilespmem:v11+s4+$0x0], $0xffff;
	[tilespmem:v23+s30+$0x0] =	vst.idx.msk $0xffff, v34  }
0x179: {  	v45 =	vld.idx.msk [tilespmem:v12+s4+$0x0], $0xffff;
	[tilespmem:v32+s30+$0x0] =	vst.idx.msk $0xffff, v41  }
0x17a: {  	[tilespmem:v61+s30+$0x0] =	vst.idx.msk $0xffff, v35;
	v26 =	vld.idx.msk [tilespmem:v42+s4+$0x0], $0xffff  }
0x17b: {  	v50 =	vor.u32 s0, v5;
	[tilespmem:v62+s30+$0x0] =	vst.idx.msk $0xffff, v36;
	v15 =	vld.idx.msk [tilespmem:v37+s4+$0x0], $0xffff  }
0x17c: {  	v46 =	vor.u32 s1, v5;
	[tilespmem:v30+s30+$0x0] =	vst.idx.msk $0xffff, v39;
	v18 =	vld.idx.msk [tilespmem:v38+s4+$0x0], $0xffff  }
0x17d: {  	v47 =	vor.u32 s5, v5;
	[tilespmem:v11+s30+$0x0] =	vst.idx.msk $0xffff, v43;
	v48 =	vld.idx.msk [tilespmem:v40+s4+$0x0], $0xffff  }
0x17e: {  	v49 =	vor.u32 s9, v5;
	v60 =	vld.idx.msk [tilespmem:v9+s4+$0x0], $0xffff;
	[tilespmem:v12+s30+$0x0] =	vst.idx.msk $0xffff, v45  }
0x17f: {  	v44 =	vor.u32 s6, v7;
	v23 =	vld.idx.msk [tilespmem:v8+s4+$0x0], $0xffff;
	[tilespmem:v42+s30+$0x0] =	vst.idx.msk $0xffff, v26  }
0x180: {  	[tilespmem:v37+s30+$0x0] =	vst.idx.msk $0xffff, v15;
	v58 =	vld.idx.msk [tilespmem:v50+s4+$0x0], $0xffff  }
0x181: {  	v59 =	vor.u32 s0, v7;
	[tilespmem:v38+s30+$0x0] =	vst.idx.msk $0xffff, v18;
	v15 =	vld.idx.msk [tilespmem:v46+s4+$0x0], $0xffff  }
0x182: {  	v53 =	vor.u32 s1, v7;
	[tilespmem:v40+s30+$0x0] =	vst.idx.msk $0xffff, v48;
	v54 =	vld.idx.msk [tilespmem:v47+s4+$0x0], $0xffff  }
0x183: {  	v55 =	vor.u32 s5, v7;
	[tilespmem:v9+s30+$0x0] =	vst.idx.msk $0xffff, v60;
	v56 =	vld.idx.msk [tilespmem:v49+s4+$0x0], $0xffff  }
0x184: {  	v57 =	vor.u32 s9, v7;
	v51 =	vld.idx.msk [tilespmem:v44+s4+$0x0], $0xffff;
	[tilespmem:v8+s30+$0x0] =	vst.idx.msk $0xffff, v23  }
0x185: {  	v52 =	vld.idx.msk [tilespmem:v10+s4+$0x0], $0xffff;
	[tilespmem:v50+s30+$0x0] =	vst.idx.msk $0xffff, v58  }
0x186: {  	[tilespmem:v46+s30+$0x0] =	vst.idx.msk $0xffff, v15;
	v8 =	vld.idx.msk [tilespmem:v59+s4+$0x0], $0xffff  }
0x187: {  	[tilespmem:v47+s30+$0x0] =	vst.idx.msk $0xffff, v54;
	v61 =	vld.idx.msk [tilespmem:v53+s4+$0x0], $0xffff  }
0x188: {  	[tilespmem:v49+s30+$0x0] =	vst.idx.msk $0xffff, v56;
	v62 =	vld.idx.msk [tilespmem:v55+s4+$0x0], $0xffff  }
0x189: {  	[tilespmem:v44+s30+$0x0] =	vst.idx.msk $0xffff, v51;
	v63 =	vld.idx.msk [tilespmem:v57+s4+$0x0], $0xffff  }
0x18a: {  	[tilespmem:v10+s30+$0x0] =	vst.idx.msk $0xffff, v52  }
0x18b: {  	[tilespmem:v59+s30+$0x0] =	vst.idx.msk $0xffff, v8  }
0x18c: {  	[tilespmem:v53+s30+$0x0] =	vst.idx.msk $0xffff, v61  }
0x18d: {  	[tilespmem:v55+s30+$0x0] =	vst.idx.msk $0xffff, v62  }
0x18e: {  	[tilespmem:v57+s30+$0x0] =	vst.idx.msk $0xffff, v63  }
0x18f: {  	s31 =	rddreg [dreg:$0x9]  }
0x190: {  	[hbm4b:s31+s3] =	stream.linear.scatter [tilespmem:s30], [sflag:$0x5], $0x2000, $0x38;
	[tilespmem:$0xE000] =	vst v63  }
0x191: {  	_ =	swait.ge [sflag:s19], $0x2000  }
0x192: {  	[sflag:s19] =	ssyncset.done $0x0  }
0x193: {  	[sflag:s19] =	ssyncadd.s32 $0xFFFFE000  }
.LBB2_19:
0x194: {  	s6 =	simm.s32 $0x0;
	s0 =	rddreg [dreg:$0xa];
	s12 =	simm.s32 $0x0  }
0x195: {  	[tilespmem:s6], [sflag:$0x1] =	stream.strided.gather [hbm4b:s0+s22], $0x2000, s23, s22, $0x38;
	[tilespmem:$0xE000] =	vst v63  }
.LBB2_20:
0x196: {  	s14 =	sshll.u32 s12, $0x6  }
0x197: {  	s13 =	sor.u32 s21, s14  }
0x198: {  	s0 =	sshll.u32 s13, $0x7  }
0x199: {  	s1 =	rddreg [dreg:$0x1];
	s0 =	sand.u32 $0x1FFFFF80, s0  }
0x19a: {  	s0 =	sadd.s32 s1, s0  }
0x19b: {  	[tilespmem:s24], [sflag:$0x2] =	stream.strided.gather [hbm4b:s0+s22], $0x2000, s23, s22, $0x38;
	[tilespmem:$0xE000] =	vst v63  }
0x19c: {  	s15 =	simm.s32 $0x1;
	_ =	swait.ge [sflag:s25], $0x2000  }
0x19d: {  	p2 =	seq.s32 s12, $0x0;
	v8 =	vor.u32 s15, v1;
	[sflag:s25] =	ssyncset.done $0x0  }
0x19e: {  	s0 =	simm.s32 @!p2 $0x3;
	[sflag:s25] =	ssyncadd.s32 $0xFFFFE000  }
0x19f: {  	_ =	swait.ge @!p2 [sflag:s0], $0x4000  }
0x1a0: {  	s5 =	simm.s32 $0x2;
	v9 =	vmov s15;
	[sflag:s0] =	ssyncset.done @!p2 $0x0  }
0x1a1: {  	v11 =	vshll.u32 v9, $0x7;
	v9 =	vor.u32 s5, v1;
	[sflag:s0] =	ssyncadd.s32 @!p2 $0xFFFFC000  }
0x1a2: {  	v10 =	vor.u32 v0, v11;
	v8 =	vld.idx.msk [tilespmem:v8+s3+$0x0], $0xffff  }
0x1a3: {  	v12 =	vor.u32 s15, v2  }
0x1a4: {  	v13 =	vmov s5  }
0x1a5: {  	s9 =	simm.s32 $0x3;
	v14 =	vor.u32 s6, v1;
	v13 =	vshll.u32 v13, $0x7  }
0x1a6: {  	v15 =	vor.u32 s9, v1;
	v16 =	vor.u32 v0, v13;
	v9 =	vld.idx.msk [tilespmem:v9+s3+$0x0], $0xffff  }
0x1a7: {  	s31 =	simm.s32 $0x5;
	[tilespmem:v10+s26+$0x0] =	vst.idx.msk $0xffff, v8;
	v10 =	vor.u32 s5, v2  }
0x1a8: {  	v18 =	vor.u32 s31, v1;
	v17 =	vor.u32 v3, v11;
	v8 =	vmov s6;
	v12 =	vld.idx.msk [tilespmem:v12+s3+$0x0], $0xffff  }
0x1a9: {  	v19 =	vmov s9;
	v21 =	vshll.u32 v8, $0x7  }
0x1aa: {  	v20 =	vor.u32 s15, v4;
	v19 =	vshll.u32 v19, $0x7;
	v14 =	vld.idx.msk [tilespmem:v14+s3+$0x0], $0xffff;
	v22 =	vor.u32 v0, v21  }
0x1ab: {  	v25 =	vor.u32 s6, v2;
	v24 =	vor.u32 v0, v19;
	v15 =	vld.idx.msk [tilespmem:v15+s3+$0x0], $0xffff;
	[tilespmem:v16+s26+$0x0] =	vst.idx.msk $0xffff, v9;
	v8 =	vmov s31  }
0x1ac: {  	v16 =	vor.u32 v3, v13;
	v8 =	vshll.u32 v8, $0x7;
	v9 =	vld.idx.msk [tilespmem:v10+s3+$0x0], $0xffff;
	v10 =	vor.u32 s9, v2  }
0x1ad: {  	[tilespmem:v17+s26+$0x0] =	vst.idx.msk $0xffff, v12;
	v12 =	vld.idx.msk [tilespmem:v18+s3+$0x0], $0xffff;
	v17 =	vor.u32 v0, v8;
	v18 =	vor.u32 s5, v4  }
0x1ae: {  	s20 =	simm.s32 $0x7;
	v26 =	vor.u32 s31, v2  }
0x1af: {  	s2 =	simm.s32 $0x6;
	v23 =	vor.u32 s20, v1;
	v20 =	vld.idx.msk [tilespmem:v20+s3+$0x0], $0xffff;
	[tilespmem:v22+s26+$0x0] =	vst.idx.msk $0xffff, v14  }
0x1b0: {  	s17 =	simm.s32 $0x4;
	[tilespmem:v24+s26+$0x0] =	vst.idx.msk $0xffff, v15;
	v15 =	vor.u32 v5, v11;
	v22 =	vor.u32 s2, v1;
	v24 =	vld.idx.msk [tilespmem:v25+s3+$0x0], $0xffff  }
0x1b1: {  	v27 =	vor.u32 v3, v21;
	v25 =	vor.u32 s17, v1;
	v28 =	vld.idx.msk [tilespmem:v10+s3+$0x0], $0xffff;
	[tilespmem:v16+s26+$0x0] =	vst.idx.msk $0xffff, v9  }
0x1b2: {  	v29 =	vor.u32 s15, v6;
	v30 =	vor.u32 s9, v4;
	v16 =	vor.u32 v3, v19;
	[tilespmem:v17+s26+$0x0] =	vst.idx.msk $0xffff, v12;
	v17 =	vld.idx.msk [tilespmem:v18+s3+$0x0], $0xffff  }
0x1b3: {  	v10 =	vmov s2;
	v12 =	vor.u32 s6, v4;
	v18 =	vld.idx.msk [tilespmem:v26+s3+$0x0], $0xffff;
	v26 =	vor.u32 v5, v13  }
0x1b4: {  	v23 =	vld.idx.msk [tilespmem:v23+s3+$0x0], $0xffff;
	v31 =	vor.u32 v3, v8;
	v9 =	vmov s20;
	v14 =	vshll.u32 v10, $0x7  }
0x1b5: {  	v32 =	vor.u32 s5, v6;
	v10 =	vshll.u32 v9, $0x7;
	v22 =	vld.idx.msk [tilespmem:v22+s3+$0x0], $0xffff;
	v34 =	vor.u32 v0, v14;
	[tilespmem:v15+s26+$0x0] =	vst.idx.msk $0xffff, v20  }
0x1b6: {  	v33 =	vor.u32 s31, v4;
	v15 =	vor.u32 v0, v10;
	v20 =	vld.idx.msk [tilespmem:v25+s3+$0x0], $0xffff;
	[tilespmem:v27+s26+$0x0] =	vst.idx.msk $0xffff, v24  }
0x1b7: {  	s19 =	simm.s32 $0x9;
	v9 =	vmov s17;
	v24 =	vor.u32 s2, v2;
	v25 =	vld.idx.msk [tilespmem:v29+s3+$0x0], $0xffff;
	[tilespmem:v16+s26+$0x0] =	vst.idx.msk $0xffff, v28  }
0x1b8: {  	s18 =	simm.s32 $0xB;
	v9 =	vshll.u32 v9, $0x7;
	v27 =	vor.u32 v7, v11;
	v29 =	vor.u32 s19, v1;
	v16 =	vld.idx.msk [tilespmem:v12+s3+$0x0], $0xffff;
	[tilespmem:v26+s26+$0x0] =	vst.idx.msk $0xffff, v17  }
0x1b9: {  	v28 =	vor.u32 s18, v1;
	v12 =	vor.u32 v0, v9;
	v17 =	vld.idx.msk [tilespmem:v30+s3+$0x0], $0xffff;
	[tilespmem:v31+s26+$0x0] =	vst.idx.msk $0xffff, v18  }
0x1ba: {  	v36 =	vor.u32 s6, v6;
	v63 =	vor.u32 v5, v21;
	v26 =	vor.u32 s17, v2;
	[tilespmem:v34+s26+$0x0] =	vst.idx.msk $0xffff, v22;
	v18 =	vld.idx.msk [tilespmem:v32+s3+$0x0], $0xffff  }
0x1bb: {  	v11 =	vmov s19;
	v30 =	vor.u32 v5, v19;
	[tilespmem:v15+s26+$0x0] =	vst.idx.msk $0xffff, v23;
	v23 =	vor.u32 s20, v2;
	v62 =	vld.idx.msk [tilespmem:v33+s3+$0x0], $0xffff  }
0x1bc: {  	v39 =	vor.u32 s19, v2;
	s15 =	simm.s32 $0x8;
	v11 =	vshll.u32 v11, $0x7;
	v22 =	vor.u32 v7, v13;
	v34 =	vld.idx.msk [tilespmem:v24+s3+$0x0], $0xffff  }
0x1bd: {  	v35 =	vor.u32 s15, v1;
	v38 =	vor.u32 v0, v11;
	v31 =	vor.u32 s9, v6;
	v29 =	vld.idx.msk [tilespmem:v29+s3+$0x0], $0xffff;
	[tilespmem:v27+s26+$0x0] =	vst.idx.msk $0xffff, v25  }
0x1be: {  	v40 =	vor.u32 v5, v8;
	v37 =	vor.u32 v3, v14;
	s9 =	simm.s32 $0xA;
	v13 =	vmov s18;
	v15 =	vld.idx.msk [tilespmem:v28+s3+$0x0], $0xffff;
	[tilespmem:v12+s26+$0x0] =	vst.idx.msk $0xffff, v20  }
0x1bf: {  	v42 =	vor.u32 v3, v9;
	v24 =	vmov s9;
	v28 =	vor.u32 s2, v4;
	[tilespmem:v63+s26+$0x0] =	vst.idx.msk $0xffff, v16;
	v41 =	vld.idx.msk [tilespmem:v26+s3+$0x0], $0xffff  }
0x1c0: {  	v19 =	vor.u32 v7, v19;
	v12 =	vshll.u32 v24, $0x7;
	[tilespmem:v30+s26+$0x0] =	vst.idx.msk $0xffff, v17;
	v30 =	vor.u32 s9, v1;
	v24 =	vld.idx.msk [tilespmem:v23+s3+$0x0], $0xffff  }
0x1c1: {  	v13 =	vshll.u32 v13, $0x7;
	v27 =	vor.u32 s31, v6;
	v32 =	vor.u32 v5, v14;
	v26 =	vld.idx.msk [tilespmem:v36+s3+$0x0], $0xffff;
	[tilespmem:v22+s26+$0x0] =	vst.idx.msk $0xffff, v18  }
0x1c2: {  	v33 =	vor.u32 s20, v4;
	v20 =	vor.u32 s19, v4;
	v17 =	vor.u32 v0, v13;
	v25 =	vld.idx.msk [tilespmem:v31+s3+$0x0], $0xffff;
	[tilespmem:v38+s26+$0x0] =	vst.idx.msk $0xffff, v29  }
0x1c3: {  	v18 =	vor.u32 v0, v12;
	[tilespmem:v37+s26+$0x0] =	vst.idx.msk $0xffff, v34;
	v31 =	vor.u32 v3, v10;
	v23 =	vld.idx.msk [tilespmem:v39+s3+$0x0], $0xffff  }
0x1c4: {  	v16 =	vor.u32 s20, v6;
	v22 =	vor.u32 v7, v21;
	v21 =	vor.u32 s17, v4;
	[tilespmem:v40+s26+$0x0] =	vst.idx.msk $0xffff, v62;
	v28 =	vld.idx.msk [tilespmem:v28+s3+$0x0], $0xffff  }
0x1c5: {  	s0 =	simm.s32 $0xC;
	v36 =	vmov s15;
	v29 =	vor.u32 v3, v11;
	v34 =	vld.idx.msk [tilespmem:v30+s3+$0x0], $0xffff;
	[tilespmem:v42+s26+$0x0] =	vst.idx.msk $0xffff, v41;
	v30 =	vor.u32 s2, v6  }
.LBB2_21:
0x1c6: {  	s5 =	sadd.s32 $0x1, s0;
	v35 =	vld.idx.msk [tilespmem:v35+s3+$0x0], $0xffff  }
0x1c7: {  	s20 =	sadd.s32 $0x3, s0;
	v36 =	vshll.u32 v36, $0x7;
	v37 =	vor.u32 s9, v2;
	v38 =	vor.u32 v7, v8;
	[tilespmem:v19+s26+$0x0] =	vst.idx.msk $0xffff, v25;
	v8 =	vmovc v11;
	s2 =	smov.u32 s0;
	s1 =	sadd.s32 $0x4, s0  }
0x1c8: {  	p3 =	slt.u32 s0, $0x7C;
	v11 =	vmov s5;
	v25 =	vor.u32 s5, v1;
	s31 =	sadd.s32 $0x2, s2;
	v19 =	vmov s20;
	v27 =	vld.idx.msk [tilespmem:v27+s3+$0x0], $0xffff;
	[tilespmem:v31+s26+$0x0] =	vst.idx.msk $0xffff, v24  }
0x1c9: {  	v31 =	vor.u32 v0, v36;
	v24 =	vmov s31;
	v39 =	vshll.u32 v19, $0x7;
	v21 =	vld.idx.msk [tilespmem:v21+s3+$0x0], $0xffff;
	[tilespmem:v22+s26+$0x0] =	vst.idx.msk $0xffff, v26  }
0x1ca: {  	v11 =	vshll.u32 v11, $0x7;
	v22 =	vor.u32 s20, v1;
	v40 =	vshll.u32 v24, $0x7;
	[tilespmem:v32+s26+$0x0] =	vst.idx.msk $0xffff, v28;
	v24 =	vld.idx.msk [tilespmem:v33+s3+$0x0], $0xffff  }
0x1cb: {  	v26 =	vor.u32 s15, v2;
	v32 =	vor.u32 s5, v4;
	v28 =	vor.u32 v5, v10;
	[tilespmem:v29+s26+$0x0] =	vst.idx.msk $0xffff, v23;
	v23 =	vld.idx.msk [tilespmem:v30+s3+$0x0], $0xffff  }
0x1cc: {  	v14 =	vor.u32 v7, v14;
	v29 =	vld.idx.msk [tilespmem:v20+s3+$0x0], $0xffff;
	[tilespmem:v18+s26+$0x0] =	vst.idx.msk $0xffff, v34;
	v20 =	vor.u32 v5, v9  }
0x1cd: {  	v19 =	vor.u32 v7, v10;
	v33 =	vor.u32 s18, v2;
	v34 =	vor.u32 s17, v6;
	s17 =	smov.u32 s15;
	s15 =	smov.u32 s2;
	v30 =	vld.idx.msk [tilespmem:v37+s3+$0x0], $0xffff;
	[tilespmem:v17+s26+$0x0] =	vst.idx.msk $0xffff, v15  }
0x1ce: {  	v42 =	vor.u32 v3, v12;
	v41 =	vor.u32 v0, v11;
	v37 =	vld.idx.msk [tilespmem:v25+s3+$0x0], $0xffff;
	[tilespmem:v38+s26+$0x0] =	vst.idx.msk $0xffff, v27  }
0x1cf: {  	v44 =	vor.u32 s9, v4;
	v43 =	vor.u32 v5, v8;
	v38 =	vor.u32 s5, v2;
	v15 =	vld.idx.msk [tilespmem:v22+s3+$0x0], $0xffff;
	[tilespmem:v31+s26+$0x0] =	vst.idx.msk $0xffff, v35  }
0x1d0: {  	v18 =	vor.u32 v0, v40;
	v17 =	vor.u32 v0, v39;
	v45 =	vld.idx.msk [tilespmem:v26+s3+$0x0], $0xffff;
	[tilespmem:v28+s26+$0x0] =	vst.idx.msk $0xffff, v24  }
0x1d1: {  	v47 =	vor.u32 v3, v36;
	v46 =	vor.u32 s31, v1;
	v10 =	vmov v13;
	[tilespmem:v14+s26+$0x0] =	vst.idx.msk $0xffff, v23;
	v25 =	vld.idx.msk [tilespmem:v16+s3+$0x0], $0xffff  }
.Ltmp12:
0x1d2: {  	v35 =	vor.u32 s15, v1;
	v22 =	vor.u32 v7, v9;
	v9 =	vmov v36;
	v24 =	vld.idx.msk [tilespmem:v33+s3+$0x0], $0xffff;
	[tilespmem:v20+s26+$0x0] =	vst.idx.msk $0xffff, v21;
	(pc) =	sbr.rel @p3 .LBB2_21-.Ltmp12, $4  }
0x1d3: {  	v13 =	vmov v39;
	v27 =	vor.u32 s19, v6;
	s19 =	smov.u32 s5;
	v31 =	vor.u32 v3, v10;
	[tilespmem:v42+s26+$0x0] =	vst.idx.msk $0xffff, v30;
	v26 =	vld.idx.msk [tilespmem:v34+s3+$0x0], $0xffff  }
0x1d4: {  	v14 =	vmovc v12;
	v12 =	vmov v40;
	v21 =	vor.u32 s17, v4;
	v20 =	vmov v32;
	[tilespmem:v41+s26+$0x0] =	vst.idx.msk $0xffff, v37;
	v28 =	vld.idx.msk [tilespmem:v44+s3+$0x0], $0xffff  }
0x1d5: {  	v16 =	vor.u32 s18, v6;
	v32 =	vor.u32 v5, v14;
	v33 =	vor.u32 s18, v4;
	s18 =	smov.u32 s20;
	v23 =	vld.idx.msk [tilespmem:v38+s3+$0x0], $0xffff;
	[tilespmem:v43+s26+$0x0] =	vst.idx.msk $0xffff, v29  }
0x1d6: {  	s0 =	smov.u32 s1;
	v36 =	vmov s15;
	v30 =	vor.u32 s9, v6;
	s9 =	smov.u32 s31;
	v29 =	vor.u32 v3, v11;
	v34 =	vld.idx.msk [tilespmem:v46+s3+$0x0], $0xffff;
	[tilespmem:v47+s26+$0x0] =	vst.idx.msk $0xffff, v45  }
0x1d7: {  	_ =	sdelay $0x3  }
0x1d8: {  	v36 =	vshll.u32 v36, $0x7;
	v37 =	vor.u32 s9, v2;
	[tilespmem:v19+s26+$0x0] =	vst.idx.msk $0xffff, v25  }
0x1d9: {  	v59 =	vld.idx.msk [tilespmem:v35+s3+$0x0], $0xffff;
	[tilespmem:v31+s26+$0x0] =	vst.idx.msk $0xffff, v24;
	v61 =	vor.u32 s18, v2;
	v60 =	vor.u32 v0, v36  }
0x1da: {  	v62 =	vor.u32 s15, v2;
	[tilespmem:v17+s26+$0x0] =	vst.idx.msk $0xffff, v15  }
0x1db: {  	v8 =	vor.u32 v7, v8;
	v63 =	vld.idx.msk [tilespmem:v27+s3+$0x0], $0xffff;
	[tilespmem:v22+s26+$0x0] =	vst.idx.msk $0xffff, v26  }
0x1dc: {  	v21 =	vld.idx.msk [tilespmem:v21+s3+$0x0], $0xffff;
	v46 =	vor.u32 v5, v9;
	[tilespmem:v18+s26+$0x0] =	vst.idx.msk $0xffff, v34  }
0x1dd: {  	v39 =	vor.u32 v3, v12;
	[tilespmem:v32+s26+$0x0] =	vst.idx.msk $0xffff, v28;
	v18 =	vld.idx.msk [tilespmem:v37+s3+$0x0], $0xffff  }
0x1de: {  	v40 =	vor.u32 s9, v4;
	v42 =	vor.u32 v3, v13;
	v41 =	vld.idx.msk [tilespmem:v61+s3+$0x0], $0xffff;
	[tilespmem:v60+s26+$0x0] =	vst.idx.msk $0xffff, v59  }
0x1df: {  	v44 =	vor.u32 s18, v4;
	v43 =	vor.u32 v3, v36;
	[tilespmem:v29+s26+$0x0] =	vst.idx.msk $0xffff, v23;
	v22 =	vld.idx.msk [tilespmem:v62+s3+$0x0], $0xffff  }
0x1e0: {  	v38 =	vor.u32 v5, v10;
	v35 =	vld.idx.msk [tilespmem:v33+s3+$0x0], $0xffff;
	[tilespmem:v8+s26+$0x0] =	vst.idx.msk $0xffff, v63;
	v8 =	vor.u32 s15, v4  }
0x1e1: {  	v14 =	vor.u32 v7, v14;
	v47 =	vor.u32 s17, v6;
	v45 =	vld.idx.msk [tilespmem:v30+s3+$0x0], $0xffff;
	[tilespmem:v46+s26+$0x0] =	vst.idx.msk $0xffff, v21  }
0x1e2: {  	v48 =	vor.u32 v5, v11;
	v20 =	vld.idx.msk [tilespmem:v20+s3+$0x0], $0xffff;
	[tilespmem:v39+s26+$0x0] =	vst.idx.msk $0xffff, v18  }
0x1e3: {  	v49 =	vor.u32 s19, v6;
	v50 =	vor.u32 v5, v12;
	[tilespmem:v42+s26+$0x0] =	vst.idx.msk $0xffff, v41;
	v17 =	vld.idx.msk [tilespmem:v40+s3+$0x0], $0xffff  }
0x1e4: {  	v51 =	vor.u32 s9, v6;
	v53 =	vor.u32 v5, v13;
	v52 =	vld.idx.msk [tilespmem:v44+s3+$0x0], $0xffff;
	[tilespmem:v43+s26+$0x0] =	vst.idx.msk $0xffff, v22  }
0x1e5: {  	v54 =	vor.u32 s18, v6;
	v55 =	vor.u32 v5, v36;
	[tilespmem:v38+s26+$0x0] =	vst.idx.msk $0xffff, v35;
	v8 =	vld.idx.msk [tilespmem:v8+s3+$0x0], $0xffff  }
0x1e6: {  	v57 =	vor.u32 s15, v6;
	v58 =	vor.u32 v7, v9;
	v59 =	vld.idx.msk [tilespmem:v47+s3+$0x0], $0xffff;
	[tilespmem:v14+s26+$0x0] =	vst.idx.msk $0xffff, v45  }
0x1e7: {  	v56 =	vor.u32 v7, v10;
	v16 =	vld.idx.msk [tilespmem:v16+s3+$0x0], $0xffff;
	[tilespmem:v48+s26+$0x0] =	vst.idx.msk $0xffff, v20  }
0x1e8: {  	v60 =	vor.u32 v7, v11;
	v15 =	vld.idx.msk [tilespmem:v49+s3+$0x0], $0xffff;
	[tilespmem:v50+s26+$0x0] =	vst.idx.msk $0xffff, v17  }
0x1e9: {  	v61 =	vor.u32 v7, v12;
	[tilespmem:v53+s26+$0x0] =	vst.idx.msk $0xffff, v52;
	v17 =	vld.idx.msk [tilespmem:v51+s3+$0x0], $0xffff  }
0x1ea: {  	v62 =	vor.u32 v7, v13;
	v14 =	vld.idx.msk [tilespmem:v54+s3+$0x0], $0xffff;
	[tilespmem:v55+s26+$0x0] =	vst.idx.msk $0xffff, v8  }
0x1eb: {  	[tilespmem:v58+s26+$0x0] =	vst.idx.msk $0xffff, v59;
	v8 =	vor.u32 v7, v36;
	v63 =	vld.idx.msk [tilespmem:v57+s3+$0x0], $0xffff  }
0x1ec: {  	p3 =	sne.s32 s12, $0x79;
	[tilespmem:v56+s26+$0x0] =	vst.idx.msk $0xffff, v16  }
.Ltmp13:
0x1ed: {  	[tilespmem:v60+s26+$0x0] =	vst.idx.msk $0xffff, v15;
	(pc) =	sbr.rel @p3 .LBB2_24-.Ltmp13, $4  }
0x1ee: {  	[tilespmem:v61+s26+$0x0] =	vst.idx.msk $0xffff, v17  }
0x1ef: {  	s0 =	sshll.u32 s12, $0x11;
	[tilespmem:v62+s26+$0x0] =	vst.idx.msk $0xffff, v14  }
0x1f0: {  	s0 =	sadd.s32 s0, s16;
	[tilespmem:v8+s26+$0x0] =	vst.idx.msk $0xffff, v63  }
0x1f1: {  	[hbm4b:s0+s3] =	stream.linear.scatter [tilespmem:s26], [sflag:$0x3], $0x4000, $0x38;
	[tilespmem:$0xE000] =	vst v63  }
.Ltmp14:
0x1f2: {  	(pc) =	sbr.rel .LBB2_25-.Ltmp14, $4  }
0x1f3: {  	_ = 	snop  }
0x1f4: {  	_ =	swait.ge [sflag:s28], $0x2000  }
0x1f5: {  	[sflag:s28] =	ssyncset.done $0x0  }
0x1f6: {  	[sflag:s28] =	ssyncadd.s32 $0xFFFFE000  }
.LBB2_24:
0x1f7: {  	s0 =	sadd.s32 s10, s14  }
0x1f8: {  	s1 =	rddreg [dreg:$0x1];
	s0 =	sshll.u32 s0, $0x7  }
.Ltmp15:
0x1f9: {  	s0 =	sadd.s32 s1, s0;
	(pc) =	sbr.rel @p2 .LBB2_26-.Ltmp15, $4  }
0x1fa: {  	[tilespmem:s3], [sflag:$0x1] =	stream.strided.gather [hbm4b:s0+s22], $0x2000, s23, s22, $0x38;
	[tilespmem:$0xE000] =	vst v63  }
0x1fb: {  	_ =	swait.ge [sflag:s28], $0x2000  }
0x1fc: {  	[sflag:s28] =	ssyncset.done $0x0  }
0x1fd: {  	[sflag:s28] =	ssyncadd.s32 $0xFFFFE000  }
.LBB2_25:
0x1fe: {  	_ =	swait.ge [sflag:s29], $0x4000  }
0x1ff: {  	[sflag:s29] =	ssyncset.done $0x0  }
0x200: {  	[sflag:s29] =	ssyncadd.s32 $0xFFFFC000  }
.LBB2_26:
0x201: {  	s1 =	simm.s32 $0x1  }
0x202: {  	v8 =	vor.u32 s1, v1;
	_ =	sdelay $0x2  }
0x203: {  	s5 =	simm.s32 $0x2;
	v9 =	vmov s1  }
0x204: {  	v11 =	vshll.u32 v9, $0x7;
	v9 =	vor.u32 s5, v1  }
0x205: {  	v10 =	vor.u32 v0, v11;
	v8 =	vld.idx.msk [tilespmem:v8+s24+$0x0], $0xffff  }
0x206: {  	v12 =	vor.u32 s1, v2  }
0x207: {  	s9 =	simm.s32 $0x0;
	v13 =	vmov s5  }
0x208: {  	s15 =	simm.s32 $0x3;
	v14 =	vor.u32 s9, v1;
	v13 =	vshll.u32 v13, $0x7  }
0x209: {  	v15 =	vor.u32 s15, v1;
	v16 =	vor.u32 v0, v13;
	v9 =	vld.idx.msk [tilespmem:v9+s24+$0x0], $0xffff  }
0x20a: {  	s20 =	simm.s32 $0x5;
	[tilespmem:v10+s30+$0x0] =	vst.idx.msk $0xffff, v8;
	v10 =	vor.u32 s5, v2  }
0x20b: {  	v18 =	vor.u32 s20, v1;
	v17 =	vor.u32 v3, v11;
	v8 =	vmov s9;
	v12 =	vld.idx.msk [tilespmem:v12+s24+$0x0], $0xffff  }
0x20c: {  	v19 =	vmov s15;
	v21 =	vshll.u32 v8, $0x7  }
0x20d: {  	v20 =	vor.u32 s1, v4;
	v19 =	vshll.u32 v19, $0x7;
	v14 =	vld.idx.msk [tilespmem:v14+s24+$0x0], $0xffff;
	v22 =	vor.u32 v0, v21  }
0x20e: {  	v25 =	vor.u32 s9, v2;
	v24 =	vor.u32 v0, v19;
	v15 =	vld.idx.msk [tilespmem:v15+s24+$0x0], $0xffff;
	v8 =	vmov s20;
	[tilespmem:v16+s30+$0x0] =	vst.idx.msk $0xffff, v9  }
0x20f: {  	v16 =	vor.u32 v3, v13;
	v8 =	vshll.u32 v8, $0x7;
	v9 =	vld.idx.msk [tilespmem:v10+s24+$0x0], $0xffff;
	v10 =	vor.u32 s15, v2  }
0x210: {  	[tilespmem:v17+s30+$0x0] =	vst.idx.msk $0xffff, v12;
	v12 =	vld.idx.msk [tilespmem:v18+s24+$0x0], $0xffff;
	v17 =	vor.u32 v0, v8;
	v18 =	vor.u32 s5, v4  }
0x211: {  	s19 =	simm.s32 $0x7;
	v26 =	vor.u32 s20, v2  }
0x212: {  	s0 =	simm.s32 $0x6;
	v23 =	vor.u32 s19, v1;
	v20 =	vld.idx.msk [tilespmem:v20+s24+$0x0], $0xffff;
	[tilespmem:v22+s30+$0x0] =	vst.idx.msk $0xffff, v14  }
0x213: {  	s14 =	simm.s32 $0x4;
	[tilespmem:v24+s30+$0x0] =	vst.idx.msk $0xffff, v15;
	v15 =	vor.u32 v5, v11;
	v22 =	vor.u32 s0, v1;
	v24 =	vld.idx.msk [tilespmem:v25+s24+$0x0], $0xffff  }
0x214: {  	v27 =	vor.u32 v3, v21;
	v25 =	vor.u32 s14, v1;
	v28 =	vld.idx.msk [tilespmem:v10+s24+$0x0], $0xffff;
	[tilespmem:v16+s30+$0x0] =	vst.idx.msk $0xffff, v9  }
0x215: {  	v29 =	vor.u32 s1, v6;
	v30 =	vor.u32 s15, v4;
	v16 =	vor.u32 v3, v19;
	[tilespmem:v17+s30+$0x0] =	vst.idx.msk $0xffff, v12;
	v17 =	vld.idx.msk [tilespmem:v18+s24+$0x0], $0xffff  }
0x216: {  	v10 =	vmov s0;
	v12 =	vor.u32 s9, v4;
	v18 =	vld.idx.msk [tilespmem:v26+s24+$0x0], $0xffff;
	v26 =	vor.u32 v5, v13  }
0x217: {  	v23 =	vld.idx.msk [tilespmem:v23+s24+$0x0], $0xffff;
	v31 =	vor.u32 v3, v8;
	v9 =	vmov s19;
	v14 =	vshll.u32 v10, $0x7  }
0x218: {  	v32 =	vor.u32 s5, v6;
	v10 =	vshll.u32 v9, $0x7;
	v22 =	vld.idx.msk [tilespmem:v22+s24+$0x0], $0xffff;
	v34 =	vor.u32 v0, v14;
	[tilespmem:v15+s30+$0x0] =	vst.idx.msk $0xffff, v20  }
0x219: {  	v33 =	vor.u32 s20, v4;
	v15 =	vor.u32 v0, v10;
	v20 =	vld.idx.msk [tilespmem:v25+s24+$0x0], $0xffff;
	[tilespmem:v27+s30+$0x0] =	vst.idx.msk $0xffff, v24  }
0x21a: {  	s18 =	simm.s32 $0x9;
	v9 =	vmov s14;
	v24 =	vor.u32 s0, v2;
	v25 =	vld.idx.msk [tilespmem:v29+s24+$0x0], $0xffff;
	[tilespmem:v16+s30+$0x0] =	vst.idx.msk $0xffff, v28  }
0x21b: {  	s17 =	simm.s32 $0xB;
	v9 =	vshll.u32 v9, $0x7;
	v27 =	vor.u32 v7, v11;
	v29 =	vor.u32 s18, v1;
	v16 =	vld.idx.msk [tilespmem:v12+s24+$0x0], $0xffff;
	[tilespmem:v26+s30+$0x0] =	vst.idx.msk $0xffff, v17  }
0x21c: {  	v28 =	vor.u32 s17, v1;
	v12 =	vor.u32 v0, v9;
	v17 =	vld.idx.msk [tilespmem:v30+s24+$0x0], $0xffff;
	[tilespmem:v31+s30+$0x0] =	vst.idx.msk $0xffff, v18  }
0x21d: {  	v36 =	vor.u32 s9, v6;
	v63 =	vor.u32 v5, v21;
	v26 =	vor.u32 s14, v2;
	[tilespmem:v34+s30+$0x0] =	vst.idx.msk $0xffff, v22;
	v18 =	vld.idx.msk [tilespmem:v32+s24+$0x0], $0xffff  }
0x21e: {  	v11 =	vmov s18;
	v30 =	vor.u32 v5, v19;
	[tilespmem:v15+s30+$0x0] =	vst.idx.msk $0xffff, v23;
	v23 =	vor.u32 s19, v2;
	v62 =	vld.idx.msk [tilespmem:v33+s24+$0x0], $0xffff  }
0x21f: {  	v40 =	vor.u32 v5, v8;
	v11 =	vshll.u32 v11, $0x7;
	v22 =	vor.u32 v7, v13;
	v34 =	vld.idx.msk [tilespmem:v24+s24+$0x0], $0xffff  }
0x220: {  	v39 =	vor.u32 s18, v2;
	v38 =	vor.u32 v0, v11;
	v31 =	vor.u32 s15, v6;
	v29 =	vld.idx.msk [tilespmem:v29+s24+$0x0], $0xffff;
	[tilespmem:v27+s30+$0x0] =	vst.idx.msk $0xffff, v25  }
0x221: {  	s9 =	simm.s32 $0xA;
	v37 =	vor.u32 v3, v14;
	v42 =	vor.u32 v3, v9;
	v13 =	vmov s17;
	v15 =	vld.idx.msk [tilespmem:v28+s24+$0x0], $0xffff;
	[tilespmem:v12+s30+$0x0] =	vst.idx.msk $0xffff, v20  }
0x222: {  	v19 =	vor.u32 v7, v19;
	v24 =	vmov s9;
	v28 =	vor.u32 s0, v4;
	[tilespmem:v63+s30+$0x0] =	vst.idx.msk $0xffff, v16;
	v41 =	vld.idx.msk [tilespmem:v26+s24+$0x0], $0xffff  }
0x223: {  	s15 =	simm.s32 $0x8;
	v13 =	vshll.u32 v13, $0x7;
	v12 =	vshll.u32 v24, $0x7;
	[tilespmem:v30+s30+$0x0] =	vst.idx.msk $0xffff, v17;
	v30 =	vor.u32 s9, v1;
	v24 =	vld.idx.msk [tilespmem:v23+s24+$0x0], $0xffff  }
0x224: {  	v35 =	vor.u32 s15, v1;
	v27 =	vor.u32 s20, v6;
	v32 =	vor.u32 v5, v14;
	v26 =	vld.idx.msk [tilespmem:v36+s24+$0x0], $0xffff;
	[tilespmem:v22+s30+$0x0] =	vst.idx.msk $0xffff, v18  }
0x225: {  	v33 =	vor.u32 s19, v4;
	v20 =	vor.u32 s18, v4;
	v17 =	vor.u32 v0, v13;
	v25 =	vld.idx.msk [tilespmem:v31+s24+$0x0], $0xffff;
	[tilespmem:v38+s30+$0x0] =	vst.idx.msk $0xffff, v29  }
0x226: {  	v18 =	vor.u32 v0, v12;
	[tilespmem:v37+s30+$0x0] =	vst.idx.msk $0xffff, v34;
	v31 =	vor.u32 v3, v10;
	v23 =	vld.idx.msk [tilespmem:v39+s24+$0x0], $0xffff  }
0x227: {  	v16 =	vor.u32 s19, v6;
	v22 =	vor.u32 v7, v21;
	v21 =	vor.u32 s14, v4;
	[tilespmem:v40+s30+$0x0] =	vst.idx.msk $0xffff, v62;
	v28 =	vld.idx.msk [tilespmem:v28+s24+$0x0], $0xffff  }
0x228: {  	s1 =	simm.s32 $0xC;
	v36 =	vmov s15;
	v29 =	vor.u32 v3, v11;
	v34 =	vld.idx.msk [tilespmem:v30+s24+$0x0], $0xffff;
	[tilespmem:v42+s30+$0x0] =	vst.idx.msk $0xffff, v41;
	v30 =	vor.u32 s0, v6  }
.LBB2_27:
0x229: {  	s5 =	sadd.s32 $0x1, s1;
	v35 =	vld.idx.msk [tilespmem:v35+s24+$0x0], $0xffff  }
0x22a: {  	s19 =	sadd.s32 $0x3, s1;
	v36 =	vshll.u32 v36, $0x7;
	v37 =	vor.u32 s9, v2;
	v38 =	vor.u32 v7, v8;
	[tilespmem:v19+s30+$0x0] =	vst.idx.msk $0xffff, v25;
	v8 =	vmovc v11;
	s2 =	smov.u32 s1;
	s0 =	sadd.s32 $0x4, s1  }
0x22b: {  	p2 =	slt.u32 s1, $0x7C;
	v11 =	vmov s5;
	v25 =	vor.u32 s5, v1;
	s20 =	sadd.s32 $0x2, s2;
	v19 =	vmov s19;
	v27 =	vld.idx.msk [tilespmem:v27+s24+$0x0], $0xffff;
	[tilespmem:v31+s30+$0x0] =	vst.idx.msk $0xffff, v24  }
0x22c: {  	v31 =	vor.u32 v0, v36;
	v24 =	vmov s20;
	v39 =	vshll.u32 v19, $0x7;
	v21 =	vld.idx.msk [tilespmem:v21+s24+$0x0], $0xffff;
	[tilespmem:v22+s30+$0x0] =	vst.idx.msk $0xffff, v26  }
0x22d: {  	v11 =	vshll.u32 v11, $0x7;
	v22 =	vor.u32 s19, v1;
	v40 =	vshll.u32 v24, $0x7;
	[tilespmem:v32+s30+$0x0] =	vst.idx.msk $0xffff, v28;
	v24 =	vld.idx.msk [tilespmem:v33+s24+$0x0], $0xffff  }
0x22e: {  	v26 =	vor.u32 s15, v2;
	v32 =	vor.u32 s5, v4;
	v28 =	vor.u32 v5, v10;
	[tilespmem:v29+s30+$0x0] =	vst.idx.msk $0xffff, v23;
	v23 =	vld.idx.msk [tilespmem:v30+s24+$0x0], $0xffff  }
0x22f: {  	v14 =	vor.u32 v7, v14;
	v29 =	vld.idx.msk [tilespmem:v20+s24+$0x0], $0xffff;
	[tilespmem:v18+s30+$0x0] =	vst.idx.msk $0xffff, v34;
	v20 =	vor.u32 v5, v9  }
0x230: {  	v19 =	vor.u32 v7, v10;
	v33 =	vor.u32 s17, v2;
	v34 =	vor.u32 s14, v6;
	s14 =	smov.u32 s15;
	s15 =	smov.u32 s2;
	v30 =	vld.idx.msk [tilespmem:v37+s24+$0x0], $0xffff;
	[tilespmem:v17+s30+$0x0] =	vst.idx.msk $0xffff, v15  }
0x231: {  	v42 =	vor.u32 v3, v12;
	v41 =	vor.u32 v0, v11;
	v37 =	vld.idx.msk [tilespmem:v25+s24+$0x0], $0xffff;
	[tilespmem:v38+s30+$0x0] =	vst.idx.msk $0xffff, v27  }
0x232: {  	v44 =	vor.u32 s9, v4;
	v43 =	vor.u32 v5, v8;
	v38 =	vor.u32 s5, v2;
	v15 =	vld.idx.msk [tilespmem:v22+s24+$0x0], $0xffff;
	[tilespmem:v31+s30+$0x0] =	vst.idx.msk $0xffff, v35  }
0x233: {  	v18 =	vor.u32 v0, v40;
	v17 =	vor.u32 v0, v39;
	v45 =	vld.idx.msk [tilespmem:v26+s24+$0x0], $0xffff;
	[tilespmem:v28+s30+$0x0] =	vst.idx.msk $0xffff, v24  }
0x234: {  	v47 =	vor.u32 v3, v36;
	v46 =	vor.u32 s20, v1;
	v10 =	vmov v13;
	[tilespmem:v14+s30+$0x0] =	vst.idx.msk $0xffff, v23;
	v25 =	vld.idx.msk [tilespmem:v16+s24+$0x0], $0xffff  }
.Ltmp16:
0x235: {  	v35 =	vor.u32 s15, v1;
	v22 =	vor.u32 v7, v9;
	v9 =	vmov v36;
	v24 =	vld.idx.msk [tilespmem:v33+s24+$0x0], $0xffff;
	[tilespmem:v20+s30+$0x0] =	vst.idx.msk $0xffff, v21;
	(pc) =	sbr.rel @p2 .LBB2_27-.Ltmp16, $4  }
0x236: {  	v13 =	vmov v39;
	v27 =	vor.u32 s18, v6;
	s18 =	smov.u32 s5;
	v31 =	vor.u32 v3, v10;
	[tilespmem:v42+s30+$0x0] =	vst.idx.msk $0xffff, v30;
	v26 =	vld.idx.msk [tilespmem:v34+s24+$0x0], $0xffff  }
0x237: {  	v14 =	vmovc v12;
	v12 =	vmov v40;
	v21 =	vor.u32 s14, v4;
	v20 =	vmov v32;
	[tilespmem:v41+s30+$0x0] =	vst.idx.msk $0xffff, v37;
	v28 =	vld.idx.msk [tilespmem:v44+s24+$0x0], $0xffff  }
0x238: {  	v16 =	vor.u32 s17, v6;
	v32 =	vor.u32 v5, v14;
	v33 =	vor.u32 s17, v4;
	s17 =	smov.u32 s19;
	v23 =	vld.idx.msk [tilespmem:v38+s24+$0x0], $0xffff;
	[tilespmem:v43+s30+$0x0] =	vst.idx.msk $0xffff, v29  }
0x239: {  	s1 =	smov.u32 s0;
	v36 =	vmov s15;
	v30 =	vor.u32 s9, v6;
	s9 =	smov.u32 s20;
	v29 =	vor.u32 v3, v11;
	v34 =	vld.idx.msk [tilespmem:v46+s24+$0x0], $0xffff;
	[tilespmem:v47+s30+$0x0] =	vst.idx.msk $0xffff, v45  }
0x23a: {  	_ =	sdelay $0x3  }
0x23b: {  	v36 =	vshll.u32 v36, $0x7;
	v37 =	vor.u32 s9, v2;
	[tilespmem:v19+s30+$0x0] =	vst.idx.msk $0xffff, v25  }
0x23c: {  	v59 =	vld.idx.msk [tilespmem:v35+s24+$0x0], $0xffff;
	[tilespmem:v31+s30+$0x0] =	vst.idx.msk $0xffff, v24;
	v61 =	vor.u32 s17, v2;
	v60 =	vor.u32 v0, v36  }
0x23d: {  	v62 =	vor.u32 s15, v2;
	[tilespmem:v17+s30+$0x0] =	vst.idx.msk $0xffff, v15  }
0x23e: {  	v8 =	vor.u32 v7, v8;
	v63 =	vld.idx.msk [tilespmem:v27+s24+$0x0], $0xffff;
	[tilespmem:v22+s30+$0x0] =	vst.idx.msk $0xffff, v26  }
0x23f: {  	v21 =	vld.idx.msk [tilespmem:v21+s24+$0x0], $0xffff;
	v46 =	vor.u32 v5, v9;
	[tilespmem:v18+s30+$0x0] =	vst.idx.msk $0xffff, v34  }
0x240: {  	v39 =	vor.u32 v3, v12;
	[tilespmem:v32+s30+$0x0] =	vst.idx.msk $0xffff, v28;
	v18 =	vld.idx.msk [tilespmem:v37+s24+$0x0], $0xffff  }
0x241: {  	v40 =	vor.u32 s9, v4;
	v42 =	vor.u32 v3, v13;
	v41 =	vld.idx.msk [tilespmem:v61+s24+$0x0], $0xffff;
	[tilespmem:v60+s30+$0x0] =	vst.idx.msk $0xffff, v59  }
0x242: {  	v44 =	vor.u32 s17, v4;
	v43 =	vor.u32 v3, v36;
	[tilespmem:v29+s30+$0x0] =	vst.idx.msk $0xffff, v23;
	v22 =	vld.idx.msk [tilespmem:v62+s24+$0x0], $0xffff  }
0x243: {  	v38 =	vor.u32 v5, v10;
	v35 =	vld.idx.msk [tilespmem:v33+s24+$0x0], $0xffff;
	[tilespmem:v8+s30+$0x0] =	vst.idx.msk $0xffff, v63;
	v8 =	vor.u32 s15, v4  }
0x244: {  	v14 =	vor.u32 v7, v14;
	v47 =	vor.u32 s14, v6;
	v45 =	vld.idx.msk [tilespmem:v30+s24+$0x0], $0xffff;
	[tilespmem:v46+s30+$0x0] =	vst.idx.msk $0xffff, v21  }
0x245: {  	v48 =	vor.u32 v5, v11;
	v20 =	vld.idx.msk [tilespmem:v20+s24+$0x0], $0xffff;
	[tilespmem:v39+s30+$0x0] =	vst.idx.msk $0xffff, v18  }
0x246: {  	v49 =	vor.u32 s18, v6;
	v50 =	vor.u32 v5, v12;
	[tilespmem:v42+s30+$0x0] =	vst.idx.msk $0xffff, v41;
	v17 =	vld.idx.msk [tilespmem:v40+s24+$0x0], $0xffff  }
0x247: {  	v51 =	vor.u32 s9, v6;
	v53 =	vor.u32 v5, v13;
	v52 =	vld.idx.msk [tilespmem:v44+s24+$0x0], $0xffff;
	[tilespmem:v43+s30+$0x0] =	vst.idx.msk $0xffff, v22  }
0x248: {  	v54 =	vor.u32 s17, v6;
	v55 =	vor.u32 v5, v36;
	[tilespmem:v38+s30+$0x0] =	vst.idx.msk $0xffff, v35;
	v8 =	vld.idx.msk [tilespmem:v8+s24+$0x0], $0xffff  }
0x249: {  	v57 =	vor.u32 s15, v6;
	v58 =	vor.u32 v7, v9;
	v59 =	vld.idx.msk [tilespmem:v47+s24+$0x0], $0xffff;
	[tilespmem:v14+s30+$0x0] =	vst.idx.msk $0xffff, v45  }
0x24a: {  	v56 =	vor.u32 v7, v10;
	v16 =	vld.idx.msk [tilespmem:v16+s24+$0x0], $0xffff;
	[tilespmem:v48+s30+$0x0] =	vst.idx.msk $0xffff, v20  }
0x24b: {  	v60 =	vor.u32 v7, v11;
	v15 =	vld.idx.msk [tilespmem:v49+s24+$0x0], $0xffff;
	[tilespmem:v50+s30+$0x0] =	vst.idx.msk $0xffff, v17  }
0x24c: {  	v61 =	vor.u32 v7, v12;
	[tilespmem:v53+s30+$0x0] =	vst.idx.msk $0xffff, v52;
	v17 =	vld.idx.msk [tilespmem:v51+s24+$0x0], $0xffff  }
0x24d: {  	v62 =	vor.u32 v7, v13;
	v14 =	vld.idx.msk [tilespmem:v54+s24+$0x0], $0xffff;
	[tilespmem:v55+s30+$0x0] =	vst.idx.msk $0xffff, v8  }
0x24e: {  	s12 =	sadd.s32 $0x1, s12;
	[tilespmem:v58+s30+$0x0] =	vst.idx.msk $0xffff, v59;
	v8 =	vor.u32 v7, v36;
	v63 =	vld.idx.msk [tilespmem:v57+s24+$0x0], $0xffff  }
0x24f: {  	p2 =	sne.s32 s12, $0x7A;
	[tilespmem:v56+s30+$0x0] =	vst.idx.msk $0xffff, v16  }
.Ltmp17:
0x250: {  	[tilespmem:v60+s30+$0x0] =	vst.idx.msk $0xffff, v15;
	(pc) =	sbr.rel @p2 .LBB2_20-.Ltmp17, $4  }
0x251: {  	s0 =	sshll.u32 s13, $0xB;
	[tilespmem:v61+s30+$0x0] =	vst.idx.msk $0xffff, v17  }
0x252: {  	s0 =	sand.u32 $0x1FFFF800, s0;
	[tilespmem:v62+s30+$0x0] =	vst.idx.msk $0xffff, v14  }
0x253: {  	s0 =	sadd.s32 s8, s0;
	[tilespmem:v8+s30+$0x0] =	vst.idx.msk $0xffff, v63  }
0x254: {  	[hbm4b:s0+s3] =	stream.linear.scatter [tilespmem:s30], [sflag:$0x4], $0x4000, $0x38;
	[tilespmem:$0xE000] =	vst v63  }
0x255: {  	s0 =	simm.s32 $0x3  }
0x256: {  	_ =	swait.ge [sflag:s0], $0x4000  }
.Ltmp18:
0x257: {  	[sflag:s0] =	ssyncset.done $0x0;
	(pc) =	sbr.rel @p1 .LBB2_33-.Ltmp18, $4  }
0x258: {  	[sflag:s0] =	ssyncadd.s32 $0xFFFFC000  }
0x259: {  	_ =	swait.ge [sflag:s29], $0x4000  }
0x25a: {  	[sflag:s29] =	ssyncset.done $0x0  }
0x25b: {  	s18 =	simm.s32 $0x5;
	[sflag:s29] =	ssyncadd.s32 $0xFFFFC000  }
0x25c: {  	s1 =	simm.s32 $0x1  }
0x25d: {  	s9 =	simm.s32 $0x0;
	s0 =	rddreg [dreg:$0xb];
	v8 =	vor.u32 s1, v1  }
0x25e: {  	[tilespmem:s9], [sflag:$0x5] =	stream.strided.gather [hbm4b:s0+s22], $0x2000, s23, s22, $0x38;
	[tilespmem:$0xE000] =	vst v63  }
0x25f: {  	_ =	swait.ge [sflag:s18], $0x2000  }
0x260: {  	s5 =	simm.s32 $0x2;
	v9 =	vmov s1;
	[sflag:s18] =	ssyncset.done $0x0  }
0x261: {  	v11 =	vshll.u32 v9, $0x7;
	v9 =	vor.u32 s5, v1;
	[sflag:s18] =	ssyncadd.s32 $0xFFFFE000  }
0x262: {  	v10 =	vor.u32 v0, v11;
	v8 =	vld.idx.msk [tilespmem:v8+s3+$0x0], $0xffff  }
0x263: {  	v12 =	vor.u32 s1, v2  }
0x264: {  	v13 =	vmov s5  }
0x265: {  	s14 =	simm.s32 $0x3;
	v14 =	vor.u32 s9, v1;
	v13 =	vshll.u32 v13, $0x7  }
0x266: {  	v15 =	vor.u32 s14, v1;
	v16 =	vor.u32 v0, v13;
	v9 =	vld.idx.msk [tilespmem:v9+s3+$0x0], $0xffff  }
0x267: {  	s17 =	simm.s32 $0x5;
	[tilespmem:v10+s26+$0x0] =	vst.idx.msk $0xffff, v8;
	v10 =	vor.u32 s5, v2  }
0x268: {  	v18 =	vor.u32 s17, v1;
	v17 =	vor.u32 v3, v11;
	v8 =	vmov s9;
	v12 =	vld.idx.msk [tilespmem:v12+s3+$0x0], $0xffff  }
0x269: {  	v19 =	vmov s14;
	v21 =	vshll.u32 v8, $0x7  }
0x26a: {  	v20 =	vor.u32 s1, v4;
	v19 =	vshll.u32 v19, $0x7;
	v14 =	vld.idx.msk [tilespmem:v14+s3+$0x0], $0xffff;
	v22 =	vor.u32 v0, v21  }
0x26b: {  	v25 =	vor.u32 s9, v2;
	v24 =	vor.u32 v0, v19;
	v15 =	vld.idx.msk [tilespmem:v15+s3+$0x0], $0xffff;
	v8 =	vmov s17;
	[tilespmem:v16+s26+$0x0] =	vst.idx.msk $0xffff, v9  }
0x26c: {  	v16 =	vor.u32 v3, v13;
	v8 =	vshll.u32 v8, $0x7;
	v9 =	vld.idx.msk [tilespmem:v10+s3+$0x0], $0xffff;
	v10 =	vor.u32 s14, v2  }
0x26d: {  	[tilespmem:v17+s26+$0x0] =	vst.idx.msk $0xffff, v12;
	v12 =	vld.idx.msk [tilespmem:v18+s3+$0x0], $0xffff;
	v17 =	vor.u32 v0, v8;
	v18 =	vor.u32 s5, v4  }
0x26e: {  	s15 =	simm.s32 $0x7;
	v26 =	vor.u32 s17, v2  }
0x26f: {  	s31 =	simm.s32 $0x6;
	v23 =	vor.u32 s15, v1;
	v20 =	vld.idx.msk [tilespmem:v20+s3+$0x0], $0xffff;
	[tilespmem:v22+s26+$0x0] =	vst.idx.msk $0xffff, v14  }
0x270: {  	s6 =	simm.s32 $0x4;
	[tilespmem:v24+s26+$0x0] =	vst.idx.msk $0xffff, v15;
	v15 =	vor.u32 v5, v11;
	v22 =	vor.u32 s31, v1;
	v24 =	vld.idx.msk [tilespmem:v25+s3+$0x0], $0xffff  }
0x271: {  	v27 =	vor.u32 v3, v21;
	v25 =	vor.u32 s6, v1;
	v28 =	vld.idx.msk [tilespmem:v10+s3+$0x0], $0xffff;
	[tilespmem:v16+s26+$0x0] =	vst.idx.msk $0xffff, v9  }
0x272: {  	v29 =	vor.u32 s1, v6;
	v30 =	vor.u32 s14, v4;
	v16 =	vor.u32 v3, v19;
	[tilespmem:v17+s26+$0x0] =	vst.idx.msk $0xffff, v12;
	v17 =	vld.idx.msk [tilespmem:v18+s3+$0x0], $0xffff  }
0x273: {  	v10 =	vmov s31;
	v12 =	vor.u32 s9, v4;
	v18 =	vld.idx.msk [tilespmem:v26+s3+$0x0], $0xffff;
	v26 =	vor.u32 v5, v13  }
0x274: {  	v23 =	vld.idx.msk [tilespmem:v23+s3+$0x0], $0xffff;
	v31 =	vor.u32 v3, v8;
	v9 =	vmov s15;
	v14 =	vshll.u32 v10, $0x7  }
0x275: {  	v32 =	vor.u32 s5, v6;
	v10 =	vshll.u32 v9, $0x7;
	v22 =	vld.idx.msk [tilespmem:v22+s3+$0x0], $0xffff;
	v34 =	vor.u32 v0, v14;
	[tilespmem:v15+s26+$0x0] =	vst.idx.msk $0xffff, v20  }
0x276: {  	v33 =	vor.u32 s17, v4;
	v15 =	vor.u32 v0, v10;
	v20 =	vld.idx.msk [tilespmem:v25+s3+$0x0], $0xffff;
	[tilespmem:v27+s26+$0x0] =	vst.idx.msk $0xffff, v24  }
0x277: {  	s13 =	simm.s32 $0x9;
	v9 =	vmov s6;
	v24 =	vor.u32 s31, v2;
	v25 =	vld.idx.msk [tilespmem:v29+s3+$0x0], $0xffff;
	[tilespmem:v16+s26+$0x0] =	vst.idx.msk $0xffff, v28  }
0x278: {  	s12 =	simm.s32 $0xB;
	v9 =	vshll.u32 v9, $0x7;
	v27 =	vor.u32 v7, v11;
	v29 =	vor.u32 s13, v1;
	v16 =	vld.idx.msk [tilespmem:v12+s3+$0x0], $0xffff;
	[tilespmem:v26+s26+$0x0] =	vst.idx.msk $0xffff, v17  }
0x279: {  	v28 =	vor.u32 s12, v1;
	v12 =	vor.u32 v0, v9;
	v17 =	vld.idx.msk [tilespmem:v30+s3+$0x0], $0xffff;
	[tilespmem:v31+s26+$0x0] =	vst.idx.msk $0xffff, v18  }
0x27a: {  	v36 =	vor.u32 s9, v6;
	v63 =	vor.u32 v5, v21;
	v26 =	vor.u32 s6, v2;
	[tilespmem:v34+s26+$0x0] =	vst.idx.msk $0xffff, v22;
	v18 =	vld.idx.msk [tilespmem:v32+s3+$0x0], $0xffff  }
0x27b: {  	v11 =	vmov s13;
	v30 =	vor.u32 v5, v19;
	[tilespmem:v15+s26+$0x0] =	vst.idx.msk $0xffff, v23;
	v23 =	vor.u32 s15, v2;
	v62 =	vld.idx.msk [tilespmem:v33+s3+$0x0], $0xffff  }
0x27c: {  	v40 =	vor.u32 v5, v8;
	v11 =	vshll.u32 v11, $0x7;
	v22 =	vor.u32 v7, v13;
	v34 =	vld.idx.msk [tilespmem:v24+s3+$0x0], $0xffff  }
0x27d: {  	v39 =	vor.u32 s13, v2;
	v38 =	vor.u32 v0, v11;
	v31 =	vor.u32 s14, v6;
	v29 =	vld.idx.msk [tilespmem:v29+s3+$0x0], $0xffff;
	[tilespmem:v27+s26+$0x0] =	vst.idx.msk $0xffff, v25  }
0x27e: {  	s9 =	simm.s32 $0xA;
	v37 =	vor.u32 v3, v14;
	v42 =	vor.u32 v3, v9;
	v13 =	vmov s12;
	v15 =	vld.idx.msk [tilespmem:v28+s3+$0x0], $0xffff;
	[tilespmem:v12+s26+$0x0] =	vst.idx.msk $0xffff, v20  }
0x27f: {  	v19 =	vor.u32 v7, v19;
	v24 =	vmov s9;
	v28 =	vor.u32 s31, v4;
	[tilespmem:v63+s26+$0x0] =	vst.idx.msk $0xffff, v16;
	v41 =	vld.idx.msk [tilespmem:v26+s3+$0x0], $0xffff  }
0x280: {  	s14 =	simm.s32 $0x8;
	v13 =	vshll.u32 v13, $0x7;
	v12 =	vshll.u32 v24, $0x7;
	[tilespmem:v30+s26+$0x0] =	vst.idx.msk $0xffff, v17;
	v30 =	vor.u32 s9, v1;
	v24 =	vld.idx.msk [tilespmem:v23+s3+$0x0], $0xffff  }
0x281: {  	v35 =	vor.u32 s14, v1;
	v27 =	vor.u32 s17, v6;
	v32 =	vor.u32 v5, v14;
	v26 =	vld.idx.msk [tilespmem:v36+s3+$0x0], $0xffff;
	[tilespmem:v22+s26+$0x0] =	vst.idx.msk $0xffff, v18  }
0x282: {  	v33 =	vor.u32 s15, v4;
	v20 =	vor.u32 s13, v4;
	v17 =	vor.u32 v0, v13;
	v25 =	vld.idx.msk [tilespmem:v31+s3+$0x0], $0xffff;
	[tilespmem:v38+s26+$0x0] =	vst.idx.msk $0xffff, v29  }
0x283: {  	v18 =	vor.u32 v0, v12;
	[tilespmem:v37+s26+$0x0] =	vst.idx.msk $0xffff, v34;
	v31 =	vor.u32 v3, v10;
	v23 =	vld.idx.msk [tilespmem:v39+s3+$0x0], $0xffff  }
0x284: {  	v16 =	vor.u32 s15, v6;
	v22 =	vor.u32 v7, v21;
	v21 =	vor.u32 s6, v4;
	[tilespmem:v40+s26+$0x0] =	vst.idx.msk $0xffff, v62;
	v28 =	vld.idx.msk [tilespmem:v28+s3+$0x0], $0xffff  }
0x285: {  	s1 =	simm.s32 $0xC;
	v36 =	vmov s14;
	v29 =	vor.u32 v3, v11;
	v34 =	vld.idx.msk [tilespmem:v30+s3+$0x0], $0xffff;
	[tilespmem:v42+s26+$0x0] =	vst.idx.msk $0xffff, v41;
	v30 =	vor.u32 s31, v6  }
.LBB2_31:
0x286: {  	s5 =	sadd.s32 $0x1, s1;
	v35 =	vld.idx.msk [tilespmem:v35+s3+$0x0], $0xffff  }
0x287: {  	s15 =	sadd.s32 $0x3, s1;
	v36 =	vshll.u32 v36, $0x7;
	v37 =	vor.u32 s9, v2;
	v38 =	vor.u32 v7, v8;
	[tilespmem:v19+s26+$0x0] =	vst.idx.msk $0xffff, v25;
	v8 =	vmovc v11;
	s2 =	smov.u32 s1;
	s0 =	sadd.s32 $0x4, s1  }
0x288: {  	p2 =	slt.u32 s1, $0x7C;
	v11 =	vmov s5;
	v25 =	vor.u32 s5, v1;
	s17 =	sadd.s32 $0x2, s2;
	v19 =	vmov s15;
	v27 =	vld.idx.msk [tilespmem:v27+s3+$0x0], $0xffff;
	[tilespmem:v31+s26+$0x0] =	vst.idx.msk $0xffff, v24  }
0x289: {  	v31 =	vor.u32 v0, v36;
	v24 =	vmov s17;
	v39 =	vshll.u32 v19, $0x7;
	v21 =	vld.idx.msk [tilespmem:v21+s3+$0x0], $0xffff;
	[tilespmem:v22+s26+$0x0] =	vst.idx.msk $0xffff, v26  }
0x28a: {  	v11 =	vshll.u32 v11, $0x7;
	v22 =	vor.u32 s15, v1;
	v40 =	vshll.u32 v24, $0x7;
	[tilespmem:v32+s26+$0x0] =	vst.idx.msk $0xffff, v28;
	v24 =	vld.idx.msk [tilespmem:v33+s3+$0x0], $0xffff  }
0x28b: {  	v26 =	vor.u32 s14, v2;
	v32 =	vor.u32 s5, v4;
	v28 =	vor.u32 v5, v10;
	[tilespmem:v29+s26+$0x0] =	vst.idx.msk $0xffff, v23;
	v23 =	vld.idx.msk [tilespmem:v30+s3+$0x0], $0xffff  }
0x28c: {  	v14 =	vor.u32 v7, v14;
	v29 =	vld.idx.msk [tilespmem:v20+s3+$0x0], $0xffff;
	[tilespmem:v18+s26+$0x0] =	vst.idx.msk $0xffff, v34;
	v20 =	vor.u32 v5, v9  }
0x28d: {  	v19 =	vor.u32 v7, v10;
	v33 =	vor.u32 s12, v2;
	v34 =	vor.u32 s6, v6;
	s6 =	smov.u32 s14;
	s14 =	smov.u32 s2;
	v30 =	vld.idx.msk [tilespmem:v37+s3+$0x0], $0xffff;
	[tilespmem:v17+s26+$0x0] =	vst.idx.msk $0xffff, v15  }
0x28e: {  	v42 =	vor.u32 v3, v12;
	v41 =	vor.u32 v0, v11;
	v37 =	vld.idx.msk [tilespmem:v25+s3+$0x0], $0xffff;
	[tilespmem:v38+s26+$0x0] =	vst.idx.msk $0xffff, v27  }
0x28f: {  	v44 =	vor.u32 s9, v4;
	v43 =	vor.u32 v5, v8;
	v38 =	vor.u32 s5, v2;
	v15 =	vld.idx.msk [tilespmem:v22+s3+$0x0], $0xffff;
	[tilespmem:v31+s26+$0x0] =	vst.idx.msk $0xffff, v35  }
0x290: {  	v18 =	vor.u32 v0, v40;
	v17 =	vor.u32 v0, v39;
	v45 =	vld.idx.msk [tilespmem:v26+s3+$0x0], $0xffff;
	[tilespmem:v28+s26+$0x0] =	vst.idx.msk $0xffff, v24  }
0x291: {  	v47 =	vor.u32 v3, v36;
	v46 =	vor.u32 s17, v1;
	v10 =	vmov v13;
	[tilespmem:v14+s26+$0x0] =	vst.idx.msk $0xffff, v23;
	v25 =	vld.idx.msk [tilespmem:v16+s3+$0x0], $0xffff  }
.Ltmp19:
0x292: {  	v35 =	vor.u32 s14, v1;
	v22 =	vor.u32 v7, v9;
	v9 =	vmov v36;
	v24 =	vld.idx.msk [tilespmem:v33+s3+$0x0], $0xffff;
	[tilespmem:v20+s26+$0x0] =	vst.idx.msk $0xffff, v21;
	(pc) =	sbr.rel @p2 .LBB2_31-.Ltmp19, $4  }
0x293: {  	v13 =	vmov v39;
	v27 =	vor.u32 s13, v6;
	s13 =	smov.u32 s5;
	v31 =	vor.u32 v3, v10;
	[tilespmem:v42+s26+$0x0] =	vst.idx.msk $0xffff, v30;
	v26 =	vld.idx.msk [tilespmem:v34+s3+$0x0], $0xffff  }
0x294: {  	v14 =	vmovc v12;
	v12 =	vmov v40;
	v21 =	vor.u32 s6, v4;
	v20 =	vmov v32;
	[tilespmem:v41+s26+$0x0] =	vst.idx.msk $0xffff, v37;
	v28 =	vld.idx.msk [tilespmem:v44+s3+$0x0], $0xffff  }
0x295: {  	v16 =	vor.u32 s12, v6;
	v32 =	vor.u32 v5, v14;
	v33 =	vor.u32 s12, v4;
	s12 =	smov.u32 s15;
	v23 =	vld.idx.msk [tilespmem:v38+s3+$0x0], $0xffff;
	[tilespmem:v43+s26+$0x0] =	vst.idx.msk $0xffff, v29  }
0x296: {  	s1 =	smov.u32 s0;
	v36 =	vmov s14;
	v30 =	vor.u32 s9, v6;
	s9 =	smov.u32 s17;
	v29 =	vor.u32 v3, v11;
	v34 =	vld.idx.msk [tilespmem:v46+s3+$0x0], $0xffff;
	[tilespmem:v47+s26+$0x0] =	vst.idx.msk $0xffff, v45  }
0x297: {  	_ =	sdelay $0x3  }
0x298: {  	v36 =	vshll.u32 v36, $0x7;
	v37 =	vor.u32 s9, v2;
	[tilespmem:v19+s26+$0x0] =	vst.idx.msk $0xffff, v25  }
0x299: {  	v59 =	vld.idx.msk [tilespmem:v35+s3+$0x0], $0xffff;
	[tilespmem:v31+s26+$0x0] =	vst.idx.msk $0xffff, v24;
	v61 =	vor.u32 s12, v2;
	v60 =	vor.u32 v0, v36  }
0x29a: {  	v62 =	vor.u32 s14, v2;
	[tilespmem:v17+s26+$0x0] =	vst.idx.msk $0xffff, v15  }
0x29b: {  	v8 =	vor.u32 v7, v8;
	v63 =	vld.idx.msk [tilespmem:v27+s3+$0x0], $0xffff;
	[tilespmem:v22+s26+$0x0] =	vst.idx.msk $0xffff, v26  }
0x29c: {  	v21 =	vld.idx.msk [tilespmem:v21+s3+$0x0], $0xffff;
	v46 =	vor.u32 v5, v9;
	[tilespmem:v18+s26+$0x0] =	vst.idx.msk $0xffff, v34  }
0x29d: {  	v39 =	vor.u32 v3, v12;
	[tilespmem:v32+s26+$0x0] =	vst.idx.msk $0xffff, v28;
	v18 =	vld.idx.msk [tilespmem:v37+s3+$0x0], $0xffff  }
0x29e: {  	v40 =	vor.u32 s9, v4;
	v42 =	vor.u32 v3, v13;
	v41 =	vld.idx.msk [tilespmem:v61+s3+$0x0], $0xffff;
	[tilespmem:v60+s26+$0x0] =	vst.idx.msk $0xffff, v59  }
0x29f: {  	v44 =	vor.u32 s12, v4;
	v43 =	vor.u32 v3, v36;
	[tilespmem:v29+s26+$0x0] =	vst.idx.msk $0xffff, v23;
	v22 =	vld.idx.msk [tilespmem:v62+s3+$0x0], $0xffff  }
0x2a0: {  	v38 =	vor.u32 v5, v10;
	v35 =	vld.idx.msk [tilespmem:v33+s3+$0x0], $0xffff;
	[tilespmem:v8+s26+$0x0] =	vst.idx.msk $0xffff, v63;
	v8 =	vor.u32 s14, v4  }
0x2a1: {  	v14 =	vor.u32 v7, v14;
	v47 =	vor.u32 s6, v6;
	v45 =	vld.idx.msk [tilespmem:v30+s3+$0x0], $0xffff;
	[tilespmem:v46+s26+$0x0] =	vst.idx.msk $0xffff, v21  }
0x2a2: {  	v48 =	vor.u32 v5, v11;
	v20 =	vld.idx.msk [tilespmem:v20+s3+$0x0], $0xffff;
	[tilespmem:v39+s26+$0x0] =	vst.idx.msk $0xffff, v18  }
0x2a3: {  	v49 =	vor.u32 s13, v6;
	v50 =	vor.u32 v5, v12;
	[tilespmem:v42+s26+$0x0] =	vst.idx.msk $0xffff, v41;
	v17 =	vld.idx.msk [tilespmem:v40+s3+$0x0], $0xffff  }
0x2a4: {  	v51 =	vor.u32 s9, v6;
	v53 =	vor.u32 v5, v13;
	v52 =	vld.idx.msk [tilespmem:v44+s3+$0x0], $0xffff;
	[tilespmem:v43+s26+$0x0] =	vst.idx.msk $0xffff, v22  }
0x2a5: {  	v54 =	vor.u32 s12, v6;
	v55 =	vor.u32 v5, v36;
	[tilespmem:v38+s26+$0x0] =	vst.idx.msk $0xffff, v35;
	v8 =	vld.idx.msk [tilespmem:v8+s3+$0x0], $0xffff  }
0x2a6: {  	v57 =	vor.u32 s14, v6;
	v58 =	vor.u32 v7, v9;
	v59 =	vld.idx.msk [tilespmem:v47+s3+$0x0], $0xffff;
	[tilespmem:v14+s26+$0x0] =	vst.idx.msk $0xffff, v45  }
0x2a7: {  	v56 =	vor.u32 v7, v10;
	v16 =	vld.idx.msk [tilespmem:v16+s3+$0x0], $0xffff;
	[tilespmem:v48+s26+$0x0] =	vst.idx.msk $0xffff, v20  }
0x2a8: {  	v60 =	vor.u32 v7, v11;
	v15 =	vld.idx.msk [tilespmem:v49+s3+$0x0], $0xffff;
	[tilespmem:v50+s26+$0x0] =	vst.idx.msk $0xffff, v17  }
0x2a9: {  	v61 =	vor.u32 v7, v12;
	[tilespmem:v53+s26+$0x0] =	vst.idx.msk $0xffff, v52;
	v17 =	vld.idx.msk [tilespmem:v51+s3+$0x0], $0xffff  }
0x2aa: {  	v62 =	vor.u32 v7, v13;
	v14 =	vld.idx.msk [tilespmem:v54+s3+$0x0], $0xffff;
	[tilespmem:v55+s26+$0x0] =	vst.idx.msk $0xffff, v8  }
0x2ab: {  	[tilespmem:v58+s26+$0x0] =	vst.idx.msk $0xffff, v59;
	v8 =	vor.u32 v7, v36;
	v63 =	vld.idx.msk [tilespmem:v57+s3+$0x0], $0xffff  }
0x2ac: {  	[tilespmem:v56+s26+$0x0] =	vst.idx.msk $0xffff, v16  }
0x2ad: {  	[tilespmem:v60+s26+$0x0] =	vst.idx.msk $0xffff, v15  }
0x2ae: {  	[tilespmem:v61+s26+$0x0] =	vst.idx.msk $0xffff, v17  }
0x2af: {  	[tilespmem:v62+s26+$0x0] =	vst.idx.msk $0xffff, v14  }
0x2b0: {  	[tilespmem:v8+s26+$0x0] =	vst.idx.msk $0xffff, v63  }
0x2b1: {  	s0 =	rddreg [dreg:$0xc]  }
0x2b2: {  	[hbm4b:s0+s3] =	stream.linear.scatter [tilespmem:s26], [sflag:$0x5], $0x4000, $0x38;
	[tilespmem:$0xE000] =	vst v63  }
0x2b3: {  	_ =	swait.ge [sflag:s18], $0x4000  }
0x2b4: {  	[sflag:s18] =	ssyncset.done $0x0  }
0x2b5: {  	[sflag:s18] =	ssyncadd.s32 $0xFFFFC000  }
.LBB2_33:
.Ltmp20:
0x2b6: {  	(pc) =	sbr.rel @p0 .LBB2_37-.Ltmp20, $2  }
0x2b7: {  	_ =	sdelay $0x2  }
0x2b8: {  	s1 =	rddreg [dreg:$0xf]  }
0x2b9: {  	s0 =	simm.s32 $0x0;
	s1 =	simm.s32 $0x0  }
0x2ba: {  	s2 =	simm.s32 $0x180;
	s5 =	rddreg [dreg:$0x5];
	s20 =	simm.s32 $0x80;
	v8 =	vor.u32 s0, v0  }
0x2bb: {  	[tilespmem:s4], [sflag:$0x5] =	stream.linear.gather [hbm4b:s5+s1], $0x2000, $0x38;
	v9 =	vor.u32 s2, v0;
	[tilespmem:$0xE000] =	vst v63  }
0x2bc: {  	v10 =	vor.u32 s20, v0;
	_ =	swait.ge [sflag:s18], $0x2000  }
0x2bd: {  	s31 =	simm.s32 $0x100;
	[sflag:s18] =	ssyncset.done $0x0  }
0x2be: {  	v11 =	vor.u32 s31, v0;
	[sflag:s18] =	ssyncadd.s32 $0xFFFFE000  }
0x2bf: {  	s12 =	simm.s32 $0x280;
	v12 =	vld.idx.msk [tilespmem:v8+s4+$0x0], $0xffff  }
0x2c0: {  	v23 =	vor.u32 s12, v0;
	v14 =	vld.idx.msk [tilespmem:v9+s4+$0x0], $0xffff  }
0x2c1: {  	v15 =	vor.u32 s2, v3;
	v16 =	vld.idx.msk [tilespmem:v10+s4+$0x0], $0xffff  }
0x2c2: {  	s13 =	simm.s32 $0x300;
	v13 =	vor.u32 s0, v3  }
0x2c3: {  	v27 =	vor.u32 s13, v0;
	v18 =	vld.idx.msk [tilespmem:v11+s4+$0x0], $0xffff  }
0x2c4: {  	v17 =	vor.u32 s20, v3;
	[tilespmem:v8+s30+$0x0] =	vst.idx.msk $0xffff, v12  }
0x2c5: {  	s9 =	simm.s32 $0x200;
	v32 =	vld.idx.msk [tilespmem:v23+s4+$0x0], $0xffff;
	v8 =	vor.u32 s31, v3;
	[tilespmem:v9+s30+$0x0] =	vst.idx.msk $0xffff, v14  }
0x2c6: {  	[tilespmem:v10+s30+$0x0] =	vst.idx.msk $0xffff, v16;
	v10 =	vor.u32 s9, v0;
	v14 =	vld.idx.msk [tilespmem:v15+s4+$0x0], $0xffff  }
0x2c7: {  	s6 =	simm.s32 $0x380;
	v20 =	vor.u32 s2, v5;
	v12 =	vld.idx.msk [tilespmem:v13+s4+$0x0], $0xffff  }
0x2c8: {  	v33 =	vld.idx.msk [tilespmem:v27+s4+$0x0], $0xffff;
	[tilespmem:v11+s30+$0x0] =	vst.idx.msk $0xffff, v18;
	v11 =	vor.u32 s6, v0  }
0x2c9: {  	v9 =	vor.u32 s0, v5;
	v16 =	vld.idx.msk [tilespmem:v17+s4+$0x0], $0xffff  }
0x2ca: {  	v30 =	vor.u32 s20, v5;
	v18 =	vld.idx.msk [tilespmem:v8+s4+$0x0], $0xffff  }
0x2cb: {  	v19 =	vor.u32 s31, v5;
	v25 =	vld.idx.msk [tilespmem:v10+s4+$0x0], $0xffff;
	[tilespmem:v15+s30+$0x0] =	vst.idx.msk $0xffff, v14  }
0x2cc: {  	[tilespmem:v13+s30+$0x0] =	vst.idx.msk $0xffff, v12;
	v13 =	vor.u32 s9, v3;
	v24 =	vld.idx.msk [tilespmem:v20+s4+$0x0], $0xffff  }
0x2cd: {  	v22 =	vor.u32 s2, v7;
	[tilespmem:v23+s30+$0x0] =	vst.idx.msk $0xffff, v32;
	v31 =	vld.idx.msk [tilespmem:v11+s4+$0x0], $0xffff  }
0x2ce: {  	[tilespmem:v17+s30+$0x0] =	vst.idx.msk $0xffff, v16;
	v14 =	vor.u32 s12, v3;
	v12 =	vld.idx.msk [tilespmem:v9+s4+$0x0], $0xffff  }
0x2cf: {  	v21 =	vor.u32 s6, v3;
	v34 =	vld.idx.msk [tilespmem:v30+s4+$0x0], $0xffff;
	[tilespmem:v8+s30+$0x0] =	vst.idx.msk $0xffff, v18  }
0x2d0: {  	v15 =	vor.u32 s13, v3;
	[tilespmem:v10+s30+$0x0] =	vst.idx.msk $0xffff, v25;
	v29 =	vld.idx.msk [tilespmem:v19+s4+$0x0], $0xffff  }
0x2d1: {  	v18 =	vor.u32 s20, v7;
	v26 =	vld.idx.msk [tilespmem:v13+s4+$0x0], $0xffff;
	[tilespmem:v20+s30+$0x0] =	vst.idx.msk $0xffff, v24  }
0x2d2: {  	[tilespmem:v27+s30+$0x0] =	vst.idx.msk $0xffff, v33;
	v17 =	vor.u32 s31, v7;
	v28 =	vld.idx.msk [tilespmem:v22+s4+$0x0], $0xffff  }
0x2d3: {  	v23 =	vor.u32 s6, v5;
	v16 =	vor.u32 s0, v7;
	[tilespmem:v11+s30+$0x0] =	vst.idx.msk $0xffff, v31;
	v25 =	vld.idx.msk [tilespmem:v14+s4+$0x0], $0xffff  }
0x2d4: {  	v11 =	vor.u32 s12, v5;
	v10 =	vor.u32 s12, v7;
	[tilespmem:v9+s30+$0x0] =	vst.idx.msk $0xffff, v12;
	v24 =	vld.idx.msk [tilespmem:v21+s4+$0x0], $0xffff;
	v20 =	vor.u32 s9, v5  }
0x2d5: {  	s0 =	simm.s32 $0x400;
	v8 =	vor.u32 s13, v7;
	v27 =	vld.idx.msk [tilespmem:v15+s4+$0x0], $0xffff;
	v12 =	vor.u32 s13, v5;
	v9 =	vor.u32 s9, v7;
	s9 =	simm.s32 $0xC;
	[tilespmem:v30+s30+$0x0] =	vst.idx.msk $0xffff, v34  }
.LBB2_35:
0x2d6: {  	p2 =	slt.u32 s9, $0x3C;
	v30 =	vor.u32 s0, v0;
	v31 =	vor.u32 s0, v3;
	v32 =	vor.u32 s0, v5;
	s1 =	sadd.s32 $0x80, s0;
	s2 =	sadd.s32 $0x180, s0;
	v33 =	vld.idx.msk [tilespmem:v18+s4+$0x0], $0xffff;
	[tilespmem:v19+s30+$0x0] =	vst.idx.msk $0xffff, v29;
	v19 =	vmovc v12  }
0x2d7: {  	s5 =	sadd.s32 $0x100, s0;
	v34 =	vor.u32 s1, v0;
	v29 =	vor.u32 s1, v3;
	v35 =	vor.u32 s2, v0;
	v36 =	vld.idx.msk [tilespmem:v17+s4+$0x0], $0xffff;
	[tilespmem:v22+s30+$0x0] =	vst.idx.msk $0xffff, v28  }
0x2d8: {  	v37 =	vor.u32 s1, v5;
	v38 =	vor.u32 s5, v0;
	v22 =	vor.u32 s5, v3;
	[tilespmem:v13+s30+$0x0] =	vst.idx.msk $0xffff, v26;
	v26 =	vld.idx.msk [tilespmem:v16+s4+$0x0], $0xffff;
	v13 =	vmovc v31  }
0x2d9: {  	v28 =	vor.u32 s1, v7;
	v12 =	vor.u32 s5, v5;
	v31 =	vor.u32 s5, v7;
	v39 =	vld.idx.msk [tilespmem:v20+s4+$0x0], $0xffff;
	[tilespmem:v21+s30+$0x0] =	vst.idx.msk $0xffff, v24  }
0x2da: {  	v24 =	vor.u32 s0, v7;
	[tilespmem:v14+s30+$0x0] =	vst.idx.msk $0xffff, v25;
	v25 =	vld.idx.msk [tilespmem:v23+s4+$0x0], $0xffff;
	v14 =	vmov v29  }
0x2db: {  	v40 =	vld.idx.msk [tilespmem:v30+s4+$0x0], $0xffff;
	[tilespmem:v15+s30+$0x0] =	vst.idx.msk $0xffff, v27;
	v15 =	vmov v22  }
0x2dc: {  	v22 =	vor.u32 s6, v7;
	s6 =	smov.u32 s2;
	v27 =	vld.idx.msk [tilespmem:v35+s4+$0x0], $0xffff;
	[tilespmem:v18+s30+$0x0] =	vst.idx.msk $0xffff, v33;
	v18 =	vmov v10;
	v10 =	vmov v28  }
0x2dd: {  	v33 =	vld.idx.msk [tilespmem:v34+s4+$0x0], $0xffff;
	[tilespmem:v17+s30+$0x0] =	vst.idx.msk $0xffff, v36;
	v17 =	vmov v8;
	v8 =	vmov v31  }
0x2de: {  	v21 =	vor.u32 s6, v3;
	v31 =	vld.idx.msk [tilespmem:v38+s4+$0x0], $0xffff;
	[tilespmem:v16+s30+$0x0] =	vst.idx.msk $0xffff, v26;
	v16 =	vmov v9;
	v9 =	vmov v24  }
0x2df: {  	[tilespmem:v20+s30+$0x0] =	vst.idx.msk $0xffff, v39;
	v36 =	vld.idx.msk [tilespmem:v11+s4+$0x0], $0xffff;
	v20 =	vmov v32  }
0x2e0: {  	v29 =	vld.idx.msk [tilespmem:v19+s4+$0x0], $0xffff;
	[tilespmem:v23+s30+$0x0] =	vst.idx.msk $0xffff, v25  }
.Ltmp21:
0x2e1: {  	[tilespmem:v30+s30+$0x0] =	vst.idx.msk $0xffff, v40;
	v28 =	vld.idx.msk [tilespmem:v22+s4+$0x0], $0xffff;
	(pc) =	sbr.rel @p2 .LBB2_35-.Ltmp21, $4  }
0x2e2: {  	v26 =	vld.idx.msk [tilespmem:v13+s4+$0x0], $0xffff;
	[tilespmem:v35+s30+$0x0] =	vst.idx.msk $0xffff, v27  }
0x2e3: {  	[tilespmem:v34+s30+$0x0] =	vst.idx.msk $0xffff, v33;
	v24 =	vld.idx.msk [tilespmem:v21+s4+$0x0], $0xffff  }
0x2e4: {  	v25 =	vld.idx.msk [tilespmem:v14+s4+$0x0], $0xffff;
	[tilespmem:v38+s30+$0x0] =	vst.idx.msk $0xffff, v31  }
0x2e5: {  	s0 =	sshll.u32 s9, $0x7;
	s9 =	sadd.s32 $0x4, s9;
	v23 =	vor.u32 s6, v5;
	v27 =	vld.idx.msk [tilespmem:v15+s4+$0x0], $0xffff;
	[tilespmem:v11+s30+$0x0] =	vst.idx.msk $0xffff, v36;
	v11 =	vmov v37  }
0x2e6: {  	_ =	sdelay $0x3  }
0x2e7: {  	[tilespmem:v19+s30+$0x0] =	vst.idx.msk $0xffff, v29  }
0x2e8: {  	s1 =	sadd.s32 $0x180, s0;
	v60 =	vld.idx.msk [tilespmem:v18+s4+$0x0], $0xffff;
	[tilespmem:v22+s30+$0x0] =	vst.idx.msk $0xffff, v28;
	v32 =	vor.u32 s0, v0  }
0x2e9: {  	s2 =	sadd.s32 $0x80, s0;
	v31 =	vld.idx.msk [tilespmem:v16+s4+$0x0], $0xffff;
	v61 =	vor.u32 s1, v0;
	[tilespmem:v13+s30+$0x0] =	vst.idx.msk $0xffff, v26  }
0x2ea: {  	s5 =	sadd.s32 $0x100, s0;
	v62 =	vor.u32 s2, v0;
	v63 =	vld.idx.msk [tilespmem:v17+s4+$0x0], $0xffff;
	[tilespmem:v21+s30+$0x0] =	vst.idx.msk $0xffff, v24  }
0x2eb: {  	v30 =	vor.u32 s5, v0;
	v33 =	vld.idx.msk [tilespmem:v20+s4+$0x0], $0xffff;
	[tilespmem:v14+s30+$0x0] =	vst.idx.msk $0xffff, v25  }
0x2ec: {  	v34 =	vld.idx.msk [tilespmem:v23+s4+$0x0], $0xffff;
	[tilespmem:v15+s30+$0x0] =	vst.idx.msk $0xffff, v27  }
0x2ed: {  	[tilespmem:v18+s30+$0x0] =	vst.idx.msk $0xffff, v60;
	v41 =	vld.idx.msk [tilespmem:v32+s4+$0x0], $0xffff  }
0x2ee: {  	v42 =	vor.u32 s0, v3;
	[tilespmem:v16+s30+$0x0] =	vst.idx.msk $0xffff, v31;
	v35 =	vld.idx.msk [tilespmem:v61+s4+$0x0], $0xffff  }
0x2ef: {  	v37 =	vor.u32 s1, v3;
	v36 =	vld.idx.msk [tilespmem:v62+s4+$0x0], $0xffff;
	[tilespmem:v17+s30+$0x0] =	vst.idx.msk $0xffff, v63  }
0x2f0: {  	v38 =	vor.u32 s2, v3;
	v39 =	vld.idx.msk [tilespmem:v30+s4+$0x0], $0xffff;
	[tilespmem:v20+s30+$0x0] =	vst.idx.msk $0xffff, v33  }
0x2f1: {  	v40 =	vor.u32 s5, v3;
	v43 =	vld.idx.msk [tilespmem:v11+s4+$0x0], $0xffff;
	[tilespmem:v23+s30+$0x0] =	vst.idx.msk $0xffff, v34  }
0x2f2: {  	v45 =	vld.idx.msk [tilespmem:v12+s4+$0x0], $0xffff;
	[tilespmem:v32+s30+$0x0] =	vst.idx.msk $0xffff, v41  }
0x2f3: {  	[tilespmem:v61+s30+$0x0] =	vst.idx.msk $0xffff, v35;
	v26 =	vld.idx.msk [tilespmem:v42+s4+$0x0], $0xffff  }
0x2f4: {  	v50 =	vor.u32 s0, v5;
	[tilespmem:v62+s30+$0x0] =	vst.idx.msk $0xffff, v36;
	v15 =	vld.idx.msk [tilespmem:v37+s4+$0x0], $0xffff  }
0x2f5: {  	v46 =	vor.u32 s1, v5;
	[tilespmem:v30+s30+$0x0] =	vst.idx.msk $0xffff, v39;
	v18 =	vld.idx.msk [tilespmem:v38+s4+$0x0], $0xffff  }
0x2f6: {  	v47 =	vor.u32 s2, v5;
	[tilespmem:v11+s30+$0x0] =	vst.idx.msk $0xffff, v43;
	v48 =	vld.idx.msk [tilespmem:v40+s4+$0x0], $0xffff  }
0x2f7: {  	v49 =	vor.u32 s5, v5;
	v60 =	vld.idx.msk [tilespmem:v9+s4+$0x0], $0xffff;
	[tilespmem:v12+s30+$0x0] =	vst.idx.msk $0xffff, v45  }
0x2f8: {  	v44 =	vor.u32 s6, v7;
	v23 =	vld.idx.msk [tilespmem:v8+s4+$0x0], $0xffff;
	[tilespmem:v42+s30+$0x0] =	vst.idx.msk $0xffff, v26  }
0x2f9: {  	[tilespmem:v37+s30+$0x0] =	vst.idx.msk $0xffff, v15;
	v58 =	vld.idx.msk [tilespmem:v50+s4+$0x0], $0xffff  }
0x2fa: {  	v59 =	vor.u32 s0, v7;
	[tilespmem:v38+s30+$0x0] =	vst.idx.msk $0xffff, v18;
	v15 =	vld.idx.msk [tilespmem:v46+s4+$0x0], $0xffff  }
0x2fb: {  	v53 =	vor.u32 s1, v7;
	[tilespmem:v40+s30+$0x0] =	vst.idx.msk $0xffff, v48;
	v54 =	vld.idx.msk [tilespmem:v47+s4+$0x0], $0xffff  }
0x2fc: {  	v55 =	vor.u32 s2, v7;
	[tilespmem:v9+s30+$0x0] =	vst.idx.msk $0xffff, v60;
	v56 =	vld.idx.msk [tilespmem:v49+s4+$0x0], $0xffff  }
0x2fd: {  	v57 =	vor.u32 s5, v7;
	v51 =	vld.idx.msk [tilespmem:v44+s4+$0x0], $0xffff;
	[tilespmem:v8+s30+$0x0] =	vst.idx.msk $0xffff, v23  }
0x2fe: {  	v52 =	vld.idx.msk [tilespmem:v10+s4+$0x0], $0xffff;
	[tilespmem:v50+s30+$0x0] =	vst.idx.msk $0xffff, v58  }
0x2ff: {  	[tilespmem:v46+s30+$0x0] =	vst.idx.msk $0xffff, v15;
	v8 =	vld.idx.msk [tilespmem:v59+s4+$0x0], $0xffff  }
0x300: {  	[tilespmem:v47+s30+$0x0] =	vst.idx.msk $0xffff, v54;
	v61 =	vld.idx.msk [tilespmem:v53+s4+$0x0], $0xffff  }
0x301: {  	[tilespmem:v49+s30+$0x0] =	vst.idx.msk $0xffff, v56;
	v62 =	vld.idx.msk [tilespmem:v55+s4+$0x0], $0xffff  }
0x302: {  	[tilespmem:v44+s30+$0x0] =	vst.idx.msk $0xffff, v51;
	v63 =	vld.idx.msk [tilespmem:v57+s4+$0x0], $0xffff  }
0x303: {  	[tilespmem:v10+s30+$0x0] =	vst.idx.msk $0xffff, v52  }
0x304: {  	[tilespmem:v59+s30+$0x0] =	vst.idx.msk $0xffff, v8  }
0x305: {  	[tilespmem:v53+s30+$0x0] =	vst.idx.msk $0xffff, v61  }
0x306: {  	[tilespmem:v55+s30+$0x0] =	vst.idx.msk $0xffff, v62  }
0x307: {  	[tilespmem:v57+s30+$0x0] =	vst.idx.msk $0xffff, v63  }
.Ltmp22:
0x308: {  	s31 =	rddreg [dreg:$0xd];
	(pc) =	sbr.rel .LBB2_37-.Ltmp22, $4  }
0x309: {  	[hbm4b:s31+s3] =	stream.linear.scatter [tilespmem:s30], [sflag:$0x5], $0x2000, $0x38;
	[tilespmem:$0xE000] =	vst v63  }
0x30a: {  	_ =	swait.ge [sflag:s18], $0x2000  }
0x30b: {  	[sflag:s18] =	ssyncset.done $0x0  }
0x30c: {  	s1 =	rddreg [dreg:$0xf];
	[sflag:s18] =	ssyncadd.s32 $0xFFFFE000  }
.LBB2_38:
0x30d: {  	_ =	sfence.sel $0x180000  }
0x30e: {  	[bflag:$0x0] =	sbarrier.arrive $0xFFFF  }
0x30f: {  	_ =	strace $0x90000047  }
0x310: {  	s0 =	stileid.u32;
	[bflag:$0x2] =	sbarrier.arrive $0xFFFF  }
0x311: {  	p0 =	sne.s32 s0, $0x0;
	s0 =	rddreg [dreg:$0x3]  }
0x312: {  	s0 =	sadd.s32 @!p0 $0x100000, s0  }
0x313: {  	[sflag:s0] =	ssyncadd.tile.s32 @!p0 $0x1;
	_ =	shalt  }
.Lfunc_end2:
_tile_overlayer_lowered:
.L_overlay_start_2:
0x314: {  	(tag) =	ssettag $0x2  }
0x315: {  	s0 =	rddreg [dreg:$0x0];
	s2 =	stileid.u32  }
0x316: {  	s1 =	rddreg [dreg:$0x1];
	p0 =	sne.s32 s2, $0x0  }
0x317: {  	s3 =	rddreg [dreg:$0x2];
	[bflag:$0x3] =	sbarrier.arrive $0xFFFF;
	s2 =	simm.s32 @!p0 $0x1C05  }
0x318: {  	[timem:s3], [sflag:s2] =	dma.local @!p0 [hbm:s0], s1  }
0x319: {  	s0 =	simm.s32 @!p0 $0x5  }
0x31a: {  	_ =	swait.ge @!p0 [sflag:s0], s1  }
0x31b: {  	s1 =	ssub.s32 @!p0 $0x0, s1;
	[sflag:s0] =	ssyncset.done @!p0 $0x0  }
0x31c: {  	[sflag:s0] =	ssyncadd.s32 @!p0 s1  }
0x31d: {  	[bflag:$0x3] =	sbarrier.arrive $0xFFFF  }
0x31e: {  	_ =	shalt  }

// kernel: kernel.8.cloned.1.call-start
scs
__scs_entry_jumppad:
0x0: {  	(pc) =	sbr.rel $0x88, $3  }
0x1: {  	(tag) =	ssettag $0x0;
	lr =	simm.s32 $0x1  }
0x2: {  	[smem:$0x3F9C] =	sst lr;
	_ =	strace $0xD0000000  }
0x3: {  	_ = 	snop  }
0x4: {  	_ = 	snop  }
0x5: {  	_ = 	snop  }
0x6: {  	_ = 	snop  }
0x7: {  	_ = 	snop  }
__scs_overlays_trampoline_lowered:
0x8: {  	[smem:$0x3FAB] =	sst s0  }
0x9: {  	[smem:$0x3FAC] =	sst s1  }
0xa: {  	[smem:$0x3FAD] =	sst s2  }
0xb: {  	[smem:$0x3FAE] =	sst s3  }
0xc: {  	[smem:$0x3FAF] =	sst s4  }
0xd: {  	[smem:$0x3FB0] =	sst s5  }
0xe: {  	[smem:$0x3FB1] =	sst s6  }
0xf: {  	[smem:$0x3FB2] =	sst s7  }
0x10: {  	[smem:$0x3FB3] =	sst s8  }
0x11: {  	[smem:$0x3FB4] =	sst s9;
	s0 =	simm.s32 @!p0 $0x0  }
0x12: {  	s1 =	sld [smem:$0x3F9A];
	s0 =	simm.s32 @p0 $0x1  }
0x13: {  	[smem:$0x3FB5] =	sst s0;
	s0 =	simm.s32 @!p1 $0x0  }
0x14: {  	s2 =	sld [smem:$0x3F99];
	s0 =	simm.s32 @p1 $0x1  }
0x15: {  	[smem:$0x3FB6] =	sst s0;
	s0 =	simm.s32 @!p2 $0x0  }
0x16: {  	s3 =	sld [smem:$0x3FDB];
	s0 =	simm.s32 @p2 $0x1  }
0x17: {  	s4 =	simm.s32 $0x1BF5;
	[smem:$0x3FB8] =	sst s0  }
0x18: {  	s0 =	sld [smem:$0x3F9B];
	_ =	swait.ge [sflag:s4], $0x0  }
0x19: {  	s7 =	sld [smem:$0x3F9C]  }
0x1a: {  	s8 =	sadd.s32 $0xFFFFE003, lr  }
0x1b: {  	s9 =	sadd.s32 $0xFFFFFEF7, lr;
	s5 =	simm.s32 $0xFFFFFFFF;
	p2 =	slt.u32 s8, $0xFFFFF086  }
0x1c: {  	p1 =	slt.u32 s9, $0xF7A;
	s5 =	simm.s32 @!p2 $0x0  }
0x1d: {  	s5 =	simm.s32 @p1 $0x1;
	p0 =	seq.s32 s7, s2  }
0x1e: {  	s7 =	smul.u32 @!p0 $0xF7A, s2;
	p2 =	seq.s32 @!p0 s5, $0x0  }
0x1f: {  	s9 =	smul.u32 $0xF7A, s1;
	s8 =	simm.s32 @!p0 $0x1BF5;
	p2 =	por !p2, p0  }
0x20: {  	[sflag:s8] =	ssyncset.s32 @!p0 $0xFFFFF086;
	s6 =	sadd.s32 @!p0 s3, s7;
	s7 =	simm.s32 @!p0 $0x108  }
0x21: {  	s3 =	sadd.s32 s3, s9;
	s6 =	sadd.s32 @!p0 $0x88, s6;
	s7 =	simm.s32 @p2 $0x1082  }
0x22: {  	[simem:s7], [sflag:s8] =	dma.local @!p0 [hbm:s6], $0xF7A  }
0x23: {  	s9 =	sor.u32 $0xD0000000, s2;
	s6 =	simm.s32 $0x108;
	_ =	swait.ge @!p0 [sflag:s8], $0x0  }
0x24: {  	s3 =	sadd.s32 $0x88, s3;
	s6 =	simm.s32 @!p1 $0x1082;
	[sflag:s4] =	ssyncset.s32 $0xFFFFF086  }
0x25: {  	[simem:s6], [sflag:s4] =	dma.local [hbm:s3], $0xF7A  }
0x26: {  	[smem:$0x3F9C] =	sst s1;
	(tag) =	ssettag s2;
	_ =	strace s9  }
0x27: {  	s1 =	sld [smem:$0x3FAC]  }
0x28: {  	s2 =	sld [smem:$0x3FAD]  }
0x29: {  	s4 =	sld [smem:$0x3FAF]  }
0x2a: {  	p0 =	seq.s32 s5, $0x0;
	s5 =	sld [smem:$0x3FB0]  }
0x2b: {  	s6 =	sld [smem:$0x3FB1]  }
0x2c: {  	s7 =	sld [smem:$0x3FB2]  }
0x2d: {  	s3 =	simm.s32 $0x108;
	s8 =	sld [smem:$0x3FB3]  }
0x2e: {  	s3 =	simm.s32 @!p0 $0x1082;
	s9 =	sld [smem:$0x3FB4]  }
0x2f: {  	lr =	sadd.s32 s0, s3;
	s0 =	sld [smem:$0x3FAB]  }
0x30: {  	s3 =	sld [smem:$0x3FAE]  }
0x31: {  	[smem:$0x3FB7] =	sst s10  }
0x32: {  	s10 =	sld [smem:$0x3FB5];
	_ =	sdelay $0x3  }
0x33: {  	p0 =	seq.s32 s10, $0x1;
	s10 =	sld [smem:$0x3FB7];
	_ =	sdelay $0x3  }
0x34: {  	[smem:$0x3FB7] =	sst s10  }
0x35: {  	s10 =	sld [smem:$0x3FB6];
	_ =	sdelay $0x3  }
0x36: {  	p1 =	seq.s32 s10, $0x1;
	s10 =	sld [smem:$0x3FB7];
	_ =	sdelay $0x3  }
0x37: {  	[smem:$0x3FB7] =	sst s10  }
0x38: {  	s10 =	sld [smem:$0x3FB8]  }
0x39: {  	_ = 	snop;
	(pc) =	sbr.ind lr, $3  }
0x3a: {  	_ = 	snop  }
0x3b: {  	_ = 	snop  }
0x3c: {  	p2 =	seq.s32 s10, $0x1;
	s10 =	sld [smem:$0x3FB7]  }
0x3d: {  	_ =	shalt  }
0x3e: {  	_ =	shalt  }
0x3f: {  	_ =	shalt  }
0x40: {  	_ =	shalt  }
0x41: {  	_ =	shalt  }
0x42: {  	_ =	shalt  }
0x43: {  	_ =	shalt  }
0x44: {  	_ =	shalt  }
0x45: {  	_ =	shalt  }
0x46: {  	_ =	shalt  }
0x47: {  	_ =	shalt  }
0x48: {  	_ =	shalt  }
0x49: {  	_ =	shalt  }
0x4a: {  	_ =	shalt  }
0x4b: {  	_ =	shalt  }
0x4c: {  	_ =	shalt  }
0x4d: {  	_ =	shalt  }
0x4e: {  	_ =	shalt  }
0x4f: {  	_ =	shalt  }
0x50: {  	_ =	shalt  }
0x51: {  	_ =	shalt  }
0x52: {  	_ =	shalt  }
0x53: {  	_ =	shalt  }
0x54: {  	_ =	shalt  }
0x55: {  	_ =	shalt  }
0x56: {  	_ =	shalt  }
0x57: {  	_ =	shalt  }
0x58: {  	_ =	shalt  }
0x59: {  	_ =	shalt  }
0x5a: {  	_ =	shalt  }
0x5b: {  	_ =	shalt  }
0x5c: {  	_ =	shalt  }
0x5d: {  	_ =	shalt  }
0x5e: {  	_ =	shalt  }
0x5f: {  	_ =	shalt  }
0x60: {  	_ =	shalt  }
0x61: {  	_ =	shalt  }
0x62: {  	_ =	shalt  }
0x63: {  	_ =	shalt  }
0x64: {  	_ =	shalt  }
0x65: {  	_ =	shalt  }
0x66: {  	_ =	shalt  }
0x67: {  	_ =	shalt  }
0x68: {  	_ =	shalt  }
0x69: {  	_ =	shalt  }
0x6a: {  	_ =	shalt  }
0x6b: {  	_ =	shalt  }
0x6c: {  	_ =	shalt  }
0x6d: {  	_ =	shalt  }
0x6e: {  	_ =	shalt  }
0x6f: {  	_ =	shalt  }
0x70: {  	_ =	shalt  }
0x71: {  	_ =	shalt  }
0x72: {  	_ =	shalt  }
0x73: {  	_ =	shalt  }
0x74: {  	_ =	shalt  }
0x75: {  	_ =	shalt  }
0x76: {  	_ =	shalt  }
0x77: {  	_ =	shalt  }
0x78: {  	_ =	shalt  }
0x79: {  	_ =	shalt  }
0x7a: {  	_ =	shalt  }
0x7b: {  	_ =	shalt  }
0x7c: {  	_ =	shalt  }
0x7d: {  	_ =	shalt  }
0x7e: {  	_ =	shalt  }
0x7f: {  	_ =	shalt  }
0x80: {  	_ =	shalt  }
0x81: {  	_ =	shalt  }
0x82: {  	_ =	shalt  }
0x83: {  	_ =	shalt  }
0x84: {  	_ =	shalt  }
0x85: {  	_ =	shalt  }
0x86: {  	_ =	shalt  }
0x87: {  	_ =	shalt  }
.Lfunc_end0:
.L_simem_size_0:
called_computation.1_lowered:
.L_overlay_start_0:
0x88: {  	s2 =	sld [smem:$0x3FD9]  }
0x89: {  	s3 =	sld [smem:$0x3FFE];
	_ =	sdelay $0x1  }
0x8a: {  	s1 =	srdreg.scid  }
0x8b: {  	s0 =	sand.u32 $0x1, s1  }
0x8c: {  	s17 =	sshll.u32 s0, $0xA;
	s2 =	sadd.s32 s3, s2  }
0x8d: {  	s2 =	sadd.s32 s2, s17  }
0x8e: {  	[smem:$0x3FC3] =	sst s2  }
0x8f: {  	_ = 	snop  }
0x90: {  	s2 =	sld [smem:$0x3FC9]  }
0x91: {  	s18 =	sld [smem:$0x3FC8];
	(tm) =	ssettm $0x1  }
0x92: {  	s4 =	sld [smem:$0x3FFB];
	_ =	sdelay $0x3  }
0x93: {  	_ =	strace s4  }
0x94: {  	s4 =	sld [smem:$0x3FFC];
	_ =	sdelay $0x3  }
0x95: {  	_ =	strace s4  }
0x96: {  	s4 =	sld [smem:$0x3FFD];
	_ =	sdelay $0x3  }
0x97: {  	_ =	strace s4  }
0x98: {  	_ =	strace $0x8FFFFFFF  }
0x99: {  	s19 =	sld [smem:$0x3FDB];
	_ =	sdelay $0x1  }
0x9a: {  	s5 =	simm.s32 $_scs_section_size  }
0x9b: {  	s6 =	simm.s32 $_size__tile_overlayer_lowered;
	s7 =	simm.s32 $_tile_overlayer_lowered  }
0x9c: {  	s22 =	simm.s32 $0x1BFF;
	s21 =	sshll.u32 s7, $0x1;
	s4 =	sadd.s32 s5, s19  }
0x9d: {  	s8 =	simm.s32 $0x0;
	s20 =	sshll.u32 s6, $0x1;
	s6 =	sadd.s32 s21, s4  }
0x9e: {  	[timem:s8], [sflag:s22] =	dma.local [hbm:s6], s20  }
0x9f: {  	_ =	swait.ge [sflag:s22], s20  }
0xa0: {  	s5 =	ssub.s32 $0x0, s20;
	[sflag:s22] =	ssyncset.done $0x0  }
0xa1: {  	[sflag:s22] =	ssyncadd.s32 s5;
	_ =	sdelay $0x1  }
0xa2: {  	s23 =	simm.s32 $0x1B8B  }
0xa3: {  	_ =	swait.ge [sflag:s23], $0x1  }
0xa4: {  	[sflag:s23] =	ssyncset.done $0x0  }
0xa5: {  	s25 =	simm.s32 $0x1B8E;
	s24 =	sld [smem:$0x3FFE];
	[sflag:s23] =	ssyncadd.s32 $0xFFFFFFFF  }
0xa6: {  	s26 =	simm.s32 $execute0_lowered;
	[smem:$0x3FD2] =	sst s25  }
0xa7: {  	s6 =	sshll.u32 s26, $0x1;
	_ =	strace $0x80000049;
	[dreg:$0x1] =	wrdreg $0xFFFFFFFF  }
0xa8: {  	s28 =	simm.s32 $_size_execute0_lowered;
	s4 =	sadd.s32 s4, s6;
	[dreg:$0x0] =	wrdreg $0x0  }
0xa9: {  	s6 =	sshll.u32 s28, $0x1;
	[dreg:$0x2] =	wrdreg s4  }
0xaa: {  	[dreg:$0x3] =	wrdreg s6  }
0xab: {  	[dreg:$0x4] =	wrdreg $0xC0  }
0xac: {  	_ =	task [dreg:s8], $0x5FFFF  }
0xad: {  	[dreg:$0x1] =	wrdreg $0xFFFFFFFF  }
0xae: {  	[dreg:$0x0] =	wrdreg $0x60  }
0xaf: {  	[dreg:$0x2] =	wrdreg s2  }
0xb0: {  	[dreg:$0x3] =	wrdreg s18  }
0xb1: {  	[dreg:$0x4] =	wrdreg s24  }
0xb2: {  	[dreg:$0x5] =	wrdreg $0x9  }
0xb3: {  	_ =	task.clear_ibuf [dreg:s8], $0x6FFFF;
	_ =	strace $0x90000049  }
0xb4: {  	s29 =	simm.s32 $0x9;
	_ =	strace $0x8000004B  }
0xb5: {  	_ =	swait.ge [sflag:s29], $0x1  }
0xb6: {  	[sflag:s29] =	ssyncadd.s32 $0xFFFFFFFF  }
0xb7: {  	_ =	strace $0x9000004B  }
0xb8: {  	_ =	sfence  }
0xb9: {  	s30 =	sld [smem:$0x0];
	_ =	sdelay $0x2  }
0xba: {  	s31 =	sshll.u32 s1, $0xD;
	s1 =	sshrl.u32 s1, $0x2  }
0xbb: {  	s3 =	sand.u32 $0x4000, s31;
	s1 =	sadd.s32 s1, s30  }
0xbc: {  	s0 =	sor.u32 s3, s0;
	s1 =	sshll.u32 s1, $0x11  }
0xbd: {  	s0 =	sor.u32 s1, s0  }
0xbe: {  	s0 =	sadd.s32 $0x8F2B, s0  }
0xbf: {  	[sflag:s0] =	ssyncadd.remote.s32 $0x1  }
0xc0: {  	_ =	sfence.sel $0xFFFF  }
0xc1: {  	[dreg:$0x0] =	wrdreg $0xFFFFFFFF;
	(pc) =	sbr.abs _section_cstart, $3  }
0xc2: {  	[dreg:$0x1] =	wrdreg $0xFFFFFFFF  }
0xc3: {  	_ =	task.clear_ibuf [dreg:s8], $0x2FFFF;
	_ =	strace $0x9FFFFFFF  }
0xc4: {  	(tm) =	ssettm $0x7FFFFFFF  }
0xc5: {  	_ =	shalt  }
tec
execute0_lowered:
.L_overlay_start_1:
0x0: {  	(tag) =	ssettag $0x1  }
0x1: {  	s0 =	rddreg [dreg:$0x0];
	v0 =	vlaneseq.u32  }
0x2: {  	s1 =	rddreg [dreg:$0x1];
	s2 =	simm.s32 $0x0;
	v62 =	vmul.u32 $0x80, v0  }
0x3: {  	[smem:$0x7FF] =	sst s2;
	v2 =	vmul.u32 $0xA00, v0  }
0x4: {  	s5 =	rddreg [dreg:$0x2];
	_ =	strace $0x8000004A;
	[tilespmem:$0x1FEC0] =	vst v62  }
0x5: {  	v0 =	vadd.s32 $0x900, v2;
	[tilespmem:$0x1FEE0] =	vst v2  }
0x6: {  	v57 =	vadd.s32 $0x980, v2;
	[tilespmem:$0x1FEB0] =	vst v0  }
0x7: {  	v3 =	vor.u32 $0x80, v2;
	[tilespmem:$0x1FED0] =	vst v57  }
0x8: {  	v4 =	vor.u32 $0x100, v2;
	[tilespmem:$0x1FEF0] =	vst v3  }
0x9: {  	v5 =	vor.u32 $0x180, v2;
	[tilespmem:$0x1FF00] =	vst v4  }
0xa: {  	v8 =	vadd.s32 $0x200, v2;
	[tilespmem:$0x1FF10] =	vst v5  }
0xb: {  	s3 =	srdreg.scid;
	s6 =	stileid.u32;
	v9 =	vadd.s32 $0x280, v2;
	[tilespmem:$0x1FF20] =	vst v8  }
0xc: {  	s11 =	simm.s32 $0x3;
	s14 =	simm.s32 $0x10;
	s15 =	simm.s32 $0x2C00;
	v10 =	vadd.s32 $0x300, v2;
	[tilespmem:$0x1FF30] =	vst v9  }
0xd: {  	s16 =	simm.s32 $0x3C00;
	s17 =	simm.s32 $0x40;
	s18 =	simm.s32 $0x4C00;
	v14 =	vadd.s32 $0x380, v2;
	[tilespmem:$0x1FF40] =	vst v10  }
0xe: {  	s28 =	simm.s32 $0x3400;
	s29 =	simm.s32 $0x4400;
	s30 =	simm.s32 $0xEC00;
	v26 =	vadd.s32 $0x400, v2;
	[tilespmem:$0x1FF50] =	vst v14  }
0xf: {  	s31 =	simm.s32 $0x10C00;
	s19 =	simm.s32 $0x16C00;
	s20 =	simm.s32 $0x1;
	v30 =	vadd.s32 $0x500, v2;
	[tilespmem:$0x1FF60] =	vst v26  }
0x10: {  	s21 =	simm.s32 $0x2;
	s4 =	sand.u32 $0x1, s3;
	s6 =	sshll.u32 s6, $0x1;
	v16 =	vadd.s32 $0x580, v2;
	[tilespmem:$0x1FF70] =	vst v30  }
0x11: {  	s3 =	sadd.s32 $0x1E00, s5;
	s6 =	sor.u32 s4, s6;
	s8 =	ssub.s32 $0x2, s4;
	v34 =	vadd.s32 $0x600, v2;
	[tilespmem:$0x1FF80] =	vst v16  }
0x12: {  	s4 =	sadd.s32 $0xF44200, s5;
	s7 =	sshll.u32 s6, $0x6;
	s6 =	smul.u32 $0x500, s6;
	v40 =	vadd.s32 $0x680, v2;
	[tilespmem:$0x1FF90] =	vst v34  }
0x13: {  	s10 =	sshrl.u32 s8, $0x1;
	v19 =	vadd.s32 $0x700, v2;
	s9 =	sadd.s32 s7, s5;
	s0 =	sadd.s32 s0, s7;
	[tilespmem:$0x1FFA0] =	vst v40  }
0x14: {  	v41 =	vadd.s32 $0x780, v2;
	s22 =	ssub.s32 s8, s10;
	s23 =	sadd.s32 s1, s7;
	[tilespmem:$0x1FFB0] =	vst v19;
	[dreg:$0x4] =	wrdreg s0  }
0x15: {  	v15 =	vadd.s32 $0x480, v2;
	[tilespmem:$0x1FFC0] =	vst v41;
	s5 =	sadd.s32 s6, s5;
	[dreg:$0x5] =	wrdreg s23;
	s25 =	sadd.s32 $0x1600, s9  }
0x16: {  	v42 =	vadd.s32 $0x800, v2;
	s1 =	simm.s32 $0x14C00;
	[tilespmem:$0x1FFD0] =	vst v15;
	s24 =	sadd.s32 $0x1E86600, s5;
	[dreg:$0x7] =	wrdreg s25  }
0x17: {  	v17 =	vadd.s32 $0x880, v2;
	[tilespmem:$0x1FFE0] =	vst v42;
	s10 =	smax.u32 s22, $0x1;
	s26 =	sadd.s32 $0x1E90600, s5;
	[dreg:$0x6] =	wrdreg s24  }
0x18: {  	[tilespmem:$0x1FFF0] =	vst v17;
	s0 =	simm.s32 $0x12C00;
	[dreg:$0x8] =	wrdreg s26;
	s24 =	simm.s32 $0x0  }
.LBB2_1:
0x19: {  	s5 =	rddreg [dreg:$0x4]  }
0x1a: {  	[tilespmem:s2], [sflag:$0x3] =	stream.linear.gather [hbm4b:s5+s2], $0x200, $0x38;
	[tilespmem:$0x1B600] =	vst v63  }
0x1b: {  	_ =	swait.ge [sflag:s11], $0x200  }
0x1c: {  	[sflag:s11] =	ssyncset.done $0x0  }
0x1d: {  	s6 =	simm.s32 $0x200;
	s25 =	rddreg [dreg:$0x5];
	[sflag:s11] =	ssyncadd.s32 $0xFFFFFE00  }
0x1e: {  	[tilespmem:s6], [sflag:$0x3] =	stream.linear.gather [hbm4b:s25+s2], $0x200, $0x38;
	[tilespmem:$0x1B600] =	vst v63  }
0x1f: {  	_ =	swait.ge [sflag:s11], $0x200  }
0x20: {  	[sflag:s11] =	ssyncset.done $0x0  }
0x21: {  	s7 =	simm.s32 $0x400;
	s26 =	rddreg [dreg:$0x6];
	[sflag:s11] =	ssyncadd.s32 $0xFFFFFE00  }
0x22: {  	[tilespmem:s7], [sflag:$0x3] =	stream.linear.gather [hbm4b:s26+s2], $0x2800, $0x38;
	[tilespmem:$0x1B600] =	vst v63  }
0x23: {  	_ =	swait.ge [sflag:s11], $0x2800  }
0x24: {  	[sflag:s11] =	ssyncset.done $0x0  }
0x25: {  	[sflag:s11] =	ssyncadd.s32 $0xFFFFD800  }
0x26: {  	[tilespmem:s15], [sflag:$0x1] =	stream.indirect.gather [hbm4b:s3+s14], $0x80, s2, s14, $0xb8;
	[tilespmem:$0x1B600] =	vst v63  }
0x27: {  	_ = 	snop  }
0x28: {  	[tilespmem:s16], [sflag:$0x1] =	stream.indirect.gather [hbm4b:s4+s14], $0x80, s6, s14, $0xb8;
	[tilespmem:$0x1B600] =	vst v63  }
0x29: {  	_ = 	snop  }
0x2a: {  	[tilespmem:s18], [sflag:$0x1] =	stream.indirect.gather [hbm4b:s4+s17], $0x80, s7, s17, $0xb8;
	[tilespmem:$0x1B600] =	vst v63  }
0x2b: {  	s8 =	simm.s32 $0x440;
	s9 =	simm.s32 $0x6C00  }
0x2c: {  	[tilespmem:s9], [sflag:$0x1] =	stream.indirect.gather [hbm4b:s4+s17], $0x80, s8, s17, $0xb8;
	[tilespmem:$0x1B600] =	vst v63  }
0x2d: {  	s12 =	simm.s32 $0x480;
	s13 =	simm.s32 $0x8C00  }
0x2e: {  	[tilespmem:s13], [sflag:$0x1] =	stream.indirect.gather [hbm4b:s4+s17], $0x80, s12, s17, $0xb8;
	[tilespmem:$0x1B600] =	vst v63  }
0x2f: {  	s22 =	simm.s32 $0x4C0;
	s23 =	simm.s32 $0xAC00  }
0x30: {  	[tilespmem:s23], [sflag:$0x1] =	stream.indirect.gather [hbm4b:s4+s17], $0x80, s22, s17, $0xb8;
	[tilespmem:$0x1B600] =	vst v63  }
0x31: {  	s25 =	simm.s32 $0x500;
	s26 =	simm.s32 $0xCC00  }
0x32: {  	[tilespmem:s26], [sflag:$0x1] =	stream.indirect.gather [hbm4b:s4+s17], $0x80, s25, s17, $0xb8;
	[tilespmem:$0x1B600] =	vst v63  }
0x33: {  	s25 =	simm.s32 $0x0  }
.LBB2_2:
0x34: {  	s5 =	sshllo.u32 s25, $0x1  }
0x35: {  	s22 =	sshll.u32 s5, $0x4  }
0x36: {  	[tilespmem:s28], [sflag:$0x2] =	stream.indirect.gather [hbm4b:s3+s14], $0x80, s22, s14, $0xb8;
	[tilespmem:$0x1B600] =	vst v63  }
0x37: {  	s26 =	smul.u32 $0x140, s5;
	s6 =	sadd.s32 $0x200, s22  }
0x38: {  	[tilespmem:s29], [sflag:$0x2] =	stream.indirect.gather [hbm4b:s4+s14], $0x80, s6, s14, $0xb8;
	[tilespmem:$0x1B600] =	vst v63  }
0x39: {  	s5 =	sadd.s32 $0x400, s26  }
0x3a: {  	[tilespmem:s30], [sflag:$0x2] =	stream.indirect.gather [hbm4b:s4+s17], $0x80, s5, s17, $0xb8;
	[tilespmem:$0x1B600] =	vst v63  }
0x3b: {  	s23 =	sadd.s32 $0x440, s26  }
0x3c: {  	[tilespmem:s31], [sflag:$0x2] =	stream.indirect.gather [hbm4b:s4+s17], $0x80, s23, s17, $0xb8;
	[tilespmem:$0x1B600] =	vst v63  }
0x3d: {  	s6 =	sadd.s32 $0x480, s26  }
0x3e: {  	[tilespmem:s0], [sflag:$0x2] =	stream.indirect.gather [hbm4b:s4+s17], $0x80, s6, s17, $0xb8;
	[tilespmem:$0x1B600] =	vst v63  }
0x3f: {  	s7 =	sadd.s32 $0x4C0, s26  }
0x40: {  	[tilespmem:s1], [sflag:$0x2] =	stream.indirect.gather [hbm4b:s4+s17], $0x80, s7, s17, $0xb8;
	[tilespmem:$0x1B600] =	vst v63  }
0x41: {  	s8 =	sadd.s32 $0x500, s26  }
0x42: {  	[tilespmem:s19], [sflag:$0x2] =	stream.indirect.gather [hbm4b:s4+s17], $0x80, s8, s17, $0xb8;
	[tilespmem:$0x1B600] =	vst v63  }
0x43: {  	_ =	swait.ge [sflag:s20], $0x800  }
0x44: {  	[sflag:s20] =	ssyncset.done $0x0  }
0x45: {  	[sflag:s20] =	ssyncadd.s32 $0xFFFFF800  }
0x46: {  	_ =	swait.ge [sflag:s20], $0x800  }
0x47: {  	[sflag:s20] =	ssyncset.done $0x0  }
0x48: {  	[sflag:s20] =	ssyncadd.s32 $0xFFFFF800  }
0x49: {  	_ =	swait.ge [sflag:s20], $0x2000  }
0x4a: {  	[sflag:s20] =	ssyncset.done $0x0  }
0x4b: {  	[sflag:s20] =	ssyncadd.s32 $0xFFFFE000  }
0x4c: {  	_ =	swait.ge [sflag:s20], $0x2000  }
0x4d: {  	[sflag:s20] =	ssyncset.done $0x0  }
0x4e: {  	s9 =	simm.s32 $0x0;
	[sflag:s20] =	ssyncadd.s32 $0xFFFFE000  }
0x4f: {  	v0 =	vmov s9;
	_ =	swait.ge [sflag:s20], $0x2000  }
0x50: {  	v0 =	vand.u32 $0x7C, v0;
	[sflag:s20] =	ssyncset.done $0x0  }
0x51: {  	v0 =	vbroadcast v0, $0x0;
	[sflag:s20] =	ssyncadd.s32 $0xFFFFE000  }
0x52: {  	_ =	swait.ge [sflag:s20], $0x2000  }
0x53: {  	v1 =	vor.u32 v62, v0;
	[sflag:s20] =	ssyncset.done $0x0  }
0x54: {  	v52 =	vmov v5;
	v5 =	vor.u32 v5, v0;
	[sflag:s20] =	ssyncadd.s32 $0xFFFFE000  }
0x55: {  	_ =	swait.ge [sflag:s20], $0x2000  }
0x56: {  	v37 =	vmov v2;
	v2 =	vor.u32 v2, v0;
	[sflag:s20] =	ssyncset.done $0x0  }
0x57: {  	v47 =	vmov v3;
	v3 =	vor.u32 v3, v0;
	v54 =	vld [tilespmem:$0x1FEB0];
	[sflag:s20] =	ssyncadd.s32 $0xFFFFE000  }
0x58: {  	v49 =	vmov v4;
	v4 =	vor.u32 v4, v0;
	v6 =	vld.idx.msk [tilespmem:v1+s15+$0x0], $0xffff  }
0x59: {  	v11 =	vld.idx.msk [tilespmem:v5+s18+$0x0], $0xffff;
	v5 =	vor.u32 v26, v0  }
0x5a: {  	v7 =	vld.idx.msk [tilespmem:v1+s16+$0x0], $0xffff;
	v1 =	vor.u32 v8, v0  }
0x5b: {  	v53 =	vmov v8;
	v8 =	vld.idx.msk [tilespmem:v2+s18+$0x0], $0xffff;
	v2 =	vor.u32 v9, v0  }
0x5c: {  	v61 =	vmov v9;
	v9 =	vld.idx.msk [tilespmem:v3+s18+$0x0], $0xffff;
	v3 =	vor.u32 v10, v0  }
0x5d: {  	v58 =	vmov v10;
	v10 =	vld.idx.msk [tilespmem:v4+s18+$0x0], $0xffff;
	v4 =	vor.u32 v14, v0  }
0x5e: {  	v5 =	vld.idx.msk [tilespmem:v5+s18+$0x0], $0xffff  }
0x5f: {  	v60 =	vld.idx.msk [tilespmem:v1+s18+$0x0], $0xffff;
	v1 =	vor.u32 v15, v0  }
0x60: {  	v46 =	vld.idx.msk [tilespmem:v2+s18+$0x0], $0xffff;
	v2 =	vor.u32 v30, v0  }
0x61: {  	v51 =	vld.idx.msk [tilespmem:v3+s18+$0x0], $0xffff;
	v3 =	vor.u32 v16, v0  }
0x62: {  	v50 =	vld.idx.msk [tilespmem:v4+s18+$0x0], $0xffff;
	v4 =	vor.u32 v34, v0  }
0x63: {  	v23 =	vor.u32 v54, v0;
	[tilespmem:$0x1FC40] =	vst v5  }
0x64: {  	v5 =	vor.u32 v40, v0;
	v18 =	vld.idx.msk [tilespmem:v1+s18+$0x0], $0xffff  }
0x65: {  	v1 =	vor.u32 v19, v0;
	v63 =	vld.idx.msk [tilespmem:v2+s18+$0x0], $0xffff  }
0x66: {  	v2 =	vor.u32 v41, v0;
	v20 =	vld.idx.msk [tilespmem:v3+s18+$0x0], $0xffff  }
0x67: {  	s12 =	simm.s32 $0x3;
	v22 =	vor.u32 v17, v0;
	v21 =	vld.idx.msk [tilespmem:v4+s18+$0x0], $0xffff  }
0x68: {  	v13 =	vmov s12;
	v3 =	vor.u32 v42, v0;
	v23 =	vld.idx.msk [tilespmem:v23+s18+$0x0], $0xffff  }
0x69: {  	v13 =	vand.u32 $0x7F, v13;
	v25 =	vld.idx.msk [tilespmem:v5+s18+$0x0], $0xffff  }
0x6a: {  	v24 =	vbroadcast v13, $0x0;
	v0 =	vor.u32 v57, v0;
	v12 =	vld.idx.msk [tilespmem:v1+s18+$0x0], $0xffff  }
0x6b: {  	v28 =	vld.idx.msk [tilespmem:v2+s18+$0x0], $0xffff  }
0x6c: {  	v2 =	vld.idx.msk [tilespmem:v22+s18+$0x0], $0xffff;
	v22 =	vor.u32 v26, v24  }
0x6d: {  	v3 =	vld.idx.msk [tilespmem:v3+s18+$0x0], $0xffff;
	[tilespmem:$0x1FD00] =	vst v22;
	v22 =	vor.u32 v15, v24  }
0x6e: {  	v27 =	vor.u32 v62, v24;
	[tilespmem:$0x1FD10] =	vst v22  }
0x6f: {  	v43 =	vld.idx.msk [tilespmem:v0+s18+$0x0], $0xffff;
	v0 =	vor.u32 v30, v24  }
0x70: {  	[tilespmem:$0x1FD20] =	vst v0;
	v0 =	vor.u32 v16, v24  }
0x71: {  	[tilespmem:$0x1FD40] =	vst v0;
	v0 =	vor.u32 v34, v24  }
0x72: {  	v29 =	vor.u32 v37, v24;
	[tilespmem:$0x1FDC0] =	vst v0;
	v0 =	vor.u32 v40, v24  }
0x73: {  	s13 =	simm.s32 $0x1;
	v31 =	vor.u32 v47, v24;
	v22 =	vld.idx.msk [tilespmem:v27+s15+$0x0], $0xffff;
	[tilespmem:$0x1FE00] =	vst v0;
	v0 =	vor.u32 v19, v24  }
0x74: {  	v32 =	vor.u32 v49, v24;
	s23 =	simm.s32 $0x2;
	v4 =	vmov s13;
	[tilespmem:$0x1FE40] =	vst v0;
	v0 =	vor.u32 v41, v24  }
0x75: {  	v5 =	vmov s23;
	v1 =	vand.u32 $0x7D, v4;
	[tilespmem:$0x1FE50] =	vst v0;
	v0 =	vor.u32 v42, v24  }
0x76: {  	v4 =	vand.u32 $0x7E, v5;
	v13 =	vbroadcast v1, $0x0;
	v27 =	vld.idx.msk [tilespmem:v27+s16+$0x0], $0xffff;
	[tilespmem:$0x1FE60] =	vst v0;
	v0 =	vor.u32 v17, v24  }
0x77: {  	v33 =	vor.u32 v52, v24;
	v4 =	vbroadcast v4, $0x0;
	[tilespmem:$0x1FE80] =	vst v0;
	v0 =	vor.u32 v54, v24  }
0x78: {  	v39 =	vor.u32 v62, v13;
	v29 =	vld.idx.msk [tilespmem:v29+s18+$0x0], $0xffff;
	[tilespmem:$0x1FC20] =	vst v0;
	v0 =	vor.u32 v57, v24  }
0x79: {  	v31 =	vld.idx.msk [tilespmem:v31+s18+$0x0], $0xffff;
	[tilespmem:$0x1FC30] =	vst v0;
	v0 =	vor.u32 v53, v4  }
0x7a: {  	v44 =	vor.u32 v62, v4;
	v32 =	vld.idx.msk [tilespmem:v32+s18+$0x0], $0xffff;
	[tilespmem:$0x1FDB0] =	vst v0;
	v0 =	vor.u32 v61, v4  }
0x7b: {  	[tilespmem:$0x1FDF0] =	vst v0;
	v0 =	vor.u32 v58, v4  }
0x7c: {  	v50 =	vmul.f32 v50, v6;
	v33 =	vld.idx.msk [tilespmem:v33+s18+$0x0], $0xffff;
	[tilespmem:$0x1FE10] =	vst v0  }
0x7d: {  	v55 =	vor.u32 v37, v4;
	v38 =	vld.idx.msk [tilespmem:v39+s15+$0x0], $0xffff  }
0x7e: {  	v45 =	vor.u32 v37, v13;
	v37 =	vmul.f32 v46, v6;
	v46 =	vld.idx.msk [tilespmem:v39+s16+$0x0], $0xffff;
	[tilespmem:$0x1FE20] =	vst v50  }
0x7f: {  	v0 =	vmul.f32 v60, v6;
	v60 =	vor.u32 v14, v4;
	v39 =	vld.idx.msk [tilespmem:v44+s15+$0x0], $0xffff  }
0x80: {  	[tilespmem:$0x1FE30] =	vst v60;
	v60 =	vld [tilespmem:$0x1FC40];
	_ =	sdelay $0x2  }
0x81: {  	v35 =	vor.u32 v53, v24  }
0x82: {  	v18 =	vmul.f32 v18, v6  }
0x83: {  	v50 =	vmul.f32 v60, v6  }
0x84: {  	[tilespmem:$0x1FEA0] =	vst v18  }
0x85: {  	[tilespmem:$0x1FE90] =	vst v50  }
0x86: {  	v35 =	vld.idx.msk [tilespmem:v35+s18+$0x0], $0xffff  }
0x87: {  	v36 =	vor.u32 v61, v24;
	v20 =	vmul.f32 v20, v6  }
0x88: {  	v50 =	vmul.f32 v63, v6  }
0x89: {  	v18 =	vld.idx.msk [tilespmem:v44+s16+$0x0], $0xffff;
	[tilespmem:$0x1FC60] =	vst v20  }
0x8a: {  	v5 =	vor.u32 v14, v24;
	v21 =	vmul.f32 v21, v6;
	[tilespmem:$0x1FC50] =	vst v50  }
0x8b: {  	v1 =	vor.u32 v58, v24;
	v12 =	vmul.f32 v12, v6;
	v24 =	vor.u32 v47, v4;
	[tilespmem:$0x1FE70] =	vst v35  }
0x8c: {  	v47 =	vor.u32 v47, v13;
	v35 =	vld.idx.msk [tilespmem:v36+s18+$0x0], $0xffff;
	[tilespmem:$0x1FC70] =	vst v21;
	v21 =	vmul.f32 v25, v6  }
0x8d: {  	[tilespmem:$0x1FC90] =	vst v12;
	v12 =	vmul.f32 v28, v6  }
0x8e: {  	v3 =	vmul.f32 v3, v6;
	[tilespmem:$0x1FC80] =	vst v21  }
0x8f: {  	v21 =	vld.idx.msk [tilespmem:v45+s18+$0x0], $0xffff;
	[tilespmem:$0x1FCA0] =	vst v12  }
0x90: {  	[tilespmem:$0x1FCB0] =	vst v3  }
0x91: {  	v28 =	vld.idx.msk [tilespmem:v47+s18+$0x0], $0xffff  }
0x92: {  	v47 =	vld.idx.msk [tilespmem:v1+s18+$0x0], $0xffff;
	v1 =	vmul.f32 v2, v6  }
0x93: {  	v48 =	vimm.f32 $0.0e+00;
	v7 =	vmul.f32 v7, v6  }
0x94: {  	v56 =	vor.u32 v49, v4;
	v49 =	vor.u32 v49, v13;
	[tilespmem:$0x1FCC0] =	vst v1;
	v1 =	vmul.f32 v23, v6  }
0x95: {  	v7 =	vadd.f32 v7, v48;
	v20 =	vor.u32 v52, v13;
	v25 =	vmul.f32 v46, v38  }
0x96: {  	v8 =	vmul.f32 v8, v6;
	[tilespmem:$0x1FCD0] =	vst v1;
	v1 =	vmul.f32 v43, v6  }
0x97: {  	v9 =	vmul.f32 v9, v6;
	v18 =	vmul.f32 v18, v39;
	v7 =	vadd.f32 v25, v7  }
0x98: {  	v10 =	vmul.f32 v10, v6;
	v11 =	vmul.f32 v11, v6;
	[tilespmem:$0x1FCE0] =	vst v1  }
0x99: {  	v51 =	vmul.f32 v51, v6;
	v27 =	vmul.f32 v27, v22;
	v7 =	vadd.f32 v18, v7;
	v6 =	vld.idx.msk [tilespmem:v49+s18+$0x0], $0xffff  }
0x9a: {  	v20 =	vld.idx.msk [tilespmem:v20+s18+$0x0], $0xffff  }
0x9b: {  	v1 =	vadd.f32 v27, v7;
	v18 =	vld.idx.msk [tilespmem:v55+s18+$0x0], $0xffff  }
0x9c: {  	v24 =	vld.idx.msk [tilespmem:v24+s18+$0x0], $0xffff  }
0x9d: {  	[tilespmem:$0x1FCF0] =	vst v1;
	v1 =	vld [tilespmem:$0x1FD00];
	_ =	sdelay $0x7  }
0x9e: {  	v50 =	vld.idx.msk [tilespmem:v1+s18+$0x0], $0xffff  }
0x9f: {  	v1 =	vld [tilespmem:$0x1FD10];
	_ =	sdelay $0x7  }
0xa0: {  	v49 =	vld.idx.msk [tilespmem:v1+s18+$0x0], $0xffff  }
0xa1: {  	v1 =	vld [tilespmem:$0x1FD20]  }
0xa2: {  	v59 =	vor.u32 v52, v4;
	_ =	sdelay $0x1  }
0xa3: {  	v8 =	vadd.f32 v8, v48;
	v21 =	vmul.f32 v21, v38;
	_ =	sdelay $0x1  }
0xa4: {  	v28 =	vmul.f32 v28, v38;
	v7 =	vadd.f32 v9, v48;
	v8 =	vadd.f32 v21, v8;
	v21 =	vld.idx.msk [tilespmem:v56+s18+$0x0], $0xffff  }
0xa5: {  	v63 =	vld.idx.msk [tilespmem:v59+s18+$0x0], $0xffff  }
0xa6: {  	v7 =	vadd.f32 v28, v7;
	v28 =	vld.idx.msk [tilespmem:v5+s18+$0x0], $0xffff  }
0xa7: {  	v52 =	vld.idx.msk [tilespmem:v1+s18+$0x0], $0xffff;
	v1 =	vor.u32 v19, v4  }
0xa8: {  	[tilespmem:$0x1FD30] =	vst v1;
	v1 =	vld [tilespmem:$0x1FD40];
	_ =	sdelay $0x3  }
0xa9: {  	v9 =	vor.u32 v53, v13  }
0xaa: {  	v10 =	vadd.f32 v10, v48;
	v6 =	vmul.f32 v6, v38  }
0xab: {  	v11 =	vadd.f32 v11, v48;
	v18 =	vmul.f32 v18, v39  }
0xac: {  	v29 =	vmul.f32 v29, v22;
	v6 =	vadd.f32 v6, v10;
	v10 =	vor.u32 v61, v13  }
0xad: {  	v20 =	vmul.f32 v20, v38;
	v8 =	vadd.f32 v18, v8;
	v36 =	vld.idx.msk [tilespmem:v1+s18+$0x0], $0xffff;
	v1 =	vor.u32 v41, v4  }
0xae: {  	v24 =	vmul.f32 v24, v39;
	v9 =	vld.idx.msk [tilespmem:v9+s18+$0x0], $0xffff;
	[tilespmem:$0x1FD50] =	vst v1;
	v1 =	vor.u32 v42, v4  }
0xaf: {  	v11 =	vadd.f32 v20, v11;
	v20 =	vor.u32 v58, v13;
	[tilespmem:$0x1FD60] =	vst v1;
	v1 =	vadd.f32 v29, v8  }
0xb0: {  	v31 =	vmul.f32 v31, v22;
	v18 =	vor.u32 v14, v13;
	v7 =	vadd.f32 v24, v7  }
0xb1: {  	v10 =	vld.idx.msk [tilespmem:v10+s18+$0x0], $0xffff;
	[tilespmem:$0x1FD70] =	vst v1;
	v1 =	vor.u32 v17, v4  }
0xb2: {  	v14 =	vimm.f32 $0.0e+00;
	[tilespmem:$0x1FD80] =	vst v1;
	v1 =	vadd.f32 v31, v7  }
0xb3: {  	v12 =	vadd.f32 v0, v14;
	v0 =	vld [tilespmem:$0x1FDC0]  }
0xb4: {  	v8 =	vld.idx.msk [tilespmem:v20+s18+$0x0], $0xffff;
	[tilespmem:$0x1FD90] =	vst v1  }
0xb5: {  	v1 =	vor.u32 v57, v4;
	v18 =	vld.idx.msk [tilespmem:v18+s18+$0x0], $0xffff  }
0xb6: {  	[tilespmem:$0x1FDA0] =	vst v1;
	v1 =	vld [tilespmem:$0x1FDB0];
	_ =	sdelay $0x1  }
0xb7: {  	v21 =	vmul.f32 v21, v39;
	_ =	sdelay $0x1  }
0xb8: {  	v24 =	vmul.f32 v63, v39;
	v6 =	vadd.f32 v21, v6;
	v7 =	vmul.f32 v32, v22  }
0xb9: {  	v60 =	vor.u32 v54, v4;
	v44 =	vor.u32 v26, v4;
	v25 =	vor.u32 v15, v4  }
0xba: {  	v11 =	vadd.f32 v24, v11;
	v20 =	vmul.f32 v33, v22;
	v21 =	vld.idx.msk [tilespmem:v0+s18+$0x0], $0xffff;
	v0 =	vadd.f32 v7, v6  }
0xbb: {  	v45 =	vor.u32 v16, v4;
	v23 =	vor.u32 v30, v4;
	v27 =	vor.u32 v34, v4  }
0xbc: {  	v55 =	vor.u32 v40, v4;
	v4 =	vld.idx.msk [tilespmem:v1+s18+$0x0], $0xffff;
	[tilespmem:$0x1FDD0] =	vst v0;
	v0 =	vadd.f32 v20, v11;
	_ =	sdelay $0x1  }
0xbd: {  	[tilespmem:$0x1FDE0] =	vst v0;
	v0 =	vld [tilespmem:$0x1FDF0];
	_ =	sdelay $0x6  }
0xbe: {  	v9 =	vmul.f32 v9, v38;
	v1 =	vld [tilespmem:$0x1FE20]  }
0xbf: {  	v2 =	vld.idx.msk [tilespmem:v0+s18+$0x0], $0xffff  }
0xc0: {  	v6 =	vadd.f32 v9, v12;
	v4 =	vmul.f32 v4, v39;
	v0 =	vld [tilespmem:$0x1FE00];
	_ =	sdelay $0x1  }
0xc1: {  	v4 =	vadd.f32 v4, v6;
	v6 =	vld [tilespmem:$0x1FE60];
	_ =	sdelay $0x1  }
0xc2: {  	v5 =	vmul.f32 v10, v38;
	v7 =	vadd.f32 v37, v14;
	v9 =	vadd.f32 v1, v14;
	v1 =	vld [tilespmem:$0x1FE30];
	_ =	sdelay $0x1  }
0xc3: {  	v5 =	vadd.f32 v5, v7;
	v7 =	vld [tilespmem:$0x1FE40];
	_ =	sdelay $0x1  }
0xc4: {  	v31 =	vld.idx.msk [tilespmem:v0+s18+$0x0], $0xffff  }
0xc5: {  	v0 =	vld [tilespmem:$0x1FE10]  }
0xc6: {  	v43 =	vld.idx.msk [tilespmem:v6+s18+$0x0], $0xffff  }
0xc7: {  	v6 =	vld [tilespmem:$0x1FE70]  }
0xc8: {  	v1 =	vld.idx.msk [tilespmem:v1+s18+$0x0], $0xffff  }
0xc9: {  	v24 =	vor.u32 v26, v13  }
0xca: {  	v48 =	vimm.f32 $0.0e+00;
	v32 =	vor.u32 v16, v13;
	v16 =	vld.idx.msk [tilespmem:v7+s18+$0x0], $0xffff  }
0xcb: {  	v63 =	vor.u32 v30, v13;
	v8 =	vmul.f32 v8, v38;
	v10 =	vmul.f32 v18, v38;
	v26 =	vld.idx.msk [tilespmem:v44+s18+$0x0], $0xffff  }
0xcc: {  	v20 =	vor.u32 v15, v13;
	v2 =	vmul.f32 v2, v39;
	v46 =	vmul.f32 v6, v22;
	v6 =	vld [tilespmem:$0x1FE80]  }
0xcd: {  	v7 =	vadd.f32 v10, v9;
	v1 =	vmul.f32 v1, v39;
	v3 =	vld.idx.msk [tilespmem:v0+s18+$0x0], $0xffff;
	v0 =	vadd.f32 v51, v14  }
0xce: {  	v30 =	vmul.f32 v47, v22;
	v15 =	vmul.f32 v28, v22;
	v28 =	vld.idx.msk [tilespmem:v24+s18+$0x0], $0xffff;
	v61 =	vadd.f32 v2, v5  }
0xcf: {  	v58 =	vor.u32 v41, v13;
	v2 =	vadd.f32 v1, v7;
	v0 =	vadd.f32 v8, v0;
	v8 =	vld [tilespmem:$0x1FE50]  }
0xd0: {  	v47 =	vimm.f32 $0.0e+00;
	v50 =	vmul.f32 v50, v22;
	v59 =	vmul.f32 v49, v22;
	v24 =	vld.idx.msk [tilespmem:v32+s18+$0x0], $0xffff  }
0xd1: {  	v41 =	vimm.f32 $0.0e+00;
	v33 =	vmul.f32 v36, v22;
	v32 =	vadd.f32 v15, v2;
	v2 =	vld [tilespmem:$0x1FE90]  }
0xd2: {  	v37 =	vmul.f32 v35, v22;
	v35 =	vimm.f32 $0.0e+00;
	v20 =	vld.idx.msk [tilespmem:v20+s18+$0x0], $0xffff;
	v3 =	vmul.f32 v3, v39  }
0xd3: {  	v44 =	vor.u32 v42, v13;
	v42 =	vmul.f32 v52, v22;
	v53 =	vmul.f32 v31, v22;
	v31 =	vld.idx.msk [tilespmem:v63+s18+$0x0], $0xffff  }
0xd4: {  	v9 =	vor.u32 v19, v13;
	v52 =	vmul.f32 v16, v22;
	v19 =	vld.idx.msk [tilespmem:v6+s18+$0x0], $0xffff;
	v29 =	vadd.f32 v3, v0  }
0xd5: {  	v11 =	vor.u32 v17, v13;
	v25 =	vld.idx.msk [tilespmem:v25+s18+$0x0], $0xffff;
	v1 =	vmul.f32 v21, v22;
	v21 =	vmul.f32 v26, v39  }
0xd6: {  	v51 =	vor.u32 v34, v13;
	v36 =	vadd.f32 v30, v29;
	v30 =	vadd.f32 v2, v14;
	v2 =	vld [tilespmem:$0x1FEA0]  }
0xd7: {  	v16 =	vor.u32 v54, v13;
	v26 =	vmul.f32 v28, v38;
	v28 =	vmul.f32 v20, v38;
	v18 =	vld.idx.msk [tilespmem:v8+s18+$0x0], $0xffff  }
0xd8: {  	v23 =	vld.idx.msk [tilespmem:v23+s18+$0x0], $0xffff;
	v34 =	vadd.f32 v46, v4;
	v46 =	vimm.f32 $0.0e+00;
	v20 =	vmul.f32 v31, v38  }
0xd9: {  	v15 =	vld.idx.msk [tilespmem:v27+s18+$0x0], $0xffff;
	v31 =	vimm.f32 $0.0e+00;
	v0 =	vmul.f32 v43, v22;
	v54 =	vmul.f32 v19, v22  }
0xda: {  	v19 =	vmul.f32 v25, v39;
	v25 =	vld.idx.msk [tilespmem:v45+s18+$0x0], $0xffff;
	v45 =	vimm.f32 $0.0e+00;
	v43 =	vimm.f32 $0.0e+00  }
0xdb: {  	s12 =	sadd.s32 $0xC0, s26;
	s5 =	sadd.s32 $0x40, s26;
	s6 =	sshll.u32 s25, $0x1;
	v17 =	vld.idx.msk [tilespmem:v51+s18+$0x0], $0xffff;
	v8 =	vor.u32 v40, v13;
	v40 =	vadd.f32 v37, v61;
	v37 =	vimm.f32 $0.0e+00  }
0xdc: {  	s7 =	simm.s32 $0x4;
	s13 =	sadd.s32 $0x80, s26;
	s23 =	sadd.s32 $0x100, s26;
	v29 =	vadd.f32 v2, v14;
	v3 =	vmul.f32 v18, v22;
	v18 =	vor.u32 v57, v13;
	v13 =	vld.idx.msk [tilespmem:v55+s18+$0x0], $0xffff  }
.LBB2_3:
0xdd: {  	v2 =	vld [tilespmem:$0x1FC50];
	_ =	sdelay $0x4  }
0xde: {  	v27 =	vadd.f32 v2, v14;
	v2 =	vld [tilespmem:$0x1FC60];
	_ =	sdelay $0x4  }
0xdf: {  	v31 =	vadd.f32 v2, v31;
	v2 =	vld [tilespmem:$0x1FD30];
	_ =	sdelay $0x5  }
0xe0: {  	v26 =	vadd.f32 v26, v30;
	_ =	sdelay $0x1  }
0xe1: {  	v21 =	vadd.f32 v21, v26;
	v26 =	vld.idx.msk [tilespmem:v2+s18+$0x0], $0xffff  }
0xe2: {  	v2 =	vld [tilespmem:$0x1FD50];
	_ =	sdelay $0x3  }
0xe3: {  	v24 =	vmul.f32 v24, v38  }
0xe4: {  	v23 =	vmul.f32 v23, v39  }
0xe5: {  	v25 =	vmul.f32 v25, v39;
	v20 =	vadd.f32 v20, v27;
	v24 =	vadd.f32 v24, v31;
	_ =	sdelay $0x1  }
0xe6: {  	v20 =	vadd.f32 v23, v20;
	v23 =	vadd.f32 v25, v24;
	v24 =	vld.idx.msk [tilespmem:v2+s18+$0x0], $0xffff  }
0xe7: {  	v2 =	vld [tilespmem:$0x1FD60];
	_ =	sdelay $0x5  }
0xe8: {  	v28 =	vadd.f32 v28, v29;
	_ =	sdelay $0x1  }
0xe9: {  	v19 =	vadd.f32 v19, v28;
	v25 =	vld.idx.msk [tilespmem:v2+s18+$0x0], $0xffff;
	v2 =	vadd.f32 v50, v21;
	_ =	sdelay $0x1  }
0xea: {  	[tilespmem:$0x1FBD0] =	vst v2;
	v2 =	vadd.f32 v59, v19;
	_ =	sdelay $0x1  }
0xeb: {  	[tilespmem:$0x1FBF0] =	vst v2;
	v2 =	vld [tilespmem:$0x1FD80];
	_ =	sdelay $0x7  }
0xec: {  	v7 =	vld.idx.msk [tilespmem:v2+s18+$0x0], $0xffff;
	v2 =	vadd.f32 v42, v20;
	_ =	sdelay $0x1  }
0xed: {  	[tilespmem:$0x1FA00] =	vst v2;
	v2 =	vadd.f32 v33, v23;
	_ =	sdelay $0x1  }
0xee: {  	[tilespmem:$0x1FB50] =	vst v2;
	v2 =	vld [tilespmem:$0x1FC70];
	_ =	sdelay $0x4  }
0xef: {  	v5 =	vadd.f32 v2, v45;
	v2 =	vld [tilespmem:$0x1FC80];
	_ =	sdelay $0x2  }
0xf0: {  	v10 =	vld.idx.msk [tilespmem:v8+s18+$0x0], $0xffff  }
0xf1: {  	v12 =	vld.idx.msk [tilespmem:v9+s18+$0x0], $0xffff  }
0xf2: {  	v8 =	vadd.f32 v2, v46;
	v2 =	vld [tilespmem:$0x1FC90];
	_ =	sdelay $0x4  }
0xf3: {  	v6 =	vmul.f32 v10, v38;
	v10 =	vmul.f32 v12, v38;
	v12 =	vadd.f32 v2, v47;
	v2 =	vld [tilespmem:$0x1FCA0];
	_ =	sdelay $0x3  }
0xf4: {  	v17 =	vmul.f32 v17, v38;
	v14 =	vld.idx.msk [tilespmem:v58+s18+$0x0], $0xffff  }
0xf5: {  	v19 =	vadd.f32 v2, v48;
	v2 =	vld [tilespmem:$0x1FDA0]  }
0xf6: {  	v15 =	vmul.f32 v15, v39;
	v5 =	vadd.f32 v17, v5;
	_ =	sdelay $0x1  }
0xf7: {  	v13 =	vmul.f32 v13, v39;
	v5 =	vadd.f32 v15, v5;
	v6 =	vadd.f32 v6, v8  }
0xf8: {  	v14 =	vmul.f32 v14, v38;
	v8 =	vld.idx.msk [tilespmem:v16+s18+$0x0], $0xffff;
	v16 =	vmul.f32 v26, v39;
	v10 =	vadd.f32 v10, v12  }
0xf9: {  	v1 =	vadd.f32 v1, v5;
	v6 =	vadd.f32 v13, v6  }
0xfa: {  	v9 =	vld.idx.msk [tilespmem:v44+s18+$0x0], $0xffff;
	v17 =	vmul.f32 v24, v39;
	v10 =	vadd.f32 v16, v10;
	v12 =	vadd.f32 v14, v19  }
0xfb: {  	v11 =	vld.idx.msk [tilespmem:v11+s18+$0x0], $0xffff;
	[tilespmem:$0x1FB40] =	vst v1;
	v1 =	vadd.f32 v53, v6  }
0xfc: {  	v12 =	vadd.f32 v17, v12;
	v16 =	vld.idx.msk [tilespmem:v2+s18+$0x0], $0xffff;
	v2 =	vadd.f32 v52, v10  }
0xfd: {  	v5 =	vld [tilespmem:$0x1FCC0];
	[tilespmem:$0x1FBC0] =	vst v1  }
0xfe: {  	v1 =	vld [tilespmem:$0x1FC20];
	[tilespmem:$0x1FA90] =	vst v2;
	v2 =	vadd.f32 v3, v12  }
0xff: {  	v3 =	vld [tilespmem:$0x1FCB0]  }
0x100: {  	[tilespmem:$0x1FA30] =	vst v2;
	v2 =	vld [tilespmem:$0x1FC30]  }
0x101: {  	v6 =	vmul.f32 v8, v38;
	v8 =	vld [tilespmem:$0x1FCD0]  }
0x102: {  	v15 =	vld.idx.msk [tilespmem:v60+s18+$0x0], $0xffff  }
0x103: {  	v14 =	vld.idx.msk [tilespmem:v18+s18+$0x0], $0xffff  }
0x104: {  	v9 =	vmul.f32 v9, v38;
	v10 =	vld [tilespmem:$0x1FCE0];
	v3 =	vadd.f32 v3, v41  }
0x105: {  	v4 =	vmul.f32 v11, v38;
	v5 =	vadd.f32 v5, v43  }
0x106: {  	v13 =	vmul.f32 v25, v39;
	v8 =	vadd.f32 v8, v37;
	v1 =	vld.idx.msk [tilespmem:v1+s18+$0x0], $0xffff;
	v3 =	vadd.f32 v9, v3  }
0x107: {  	v7 =	vmul.f32 v7, v39;
	v4 =	vadd.f32 v4, v5  }
0x108: {  	v5 =	vmul.f32 v15, v39;
	v6 =	vadd.f32 v6, v8;
	v3 =	vadd.f32 v13, v3;
	v2 =	vld.idx.msk [tilespmem:v2+s18+$0x0], $0xffff  }
0x109: {  	v4 =	vadd.f32 v7, v4;
	v11 =	vmul.f32 v14, v38;
	v10 =	vadd.f32 v10, v35  }
0x10a: {  	v5 =	vadd.f32 v5, v6;
	v0 =	vadd.f32 v0, v3  }
0x10b: {  	v1 =	vmul.f32 v1, v22;
	v8 =	vadd.f32 v11, v10;
	v9 =	vmul.f32 v16, v39  }
0x10c: {  	v7 =	vmov s7;
	[tilespmem:$0x1FB90] =	vst v0;
	v0 =	vadd.f32 v54, v4  }
0x10d: {  	v1 =	vadd.f32 v1, v5;
	v6 =	vadd.f32 v9, v8;
	v2 =	vmul.f32 v2, v22  }
0x10e: {  	[tilespmem:$0x1FAA0] =	vst v0;
	v0 =	vand.u32 $0x7C, v7  }
0x10f: {  	[tilespmem:$0x1FA50] =	vst v1;
	v13 =	vbroadcast v0, $0x0;
	v1 =	vadd.f32 v2, v6;
	_ =	sdelay $0x1  }
0x110: {  	v61 =	vmov v62;
	[tilespmem:$0x1FA40] =	vst v1;
	v1 =	vor.u32 v62, v13;
	v62 =	vld [tilespmem:$0x1FEE0];
	_ =	sdelay $0x4  }
0x111: {  	v3 =	vld [tilespmem:$0x1FEF0];
	v2 =	vor.u32 v62, v13;
	_ =	sdelay $0x1  }
0x112: {  	v55 =	vld [tilespmem:$0x1FF00]  }
0x113: {  	v0 =	vld.idx.msk [tilespmem:v1+s15+$0x0], $0xffff  }
0x114: {  	v31 =	vld.idx.msk [tilespmem:v1+s16+$0x0], $0xffff  }
0x115: {  	v4 =	vor.u32 v3, v13;
	v1 =	vld.idx.msk [tilespmem:v2+s18+$0x0], $0xffff;
	_ =	sdelay $0x3  }
0x116: {  	v24 =	vld [tilespmem:$0x1FF10]  }
0x117: {  	v5 =	vor.u32 v55, v13;
	[tilespmem:$0x1F940] =	vst v1;
	v1 =	vld.idx.msk [tilespmem:v4+s18+$0x0], $0xffff;
	_ =	sdelay $0x3  }
0x118: {  	v27 =	vld [tilespmem:$0x1FF20]  }
0x119: {  	v6 =	vor.u32 v24, v13;
	[tilespmem:$0x1F950] =	vst v1;
	v1 =	vld.idx.msk [tilespmem:v5+s18+$0x0], $0xffff;
	_ =	sdelay $0x3  }
0x11a: {  	v2 =	vld [tilespmem:$0x1FF30]  }
0x11b: {  	v7 =	vor.u32 v27, v13;
	[tilespmem:$0x1F960] =	vst v1;
	v1 =	vld.idx.msk [tilespmem:v6+s18+$0x0], $0xffff;
	_ =	sdelay $0x3  }
0x11c: {  	v4 =	vld [tilespmem:$0x1FF40]  }
0x11d: {  	v8 =	vor.u32 v2, v13;
	[tilespmem:$0x1F970] =	vst v1;
	v1 =	vld.idx.msk [tilespmem:v7+s18+$0x0], $0xffff;
	_ =	sdelay $0x3  }
0x11e: {  	v5 =	vld [tilespmem:$0x1FF50]  }
0x11f: {  	v9 =	vor.u32 v4, v13;
	[tilespmem:$0x1F980] =	vst v1;
	v1 =	vld.idx.msk [tilespmem:v8+s18+$0x0], $0xffff;
	_ =	sdelay $0x3  }
0x120: {  	v58 =	vld [tilespmem:$0x1FFD0]  }
0x121: {  	v10 =	vor.u32 v5, v13;
	[tilespmem:$0x1F990] =	vst v1;
	v1 =	vld.idx.msk [tilespmem:v9+s18+$0x0], $0xffff;
	_ =	sdelay $0x3  }
0x122: {  	v7 =	vld [tilespmem:$0x1FF70]  }
0x123: {  	v12 =	vor.u32 v58, v13;
	[tilespmem:$0x1F9A0] =	vst v1;
	v1 =	vld.idx.msk [tilespmem:v10+s18+$0x0], $0xffff;
	_ =	sdelay $0x3  }
0x124: {  	v8 =	vld [tilespmem:$0x1FF80]  }
0x125: {  	v14 =	vor.u32 v7, v13;
	[tilespmem:$0x1F9B0] =	vst v1;
	v1 =	vld.idx.msk [tilespmem:v12+s18+$0x0], $0xffff;
	_ =	sdelay $0x3  }
0x126: {  	v10 =	vld [tilespmem:$0x1FFA0]  }
0x127: {  	v15 =	vor.u32 v8, v13;
	[tilespmem:$0x1F9C0] =	vst v1;
	v1 =	vld.idx.msk [tilespmem:v14+s18+$0x0], $0xffff;
	_ =	sdelay $0x1  }
0x128: {  	v6 =	vld [tilespmem:$0x1FF60];
	_ =	sdelay $0x2  }
0x129: {  	v17 =	vor.u32 v10, v13;
	[tilespmem:$0x1F9D0] =	vst v1;
	v1 =	vld.idx.msk [tilespmem:v15+s18+$0x0], $0xffff;
	_ =	sdelay $0x1  }
0x12a: {  	v11 =	vor.u32 v6, v13;
	_ =	sdelay $0x2  }
0x12b: {  	[tilespmem:$0x1F9E0] =	vst v1;
	v1 =	vld.idx.msk [tilespmem:v17+s18+$0x0], $0xffff;
	_ =	sdelay $0x1  }
0x12c: {  	v63 =	vld.idx.msk [tilespmem:v11+s18+$0x0], $0xffff  }
0x12d: {  	v11 =	vld [tilespmem:$0x1FFB0]  }
0x12e: {  	v12 =	vld [tilespmem:$0x1FFC0]  }
0x12f: {  	s8 =	sadd.s32 $0x3, s7;
	[tilespmem:$0x1F9F0] =	vst v1;
	v1 =	vld [tilespmem:$0x1FEB0]  }
0x130: {  	v20 =	vmov s8  }
0x131: {  	v20 =	vand.u32 $0x7F, v20  }
0x132: {  	v20 =	vbroadcast v20, $0x0;
	v18 =	vor.u32 v11, v13  }
0x133: {  	v19 =	vor.u32 v12, v13  }
0x134: {  	v1 =	vor.u32 v1, v20  }
0x135: {  	[tilespmem:$0x1FC20] =	vst v1;
	v1 =	vld [tilespmem:$0x1FED0]  }
0x136: {  	s9 =	sadd.s32 $0x2, s7;
	v26 =	vor.u32 v24, v20  }
0x137: {  	s8 =	sadd.s32 $0x1, s7;
	v22 =	vmov s9;
	v38 =	vld.idx.msk [tilespmem:v18+s18+$0x0], $0xffff  }
0x138: {  	v18 =	vmov s8;
	v39 =	vld.idx.msk [tilespmem:v19+s18+$0x0], $0xffff;
	v19 =	vand.u32 $0x7E, v22  }
0x139: {  	v18 =	vand.u32 $0x7D, v18;
	v25 =	vbroadcast v19, $0x0  }
0x13a: {  	v18 =	vbroadcast v18, $0x0;
	v1 =	vor.u32 v1, v20  }
0x13b: {  	v56 =	vld.idx.msk [tilespmem:v26+s18+$0x0], $0xffff;
	[tilespmem:$0x1FC30] =	vst v1;
	v1 =	vor.u32 v24, v25  }
0x13c: {  	v26 =	vor.u32 v24, v18;
	v24 =	vld [tilespmem:$0x1F9B0];
	[tilespmem:$0x1FA10] =	vst v1;
	v1 =	vor.u32 v2, v25  }
0x13d: {  	[tilespmem:$0x1FA20] =	vst v1;
	v1 =	vor.u32 v4, v25  }
0x13e: {  	v14 =	vld [tilespmem:$0x1FFE0];
	[tilespmem:$0x1FA60] =	vst v1;
	v1 =	vor.u32 v5, v25  }
0x13f: {  	v9 =	vld [tilespmem:$0x1FF90];
	[tilespmem:$0x1FA70] =	vst v1;
	v1 =	vor.u32 v6, v25  }
0x140: {  	[tilespmem:$0x1FA80] =	vst v1;
	v1 =	vor.u32 v58, v25  }
0x141: {  	v24 =	vmul.f32 v24, v0;
	[tilespmem:$0x1FAB0] =	vst v1;
	v1 =	vor.u32 v7, v25  }
0x142: {  	[tilespmem:$0x1FB60] =	vst v1  }
0x143: {  	v30 =	vld [tilespmem:$0x1FFF0];
	v28 =	vor.u32 v2, v20;
	v15 =	vor.u32 v14, v13;
	v1 =	vor.u32 v8, v25;
	[tilespmem:$0x1FB30] =	vst v24  }
0x144: {  	v24 =	vmul.f32 v63, v0;
	v63 =	vor.u32 v2, v18;
	v2 =	vld [tilespmem:$0x1F9C0];
	[tilespmem:$0x1FB70] =	vst v1;
	v1 =	vor.u32 v9, v25  }
0x145: {  	[tilespmem:$0x1FB80] =	vst v1;
	v1 =	vor.u32 v10, v25  }
0x146: {  	[tilespmem:$0x1FBA0] =	vst v1;
	v1 =	vor.u32 v11, v25  }
0x147: {  	[tilespmem:$0x1FD30] =	vst v1;
	v1 =	vor.u32 v12, v25  }
0x148: {  	v51 =	vld [tilespmem:$0x1FEB0];
	v23 =	vor.u32 v61, v20;
	v21 =	vor.u32 v30, v13;
	[tilespmem:$0x1FD50] =	vst v1;
	v1 =	vor.u32 v14, v25  }
0x149: {  	v44 =	vld.idx.msk [tilespmem:v15+s18+$0x0], $0xffff;
	v2 =	vmul.f32 v2, v0;
	[tilespmem:$0x1FD60] =	vst v1;
	v1 =	vor.u32 v30, v25  }
0x14a: {  	v15 =	vor.u32 v62, v20;
	[tilespmem:$0x1FD80] =	vst v1;
	v1 =	vld [tilespmem:$0x1FEB0]  }
0x14b: {  	[tilespmem:$0x1FC00] =	vst v2;
	v2 =	vld [tilespmem:$0x1F9D0]  }
0x14c: {  	[tilespmem:$0x1FAE0] =	vst v40  }
0x14d: {  	[tilespmem:$0x1FAC0] =	vst v34;
	v34 =	vld.idx.msk [tilespmem:v23+s16+$0x0], $0xffff  }
0x14e: {  	[tilespmem:$0x1FB00] =	vst v36;
	v40 =	vor.u32 v30, v20;
	v45 =	vld.idx.msk [tilespmem:v21+s18+$0x0], $0xffff  }
0x14f: {  	v21 =	vor.u32 v55, v20;
	v29 =	vor.u32 v4, v20;
	v16 =	vor.u32 v9, v13;
	v36 =	vld.idx.msk [tilespmem:v15+s18+$0x0], $0xffff  }
0x150: {  	[tilespmem:$0x1FB20] =	vst v32;
	v17 =	vor.u32 v51, v13;
	v15 =	vld [tilespmem:$0x1F970];
	v1 =	vor.u32 v1, v25;
	v2 =	vmul.f32 v2, v0  }
0x151: {  	v46 =	vor.u32 v5, v20;
	v49 =	vor.u32 v6, v20;
	v52 =	vor.u32 v7, v20;
	[tilespmem:$0x1FBB0] =	vst v1;
	v1 =	vld [tilespmem:$0x1FED0]  }
0x152: {  	v53 =	vor.u32 v8, v20;
	v54 =	vor.u32 v9, v20;
	v35 =	vor.u32 v12, v20;
	[tilespmem:$0x1FC50] =	vst v2;
	v2 =	vld [tilespmem:$0x1F9E0]  }
0x153: {  	v22 =	vld.idx.msk [tilespmem:v23+s15+$0x0], $0xffff;
	v23 =	vor.u32 v11, v20;
	v37 =	vor.u32 v14, v20;
	v19 =	vor.u32 v3, v20  }
0x154: {  	v16 =	vld.idx.msk [tilespmem:v16+s18+$0x0], $0xffff;
	v41 =	vor.u32 v61, v25;
	v42 =	vor.u32 v62, v25;
	v48 =	vor.u32 v3, v25  }
0x155: {  	v32 =	vor.u32 v55, v25;
	v13 =	vor.u32 v57, v13;
	v51 =	vor.u32 v58, v20;
	v47 =	vld.idx.msk [tilespmem:v17+s18+$0x0], $0xffff  }
0x156: {  	v57 =	vor.u32 v10, v20;
	v17 =	vor.u32 v27, v20;
	v20 =	vld.idx.msk [tilespmem:v21+s18+$0x0], $0xffff;
	v21 =	vor.u32 v27, v25  }
0x157: {  	v1 =	vor.u32 v1, v25;
	v25 =	vmul.f32 v15, v0;
	v15 =	vld [tilespmem:$0x1F980];
	v2 =	vmul.f32 v2, v0;
	_ =	sdelay $0x1  }
0x158: {  	[tilespmem:$0x1FC60] =	vst v2;
	v2 =	vmul.f32 v16, v0  }
0x159: {  	[tilespmem:$0x1FDA0] =	vst v1;
	v1 =	vld [tilespmem:$0x1F940]  }
0x15a: {  	[tilespmem:$0x1FC70] =	vst v2;
	v2 =	vld [tilespmem:$0x1F9F0]  }
0x15b: {  	v15 =	vmul.f32 v15, v0;
	_ =	sdelay $0x1  }
0x15c: {  	[tilespmem:$0x1FAD0] =	vst v15;
	v15 =	vld [tilespmem:$0x1F990]  }
0x15d: {  	v43 =	vld.idx.msk [tilespmem:v19+s18+$0x0], $0xffff  }
0x15e: {  	v19 =	vmul.f32 v1, v0;
	v1 =	vld [tilespmem:$0x1F950];
	v2 =	vmul.f32 v2, v0;
	_ =	sdelay $0x1  }
0x15f: {  	[tilespmem:$0x1FC80] =	vst v2;
	v2 =	vmul.f32 v38, v0  }
0x160: {  	v33 =	vld.idx.msk [tilespmem:v13+s18+$0x0], $0xffff;
	v15 =	vmul.f32 v15, v0  }
0x161: {  	v59 =	vld.idx.msk [tilespmem:v17+s18+$0x0], $0xffff;
	[tilespmem:$0x1FC90] =	vst v2;
	v2 =	vmul.f32 v39, v0  }
0x162: {  	v17 =	vmul.f32 v1, v0;
	v1 =	vld [tilespmem:$0x1F960];
	[tilespmem:$0x1FAF0] =	vst v15  }
0x163: {  	v15 =	vld [tilespmem:$0x1F9A0];
	[tilespmem:$0x1FCA0] =	vst v2;
	v2 =	vmul.f32 v44, v0  }
0x164: {  	v50 =	vld.idx.msk [tilespmem:v28+s18+$0x0], $0xffff;
	v61 =	vor.u32 v61, v18  }
0x165: {  	v52 =	vld.idx.msk [tilespmem:v52+s18+$0x0], $0xffff;
	[tilespmem:$0x1FCB0] =	vst v2;
	v2 =	vmul.f32 v45, v0  }
0x166: {  	v31 =	vmul.f32 v31, v0;
	v13 =	vld.idx.msk [tilespmem:v49+s18+$0x0], $0xffff;
	v49 =	vor.u32 v4, v18  }
0x167: {  	v4 =	vld.idx.msk [tilespmem:v23+s18+$0x0], $0xffff;
	v28 =	vmul.f32 v1, v0;
	[tilespmem:$0x1FCC0] =	vst v2;
	v2 =	vmul.f32 v47, v0  }
0x168: {  	v16 =	vld.idx.msk [tilespmem:v41+s16+$0x0], $0xffff;
	v15 =	vmul.f32 v15, v0;
	v0 =	vmul.f32 v33, v0  }
0x169: {  	v38 =	vld.idx.msk [tilespmem:v61+s15+$0x0], $0xffff;
	[tilespmem:$0x1FCD0] =	vst v2  }
0x16a: {  	[tilespmem:$0x1FCE0] =	vst v0;
	v0 =	vld.idx.msk [tilespmem:v61+s16+$0x0], $0xffff;
	v2 =	vor.u32 v9, v18  }
0x16b: {  	[tilespmem:$0x1FC10] =	vst v2;
	v2 =	vld [tilespmem:$0x1FCF0]  }
0x16c: {  	v39 =	vld.idx.msk [tilespmem:v41+s15+$0x0], $0xffff  }
0x16d: {  	v47 =	vmul.f32 v36, v22;
	v36 =	vld.idx.msk [tilespmem:v42+s18+$0x0], $0xffff  }
0x16e: {  	v42 =	vmul.f32 v52, v22;
	v52 =	vmul.f32 v4, v22;
	v4 =	vld [tilespmem:$0x1FA20];
	_ =	sdelay $0x1  }
0x16f: {  	[tilespmem:$0x1FBE0] =	vst v24;
	v0 =	vmul.f32 v0, v38;
	v24 =	vadd.f32 v31, v2;
	_ =	sdelay $0x1  }
0x170: {  	v0 =	vadd.f32 v0, v24;
	v24 =	vmul.f32 v16, v39  }
0x171: {  	v40 =	vld.idx.msk [tilespmem:v40+s18+$0x0], $0xffff  }
0x172: {  	v34 =	vmul.f32 v34, v22;
	v51 =	vld.idx.msk [tilespmem:v51+s18+$0x0], $0xffff;
	v24 =	vadd.f32 v24, v0  }
0x173: {  	v3 =	vor.u32 v3, v18;
	v31 =	vld.idx.msk [tilespmem:v21+s18+$0x0], $0xffff  }
0x174: {  	v21 =	vld.idx.msk [tilespmem:v4+s18+$0x0], $0xffff;
	v4 =	vadd.f32 v34, v24  }
0x175: {  	v35 =	vld.idx.msk [tilespmem:v35+s18+$0x0], $0xffff  }
0x176: {  	v1 =	vor.u32 v55, v18;
	[tilespmem:$0x1FCF0] =	vst v4;
	v4 =	vld [tilespmem:$0x1FD70]  }
0x177: {  	v55 =	vmul.f32 v20, v22;
	v61 =	vor.u32 v8, v18;
	v8 =	vor.u32 v10, v18;
	v10 =	vld [tilespmem:$0x1FA60]  }
0x178: {  	v23 =	vor.u32 v5, v18;
	v20 =	vmul.f32 v59, v22;
	v59 =	vmul.f32 v51, v22;
	v51 =	vld.idx.msk [tilespmem:v3+s18+$0x0], $0xffff  }
0x179: {  	[tilespmem:$0x1FB10] =	vst v15;
	v15 =	vor.u32 v27, v18;
	v27 =	vor.u32 v6, v18;
	v6 =	vld [tilespmem:$0x1FDD0]  }
0x17a: {  	v0 =	vld [tilespmem:$0x1FA10]  }
0x17b: {  	v19 =	vadd.f32 v19, v4;
	v4 =	vld [tilespmem:$0x1FD90]  }
0x17c: {  	v3 =	vld [tilespmem:$0x1FEB0]  }
0x17d: {  	v45 =	vor.u32 v7, v18;
	v7 =	vld.idx.msk [tilespmem:v23+s18+$0x0], $0xffff  }
0x17e: {  	v2 =	vld.idx.msk [tilespmem:v26+s18+$0x0], $0xffff  }
0x17f: {  	v41 =	vmul.f32 v50, v22;
	v23 =	vld.idx.msk [tilespmem:v10+s18+$0x0], $0xffff  }
0x180: {  	v50 =	vmul.f32 v13, v22;
	v13 =	vadd.f32 v17, v4;
	v17 =	vadd.f32 v28, v6;
	v6 =	vld [tilespmem:$0x1FDE0]  }
0x181: {  	v10 =	vld [tilespmem:$0x1FA70]  }
0x182: {  	v62 =	vor.u32 v62, v18;
	v16 =	vor.u32 v3, v18;
	v3 =	vmul.f32 v35, v22;
	v35 =	vld.idx.msk [tilespmem:v0+s18+$0x0], $0xffff  }
0x183: {  	v54 =	vld.idx.msk [tilespmem:v54+s18+$0x0], $0xffff  }
0x184: {  	v37 =	vld.idx.msk [tilespmem:v37+s18+$0x0], $0xffff  }
0x185: {  	v2 =	vmul.f32 v2, v38;
	v4 =	vld.idx.msk [tilespmem:v15+s18+$0x0], $0xffff;
	v15 =	vadd.f32 v25, v6  }
0x186: {  	v48 =	vld.idx.msk [tilespmem:v48+s18+$0x0], $0xffff  }
0x187: {  	v62 =	vld.idx.msk [tilespmem:v62+s18+$0x0], $0xffff;
	v2 =	vadd.f32 v2, v15;
	v15 =	vmul.f32 v35, v39  }
0x188: {  	v5 =	vld.idx.msk [tilespmem:v1+s18+$0x0], $0xffff  }
0x189: {  	v2 =	vadd.f32 v15, v2;
	v15 =	vmul.f32 v21, v39;
	v21 =	vld.idx.msk [tilespmem:v10+s18+$0x0], $0xffff  }
0x18a: {  	v10 =	vld [tilespmem:$0x1FA80]  }
0x18b: {  	v1 =	vmul.f32 v54, v22;
	v54 =	vmul.f32 v40, v22  }
0x18c: {  	v32 =	vld.idx.msk [tilespmem:v32+s18+$0x0], $0xffff;
	v40 =	vmul.f32 v62, v38;
	v0 =	vmul.f32 v37, v22  }
0x18d: {  	v37 =	vmul.f32 v48, v39;
	v48 =	vmul.f32 v51, v38  }
0x18e: {  	v36 =	vmul.f32 v36, v39;
	v5 =	vmul.f32 v5, v38;
	v19 =	vadd.f32 v40, v19  }
0x18f: {  	v13 =	vadd.f32 v48, v13  }
0x190: {  	v5 =	vadd.f32 v5, v17;
	v17 =	vadd.f32 v36, v19  }
0x191: {  	v43 =	vmul.f32 v43, v22;
	v32 =	vmul.f32 v32, v39  }
0x192: {  	v19 =	vmul.f32 v31, v39;
	v13 =	vadd.f32 v37, v13;
	v31 =	vld.idx.msk [tilespmem:v10+s18+$0x0], $0xffff;
	v10 =	vadd.f32 v47, v17  }
0x193: {  	v5 =	vadd.f32 v32, v5  }
0x194: {  	v56 =	vmul.f32 v56, v22;
	[tilespmem:$0x1FD70] =	vst v10;
	v10 =	vadd.f32 v43, v13  }
0x195: {  	v5 =	vadd.f32 v55, v5  }
0x196: {  	v2 =	vadd.f32 v56, v2;
	[tilespmem:$0x1FD90] =	vst v10;
	v10 =	vld [tilespmem:$0x1FAB0]  }
0x197: {  	[tilespmem:$0x1FDD0] =	vst v5;
	v5 =	vld [tilespmem:$0x1FAD0]  }
0x198: {  	[tilespmem:$0x1FDE0] =	vst v2;
	v2 =	vld [tilespmem:$0x1FAC0];
	_ =	sdelay $0x4  }
0x199: {  	v2 =	vadd.f32 v5, v2;
	v5 =	vld [tilespmem:$0x1FAE0]  }
0x19a: {  	v13 =	vld.idx.msk [tilespmem:v10+s18+$0x0], $0xffff  }
0x19b: {  	v10 =	vld [tilespmem:$0x1FAF0];
	_ =	sdelay $0x1  }
0x19c: {  	v60 =	vld.idx.msk [tilespmem:v29+s18+$0x0], $0xffff  }
0x19d: {  	v29 =	vor.u32 v58, v18;
	v58 =	vor.u32 v12, v18;
	v12 =	vld [tilespmem:$0x1FB10];
	v4 =	vmul.f32 v4, v38  }
0x19e: {  	v24 =	vld.idx.msk [tilespmem:v49+s18+$0x0], $0xffff  }
0x19f: {  	v2 =	vadd.f32 v4, v2;
	v5 =	vadd.f32 v10, v5;
	v10 =	vld [tilespmem:$0x1FB00]  }
0x1a0: {  	v53 =	vld.idx.msk [tilespmem:v53+s18+$0x0], $0xffff  }
0x1a1: {  	v57 =	vld.idx.msk [tilespmem:v57+s18+$0x0], $0xffff;
	v2 =	vadd.f32 v19, v2  }
0x1a2: {  	v6 =	vld.idx.msk [tilespmem:v63+s18+$0x0], $0xffff  }
0x1a3: {  	v34 =	vadd.f32 v20, v2;
	v2 =	vld [tilespmem:$0x1FBA0]  }
0x1a4: {  	v17 =	vmul.f32 v24, v38;
	v24 =	vadd.f32 v12, v10;
	v10 =	vld [tilespmem:$0x1FB20]  }
0x1a5: {  	v12 =	vld [tilespmem:$0x1FB30]  }
0x1a6: {  	v46 =	vld.idx.msk [tilespmem:v46+s18+$0x0], $0xffff  }
0x1a7: {  	v44 =	vor.u32 v14, v18;
	v14 =	vld [tilespmem:$0x1FA00]  }
0x1a8: {  	v33 =	vmul.f32 v53, v22;
	v53 =	vmul.f32 v57, v22;
	v57 =	vld [tilespmem:$0x1FED0]  }
0x1a9: {  	v62 =	vld [tilespmem:$0x1FEC0];
	v6 =	vmul.f32 v6, v38  }
0x1aa: {  	v25 =	vadd.f32 v12, v10;
	v10 =	vld [tilespmem:$0x1FB60]  }
0x1ab: {  	v27 =	vld.idx.msk [tilespmem:v27+s18+$0x0], $0xffff;
	v4 =	vadd.f32 v6, v5  }
0x1ac: {  	v28 =	vld.idx.msk [tilespmem:v29+s18+$0x0], $0xffff  }
0x1ad: {  	v19 =	vmul.f32 v13, v39;
	v13 =	vld.idx.msk [tilespmem:v2+s18+$0x0], $0xffff;
	v4 =	vadd.f32 v15, v4  }
0x1ae: {  	v2 =	vld [tilespmem:$0x1FBD0]  }
0x1af: {  	v40 =	vadd.f32 v41, v4;
	v4 =	vld [tilespmem:$0x1FBE0]  }
0x1b0: {  	v48 =	vld [tilespmem:$0x1FA30]  }
0x1b1: {  	v37 =	vld [tilespmem:$0x1FA50]  }
0x1b2: {  	v6 =	vmul.f32 v23, v39;
	v23 =	vld.idx.msk [tilespmem:v10+s18+$0x0], $0xffff  }
0x1b3: {  	v10 =	vld [tilespmem:$0x1FB70]  }
0x1b4: {  	v9 =	vor.u32 v11, v18;
	v11 =	vor.u32 v30, v18;
	v30 =	vadd.f32 v4, v2;
	v2 =	vld [tilespmem:$0x1FBF0]  }
0x1b5: {  	v4 =	vld [tilespmem:$0x1FC00]  }
0x1b6: {  	v35 =	vld [tilespmem:$0x1FA40]  }
0x1b7: {  	v7 =	vmul.f32 v7, v38;
	v47 =	vld [tilespmem:$0x1FA90]  }
0x1b8: {  	v43 =	vld [tilespmem:$0x1FAA0]  }
0x1b9: {  	v5 =	vld.idx.msk [tilespmem:v45+s18+$0x0], $0xffff;
	v7 =	vadd.f32 v7, v25;
	v25 =	vmul.f32 v21, v39  }
0x1ba: {  	v29 =	vadd.f32 v4, v2;
	v2 =	vld [tilespmem:$0x1FC10]  }
0x1bb: {  	v7 =	vadd.f32 v25, v7;
	v25 =	vld.idx.msk [tilespmem:v10+s18+$0x0], $0xffff  }
0x1bc: {  	v17 =	vadd.f32 v17, v24;
	v10 =	vld [tilespmem:$0x1FB80]  }
0x1bd: {  	v45 =	vld [tilespmem:$0x1FB40]  }
0x1be: {  	v60 =	vmul.f32 v60, v22;
	v41 =	vld [tilespmem:$0x1FB90];
	v6 =	vadd.f32 v6, v17  }
0x1bf: {  	p0 =	slt.u32 s7, $0x3C;
	v24 =	vld.idx.msk [tilespmem:v61+s18+$0x0], $0xffff  }
.Ltmp0:
0x1c0: {  	v46 =	vmul.f32 v46, v22;
	v36 =	vadd.f32 v60, v6;
	v60 =	vld [tilespmem:$0x1FBB0];
	(pc) =	sbr.rel @p0 .LBB2_3-.Ltmp0, $4  }
0x1c1: {  	v21 =	vmul.f32 v31, v39;
	v31 =	vld [tilespmem:$0x1FB50]  }
0x1c2: {  	v32 =	vadd.f32 v46, v7;
	v46 =	vld [tilespmem:$0x1FBC0]  }
0x1c3: {  	v26 =	vmul.f32 v27, v38;
	v17 =	vld.idx.msk [tilespmem:v2+s18+$0x0], $0xffff  }
0x1c4: {  	s7 =	sadd.s32 $0x4, s7;
	v18 =	vor.u32 v57, v18;
	v28 =	vmul.f32 v28, v38;
	v20 =	vmul.f32 v5, v38;
	v15 =	vld.idx.msk [tilespmem:v10+s18+$0x0], $0xffff  }
0x1c5: {  	_ =	sdelay $0x3  }
0x1c6: {  	v2 =	vld.idx.msk [tilespmem:v8+s18+$0x0], $0xffff  }
0x1c7: {  	v8 =	vld [tilespmem:$0x1FD60];
	_ =	sdelay $0x7  }
0x1c8: {  	v10 =	vld.idx.msk [tilespmem:v8+s18+$0x0], $0xffff  }
0x1c9: {  	v8 =	vld [tilespmem:$0x1FD80];
	_ =	sdelay $0x7  }
0x1ca: {  	v12 =	vld.idx.msk [tilespmem:v8+s18+$0x0], $0xffff  }
0x1cb: {  	v8 =	vld [tilespmem:$0x1FC50];
	_ =	sdelay $0x4  }
0x1cc: {  	v14 =	vadd.f32 v8, v14;
	v8 =	vld [tilespmem:$0x1FC60];
	_ =	sdelay $0x4  }
0x1cd: {  	v27 =	vadd.f32 v8, v31;
	v8 =	vld [tilespmem:$0x1FDA0];
	_ =	sdelay $0x5  }
0x1ce: {  	v24 =	vmul.f32 v24, v38;
	_ =	sdelay $0x1  }
0x1cf: {  	v24 =	vadd.f32 v24, v27;
	v27 =	vld.idx.msk [tilespmem:v8+s18+$0x0], $0xffff  }
0x1d0: {  	v8 =	vld [tilespmem:$0x1FC20];
	_ =	sdelay $0x4  }
0x1d1: {  	v7 =	vld [tilespmem:$0x1FD50]  }
0x1d2: {  	v4 =	vld.idx.msk [tilespmem:v9+s18+$0x0], $0xffff;
	v26 =	vadd.f32 v26, v30  }
0x1d3: {  	v5 =	vld.idx.msk [tilespmem:v58+s18+$0x0], $0xffff  }
0x1d4: {  	v21 =	vadd.f32 v21, v26;
	v26 =	vld.idx.msk [tilespmem:v8+s18+$0x0], $0xffff  }
0x1d5: {  	v8 =	vld [tilespmem:$0x1FC30]  }
0x1d6: {  	v6 =	vld [tilespmem:$0x1FD30]  }
0x1d7: {  	v28 =	vadd.f32 v28, v29;
	v29 =	vld [tilespmem:$0x1FCA0]  }
0x1d8: {  	v9 =	vld.idx.msk [tilespmem:v44+s18+$0x0], $0xffff  }
0x1d9: {  	v7 =	vld.idx.msk [tilespmem:v7+s18+$0x0], $0xffff  }
0x1da: {  	v11 =	vld.idx.msk [tilespmem:v11+s18+$0x0], $0xffff  }
0x1db: {  	v16 =	vld.idx.msk [tilespmem:v16+s18+$0x0], $0xffff;
	v23 =	vmul.f32 v23, v39;
	v25 =	vmul.f32 v25, v39;
	v14 =	vadd.f32 v20, v14  }
0x1dc: {  	v18 =	vld.idx.msk [tilespmem:v18+s18+$0x0], $0xffff;
	v5 =	vmul.f32 v5, v38;
	v29 =	vadd.f32 v29, v48  }
0x1dd: {  	v14 =	vadd.f32 v23, v14;
	v23 =	vadd.f32 v25, v24;
	v24 =	vld.idx.msk [tilespmem:v8+s18+$0x0], $0xffff  }
0x1de: {  	v5 =	vadd.f32 v5, v29;
	v7 =	vmul.f32 v7, v39;
	v8 =	vld [tilespmem:$0x1FCF0]  }
0x1df: {  	v6 =	vld.idx.msk [tilespmem:v6+s18+$0x0], $0xffff  }
0x1e0: {  	v5 =	vadd.f32 v7, v5;
	v7 =	vmul.f32 v9, v38;
	v9 =	vld [tilespmem:$0x1FCB0]  }
0x1e1: {  	s7 =	sshll.u32 s25, $0x5;
	v20 =	vld.idx.msk [tilespmem:v60+s18+$0x0], $0xffff  }
0x1e2: {  	s7 =	sand.u32 $0x3FFFFFE0, s7;
	v25 =	vld [tilespmem:$0x1FC80]  }
0x1e3: {  	[tilespmem:s7+$0x18C00] =	vst v8;
	v8 =	vadd.f32 v33, v23;
	v23 =	vld [tilespmem:$0x1FD70]  }
0x1e4: {  	v19 =	vadd.f32 v19, v28;
	v28 =	vld [tilespmem:$0x1FD90]  }
0x1e5: {  	s8 =	smul.u32 $0xA00, s25;
	v30 =	vld [tilespmem:$0x1FDD0]  }
0x1e6: {  	v3 =	vadd.f32 v3, v5;
	v5 =	vld [tilespmem:$0x1FCC0]  }
0x1e7: {  	s8 =	sshra.s32 s8, $0x2  }
0x1e8: {  	v2 =	vmul.f32 v2, v38;
	v9 =	vadd.f32 v9, v41;
	v25 =	vadd.f32 v25, v46;
	[tilespmem:s8+$0x18E00] =	vst v23;
	v23 =	vld [tilespmem:$0x1FC70]  }
0x1e9: {  	v13 =	vmul.f32 v13, v39;
	v21 =	vadd.f32 v50, v21;
	[tilespmem:s8+$0x18E10] =	vst v28;
	v28 =	vld [tilespmem:$0x1FC90]  }
0x1ea: {  	v10 =	vmul.f32 v10, v39;
	v7 =	vadd.f32 v7, v9;
	v2 =	vadd.f32 v2, v25;
	[tilespmem:s8+$0x18E20] =	vst v30  }
0x1eb: {  	v19 =	vadd.f32 v59, v19;
	v11 =	vmul.f32 v11, v38;
	v5 =	vadd.f32 v5, v43;
	[tilespmem:s8+$0x18E40] =	vst v34  }
0x1ec: {  	v7 =	vadd.f32 v10, v7;
	v2 =	vadd.f32 v13, v2;
	v13 =	vld [tilespmem:$0x1FCD0];
	[tilespmem:s8+$0x18E50] =	vst v40  }
0x1ed: {  	v17 =	vmul.f32 v17, v38;
	v5 =	vadd.f32 v11, v5;
	[tilespmem:s8+$0x18E60] =	vst v36;
	v23 =	vadd.f32 v23, v45  }
0x1ee: {  	v4 =	vmul.f32 v4, v38;
	v9 =	vld [tilespmem:$0x1FCE0];
	v0 =	vadd.f32 v0, v7;
	[tilespmem:s8+$0x18E70] =	vst v32;
	v28 =	vadd.f32 v28, v47  }
0x1ef: {  	v15 =	vmul.f32 v15, v39;
	v14 =	vadd.f32 v42, v14;
	[tilespmem:s8+$0x18E80] =	vst v21;
	v17 =	vadd.f32 v17, v23  }
0x1f0: {  	v6 =	vmul.f32 v6, v39;
	v2 =	vadd.f32 v53, v2;
	[tilespmem:s8+$0x18E90] =	vst v19;
	v4 =	vadd.f32 v4, v28  }
0x1f1: {  	v13 =	vadd.f32 v13, v37;
	[tilespmem:s8+$0x18EA0] =	vst v14;
	v15 =	vadd.f32 v15, v17  }
0x1f2: {  	[tilespmem:s8+$0x18ED0] =	vst v2;
	v4 =	vadd.f32 v6, v4;
	v6 =	vmul.f32 v12, v39;
	v12 =	vmul.f32 v16, v38  }
0x1f3: {  	v9 =	vadd.f32 v9, v35;
	v14 =	vmul.f32 v18, v38;
	[tilespmem:s8+$0x18EF0] =	vst v3;
	v1 =	vadd.f32 v1, v15  }
0x1f4: {  	[tilespmem:s8+$0x18EB0] =	vst v8;
	v8 =	vmul.f32 v20, v39;
	v23 =	vld [tilespmem:$0x1FDE0];
	v11 =	vadd.f32 v12, v13;
	v5 =	vadd.f32 v6, v5  }
0x1f5: {  	v4 =	vadd.f32 v52, v4;
	[tilespmem:s8+$0x18EC0] =	vst v1;
	v1 =	vadd.f32 v14, v9;
	v9 =	vmul.f32 v27, v39  }
0x1f6: {  	v2 =	vmul.f32 v26, v22;
	[tilespmem:s8+$0x18F00] =	vst v0;
	v6 =	vadd.f32 v8, v11;
	v5 =	vadd.f32 v54, v5  }
0x1f7: {  	[tilespmem:s8+$0x18EE0] =	vst v4;
	v4 =	vmul.f32 v24, v22;
	v1 =	vadd.f32 v9, v1  }
0x1f8: {  	v2 =	vadd.f32 v2, v6;
	[tilespmem:s8+$0x18F10] =	vst v5  }
0x1f9: {  	p0 =	seq.s32 s25, $0xF;
	[tilespmem:s8+$0x18E30] =	vst v23;
	v0 =	vadd.f32 v4, v1  }
0x1fa: {  	s6 =	sadd.s32 @!p0 $0x2, s6;
	s9 =	simm.s32 @!p0 $0x2C00;
	[tilespmem:s8+$0x18F20] =	vst v2  }
0x1fb: {  	s7 =	sshll.u32 @!p0 s6, $0x4;
	s6 =	smul.u32 @!p0 $0x500, s6;
	[tilespmem:s8+$0x18F30] =	vst v0;
	s8 =	simm.s32 @!p0 $0x10  }
0x1fc: {  	[tilespmem:s9], [sflag:$0x1] =	stream.indirect.gather @!p0 [hbm4b:s3+s8], $0x80, s7, s8, $0xb8;
	[tilespmem:$0x1B600] =	vst v63  }
0x1fd: {  	s6 =	sshra.s32 @!p0 s6, $0x2;
	s7 =	sadd.s32 @!p0 $0x200, s7;
	s9 =	simm.s32 @!p0 $0x3C00  }
0x1fe: {  	[tilespmem:s9], [sflag:$0x1] =	stream.indirect.gather @!p0 [hbm4b:s4+s8], $0x80, s7, s8, $0xb8;
	[tilespmem:$0x1B600] =	vst v63  }
0x1ff: {  	s7 =	sadd.s32 @!p0 $0x400, s6;
	s8 =	simm.s32 @!p0 $0x40;
	s9 =	simm.s32 @!p0 $0x4C00  }
0x200: {  	[tilespmem:s9], [sflag:$0x1] =	stream.indirect.gather @!p0 [hbm4b:s4+s8], $0x80, s7, s8, $0xb8;
	[tilespmem:$0x1B600] =	vst v63  }
0x201: {  	s7 =	sadd.s32 @!p0 $0x440, s6;
	s9 =	simm.s32 @!p0 $0x6C00  }
0x202: {  	[tilespmem:s9], [sflag:$0x1] =	stream.indirect.gather @!p0 [hbm4b:s4+s8], $0x80, s7, s8, $0xb8;
	[tilespmem:$0x1B600] =	vst v63  }
0x203: {  	s7 =	sadd.s32 @!p0 $0x480, s6;
	s9 =	simm.s32 @!p0 $0x8C00  }
0x204: {  	[tilespmem:s9], [sflag:$0x1] =	stream.indirect.gather @!p0 [hbm4b:s4+s8], $0x80, s7, s8, $0xb8;
	[tilespmem:$0x1B600] =	vst v63  }
0x205: {  	s7 =	sadd.s32 @!p0 $0x4C0, s6;
	s9 =	simm.s32 @!p0 $0xAC00  }
0x206: {  	[tilespmem:s9], [sflag:$0x1] =	stream.indirect.gather @!p0 [hbm4b:s4+s8], $0x80, s7, s8, $0xb8;
	[tilespmem:$0x1B600] =	vst v63  }
0x207: {  	s6 =	sadd.s32 @!p0 $0x500, s6;
	s7 =	simm.s32 @!p0 $0xCC00  }
0x208: {  	[tilespmem:s7], [sflag:$0x1] =	stream.indirect.gather @!p0 [hbm4b:s4+s8], $0x80, s6, s8, $0xb8;
	[tilespmem:$0x1B600] =	vst v63  }
0x209: {  	_ =	swait.ge [sflag:s21], $0x800  }
0x20a: {  	[sflag:s21] =	ssyncset.done $0x0  }
0x20b: {  	[sflag:s21] =	ssyncadd.s32 $0xFFFFF800  }
0x20c: {  	_ =	swait.ge [sflag:s21], $0x800  }
0x20d: {  	[sflag:s21] =	ssyncset.done $0x0  }
0x20e: {  	[sflag:s21] =	ssyncadd.s32 $0xFFFFF800  }
0x20f: {  	_ =	swait.ge [sflag:s21], $0x2000  }
0x210: {  	[sflag:s21] =	ssyncset.done $0x0  }
0x211: {  	[sflag:s21] =	ssyncadd.s32 $0xFFFFE000  }
0x212: {  	_ =	swait.ge [sflag:s21], $0x2000  }
0x213: {  	[sflag:s21] =	ssyncset.done $0x0  }
0x214: {  	[sflag:s21] =	ssyncadd.s32 $0xFFFFE000  }
0x215: {  	_ =	swait.ge [sflag:s21], $0x2000  }
0x216: {  	[sflag:s21] =	ssyncset.done $0x0  }
0x217: {  	[sflag:s21] =	ssyncadd.s32 $0xFFFFE000  }
0x218: {  	_ =	swait.ge [sflag:s21], $0x2000  }
0x219: {  	[sflag:s21] =	ssyncset.done $0x0  }
0x21a: {  	[sflag:s21] =	ssyncadd.s32 $0xFFFFE000  }
0x21b: {  	_ =	swait.ge [sflag:s21], $0x2000  }
0x21c: {  	v41 =	vld [tilespmem:$0x1FEE0]  }
0x21d: {  	v47 =	vld [tilespmem:$0x1FEF0]  }
0x21e: {  	v49 =	vld [tilespmem:$0x1FF00]  }
0x21f: {  	v52 =	vld [tilespmem:$0x1FF10]  }
0x220: {  	s9 =	simm.s32 $0x0;
	v54 =	vld [tilespmem:$0x1FF20]  }
0x221: {  	v0 =	vmov s9;
	v60 =	vld [tilespmem:$0x1FF30]  }
0x222: {  	v0 =	vand.u32 $0x7C, v0;
	v61 =	vld [tilespmem:$0x1FF40]  }
0x223: {  	v0 =	vbroadcast v0, $0x0;
	v58 =	vld [tilespmem:$0x1FF50]  }
0x224: {  	v19 =	vld [tilespmem:$0x1FF60]  }
0x225: {  	v1 =	vor.u32 v62, v0;
	v18 =	vld [tilespmem:$0x1FFD0]  }
0x226: {  	v16 =	vld [tilespmem:$0x1FF70]  }
0x227: {  	v26 =	vld [tilespmem:$0x1FF80]  }
0x228: {  	[sflag:s21] =	ssyncset.done $0x0;
	v30 =	vld [tilespmem:$0x1FF90]  }
0x229: {  	v34 =	vld [tilespmem:$0x1FFA0];
	[sflag:s21] =	ssyncadd.s32 $0xFFFFE000  }
0x22a: {  	v6 =	vld.idx.msk [tilespmem:v1+s28+$0x0], $0xffff  }
0x22b: {  	v7 =	vld.idx.msk [tilespmem:v1+s29+$0x0], $0xffff;
	v1 =	vor.u32 v54, v0  }
0x22c: {  	v37 =	vld [tilespmem:$0x1FFB0];
	v2 =	vor.u32 v41, v0  }
0x22d: {  	v40 =	vld [tilespmem:$0x1FFC0];
	v3 =	vor.u32 v47, v0  }
0x22e: {  	v50 =	vld [tilespmem:$0x1FFE0];
	v4 =	vor.u32 v49, v0  }
0x22f: {  	v63 =	vld [tilespmem:$0x1FEB0];
	v5 =	vor.u32 v52, v0  }
0x230: {  	v1 =	vld.idx.msk [tilespmem:v1+s30+$0x0], $0xffff  }
0x231: {  	v8 =	vld.idx.msk [tilespmem:v2+s30+$0x0], $0xffff;
	v2 =	vor.u32 v60, v0  }
0x232: {  	v9 =	vld.idx.msk [tilespmem:v3+s30+$0x0], $0xffff;
	v3 =	vor.u32 v61, v0  }
0x233: {  	v10 =	vld.idx.msk [tilespmem:v4+s30+$0x0], $0xffff;
	v4 =	vor.u32 v58, v0  }
0x234: {  	v11 =	vld.idx.msk [tilespmem:v5+s30+$0x0], $0xffff;
	v5 =	vor.u32 v19, v0  }
0x235: {  	v53 =	vld [tilespmem:$0x1FFF0];
	v23 =	vor.u32 v63, v0;
	[tilespmem:$0x1F6F0] =	vst v1  }
0x236: {  	v1 =	vor.u32 v18, v0;
	v46 =	vld.idx.msk [tilespmem:v2+s30+$0x0], $0xffff  }
0x237: {  	v2 =	vor.u32 v16, v0;
	v51 =	vld.idx.msk [tilespmem:v3+s30+$0x0], $0xffff  }
0x238: {  	v3 =	vor.u32 v26, v0;
	v17 =	vld.idx.msk [tilespmem:v4+s30+$0x0], $0xffff  }
0x239: {  	v4 =	vor.u32 v30, v0;
	v48 =	vld.idx.msk [tilespmem:v5+s30+$0x0], $0xffff  }
0x23a: {  	v5 =	vor.u32 v34, v0;
	v23 =	vld.idx.msk [tilespmem:v23+s30+$0x0], $0xffff  }
0x23b: {  	v15 =	vld.idx.msk [tilespmem:v1+s30+$0x0], $0xffff;
	v1 =	vor.u32 v37, v0  }
0x23c: {  	v42 =	vld.idx.msk [tilespmem:v2+s30+$0x0], $0xffff;
	v2 =	vor.u32 v40, v0  }
0x23d: {  	s7 =	simm.s32 $0x3;
	v22 =	vor.u32 v53, v0;
	v20 =	vld.idx.msk [tilespmem:v3+s30+$0x0], $0xffff  }
0x23e: {  	v13 =	vmov s7;
	v3 =	vor.u32 v50, v0;
	v21 =	vld.idx.msk [tilespmem:v4+s30+$0x0], $0xffff  }
0x23f: {  	v13 =	vand.u32 $0x7F, v13;
	v25 =	vld.idx.msk [tilespmem:v5+s30+$0x0], $0xffff  }
0x240: {  	v24 =	vbroadcast v13, $0x0;
	v0 =	vor.u32 v57, v0;
	v12 =	vld.idx.msk [tilespmem:v1+s30+$0x0], $0xffff  }
0x241: {  	v28 =	vld.idx.msk [tilespmem:v2+s30+$0x0], $0xffff  }
0x242: {  	v2 =	vld.idx.msk [tilespmem:v22+s30+$0x0], $0xffff;
	v22 =	vor.u32 v19, v24  }
0x243: {  	v3 =	vld.idx.msk [tilespmem:v3+s30+$0x0], $0xffff;
	[tilespmem:$0x1F7B0] =	vst v22;
	v22 =	vor.u32 v18, v24  }
0x244: {  	v27 =	vor.u32 v62, v24;
	[tilespmem:$0x1F7C0] =	vst v22  }
0x245: {  	v43 =	vld.idx.msk [tilespmem:v0+s30+$0x0], $0xffff;
	v0 =	vor.u32 v16, v24  }
0x246: {  	[tilespmem:$0x1F7D0] =	vst v0;
	v0 =	vor.u32 v26, v24  }
0x247: {  	[tilespmem:$0x1F7F0] =	vst v0;
	v0 =	vor.u32 v30, v24  }
0x248: {  	v29 =	vor.u32 v41, v24;
	[tilespmem:$0x1F860] =	vst v0;
	v0 =	vor.u32 v34, v24  }
0x249: {  	s8 =	simm.s32 $0x1;
	v31 =	vor.u32 v47, v24;
	v22 =	vld.idx.msk [tilespmem:v27+s28+$0x0], $0xffff;
	[tilespmem:$0x1F8A0] =	vst v0;
	v0 =	vor.u32 v37, v24  }
0x24a: {  	s9 =	simm.s32 $0x2;
	v32 =	vor.u32 v49, v24;
	v4 =	vmov s8;
	[tilespmem:$0x1F8E0] =	vst v0;
	v0 =	vor.u32 v40, v24  }
0x24b: {  	v5 =	vmov s9;
	v1 =	vand.u32 $0x7D, v4;
	[tilespmem:$0x1F8F0] =	vst v0;
	v0 =	vor.u32 v50, v24  }
0x24c: {  	v4 =	vand.u32 $0x7E, v5;
	v13 =	vbroadcast v1, $0x0;
	v27 =	vld.idx.msk [tilespmem:v27+s29+$0x0], $0xffff;
	[tilespmem:$0x1F900] =	vst v0;
	v0 =	vor.u32 v53, v24  }
0x24d: {  	v33 =	vor.u32 v52, v24;
	v4 =	vbroadcast v4, $0x0;
	[tilespmem:$0x1F910] =	vst v0;
	v0 =	vor.u32 v63, v24  }
0x24e: {  	v39 =	vor.u32 v62, v13;
	v29 =	vld.idx.msk [tilespmem:v29+s30+$0x0], $0xffff;
	[tilespmem:$0x1F6D0] =	vst v0;
	v0 =	vor.u32 v57, v24  }
0x24f: {  	v31 =	vld.idx.msk [tilespmem:v31+s30+$0x0], $0xffff;
	[tilespmem:$0x1F6E0] =	vst v0;
	v0 =	vor.u32 v54, v4  }
0x250: {  	v44 =	vor.u32 v62, v4;
	v32 =	vld.idx.msk [tilespmem:v32+s30+$0x0], $0xffff;
	[tilespmem:$0x1F850] =	vst v0;
	v0 =	vor.u32 v60, v4  }
0x251: {  	v35 =	vor.u32 v54, v24;
	[tilespmem:$0x1F890] =	vst v0;
	v0 =	vor.u32 v61, v4  }
0x252: {  	v51 =	vmul.f32 v51, v6;
	v15 =	vmul.f32 v15, v6;
	v33 =	vld.idx.msk [tilespmem:v33+s30+$0x0], $0xffff;
	[tilespmem:$0x1F8B0] =	vst v0  }
0x253: {  	v55 =	vor.u32 v41, v4;
	v45 =	vor.u32 v41, v13;
	v41 =	vmul.f32 v46, v6;
	v38 =	vld.idx.msk [tilespmem:v39+s28+$0x0], $0xffff  }
0x254: {  	v46 =	vld.idx.msk [tilespmem:v39+s29+$0x0], $0xffff;
	[tilespmem:$0x1F8C0] =	vst v51;
	v51 =	vmul.f32 v17, v6;
	v17 =	vor.u32 v58, v4  }
0x255: {  	v39 =	vld.idx.msk [tilespmem:v44+s28+$0x0], $0xffff;
	[tilespmem:$0x1F8D0] =	vst v17;
	v17 =	vmul.f32 v48, v6  }
0x256: {  	v36 =	vor.u32 v60, v24;
	[tilespmem:$0x1F930] =	vst v15  }
0x257: {  	v42 =	vmul.f32 v42, v6;
	[tilespmem:$0x1F920] =	vst v17  }
0x258: {  	v20 =	vmul.f32 v20, v6;
	v17 =	vld.idx.msk [tilespmem:v44+s29+$0x0], $0xffff  }
0x259: {  	v5 =	vor.u32 v58, v24;
	v21 =	vmul.f32 v21, v6;
	v44 =	vld.idx.msk [tilespmem:v35+s30+$0x0], $0xffff;
	[tilespmem:$0x1F700] =	vst v42  }
0x25a: {  	v1 =	vor.u32 v61, v24;
	v12 =	vmul.f32 v12, v6;
	v24 =	vor.u32 v47, v4;
	[tilespmem:$0x1F710] =	vst v20  }
0x25b: {  	v47 =	vor.u32 v47, v13;
	v36 =	vld.idx.msk [tilespmem:v36+s30+$0x0], $0xffff;
	[tilespmem:$0x1F720] =	vst v21;
	v21 =	vmul.f32 v25, v6  }
0x25c: {  	[tilespmem:$0x1F740] =	vst v12;
	v12 =	vmul.f32 v28, v6  }
0x25d: {  	v3 =	vmul.f32 v3, v6;
	[tilespmem:$0x1F730] =	vst v21  }
0x25e: {  	v21 =	vld.idx.msk [tilespmem:v45+s30+$0x0], $0xffff;
	[tilespmem:$0x1F750] =	vst v12  }
0x25f: {  	[tilespmem:$0x1F760] =	vst v3  }
0x260: {  	v28 =	vld.idx.msk [tilespmem:v47+s30+$0x0], $0xffff  }
0x261: {  	v47 =	vld.idx.msk [tilespmem:v1+s30+$0x0], $0xffff;
	v1 =	vmul.f32 v2, v6  }
0x262: {  	v7 =	vmul.f32 v7, v6  }
0x263: {  	v14 =	vimm.f32 $0.0e+00;
	v0 =	vld [tilespmem:$0x1F6F0];
	v15 =	vor.u32 v49, v13;
	[tilespmem:$0x1F770] =	vst v1;
	v1 =	vmul.f32 v23, v6  }
0x264: {  	v7 =	vadd.f32 v7, v14;
	v20 =	vor.u32 v52, v13;
	v25 =	vmul.f32 v46, v38  }
0x265: {  	v8 =	vmul.f32 v8, v6;
	[tilespmem:$0x1F780] =	vst v1;
	v1 =	vmul.f32 v43, v6  }
0x266: {  	v9 =	vmul.f32 v9, v6;
	v7 =	vadd.f32 v25, v7;
	v17 =	vmul.f32 v17, v39  }
0x267: {  	v10 =	vmul.f32 v10, v6;
	v11 =	vmul.f32 v11, v6;
	[tilespmem:$0x1F790] =	vst v1  }
0x268: {  	v0 =	vmul.f32 v0, v6;
	v23 =	vmul.f32 v27, v22;
	v7 =	vadd.f32 v17, v7;
	v6 =	vld.idx.msk [tilespmem:v15+s30+$0x0], $0xffff  }
0x269: {  	v20 =	vld.idx.msk [tilespmem:v20+s30+$0x0], $0xffff  }
0x26a: {  	v1 =	vadd.f32 v23, v7;
	v17 =	vld.idx.msk [tilespmem:v55+s30+$0x0], $0xffff  }
0x26b: {  	v24 =	vld.idx.msk [tilespmem:v24+s30+$0x0], $0xffff  }
0x26c: {  	[tilespmem:$0x1F7A0] =	vst v1;
	v1 =	vld [tilespmem:$0x1F7B0];
	_ =	sdelay $0x7  }
0x26d: {  	v56 =	vor.u32 v49, v4;
	v49 =	vld.idx.msk [tilespmem:v1+s30+$0x0], $0xffff  }
0x26e: {  	v1 =	vld [tilespmem:$0x1F7C0];
	_ =	sdelay $0x1  }
0x26f: {  	v59 =	vor.u32 v52, v4;
	_ =	sdelay $0x4  }
0x270: {  	v23 =	vld.idx.msk [tilespmem:v59+s30+$0x0], $0xffff  }
0x271: {  	v59 =	vld.idx.msk [tilespmem:v1+s30+$0x0], $0xffff  }
0x272: {  	v1 =	vld [tilespmem:$0x1F7D0];
	_ =	sdelay $0x3  }
0x273: {  	v8 =	vadd.f32 v8, v14;
	v21 =	vmul.f32 v21, v38  }
0x274: {  	v28 =	vmul.f32 v28, v38;
	v7 =	vadd.f32 v9, v14  }
0x275: {  	v10 =	vadd.f32 v10, v14;
	v8 =	vadd.f32 v21, v8;
	v21 =	vld.idx.msk [tilespmem:v56+s30+$0x0], $0xffff;
	v6 =	vmul.f32 v6, v38  }
0x276: {  	v7 =	vadd.f32 v28, v7;
	v28 =	vld.idx.msk [tilespmem:v5+s30+$0x0], $0xffff  }
0x277: {  	v6 =	vadd.f32 v6, v10;
	v10 =	vor.u32 v60, v13;
	v60 =	vld.idx.msk [tilespmem:v1+s30+$0x0], $0xffff;
	v1 =	vor.u32 v37, v4  }
0x278: {  	[tilespmem:$0x1F7E0] =	vst v1;
	v1 =	vld [tilespmem:$0x1F7F0];
	_ =	sdelay $0x3  }
0x279: {  	v9 =	vor.u32 v54, v13  }
0x27a: {  	v11 =	vadd.f32 v11, v14;
	v20 =	vmul.f32 v20, v38;
	v17 =	vmul.f32 v17, v39  }
0x27b: {  	v24 =	vmul.f32 v24, v39  }
0x27c: {  	v11 =	vadd.f32 v20, v11;
	v20 =	vor.u32 v61, v13;
	v8 =	vadd.f32 v17, v8  }
0x27d: {  	v17 =	vor.u32 v58, v13;
	v7 =	vadd.f32 v24, v7;
	v24 =	vld.idx.msk [tilespmem:v1+s30+$0x0], $0xffff;
	v1 =	vor.u32 v40, v4  }
0x27e: {  	v9 =	vld.idx.msk [tilespmem:v9+s30+$0x0], $0xffff;
	[tilespmem:$0x1F800] =	vst v1;
	v1 =	vor.u32 v50, v4  }
0x27f: {  	v29 =	vmul.f32 v29, v22;
	v12 =	vadd.f32 v0, v14;
	v0 =	vld [tilespmem:$0x1F860];
	[tilespmem:$0x1F810] =	vst v1;
	v1 =	vor.u32 v53, v4  }
0x280: {  	v10 =	vld.idx.msk [tilespmem:v10+s30+$0x0], $0xffff;
	[tilespmem:$0x1F820] =	vst v1;
	v1 =	vor.u32 v63, v4  }
0x281: {  	v61 =	vadd.f32 v29, v8;
	v8 =	vld.idx.msk [tilespmem:v20+s30+$0x0], $0xffff;
	[tilespmem:$0x1F830] =	vst v1  }
0x282: {  	v1 =	vor.u32 v57, v4;
	v17 =	vld.idx.msk [tilespmem:v17+s30+$0x0], $0xffff  }
0x283: {  	[tilespmem:$0x1F840] =	vst v1;
	v1 =	vld [tilespmem:$0x1F850];
	_ =	sdelay $0x1  }
0x284: {  	v31 =	vmul.f32 v31, v22;
	v21 =	vmul.f32 v21, v39  }
0x285: {  	v23 =	vmul.f32 v23, v39  }
0x286: {  	v6 =	vadd.f32 v21, v6;
	v58 =	vadd.f32 v31, v7;
	v7 =	vmul.f32 v32, v22  }
0x287: {  	v35 =	vor.u32 v16, v4;
	v46 =	vor.u32 v30, v4  }
0x288: {  	v11 =	vadd.f32 v23, v11;
	v20 =	vmul.f32 v33, v22;
	v21 =	vld.idx.msk [tilespmem:v0+s30+$0x0], $0xffff;
	v0 =	vadd.f32 v7, v6  }
0x289: {  	v25 =	vor.u32 v18, v4;
	v45 =	vor.u32 v19, v4;
	v27 =	vor.u32 v26, v4  }
0x28a: {  	v55 =	vor.u32 v34, v4;
	v4 =	vld.idx.msk [tilespmem:v1+s30+$0x0], $0xffff;
	[tilespmem:$0x1F870] =	vst v0;
	v0 =	vadd.f32 v20, v11;
	_ =	sdelay $0x1  }
0x28b: {  	[tilespmem:$0x1F880] =	vst v0;
	v0 =	vld [tilespmem:$0x1F890];
	_ =	sdelay $0x7  }
0x28c: {  	v3 =	vld.idx.msk [tilespmem:v0+s30+$0x0], $0xffff  }
0x28d: {  	v0 =	vld [tilespmem:$0x1F8A0];
	_ =	sdelay $0x7  }
0x28e: {  	v31 =	vld.idx.msk [tilespmem:v0+s30+$0x0], $0xffff  }
0x28f: {  	v0 =	vld [tilespmem:$0x1F8B0];
	_ =	sdelay $0x7  }
0x290: {  	v5 =	vld.idx.msk [tilespmem:v0+s30+$0x0], $0xffff  }
0x291: {  	v0 =	vld [tilespmem:$0x1F8C0];
	_ =	sdelay $0x1  }
0x292: {  	v2 =	vld [tilespmem:$0x1F8D0];
	_ =	sdelay $0x2  }
0x293: {  	v6 =	vld [tilespmem:$0x1F8E0];
	v8 =	vmul.f32 v8, v38;
	v0 =	vadd.f32 v0, v14;
	_ =	sdelay $0x1  }
0x294: {  	v23 =	vor.u32 v19, v13;
	v0 =	vadd.f32 v8, v0;
	v8 =	vld [tilespmem:$0x1F900];
	_ =	sdelay $0x1  }
0x295: {  	v48 =	vimm.f32 $0.0e+00;
	v43 =	vmul.f32 v36, v22  }
0x296: {  	v52 =	vor.u32 v30, v13;
	v30 =	vmul.f32 v47, v22;
	v9 =	vmul.f32 v9, v38;
	v2 =	vld.idx.msk [tilespmem:v2+s30+$0x0], $0xffff  }
0x297: {  	v54 =	vor.u32 v37, v13;
	v47 =	vmul.f32 v28, v22;
	v32 =	vor.u32 v26, v13;
	v26 =	vld.idx.msk [tilespmem:v45+s30+$0x0], $0xffff  }
0x298: {  	v29 =	vor.u32 v16, v13;
	v37 =	vimm.f32 $0.0e+00;
	v11 =	vadd.f32 v9, v12;
	v28 =	vld.idx.msk [tilespmem:v23+s30+$0x0], $0xffff  }
0x299: {  	v9 =	vadd.f32 v41, v14;
	v1 =	vadd.f32 v51, v14;
	v4 =	vmul.f32 v4, v39;
	v14 =	vld.idx.msk [tilespmem:v6+s30+$0x0], $0xffff  }
0x29a: {  	v7 =	vmul.f32 v10, v38;
	v10 =	vmul.f32 v17, v38;
	v20 =	vor.u32 v18, v13;
	v6 =	vld [tilespmem:$0x1F8F0]  }
0x29b: {  	v17 =	vor.u32 v40, v13;
	v18 =	vmul.f32 v44, v22;
	v4 =	vadd.f32 v4, v11;
	v42 =	vld.idx.msk [tilespmem:v8+s30+$0x0], $0xffff  }
0x29c: {  	v51 =	vmul.f32 v49, v22;
	v49 =	vimm.f32 $0.0e+00;
	v7 =	vadd.f32 v7, v9;
	v8 =	vld [tilespmem:$0x1F910]  }
0x29d: {  	v1 =	vadd.f32 v10, v1;
	v36 =	vadd.f32 v18, v4;
	v4 =	vld [tilespmem:$0x1F920];
	v3 =	vmul.f32 v3, v39  }
0x29e: {  	v10 =	vor.u32 v53, v13;
	v9 =	vmul.f32 v24, v22;
	v23 =	vld.idx.msk [tilespmem:v32+s30+$0x0], $0xffff;
	v5 =	vmul.f32 v5, v39  }
0x29f: {  	v32 =	vimm.f32 $0.0e+00;
	v20 =	vld.idx.msk [tilespmem:v20+s30+$0x0], $0xffff;
	v44 =	vadd.f32 v3, v7;
	v3 =	vmul.f32 v2, v39  }
0x2a0: {  	v25 =	vld.idx.msk [tilespmem:v25+s30+$0x0], $0xffff;
	v45 =	vimm.f32 $0.0e+00;
	v2 =	vmul.f32 v59, v22;
	v15 =	vadd.f32 v5, v0  }
0x2a1: {  	v7 =	vmul.f32 v60, v22;
	v60 =	vadd.f32 v3, v1;
	v3 =	vmul.f32 v31, v22;
	v31 =	vld.idx.msk [tilespmem:v29+s30+$0x0], $0xffff  }
0x2a2: {  	v1 =	vmul.f32 v21, v22;
	v41 =	vadd.f32 v30, v15;
	v30 =	vadd.f32 v4, v32;
	v4 =	vld [tilespmem:$0x1F930]  }
0x2a3: {  	v18 =	vor.u32 v57, v13;
	v21 =	vmul.f32 v26, v39;
	v26 =	vmul.f32 v28, v38;
	v33 =	vld.idx.msk [tilespmem:v6+s30+$0x0], $0xffff  }
0x2a4: {  	v40 =	vadd.f32 v43, v44;
	v28 =	vmul.f32 v20, v38;
	v43 =	vimm.f32 $0.0e+00;
	v19 =	vld.idx.msk [tilespmem:v8+s30+$0x0], $0xffff  }
0x2a5: {  	v24 =	vld.idx.msk [tilespmem:v35+s30+$0x0], $0xffff;
	v44 =	vimm.f32 $0.0e+00;
	v35 =	vadd.f32 v47, v60;
	v47 =	vimm.f32 $0.0e+00  }
0x2a6: {  	v20 =	vmul.f32 v31, v38;
	v15 =	vld.idx.msk [tilespmem:v46+s30+$0x0], $0xffff;
	v46 =	vimm.f32 $0.0e+00;
	v6 =	vor.u32 v34, v13  }
0x2a7: {  	v16 =	vld.idx.msk [tilespmem:v52+s30+$0x0], $0xffff;
	v34 =	vmul.f32 v14, v22;
	v14 =	vor.u32 v63, v13;
	v29 =	vadd.f32 v4, v32  }
0x2a8: {  	v33 =	vmul.f32 v33, v22;
	v53 =	vmul.f32 v42, v22;
	v8 =	vor.u32 v50, v13;
	v13 =	vld.idx.msk [tilespmem:v55+s30+$0x0], $0xffff  }
0x2a9: {  	s6 =	simm.s32 $0x4;
	v42 =	vimm.f32 $0.0e+00;
	v0 =	vmul.f32 v19, v22;
	v19 =	vmul.f32 v25, v39;
	v25 =	vld.idx.msk [tilespmem:v27+s30+$0x0], $0xffff  }
.LBB2_5:
0x2aa: {  	v4 =	vld [tilespmem:$0x1F700];
	v28 =	vadd.f32 v28, v29;
	_ =	sdelay $0x1  }
0x2ab: {  	v19 =	vadd.f32 v19, v28;
	_ =	sdelay $0x1  }
0x2ac: {  	v2 =	vadd.f32 v2, v19  }
0x2ad: {  	v27 =	vadd.f32 v4, v32;
	v4 =	vld [tilespmem:$0x1F710]  }
0x2ae: {  	[tilespmem:$0x1F6A0] =	vst v2;
	v2 =	vld [tilespmem:$0x1F820];
	_ =	sdelay $0x2  }
0x2af: {  	v24 =	vmul.f32 v24, v39  }
0x2b0: {  	v23 =	vmul.f32 v23, v38;
	v20 =	vadd.f32 v20, v27;
	v31 =	vadd.f32 v4, v49;
	_ =	sdelay $0x1  }
0x2b1: {  	v25 =	vmul.f32 v25, v39;
	v20 =	vadd.f32 v24, v20;
	v23 =	vadd.f32 v23, v31  }
0x2b2: {  	v11 =	vld.idx.msk [tilespmem:v6+s30+$0x0], $0xffff  }
0x2b3: {  	v23 =	vadd.f32 v25, v23;
	v6 =	vld.idx.msk [tilespmem:v2+s30+$0x0], $0xffff;
	v2 =	vadd.f32 v7, v20;
	_ =	sdelay $0x1  }
0x2b4: {  	[tilespmem:$0x1F620] =	vst v2;
	v2 =	vadd.f32 v9, v23;
	_ =	sdelay $0x1  }
0x2b5: {  	[tilespmem:$0x1F500] =	vst v2;
	v2 =	vld [tilespmem:$0x1F720];
	_ =	sdelay $0x4  }
0x2b6: {  	v7 =	vadd.f32 v2, v48;
	v2 =	vld [tilespmem:$0x1F730];
	_ =	sdelay $0x3  }
0x2b7: {  	v12 =	vld.idx.msk [tilespmem:v54+s30+$0x0], $0xffff  }
0x2b8: {  	v9 =	vadd.f32 v2, v47;
	v2 =	vld [tilespmem:$0x1F740];
	_ =	sdelay $0x2  }
0x2b9: {  	v4 =	vld [tilespmem:$0x1F7E0];
	_ =	sdelay $0x1  }
0x2ba: {  	v5 =	vmul.f32 v11, v38;
	v11 =	vmul.f32 v12, v38;
	v12 =	vadd.f32 v2, v45;
	v2 =	vld [tilespmem:$0x1F750];
	_ =	sdelay $0x3  }
0x2bb: {  	v26 =	vadd.f32 v26, v30  }
0x2bc: {  	v19 =	vadd.f32 v2, v46;
	v2 =	vld [tilespmem:$0x1F830]  }
0x2bd: {  	v21 =	vadd.f32 v21, v26;
	v26 =	vld.idx.msk [tilespmem:v4+s30+$0x0], $0xffff  }
0x2be: {  	v4 =	vld [tilespmem:$0x1F800];
	_ =	sdelay $0x1  }
0x2bf: {  	v16 =	vmul.f32 v16, v38;
	_ =	sdelay $0x1  }
0x2c0: {  	v15 =	vmul.f32 v15, v39;
	v7 =	vadd.f32 v16, v7  }
0x2c1: {  	v17 =	vld.idx.msk [tilespmem:v17+s30+$0x0], $0xffff  }
0x2c2: {  	v7 =	vadd.f32 v15, v7;
	v15 =	vld.idx.msk [tilespmem:v2+s30+$0x0], $0xffff  }
0x2c3: {  	v2 =	vld [tilespmem:$0x1F840]  }
0x2c4: {  	v24 =	vld.idx.msk [tilespmem:v4+s30+$0x0], $0xffff  }
0x2c5: {  	v4 =	vld [tilespmem:$0x1F810]  }
0x2c6: {  	v13 =	vmul.f32 v13, v39;
	v5 =	vadd.f32 v5, v9  }
0x2c7: {  	v17 =	vmul.f32 v17, v38;
	v9 =	vld.idx.msk [tilespmem:v14+s30+$0x0], $0xffff;
	v14 =	vmul.f32 v26, v39;
	v11 =	vadd.f32 v11, v12  }
0x2c8: {  	v1 =	vadd.f32 v1, v7;
	v5 =	vadd.f32 v13, v5  }
0x2c9: {  	v8 =	vld.idx.msk [tilespmem:v8+s30+$0x0], $0xffff;
	v11 =	vadd.f32 v14, v11;
	v12 =	vadd.f32 v17, v19;
	v17 =	vmul.f32 v24, v39  }
0x2ca: {  	v10 =	vld.idx.msk [tilespmem:v10+s30+$0x0], $0xffff;
	[tilespmem:$0x1F560] =	vst v1;
	v1 =	vadd.f32 v3, v5  }
0x2cb: {  	v12 =	vadd.f32 v17, v12;
	v14 =	vld.idx.msk [tilespmem:v2+s30+$0x0], $0xffff;
	v2 =	vadd.f32 v34, v11  }
0x2cc: {  	[tilespmem:$0x1F4E0] =	vst v1;
	v1 =	vld [tilespmem:$0x1F6D0]  }
0x2cd: {  	v25 =	vld.idx.msk [tilespmem:v4+s30+$0x0], $0xffff;
	[tilespmem:$0x1F610] =	vst v2;
	v2 =	vadd.f32 v33, v12  }
0x2ce: {  	v5 =	vld [tilespmem:$0x1F770]  }
0x2cf: {  	[tilespmem:$0x1F670] =	vst v2;
	v2 =	vld [tilespmem:$0x1F6E0]  }
0x2d0: {  	v4 =	vadd.f32 v51, v21;
	v3 =	vmul.f32 v10, v38;
	v10 =	vld [tilespmem:$0x1F790]  }
0x2d1: {  	v7 =	vmul.f32 v9, v38;
	v9 =	vld [tilespmem:$0x1F780]  }
0x2d2: {  	[tilespmem:$0x1F680] =	vst v4;
	v4 =	vld [tilespmem:$0x1F760]  }
0x2d3: {  	v16 =	vld.idx.msk [tilespmem:v18+s30+$0x0], $0xffff  }
0x2d4: {  	v1 =	vld.idx.msk [tilespmem:v1+s30+$0x0], $0xffff  }
0x2d5: {  	v5 =	vadd.f32 v5, v44  }
0x2d6: {  	v8 =	vmul.f32 v8, v38;
	v10 =	vadd.f32 v10, v42;
	v9 =	vadd.f32 v9, v37  }
0x2d7: {  	v6 =	vmul.f32 v6, v39;
	v4 =	vadd.f32 v4, v43;
	v3 =	vadd.f32 v3, v5;
	v2 =	vld.idx.msk [tilespmem:v2+s30+$0x0], $0xffff  }
0x2d8: {  	v7 =	vadd.f32 v7, v9;
	v5 =	vmul.f32 v15, v39;
	v11 =	vmul.f32 v16, v38  }
0x2d9: {  	v4 =	vadd.f32 v8, v4;
	v3 =	vadd.f32 v6, v3;
	v1 =	vmul.f32 v1, v22  }
0x2da: {  	v5 =	vadd.f32 v5, v7;
	v8 =	vadd.f32 v11, v10;
	v9 =	vmul.f32 v14, v39  }
0x2db: {  	v13 =	vmul.f32 v25, v39;
	v0 =	vadd.f32 v0, v3;
	v7 =	vmov s6  }
0x2dc: {  	v1 =	vadd.f32 v1, v5;
	v6 =	vadd.f32 v9, v8;
	v2 =	vmul.f32 v2, v22  }
0x2dd: {  	[tilespmem:$0x1F600] =	vst v0;
	v0 =	vand.u32 $0x7C, v7  }
0x2de: {  	v4 =	vadd.f32 v13, v4;
	v13 =	vbroadcast v0, $0x0;
	[tilespmem:$0x1F550] =	vst v1;
	v1 =	vadd.f32 v2, v6;
	_ =	sdelay $0x1  }
0x2df: {  	[tilespmem:$0x1F580] =	vst v1;
	v1 =	vor.u32 v62, v13  }
0x2e0: {  	v3 =	vld [tilespmem:$0x1FEE0];
	_ =	sdelay $0x2  }
0x2e1: {  	v24 =	vld [tilespmem:$0x1FEF0]  }
0x2e2: {  	v0 =	vld.idx.msk [tilespmem:v1+s28+$0x0], $0xffff  }
0x2e3: {  	v2 =	vor.u32 v3, v13;
	v1 =	vld.idx.msk [tilespmem:v1+s29+$0x0], $0xffff;
	_ =	sdelay $0x1  }
0x2e4: {  	v4 =	vadd.f32 v53, v4;
	_ =	sdelay $0x1  }
0x2e5: {  	v27 =	vld [tilespmem:$0x1FF00];
	[tilespmem:$0x1F510] =	vst v4  }
0x2e6: {  	v4 =	vor.u32 v24, v13;
	[tilespmem:$0x1F3E0] =	vst v1;
	v1 =	vld.idx.msk [tilespmem:v2+s30+$0x0], $0xffff;
	_ =	sdelay $0x3  }
0x2e7: {  	[tilespmem:$0x1F590] =	vst v36;
	v36 =	vld [tilespmem:$0x1FF10]  }
0x2e8: {  	v5 =	vor.u32 v27, v13;
	[tilespmem:$0x1F3F0] =	vst v1;
	v1 =	vld.idx.msk [tilespmem:v4+s30+$0x0], $0xffff;
	_ =	sdelay $0x3  }
0x2e9: {  	v54 =	vld [tilespmem:$0x1FF20]  }
0x2ea: {  	v6 =	vor.u32 v36, v13;
	[tilespmem:$0x1F400] =	vst v1;
	v1 =	vld.idx.msk [tilespmem:v5+s30+$0x0], $0xffff;
	_ =	sdelay $0x3  }
0x2eb: {  	v2 =	vld [tilespmem:$0x1FF30]  }
0x2ec: {  	v7 =	vor.u32 v54, v13;
	[tilespmem:$0x1F410] =	vst v1;
	v1 =	vld.idx.msk [tilespmem:v6+s30+$0x0], $0xffff;
	_ =	sdelay $0x3  }
0x2ed: {  	v30 =	vld [tilespmem:$0x1FF40]  }
0x2ee: {  	v8 =	vor.u32 v2, v13;
	[tilespmem:$0x1F420] =	vst v1;
	v1 =	vld.idx.msk [tilespmem:v7+s30+$0x0], $0xffff;
	_ =	sdelay $0x3  }
0x2ef: {  	v5 =	vld [tilespmem:$0x1FF50]  }
0x2f0: {  	v9 =	vor.u32 v30, v13;
	[tilespmem:$0x1F430] =	vst v1;
	v1 =	vld.idx.msk [tilespmem:v8+s30+$0x0], $0xffff;
	_ =	sdelay $0x3  }
0x2f1: {  	v6 =	vld [tilespmem:$0x1FF60]  }
0x2f2: {  	v10 =	vor.u32 v5, v13;
	[tilespmem:$0x1F440] =	vst v1;
	v1 =	vld.idx.msk [tilespmem:v9+s30+$0x0], $0xffff;
	_ =	sdelay $0x3  }
0x2f3: {  	v7 =	vld [tilespmem:$0x1FFD0]  }
0x2f4: {  	v11 =	vor.u32 v6, v13;
	[tilespmem:$0x1F450] =	vst v1;
	v1 =	vld.idx.msk [tilespmem:v10+s30+$0x0], $0xffff;
	_ =	sdelay $0x3  }
0x2f5: {  	v31 =	vld [tilespmem:$0x1FF80]  }
0x2f6: {  	v12 =	vor.u32 v7, v13;
	[tilespmem:$0x1F460] =	vst v1;
	v1 =	vld.idx.msk [tilespmem:v11+s30+$0x0], $0xffff;
	_ =	sdelay $0x3  }
0x2f7: {  	v9 =	vld [tilespmem:$0x1FF90]  }
0x2f8: {  	v15 =	vor.u32 v31, v13;
	[tilespmem:$0x1F470] =	vst v1;
	v1 =	vld.idx.msk [tilespmem:v12+s30+$0x0], $0xffff;
	_ =	sdelay $0x3  }
0x2f9: {  	v10 =	vld [tilespmem:$0x1FFA0]  }
0x2fa: {  	v16 =	vor.u32 v9, v13;
	[tilespmem:$0x1F480] =	vst v1;
	v1 =	vld.idx.msk [tilespmem:v15+s30+$0x0], $0xffff;
	_ =	sdelay $0x4  }
0x2fb: {  	v17 =	vor.u32 v10, v13;
	[tilespmem:$0x1F490] =	vst v1;
	v1 =	vld.idx.msk [tilespmem:v16+s30+$0x0], $0xffff;
	_ =	sdelay $0x4  }
0x2fc: {  	[tilespmem:$0x1F4A0] =	vst v1;
	v1 =	vld.idx.msk [tilespmem:v17+s30+$0x0], $0xffff;
	_ =	sdelay $0x4  }
0x2fd: {  	[tilespmem:$0x1F4B0] =	vst v1;
	v1 =	vld [tilespmem:$0x1FEB0];
	_ =	sdelay $0x3  }
0x2fe: {  	v12 =	vld [tilespmem:$0x1FFC0]  }
0x2ff: {  	s7 =	sadd.s32 $0x3, s6;
	v21 =	vor.u32 v1, v13;
	v1 =	vld [tilespmem:$0x1FEB0]  }
0x300: {  	v20 =	vmov s7  }
0x301: {  	v20 =	vand.u32 $0x7F, v20  }
0x302: {  	v20 =	vbroadcast v20, $0x0  }
0x303: {  	v19 =	vor.u32 v12, v13  }
0x304: {  	v1 =	vor.u32 v1, v20  }
0x305: {  	[tilespmem:$0x1F6D0] =	vst v1;
	v1 =	vld [tilespmem:$0x1FED0]  }
0x306: {  	s8 =	sadd.s32 $0x2, s6;
	v11 =	vld [tilespmem:$0x1FFB0]  }
0x307: {  	v22 =	vmov s8  }
0x308: {  	v39 =	vld.idx.msk [tilespmem:v19+s30+$0x0], $0xffff;
	v19 =	vand.u32 $0x7E, v22  }
0x309: {  	v25 =	vbroadcast v19, $0x0  }
0x30a: {  	v26 =	vor.u32 v36, v20;
	v1 =	vor.u32 v1, v20  }
0x30b: {  	v18 =	vor.u32 v11, v13;
	[tilespmem:$0x1F6E0] =	vst v1;
	v1 =	vor.u32 v54, v25  }
0x30c: {  	v8 =	vld [tilespmem:$0x1FF70];
	[tilespmem:$0x1F4C0] =	vst v1;
	v1 =	vor.u32 v2, v25  }
0x30d: {  	[tilespmem:$0x1F4D0] =	vst v1;
	v1 =	vor.u32 v30, v25  }
0x30e: {  	v49 =	vor.u32 v5, v20;
	[tilespmem:$0x1F520] =	vst v1;
	v1 =	vor.u32 v5, v25  }
0x30f: {  	s9 =	sadd.s32 $0x1, s6;
	v59 =	vld.idx.msk [tilespmem:v26+s30+$0x0], $0xffff;
	[tilespmem:$0x1F530] =	vst v1;
	v1 =	vor.u32 v6, v25  }
0x310: {  	v38 =	vld.idx.msk [tilespmem:v18+s30+$0x0], $0xffff;
	v18 =	vmov s9;
	[tilespmem:$0x1F540] =	vst v1;
	v1 =	vor.u32 v7, v25  }
0x311: {  	v34 =	vld [tilespmem:$0x1FFF0];
	v14 =	vor.u32 v8, v13;
	v18 =	vand.u32 $0x7D, v18;
	[tilespmem:$0x1F570] =	vst v1;
	v1 =	vor.u32 v8, v25  }
0x312: {  	v33 =	vld [tilespmem:$0x1FFE0];
	v18 =	vbroadcast v18, $0x0;
	[tilespmem:$0x1F630] =	vst v1;
	v1 =	vor.u32 v31, v25  }
0x313: {  	v26 =	vmov v61;
	v61 =	vld.idx.msk [tilespmem:v49+s30+$0x0], $0xffff;
	[tilespmem:$0x1F640] =	vst v1;
	v1 =	vor.u32 v9, v25  }
0x314: {  	v29 =	vor.u32 v2, v20;
	v49 =	vor.u32 v2, v18;
	v2 =	vld [tilespmem:$0x1F480];
	[tilespmem:$0x1F650] =	vst v1;
	v1 =	vor.u32 v10, v25  }
0x315: {  	[tilespmem:$0x1F660] =	vst v1;
	v1 =	vor.u32 v11, v25  }
0x316: {  	v63 =	vld.idx.msk [tilespmem:v14+s30+$0x0], $0xffff;
	[tilespmem:$0x1F7E0] =	vst v1;
	v1 =	vor.u32 v12, v25  }
0x317: {  	[tilespmem:$0x1F800] =	vst v1;
	v1 =	vor.u32 v33, v25  }
0x318: {  	[tilespmem:$0x1F810] =	vst v1;
	v1 =	vor.u32 v34, v25  }
0x319: {  	v2 =	vmul.f32 v2, v0;
	[tilespmem:$0x1F820] =	vst v1;
	v1 =	vld [tilespmem:$0x1FEB0];
	_ =	sdelay $0x1  }
0x31a: {  	[tilespmem:$0x1F6B0] =	vst v2;
	v2 =	vmul.f32 v63, v0;
	_ =	sdelay $0x1  }
0x31b: {  	[tilespmem:$0x1F700] =	vst v2;
	v2 =	vld [tilespmem:$0x1F490]  }
0x31c: {  	v4 =	vld [tilespmem:$0x1FED0];
	v1 =	vor.u32 v1, v25  }
0x31d: {  	[tilespmem:$0x1F830] =	vst v1;
	v1 =	vld [tilespmem:$0x1FEC0];
	_ =	sdelay $0x2  }
0x31e: {  	v2 =	vmul.f32 v2, v0  }
0x31f: {  	v23 =	vor.u32 v62, v20  }
0x320: {  	v42 =	vor.u32 v62, v25;
	[tilespmem:$0x1F710] =	vst v2;
	v2 =	vld [tilespmem:$0x1F4A0];
	v62 =	vor.u32 v1, v18;
	v1 =	vor.u32 v4, v25  }
0x321: {  	[tilespmem:$0x1F840] =	vst v1;
	v1 =	vld [tilespmem:$0x1F3E0]  }
0x322: {  	v15 =	vor.u32 v33, v13;
	_ =	sdelay $0x1  }
0x323: {  	v16 =	vor.u32 v34, v13  }
0x324: {  	v60 =	vld.idx.msk [tilespmem:v29+s30+$0x0], $0xffff;
	v19 =	vor.u32 v27, v20  }
0x325: {  	v2 =	vmul.f32 v2, v0;
	v4 =	vmul.f32 v1, v0;
	v1 =	vld [tilespmem:$0x1F3F0]  }
0x326: {  	v44 =	vld.idx.msk [tilespmem:v15+s30+$0x0], $0xffff  }
0x327: {  	v15 =	vor.u32 v3, v20;
	[tilespmem:$0x1F720] =	vst v2;
	v2 =	vld [tilespmem:$0x1F4B0]  }
0x328: {  	v45 =	vld.idx.msk [tilespmem:v16+s30+$0x0], $0xffff  }
0x329: {  	v16 =	vor.u32 v24, v20;
	v56 =	vld.idx.msk [tilespmem:v19+s30+$0x0], $0xffff  }
0x32a: {  	[tilespmem:$0x1F4F0] =	vst v58;
	v19 =	vmul.f32 v1, v0;
	v1 =	vld [tilespmem:$0x1F400]  }
0x32b: {  	[tilespmem:$0x1F5B0] =	vst v40;
	v14 =	vld.idx.msk [tilespmem:v23+s29+$0x0], $0xffff  }
0x32c: {  	v28 =	vor.u32 v54, v20;
	v46 =	vor.u32 v30, v20;
	v37 =	vld.idx.msk [tilespmem:v15+s30+$0x0], $0xffff;
	v2 =	vmul.f32 v2, v0  }
0x32d: {  	[tilespmem:$0x1F5C0] =	vst v41;
	v41 =	vor.u32 v34, v20;
	v55 =	vor.u32 v24, v25;
	v15 =	vor.u32 v24, v18;
	v24 =	vld [tilespmem:$0x1F460]  }
0x32e: {  	v48 =	vld.idx.msk [tilespmem:v16+s30+$0x0], $0xffff;
	v13 =	vor.u32 v57, v13;
	[tilespmem:$0x1F730] =	vst v2;
	v2 =	vmul.f32 v38, v0  }
0x32f: {  	[tilespmem:$0x1F5E0] =	vst v35;
	v40 =	vor.u32 v33, v20;
	v51 =	vor.u32 v6, v20;
	v16 =	vmul.f32 v1, v0;
	v1 =	vld [tilespmem:$0x1F410]  }
0x330: {  	v52 =	vor.u32 v7, v20;
	v22 =	vld.idx.msk [tilespmem:v23+s28+$0x0], $0xffff;
	[tilespmem:$0x1F740] =	vst v2;
	v2 =	vmul.f32 v39, v0  }
0x331: {  	v53 =	vor.u32 v8, v20;
	v58 =	vor.u32 v10, v20;
	v35 =	vor.u32 v11, v20;
	v47 =	vld.idx.msk [tilespmem:v21+s30+$0x0], $0xffff  }
0x332: {  	v43 =	vor.u32 v3, v25;
	v3 =	vor.u32 v3, v18;
	[tilespmem:$0x1F750] =	vst v2;
	v2 =	vmul.f32 v44, v0  }
0x333: {  	v24 =	vmul.f32 v24, v0;
	v57 =	vor.u32 v9, v20;
	v17 =	vld.idx.msk [tilespmem:v13+s30+$0x0], $0xffff;
	v13 =	vor.u32 v31, v20  }
0x334: {  	v21 =	vor.u32 v12, v20;
	[tilespmem:$0x1F760] =	vst v2;
	v2 =	vmul.f32 v45, v0;
	v20 =	vmul.f32 v1, v0;
	v1 =	vld [tilespmem:$0x1F420]  }
0x335: {  	[tilespmem:$0x1F5F0] =	vst v24;
	v24 =	vld [tilespmem:$0x1F470]  }
0x336: {  	v39 =	vld.idx.msk [tilespmem:v42+s28+$0x0], $0xffff;
	[tilespmem:$0x1F770] =	vst v2;
	v2 =	vmul.f32 v47, v0;
	v47 =	vmul.f32 v14, v22  }
0x337: {  	v14 =	vld.idx.msk [tilespmem:v42+s29+$0x0], $0xffff;
	v42 =	vmul.f32 v56, v22;
	v56 =	vmul.f32 v59, v22  }
0x338: {  	v59 =	vmul.f32 v60, v22;
	v60 =	vmul.f32 v61, v22;
	v61 =	vld.idx.msk [tilespmem:v3+s30+$0x0], $0xffff  }
0x339: {  	v32 =	vor.u32 v27, v25;
	v23 =	vor.u32 v36, v25;
	v25 =	vmul.f32 v1, v0;
	v1 =	vld [tilespmem:$0x1F430]  }
0x33a: {  	v3 =	vld [tilespmem:$0x1F7A0];
	_ =	sdelay $0x2  }
0x33b: {  	v24 =	vmul.f32 v24, v0  }
0x33c: {  	v53 =	vld.idx.msk [tilespmem:v53+s30+$0x0], $0xffff;
	v1 =	vmul.f32 v1, v0  }
0x33d: {  	[tilespmem:$0x1F690] =	vst v24;
	v24 =	vadd.f32 v4, v3;
	v4 =	vld [tilespmem:$0x1FEB0]  }
0x33e: {  	[tilespmem:$0x1F5A0] =	vst v1;
	v1 =	vld.idx.msk [tilespmem:v13+s30+$0x0], $0xffff  }
0x33f: {  	v13 =	vld [tilespmem:$0x1F440];
	_ =	sdelay $0x2  }
0x340: {  	v50 =	vld.idx.msk [tilespmem:v28+s30+$0x0], $0xffff;
	v44 =	vor.u32 v7, v18  }
0x341: {  	v7 =	vmul.f32 v53, v22;
	v53 =	vmul.f32 v14, v39;
	v14 =	vor.u32 v4, v18;
	v4 =	vld [tilespmem:$0x1F4C0]  }
0x342: {  	v28 =	vmul.f32 v13, v0;
	v13 =	vld [tilespmem:$0x1F450];
	_ =	sdelay $0x3  }
0x343: {  	v35 =	vld.idx.msk [tilespmem:v35+s30+$0x0], $0xffff  }
0x344: {  	v29 =	vor.u32 v36, v18;
	v36 =	vld.idx.msk [tilespmem:v21+s30+$0x0], $0xffff;
	v13 =	vmul.f32 v13, v0;
	v0 =	vmul.f32 v17, v0  }
0x345: {  	v38 =	vld.idx.msk [tilespmem:v62+s28+$0x0], $0xffff  }
0x346: {  	[tilespmem:$0x1F790] =	vst v0;
	v0 =	vld.idx.msk [tilespmem:v62+s29+$0x0], $0xffff  }
0x347: {  	v62 =	vor.u32 v31, v18;
	v31 =	vld.idx.msk [tilespmem:v4+s30+$0x0], $0xffff  }
0x348: {  	v27 =	vor.u32 v27, v18;
	v4 =	vld [tilespmem:$0x1F4D0]  }
0x349: {  	[tilespmem:$0x1F5D0] =	vst v13;
	v13 =	vor.u32 v54, v18;
	v54 =	vor.u32 v11, v18;
	v11 =	vld [tilespmem:$0x1F520]  }
0x34a: {  	v52 =	vld.idx.msk [tilespmem:v52+s30+$0x0], $0xffff;
	v21 =	vor.u32 v6, v18  }
0x34b: {  	v6 =	vor.u32 v10, v18;
	v63 =	vor.u32 v30, v18;
	v0 =	vmul.f32 v0, v38  }
0x34c: {  	v30 =	vor.u32 v5, v18;
	v10 =	vor.u32 v34, v18;
	v34 =	vmul.f32 v35, v22  }
0x34d: {  	v5 =	vld.idx.msk [tilespmem:v27+s30+$0x0], $0xffff;
	v45 =	vor.u32 v8, v18;
	v8 =	vor.u32 v33, v18;
	v0 =	vadd.f32 v0, v24  }
0x34e: {  	v33 =	vmul.f32 v36, v22;
	v36 =	vld.idx.msk [tilespmem:v23+s30+$0x0], $0xffff;
	[tilespmem:$0x1F780] =	vst v2;
	v2 =	vor.u32 v9, v18  }
0x34f: {  	[tilespmem:$0x1F6C0] =	vst v2;
	v2 =	vmul.f32 v52, v22;
	v52 =	vld.idx.msk [tilespmem:v15+s30+$0x0], $0xffff;
	v35 =	vadd.f32 v53, v0  }
0x350: {  	v23 =	vld.idx.msk [tilespmem:v4+s30+$0x0], $0xffff  }
0x351: {  	v27 =	vmul.f32 v31, v39;
	v31 =	vld.idx.msk [tilespmem:v11+s30+$0x0], $0xffff;
	v4 =	vadd.f32 v47, v35  }
0x352: {  	v11 =	vld [tilespmem:$0x1F530]  }
0x353: {  	[tilespmem:$0x1F7A0] =	vst v4;
	v4 =	vld [tilespmem:$0x1F4F0];
	_ =	sdelay $0x4  }
0x354: {  	v52 =	vmul.f32 v52, v38;
	v16 =	vadd.f32 v16, v4  }
0x355: {  	v4 =	vld [tilespmem:$0x1F870]  }
0x356: {  	v16 =	vadd.f32 v52, v16;
	v52 =	vld.idx.msk [tilespmem:v11+s30+$0x0], $0xffff  }
0x357: {  	v11 =	vld [tilespmem:$0x1F540]  }
0x358: {  	v58 =	vld.idx.msk [tilespmem:v58+s30+$0x0], $0xffff  }
0x359: {  	v55 =	vld.idx.msk [tilespmem:v55+s30+$0x0], $0xffff  }
0x35a: {  	v32 =	vld.idx.msk [tilespmem:v32+s30+$0x0], $0xffff  }
0x35b: {  	v24 =	vld.idx.msk [tilespmem:v29+s30+$0x0], $0xffff  }
0x35c: {  	v20 =	vadd.f32 v20, v4;
	v4 =	vld [tilespmem:$0x1F880]  }
0x35d: {  	v40 =	vld.idx.msk [tilespmem:v40+s30+$0x0], $0xffff  }
0x35e: {  	v43 =	vld.idx.msk [tilespmem:v43+s30+$0x0], $0xffff;
	v5 =	vmul.f32 v5, v38  }
0x35f: {  	v3 =	vmul.f32 v58, v22;
	v58 =	vmul.f32 v55, v39;
	v55 =	vld.idx.msk [tilespmem:v11+s30+$0x0], $0xffff  }
0x360: {  	v32 =	vmul.f32 v32, v39;
	v11 =	vld [tilespmem:$0x1F570]  }
0x361: {  	v24 =	vmul.f32 v24, v38;
	v5 =	vadd.f32 v5, v20;
	v15 =	vadd.f32 v25, v4  }
0x362: {  	v19 =	vadd.f32 v19, v26;
	v61 =	vmul.f32 v61, v38  }
0x363: {  	v5 =	vadd.f32 v32, v5;
	v15 =	vadd.f32 v24, v15;
	v24 =	vmul.f32 v36, v39  }
0x364: {  	v19 =	vadd.f32 v61, v19;
	v53 =	vmul.f32 v40, v22;
	v40 =	vmul.f32 v43, v39  }
0x365: {  	v5 =	vadd.f32 v42, v5;
	v15 =	vadd.f32 v24, v15  }
0x366: {  	v37 =	vmul.f32 v37, v22;
	v19 =	vadd.f32 v40, v19  }
0x367: {  	[tilespmem:$0x1F870] =	vst v5;
	v5 =	vadd.f32 v56, v15  }
0x368: {  	v61 =	vadd.f32 v37, v19;
	v19 =	vld.idx.msk [tilespmem:v11+s30+$0x0], $0xffff  }
0x369: {  	[tilespmem:$0x1F880] =	vst v5;
	v5 =	vld [tilespmem:$0x1F590]  }
0x36a: {  	v11 =	vld [tilespmem:$0x1F5A0];
	_ =	sdelay $0x2  }
0x36b: {  	v13 =	vld.idx.msk [tilespmem:v13+s30+$0x0], $0xffff;
	_ =	sdelay $0x1  }
0x36c: {  	v5 =	vadd.f32 v11, v5;
	v11 =	vld [tilespmem:$0x1F5B0];
	_ =	sdelay $0x1  }
0x36d: {  	v46 =	vld.idx.msk [tilespmem:v46+s30+$0x0], $0xffff  }
0x36e: {  	v57 =	vld.idx.msk [tilespmem:v57+s30+$0x0], $0xffff;
	v13 =	vmul.f32 v13, v38  }
0x36f: {  	v17 =	vor.u32 v12, v18;
	v12 =	vld [tilespmem:$0x1F5D0]  }
0x370: {  	v5 =	vadd.f32 v13, v5;
	v15 =	vadd.f32 v28, v11;
	v11 =	vld [tilespmem:$0x1F5C0]  }
0x371: {  	v35 =	vld.idx.msk [tilespmem:v49+s30+$0x0], $0xffff  }
0x372: {  	v50 =	vmul.f32 v50, v22;
	v4 =	vld.idx.msk [tilespmem:v63+s30+$0x0], $0xffff;
	v5 =	vadd.f32 v27, v5  }
0x373: {  	v28 =	vld.idx.msk [tilespmem:v21+s30+$0x0], $0xffff  }
0x374: {  	v36 =	vadd.f32 v50, v5;
	v5 =	vld [tilespmem:$0x1F660]  }
0x375: {  	v21 =	vadd.f32 v12, v11;
	v11 =	vld [tilespmem:$0x1F5E0]  }
0x376: {  	v48 =	vmul.f32 v48, v22;
	v16 =	vadd.f32 v58, v16;
	v12 =	vld [tilespmem:$0x1F5F0]  }
0x377: {  	v41 =	vld.idx.msk [tilespmem:v41+s30+$0x0], $0xffff  }
0x378: {  	v51 =	vld.idx.msk [tilespmem:v51+s30+$0x0], $0xffff;
	v58 =	vadd.f32 v48, v16;
	v16 =	vmul.f32 v35, v38  }
0x379: {  	v9 =	vmul.f32 v1, v22;
	v1 =	vmul.f32 v57, v22;
	v57 =	vld [tilespmem:$0x1FED0]  }
0x37a: {  	v29 =	vld.idx.msk [tilespmem:v44+s30+$0x0], $0xffff;
	v24 =	vmul.f32 v23, v39;
	v4 =	vmul.f32 v4, v38;
	v13 =	vadd.f32 v16, v15  }
0x37b: {  	v23 =	vadd.f32 v12, v11;
	v11 =	vld [tilespmem:$0x1F630]  }
0x37c: {  	v44 =	vld [tilespmem:$0x1F600];
	v15 =	vmul.f32 v31, v39;
	v13 =	vadd.f32 v24, v13;
	v4 =	vadd.f32 v4, v21  }
0x37d: {  	v43 =	vld [tilespmem:$0x1F510]  }
0x37e: {  	v46 =	vmul.f32 v46, v22;
	v40 =	vadd.f32 v59, v13;
	v4 =	vadd.f32 v15, v4;
	v13 =	vld.idx.msk [tilespmem:v5+s30+$0x0], $0xffff  }
0x37f: {  	v5 =	vld [tilespmem:$0x1F690]  }
0x380: {  	v0 =	vmul.f32 v41, v22;
	v41 =	vadd.f32 v46, v4;
	v4 =	vld [tilespmem:$0x1F680]  }
0x381: {  	v47 =	vld [tilespmem:$0x1F4E0]  }
0x382: {  	v20 =	vld.idx.msk [tilespmem:v30+s30+$0x0], $0xffff  }
0x383: {  	v24 =	vld.idx.msk [tilespmem:v11+s30+$0x0], $0xffff  }
0x384: {  	v11 =	vld [tilespmem:$0x1F640]  }
0x385: {  	v30 =	vadd.f32 v5, v4;
	v4 =	vld [tilespmem:$0x1F6A0]  }
0x386: {  	v5 =	vld [tilespmem:$0x1F6B0]  }
0x387: {  	v49 =	vld [tilespmem:$0x1F500]  }
0x388: {  	v37 =	vld [tilespmem:$0x1F550];
	v20 =	vmul.f32 v20, v38  }
0x389: {  	v48 =	vld [tilespmem:$0x1F560]  }
0x38a: {  	v32 =	vld [tilespmem:$0x1F620];
	v25 =	vmul.f32 v52, v39;
	v20 =	vadd.f32 v20, v23  }
0x38b: {  	v26 =	vmul.f32 v28, v38;
	v28 =	vmul.f32 v29, v38;
	v29 =	vadd.f32 v5, v4;
	v4 =	vld [tilespmem:$0x1F6C0]  }
0x38c: {  	v20 =	vadd.f32 v25, v20;
	v25 =	vld.idx.msk [tilespmem:v11+s30+$0x0], $0xffff  }
0x38d: {  	v11 =	vld [tilespmem:$0x1F650]  }
0x38e: {  	v42 =	vld [tilespmem:$0x1F580]  }
0x38f: {  	v16 =	vld.idx.msk [tilespmem:v45+s30+$0x0], $0xffff  }
0x390: {  	p0 =	slt.u32 s6, $0x3C;
	v45 =	vld [tilespmem:$0x1F610]  }
.Ltmp1:
0x391: {  	v46 =	vld [tilespmem:$0x1F670];
	(pc) =	sbr.rel @p0 .LBB2_5-.Ltmp1, $4  }
0x392: {  	v23 =	vld.idx.msk [tilespmem:v62+s30+$0x0], $0xffff  }
0x393: {  	v62 =	vld [tilespmem:$0x1FEC0]  }
0x394: {  	v51 =	vmul.f32 v51, v22;
	v35 =	vadd.f32 v60, v20;
	v20 =	vmul.f32 v16, v38;
	v16 =	vld.idx.msk [tilespmem:v4+s30+$0x0], $0xffff  }
0x395: {  	s6 =	sadd.s32 $0x4, s6;
	v18 =	vor.u32 v57, v18;
	v19 =	vmul.f32 v19, v39;
	v21 =	vmul.f32 v55, v39;
	v15 =	vld.idx.msk [tilespmem:v11+s30+$0x0], $0xffff  }
0x396: {  	_ =	sdelay $0x3  }
0x397: {  	v4 =	vld.idx.msk [tilespmem:v6+s30+$0x0], $0xffff  }
0x398: {  	v6 =	vld [tilespmem:$0x1F7E0];
	_ =	sdelay $0x7  }
0x399: {  	v12 =	vld.idx.msk [tilespmem:v6+s30+$0x0], $0xffff  }
0x39a: {  	v6 =	vld [tilespmem:$0x1F800];
	_ =	sdelay $0x6  }
0x39b: {  	v11 =	vld.idx.msk [tilespmem:v17+s30+$0x0], $0xffff  }
0x39c: {  	v17 =	vld.idx.msk [tilespmem:v6+s30+$0x0], $0xffff  }
0x39d: {  	v6 =	vld [tilespmem:$0x1F810];
	_ =	sdelay $0x7  }
0x39e: {  	v27 =	vld.idx.msk [tilespmem:v6+s30+$0x0], $0xffff  }
0x39f: {  	v6 =	vld [tilespmem:$0x1F820];
	_ =	sdelay $0x7  }
0x3a0: {  	v31 =	vld.idx.msk [tilespmem:v6+s30+$0x0], $0xffff  }
0x3a1: {  	v6 =	vld [tilespmem:$0x1F700];
	_ =	sdelay $0x4  }
0x3a2: {  	v32 =	vadd.f32 v6, v32;
	v6 =	vld [tilespmem:$0x1F710];
	_ =	sdelay $0x4  }
0x3a3: {  	v23 =	vmul.f32 v23, v38;
	v6 =	vadd.f32 v6, v49;
	_ =	sdelay $0x1  }
0x3a4: {  	v23 =	vadd.f32 v23, v6;
	v6 =	vld [tilespmem:$0x1F830];
	_ =	sdelay $0x5  }
0x3a5: {  	v24 =	vmul.f32 v24, v39;
	v20 =	vadd.f32 v20, v32;
	_ =	sdelay $0x1  }
0x3a6: {  	v20 =	vadd.f32 v24, v20;
	v24 =	vld.idx.msk [tilespmem:v6+s30+$0x0], $0xffff  }
0x3a7: {  	v6 =	vld [tilespmem:$0x1F840];
	_ =	sdelay $0x4  }
0x3a8: {  	v28 =	vadd.f32 v28, v29  }
0x3a9: {  	v25 =	vmul.f32 v25, v39  }
0x3aa: {  	v19 =	vadd.f32 v19, v28  }
0x3ab: {  	v23 =	vadd.f32 v25, v23;
	v25 =	vld.idx.msk [tilespmem:v6+s30+$0x0], $0xffff  }
0x3ac: {  	v6 =	vadd.f32 v2, v19;
	v2 =	vld [tilespmem:$0x1F6D0];
	_ =	sdelay $0x7  }
0x3ad: {  	v19 =	vld.idx.msk [tilespmem:v2+s30+$0x0], $0xffff  }
0x3ae: {  	v2 =	vld [tilespmem:$0x1F720];
	_ =	sdelay $0x4  }
0x3af: {  	v7 =	vadd.f32 v7, v20;
	v20 =	vadd.f32 v2, v48;
	v2 =	vld [tilespmem:$0x1F6E0];
	_ =	sdelay $0x7  }
0x3b0: {  	v63 =	vld.idx.msk [tilespmem:v2+s30+$0x0], $0xffff  }
0x3b1: {  	v2 =	vld [tilespmem:$0x1F730];
	_ =	sdelay $0x2  }
0x3b2: {  	v26 =	vadd.f32 v26, v30  }
0x3b3: {  	v5 =	vld.idx.msk [tilespmem:v54+s30+$0x0], $0xffff  }
0x3b4: {  	v21 =	vadd.f32 v21, v26;
	v26 =	vadd.f32 v2, v47;
	v2 =	vld [tilespmem:$0x1F7A0]  }
0x3b5: {  	v8 =	vld.idx.msk [tilespmem:v8+s30+$0x0], $0xffff  }
0x3b6: {  	v10 =	vld.idx.msk [tilespmem:v10+s30+$0x0], $0xffff  }
0x3b7: {  	v14 =	vld.idx.msk [tilespmem:v14+s30+$0x0], $0xffff  }
0x3b8: {  	v18 =	vld.idx.msk [tilespmem:v18+s30+$0x0], $0xffff  }
0x3b9: {  	[tilespmem:s22+$0x18C00] =	vst v2;
	v2 =	vld [tilespmem:$0x1F740];
	_ =	sdelay $0x4  }
0x3ba: {  	v28 =	vadd.f32 v2, v45;
	v2 =	vld [tilespmem:$0x1F750];
	_ =	sdelay $0x4  }
0x3bb: {  	v29 =	vadd.f32 v2, v46;
	v2 =	vld [tilespmem:$0x1F870];
	_ =	sdelay $0x2  }
0x3bc: {  	s6 =	sor.u32 $0x50, s26;
	v16 =	vmul.f32 v16, v38;
	[tilespmem:s26+$0x18E00] =	vst v61  }
0x3bd: {  	s8 =	sor.u32 $0x60, s26;
	[tilespmem:s6+$0x18E00] =	vst v58  }
0x3be: {  	v15 =	vmul.f32 v15, v39;
	v16 =	vadd.f32 v16, v20;
	[tilespmem:s8+$0x18E00] =	vst v2;
	v2 =	vld [tilespmem:$0x1F880]  }
0x3bf: {  	v4 =	vmul.f32 v4, v38;
	v5 =	vmul.f32 v5, v38  }
0x3c0: {  	v13 =	vmul.f32 v13, v39;
	v30 =	vld [tilespmem:$0x1FF70];
	v11 =	vmul.f32 v11, v38;
	v15 =	vadd.f32 v15, v16  }
0x3c1: {  	v12 =	vmul.f32 v12, v39;
	v16 =	vld [tilespmem:$0x1FF80];
	v4 =	vadd.f32 v4, v26;
	v5 =	vadd.f32 v5, v28  }
0x3c2: {  	s9 =	sor.u32 $0x70, s26;
	v17 =	vmul.f32 v17, v39;
	v1 =	vadd.f32 v1, v15;
	v15 =	vld [tilespmem:$0x1FFD0];
	v11 =	vadd.f32 v11, v29  }
0x3c3: {  	v4 =	vadd.f32 v13, v4;
	v13 =	vld [tilespmem:$0x1F790];
	v5 =	vadd.f32 v12, v5;
	[tilespmem:s9+$0x18E00] =	vst v2  }
0x3c4: {  	v12 =	vld [tilespmem:$0x1F780];
	v11 =	vadd.f32 v17, v11;
	[tilespmem:s5+$0x18E00] =	vst v36  }
0x3c5: {  	v21 =	vadd.f32 v51, v21;
	v2 =	vadd.f32 v34, v5;
	v5 =	vld [tilespmem:$0x1F760];
	[tilespmem:s26+$0x18E50] =	vst v40  }
0x3c6: {  	v3 =	vadd.f32 v3, v4;
	v4 =	vadd.f32 v33, v11;
	v11 =	vld [tilespmem:$0x1F770];
	[tilespmem:s26+$0x18E60] =	vst v41  }
0x3c7: {  	v26 =	vld [tilespmem:$0x1FF60];
	[tilespmem:s26+$0x18E70] =	vst v35  }
0x3c8: {  	s22 =	sand.u32 $0x3F80, s26;
	v13 =	vadd.f32 v13, v42;
	v42 =	vld [tilespmem:$0x1FFE0];
	[tilespmem:s13+$0x18E00] =	vst v21  }
0x3c9: {  	v9 =	vadd.f32 v9, v23;
	v17 =	vld [tilespmem:$0x1FFF0];
	[tilespmem:s22+$0x18ED0] =	vst v6  }
0x3ca: {  	v8 =	vmul.f32 v8, v38;
	v12 =	vadd.f32 v12, v37;
	v34 =	vld [tilespmem:$0x1FF90];
	[tilespmem:s22+$0x18EE0] =	vst v7;
	v5 =	vadd.f32 v5, v43  }
0x3cb: {  	v11 =	vadd.f32 v11, v44;
	v40 =	vld [tilespmem:$0x1FFA0];
	v6 =	vmul.f32 v10, v38;
	v7 =	vmul.f32 v27, v39;
	[tilespmem:s22+$0x18EF0] =	vst v9  }
0x3cc: {  	v41 =	vld [tilespmem:$0x1FFC0];
	v10 =	vmul.f32 v18, v38;
	[tilespmem:s12+$0x18E00] =	vst v1;
	v5 =	vadd.f32 v8, v5;
	v8 =	vmul.f32 v14, v38  }
0x3cd: {  	v9 =	vmul.f32 v31, v39;
	v1 =	vmul.f32 v24, v39;
	v6 =	vadd.f32 v6, v11;
	[tilespmem:s26+$0x18EF0] =	vst v4;
	v4 =	vld [tilespmem:$0x1FF00]  }
0x3ce: {  	[tilespmem:s26+$0x18EE0] =	vst v2;
	v2 =	vmul.f32 v19, v22;
	v19 =	vld [tilespmem:$0x1FFB0];
	v8 =	vadd.f32 v8, v12;
	v5 =	vadd.f32 v7, v5  }
0x3cf: {  	s25 =	sadd.s32 $0x1, s25;
	v14 =	vld [tilespmem:$0x1FF50];
	v6 =	vadd.f32 v9, v6;
	v7 =	vadd.f32 v10, v13;
	v10 =	vmul.f32 v25, v39  }
0x3d0: {  	p0 =	sne.s32 s25, $0x10;
	[tilespmem:s26+$0x18ED0] =	vst v3;
	v9 =	vld [tilespmem:$0x1FF30];
	v1 =	vadd.f32 v1, v8;
	v3 =	vadd.f32 v53, v5  }
.Ltmp2:
0x3d1: {  	v0 =	vadd.f32 v0, v6;
	v5 =	vadd.f32 v10, v7;
	v7 =	vmul.f32 v63, v22;
	v8 =	vld [tilespmem:$0x1FF20];
	(pc) =	sbr.rel @p0 .LBB2_2-.Ltmp2, $4  }
0x3d2: {  	v10 =	vld [tilespmem:$0x1FF40];
	v1 =	vadd.f32 v2, v1;
	[tilespmem:s23+$0x18E00] =	vst v3  }
0x3d3: {  	v2 =	vadd.f32 v7, v5;
	v3 =	vld [tilespmem:$0x1FEF0];
	[tilespmem:s22+$0x18F50] =	vst v0  }
0x3d4: {  	v5 =	vld [tilespmem:$0x1FF10];
	[tilespmem:s22+$0x18F60] =	vst v1  }
0x3d5: {  	[tilespmem:s22+$0x18F70] =	vst v2;
	v2 =	vld [tilespmem:$0x1FEE0]  }
0x3d6: {  	s5 =	rddreg [dreg:$0x7];
	s6 =	simm.s32 $0x18C00  }
0x3d7: {  	[hbm4b:s5+s2] =	stream.linear.scatter [tilespmem:s6], [sflag:$0x3], $0x200, $0x38;
	[tilespmem:$0x1B600] =	vst v63  }
0x3d8: {  	s24 =	sadd.s32 $0x1, s24;
	_ =	swait.ge [sflag:s11], $0x200  }
0x3d9: {  	s26 =	simm.s32 $0x18E00;
	p0 =	sne.s32 s24, s10;
	[sflag:s11] =	ssyncset.done $0x0  }
.Ltmp3:
0x3da: {  	s25 =	rddreg [dreg:$0x8];
	[sflag:s11] =	ssyncadd.s32 $0xFFFFFE00;
	(pc) =	sbr.rel @p0 .LBB2_1-.Ltmp3, $4  }
0x3db: {  	[hbm4b:s25+s2] =	stream.linear.scatter [tilespmem:s26], [sflag:$0x3], $0x2800, $0x38;
	[tilespmem:$0x1B600] =	vst v63  }
0x3dc: {  	_ =	swait.ge [sflag:s11], $0x2800  }
0x3dd: {  	[sflag:s11] =	ssyncset.done $0x0  }
0x3de: {  	[sflag:s11] =	ssyncadd.s32 $0xFFFFD800  }
0x3df: {  	_ =	sfence.sel $0x180000  }
0x3e0: {  	[bflag:$0x0] =	sbarrier.arrive $0xFFFF  }
0x3e1: {  	_ =	strace $0x9000004A  }
0x3e2: {  	s0 =	stileid.u32;
	[bflag:$0x2] =	sbarrier.arrive $0xFFFF  }
0x3e3: {  	p0 =	sne.s32 s0, $0x0;
	s0 =	rddreg [dreg:$0x3]  }
0x3e4: {  	s0 =	sadd.s32 @!p0 $0x100000, s0  }
0x3e5: {  	[sflag:s0] =	ssyncadd.tile.s32 @!p0 $0x1;
	_ =	shalt  }
.Lfunc_end2:
_tile_overlayer_lowered:
.L_overlay_start_2:
0x3e6: {  	(tag) =	ssettag $0x2  }
0x3e7: {  	s0 =	rddreg [dreg:$0x0];
	s2 =	stileid.u32  }
0x3e8: {  	s1 =	rddreg [dreg:$0x1];
	p0 =	sne.s32 s2, $0x0  }
0x3e9: {  	s3 =	rddreg [dreg:$0x2];
	[bflag:$0x3] =	sbarrier.arrive $0xFFFF;
	s2 =	simm.s32 @!p0 $0x1C03  }
0x3ea: {  	[timem:s3], [sflag:s2] =	dma.local @!p0 [hbm:s0], s1  }
0x3eb: {  	s0 =	simm.s32 @!p0 $0x3  }
0x3ec: {  	_ =	swait.ge @!p0 [sflag:s0], s1  }
0x3ed: {  	s1 =	ssub.s32 @!p0 $0x0, s1;
	[sflag:s0] =	ssyncset.done @!p0 $0x0  }
0x3ee: {  	[sflag:s0] =	ssyncadd.s32 @!p0 s1  }
0x3ef: {  	[bflag:$0x3] =	sbarrier.arrive $0xFFFF  }
0x3f0: {  	_ =	shalt  }

</sc_bundles>
